<compile_context>
chip_gen: v7x
topology: tpu7x:2x2x1
jax: 0.10.2.dev20260603
libtpu: 0.0.44.dev20260713+nightly
codegen_flags: <defaults>
</compile_context>

<pallas_src>
import dataclasses
import functools

import numpy as np
import jax
import jax.numpy as jnp
from jax import lax
from jax.experimental import pallas as pl
from jax.experimental.pallas import tpu as pltpu
from jax.experimental.pallas import tpu_sc as plsc

NC = 2
NS = 16
NW = NC * NS
LANES = 16
K = 96
NBUF = 3
N_STAGES = 4
ACC_BLK = 128


def _acc_rows(n_nodes):
  return -(-n_nodes // (NS * ACC_BLK)) * NS * ACC_BLK


def _sc_partials(x, src, dst, val, n_chunks, n_nodes, d_feat):
  n_pad = _acc_rows(n_nodes)
  rows_per_tile = n_pad // NS
  copies = []
  off = 0
  while off < rows_per_tile:
    sz = min(K, rows_per_tile - off)
    copies.append((off, sz))
    off += sz
  n_group = n_chunks // N_STAGES
  n_tri = n_group // NBUF
  mesh = plsc.VectorSubcoreMesh(
      core_axis_name="c", subcore_axis_name="s", num_cores=NC,
      num_subcores=NS)
  cp = pltpu.CompilerParams()
  if "needs_layout_passes" in pltpu.CompilerParams.__dataclass_fields__:
    cp = dataclasses.replace(cp, needs_layout_passes=False)

  @functools.partial(
      pl.kernel,
      compiler_params=cp,
      out_type=jax.ShapeDtypeStruct((NC, n_pad, d_feat), jnp.float32),
      mesh=mesh,
      scratch_types=[
          pltpu.VMEM_SHARED((n_pad, d_feat), jnp.float32),
          pltpu.VMEM((n_group * K,), jnp.int32),
          pltpu.VMEM((n_group, K), jnp.int32),
          pltpu.VMEM((n_group * K,), jnp.float32),
          [pltpu.VMEM((K, d_feat), jnp.float32)] * NBUF,
          [pltpu.SemaphoreType.DMA] * NBUF,
          [pltpu.SemaphoreType.DMA] * NBUF,
      ],
  )
  def sc_kernel(x_hbm, src_hbm, dst_hbm, val_hbm, part_hbm,
                acc, src_v, dst_v, val_v, bufs, gsems, ssems):
    c = lax.axis_index("c")
    s = lax.axis_index("s")
    wid = s * NC + c

    def stage_idx(stage):
      widx = wid * N_STAGES + stage
      gk = n_group * K
      pltpu.sync_copy(src_hbm.at[pl.ds(widx * gk, gk)], src_v)
      pltpu.sync_copy(dst_hbm.at[widx], dst_v)
      pltpu.sync_copy(val_hbm.at[pl.ds(widx * gk, gk)], val_v)

    def start_gather(j, b):
      pltpu.async_copy(x_hbm.at[src_v.at[pl.ds(j * K, K)]], bufs[b], gsems[b])

    def wait_gather(j, b):
      pltpu.make_async_copy(
          x_hbm.at[src_v.at[pl.ds(j * K, K)]], bufs[b], gsems[b]).wait()

    def start_scatter(j, b):
      pltpu.async_copy(bufs[b], acc.at[dst_v.at[j]], ssems[b], add=True)

    def wait_scatter(j, b):
      pltpu.make_async_copy(bufs[b], acc.at[dst_v.at[j]], ssems[b]).wait()

    def scale(j, b):
      jbase = jnp.full((LANES,), j * K, jnp.int32)
      buf = bufs[b]

      @plsc.parallel_loop(0, K, unroll=4)
      def _(e):
        vsplat = plsc.load_gather(
            val_v, [jbase + jnp.full((LANES,), e, jnp.int32)])
        for t in range(d_feat // LANES):
          sl = buf.at[e, pl.ds(t * LANES, LANES)]
          sl[...] = sl[...] * vsplat

    @pl.loop(0, K)
    def _(i):
      for t in range(d_feat // LANES):
        bufs[0].at[i, pl.ds(t * LANES, LANES)][...] = jnp.zeros(
            (LANES,), jnp.float32)

    for off, sz in copies:
      pltpu.sync_copy(
          bufs[0].at[pl.ds(0, sz)],
          acc.at[pl.ds(s * rows_per_tile + off, sz)])

    for stage in range(N_STAGES):
      stage_idx(stage)
      start_gather(0, 0)
      start_gather(1, 1)
      if stage == 0:
        plsc.subcore_barrier()

      @pl.loop(0, n_tri)
      def _(t):
        for b in range(NBUF):
          j = NBUF * t + b
          bp = (b + NBUF - 1) % NBUF

          def drain_and_prefetch(j=j, bp=bp, first=(b == 0)):
            if first:
              @pl.when(t >= 1)
              def _():
                wait_scatter(j - 1, bp)
            else:
              wait_scatter(j - 1, bp)

          drain_and_prefetch()
          if b == 0:
            start_gather(j + 2, bp)
          else:
            @pl.when(t < n_tri - 1)
            def _():
              start_gather(j + 2, bp)
          wait_gather(j, b)
          scale(j, b)
          start_scatter(j, b)

      wait_scatter(n_group - 1, (n_group - 1) % NBUF)

    plsc.subcore_barrier()

    for off, sz in copies:
      r0 = s * rows_per_tile + off
      pltpu.sync_copy(acc.at[pl.ds(r0, sz)],
                      part_hbm.at[c, pl.ds(r0, sz)])

  return sc_kernel(x, src, dst, val)


def _tc_merge(partials, n_nodes, d_feat):
  def body(p_ref, o_ref):
    o_ref[...] = p_ref[0, :n_nodes] + p_ref[1, :n_nodes]

  return pl.pallas_call(
      body,
      out_shape=jax.ShapeDtypeStruct((n_nodes, d_feat), jnp.float32),
  )(partials)


@jax.jit
def _run(x, adj_indices, adj_values):
  n_nodes, d_feat = x.shape
  n_edges = adj_values.shape[0]
  dst = adj_indices[0].astype(jnp.int32)
  src = adj_indices[1].astype(jnp.int32)
  val = adj_values.astype(jnp.float32)

  m = N_STAGES * NBUF
  n_chunks = -(-n_edges // (NW * K * m)) * m
  e_pad = NW * n_chunks * K
  pad = e_pad - n_edges
  acc_spare = _acc_rows(n_nodes) - n_nodes
  if acc_spare > 0:
    pad_dst = jnp.asarray(
        n_nodes + (np.arange(pad) % acc_spare), dtype=jnp.int32)
  else:
    pad_dst = jnp.asarray(np.arange(pad) % n_nodes, dtype=jnp.int32)
  pad_src = jnp.asarray(np.arange(pad) % n_nodes, dtype=jnp.int32)

  src = jnp.concatenate([src, pad_src])
  dst = jnp.concatenate([dst, pad_dst]).reshape(
      NW * N_STAGES, n_chunks // N_STAGES, K)
  val = jnp.pad(val, (0, pad))

  partials = _sc_partials(x, src, dst, val, n_chunks, n_nodes, d_feat)
  return _tc_merge(partials, n_nodes, d_feat)


def kernel(x, adj_indices, adj_values):
  return _run(x, adj_indices, adj_values)

# --- scband reference (transcript-rebuilt; emitter-appended) ---
"""Pipeline reference for scband-light-graph-conv-71373766525042 (READ-ONLY COPY).

The authoritative reference and input builder live on the scoring server;
editing this copy changes nothing except your own understanding.
"""

import jax, jax.numpy as jnp
import numpy as np

N_NODES = 10000
N_EDGES = 320000
D_FEAT = 128

def setup_inputs(seed: int = 0) -> dict:
    key = jax.random.key(seed)
    k1, k2, k3 = jax.random.split(key, 3)
    x = jax.random.normal(k1, (N_NODES, D_FEAT), dtype=jnp.float32)
    adj_indices = jax.random.randint(k2, (2, N_EDGES), 0, N_NODES, dtype=jnp.int64)
    adj_values = jax.random.uniform(k3, (N_EDGES,), dtype=jnp.float32)
    return {"x": x, "adj_indices": adj_indices, "adj_values": adj_values}

def reference(x, adj_indices, adj_values):
    # LightGraphConv in eval mode: out = sparse_adj @ x
    # adj is COO with indices [2, E] (row=dst, col=src) and values [E].
    dst = adj_indices[0]
    src = adj_indices[1]
    msgs = adj_values[:, None] * jnp.take(x, src, axis=0)  # [E, d]
    out = jax.ops.segment_sum(msgs, dst, num_segments=x.shape[0])  # [N, d]
    return out

if __name__ == "__main__":
    import jax
    _d = setup_inputs()
    print(jax.jit(kernel)(*tuple(_d.values())))

</pallas_src>

<mosaic_0001>
#map = affine_map<(d0, d1) -> (0, 0)>
#map1 = affine_map<(d0, d1) -> (0)>
#map2 = affine_map<(d0, d1) -> (0, 0, 0)>
module attributes {stable_mosaic.version = 14 : i64} {
  func.func @sc_kernel(%arg0: i32, %arg1: i32, %arg2: memref<10000x128xf32, #tpu.memory_space<hbm>>, %arg3: memref<331776xi32, #tpu.memory_space<hbm>>, %arg4: memref<128x27x96xi32, #tpu.memory_space<hbm>>, %arg5: memref<331776xf32, #tpu.memory_space<hbm>>, %arg6: memref<2x10240x128xf32, #tpu.memory_space<hbm>>, %arg7: memref<10240x128xf32, #tpu.memory_space<vmem_shared>>, %arg8: memref<2592xi32, #tpu.memory_space<vmem>>, %arg9: memref<27x96xi32, #tpu.memory_space<vmem>>, %arg10: memref<2592xf32, #tpu.memory_space<vmem>>, %arg11: memref<96x128xf32, #tpu.memory_space<vmem>>, %arg12: memref<96x128xf32, #tpu.memory_space<vmem>>, %arg13: memref<96x128xf32, #tpu.memory_space<vmem>>, %arg14: memref<!tpu.dma_semaphore, #tpu.memory_space<semaphore_mem>>, %arg15: memref<!tpu.dma_semaphore, #tpu.memory_space<semaphore_mem>>, %arg16: memref<!tpu.dma_semaphore, #tpu.memory_space<semaphore_mem>>, %arg17: memref<!tpu.dma_semaphore, #tpu.memory_space<semaphore_mem>>, %arg18: memref<!tpu.dma_semaphore, #tpu.memory_space<semaphore_mem>>, %arg19: memref<!tpu.dma_semaphore, #tpu.memory_space<semaphore_mem>>) attributes {dimension_semantics = [#tpu.dimension_semantics<core_parallel>, #tpu.dimension_semantics<subcore_parallel>], iteration_bounds = array<i64: 2, 16>, scalar_prefetch = 0 : i64, scratch_operands = 13 : i64, tpu.core_type = #tpu.core_type<sc_vector_subcore>, window_params = [{transform_indices = #map}, {transform_indices = #map1}, {transform_indices = #map2}, {transform_indices = #map1}, {transform_indices = #map2}]} {
    %mul3A = arith.constant 2 : i32
    %mul3A_0 = arith.muli %arg1, %mul3A : i32
    %add3A = arith.addi %mul3A_0, %arg0 : i32
    %scan3A = arith.constant 0 : i32
    %scan3A_1 = arith.constant 96 : i32
    %scan3A_2 = arith.addi %scan3A, %scan3A_1 : i32
    %scan3A_3 = arith.constant 1 : i32
    scf.for %scan3A_180 = %scan3A to %scan3A_2 step %scan3A_3  : i32 {
      %mul3A_181 = arith.constant 1 : i32
      %mul3A_182 = arith.muli %scan3A_180, %mul3A_181 : i32
      %add3A_183 = arith.constant 0 : i32
      %add3A_184 = arith.addi %add3A_183, %mul3A_182 : i32
      %broadcast_in_dim3A = arith.constant 0.000000e+00 : f32
      %broadcast_in_dim3A_185 = vector.broadcast %broadcast_in_dim3A : f32 to vector<16xf32>
      %swap3A = arith.index_cast %add3A_184 : i32 to index
      %swap3A_186 = arith.constant 0 : index
      %swap3A_187 = tpu.vector_load %arg11[%swap3A, %swap3A_186] {strides = array<i32>} : memref<96x128xf32, #tpu.memory_space<vmem>>, vector<16xf32>,
      tpu.vector_store %arg11[%swap3A, %swap3A_186], %broadcast_in_dim3A_185 {strides = array<i32>} : memref<96x128xf32, #tpu.memory_space<vmem>>, vector<16xf32>,
      %broadcast_in_dim3A_188 = arith.constant 0.000000e+00 : f32
      %broadcast_in_dim3A_189 = vector.broadcast %broadcast_in_dim3A_188 : f32 to vector<16xf32>
      %swap3A_190 = arith.index_cast %add3A_184 : i32 to index
      %swap3A_191 = arith.constant 16 : index
      %swap3A_192 = tpu.vector_load %arg11[%swap3A_190, %swap3A_191] {strides = array<i32>} : memref<96x128xf32, #tpu.memory_space<vmem>>, vector<16xf32>,
      tpu.vector_store %arg11[%swap3A_190, %swap3A_191], %broadcast_in_dim3A_189 {strides = array<i32>} : memref<96x128xf32, #tpu.memory_space<vmem>>, vector<16xf32>,
      %broadcast_in_dim3A_193 = arith.constant 0.000000e+00 : f32
      %broadcast_in_dim3A_194 = vector.broadcast %broadcast_in_dim3A_193 : f32 to vector<16xf32>
      %swap3A_195 = arith.index_cast %add3A_184 : i32 to index
      %swap3A_196 = arith.constant 32 : index
      %swap3A_197 = tpu.vector_load %arg11[%swap3A_195, %swap3A_196] {strides = array<i32>} : memref<96x128xf32, #tpu.memory_space<vmem>>, vector<16xf32>,
      tpu.vector_store %arg11[%swap3A_195, %swap3A_196], %broadcast_in_dim3A_194 {strides = array<i32>} : memref<96x128xf32, #tpu.memory_space<vmem>>, vector<16xf32>,
      %broadcast_in_dim3A_198 = arith.constant 0.000000e+00 : f32
      %broadcast_in_dim3A_199 = vector.broadcast %broadcast_in_dim3A_198 : f32 to vector<16xf32>
      %swap3A_200 = arith.index_cast %add3A_184 : i32 to index
      %swap3A_201 = arith.constant 48 : index
      %swap3A_202 = tpu.vector_load %arg11[%swap3A_200, %swap3A_201] {strides = array<i32>} : memref<96x128xf32, #tpu.memory_space<vmem>>, vector<16xf32>,
      tpu.vector_store %arg11[%swap3A_200, %swap3A_201], %broadcast_in_dim3A_199 {strides = array<i32>} : memref<96x128xf32, #tpu.memory_space<vmem>>, vector<16xf32>,
      %broadcast_in_dim3A_203 = arith.constant 0.000000e+00 : f32
      %broadcast_in_dim3A_204 = vector.broadcast %broadcast_in_dim3A_203 : f32 to vector<16xf32>
      %swap3A_205 = arith.index_cast %add3A_184 : i32 to index
      %swap3A_206 = arith.constant 64 : index
      %swap3A_207 = tpu.vector_load %arg11[%swap3A_205, %swap3A_206] {strides = array<i32>} : memref<96x128xf32, #tpu.memory_space<vmem>>, vector<16xf32>,
      tpu.vector_store %arg11[%swap3A_205, %swap3A_206], %broadcast_in_dim3A_204 {strides = array<i32>} : memref<96x128xf32, #tpu.memory_space<vmem>>, vector<16xf32>,
      %broadcast_in_dim3A_208 = arith.constant 0.000000e+00 : f32
      %broadcast_in_dim3A_209 = vector.broadcast %broadcast_in_dim3A_208 : f32 to vector<16xf32>
      %swap3A_210 = arith.index_cast %add3A_184 : i32 to index
      %swap3A_211 = arith.constant 80 : index
      %swap3A_212 = tpu.vector_load %arg11[%swap3A_210, %swap3A_211] {strides = array<i32>} : memref<96x128xf32, #tpu.memory_space<vmem>>, vector<16xf32>,
      tpu.vector_store %arg11[%swap3A_210, %swap3A_211], %broadcast_in_dim3A_209 {strides = array<i32>} : memref<96x128xf32, #tpu.memory_space<vmem>>, vector<16xf32>,
      %broadcast_in_dim3A_213 = arith.constant 0.000000e+00 : f32
      %broadcast_in_dim3A_214 = vector.broadcast %broadcast_in_dim3A_213 : f32 to vector<16xf32>
      %swap3A_215 = arith.index_cast %add3A_184 : i32 to index
      %swap3A_216 = arith.constant 96 : index
      %swap3A_217 = tpu.vector_load %arg11[%swap3A_215, %swap3A_216] {strides = array<i32>} : memref<96x128xf32, #tpu.memory_space<vmem>>, vector<16xf32>,
      tpu.vector_store %arg11[%swap3A_215, %swap3A_216], %broadcast_in_dim3A_214 {strides = array<i32>} : memref<96x128xf32, #tpu.memory_space<vmem>>, vector<16xf32>,
      %broadcast_in_dim3A_218 = arith.constant 0.000000e+00 : f32
      %broadcast_in_dim3A_219 = vector.broadcast %broadcast_in_dim3A_218 : f32 to vector<16xf32>
      %swap3A_220 = arith.index_cast %add3A_184 : i32 to index
      %swap3A_221 = arith.constant 112 : index
      %swap3A_222 = tpu.vector_load %arg11[%swap3A_220, %swap3A_221] {strides = array<i32>} : memref<96x128xf32, #tpu.memory_space<vmem>>, vector<16xf32>,
      tpu.vector_store %arg11[%swap3A_220, %swap3A_221], %broadcast_in_dim3A_219 {strides = array<i32>} : memref<96x128xf32, #tpu.memory_space<vmem>>, vector<16xf32>,
    }
    %scan3A_4 = arith.constant 96 : i32
    %mul3A_5 = arith.constant 640 : i32
    %mul3A_6 = arith.muli %arg1, %mul3A_5 : i32
    %add3A_7 = arith.constant 0 : i32
    %add3A_8 = arith.addi %mul3A_6, %add3A_7 : i32
    "tpu.region"() ({
      %run_scoped3A = tpu.sem_alloc : memref<!tpu.dma_semaphore, #tpu.memory_space<semaphore_mem>>
      %dma_start3A_180 = arith.constant 0 : i32
      %dma_start3A_181 = arith.constant 0 : i32
      %dma_start3A_182 = tpu.memref_slice %arg11[%dma_start3A_180, %dma_start3A_181] : memref<96x128xf32, #tpu.memory_space<vmem>> -> memref<96x128xf32, #tpu.memory_space<vmem>>
      %dma_start3A_183 = arith.constant 0 : i32
      %dma_start3A_184 = tpu.memref_slice %arg7[%add3A_8, %dma_start3A_183] : memref<10240x128xf32, #tpu.memory_space<vmem_shared>> -> memref<96x128xf32, #tpu.memory_space<vmem_shared>>
      %dma_start3A_185 = arith.constant 0 : i32
      %dma_start3A_186 = tpu.memref_slice %arg7[%add3A_8, %dma_start3A_185] : memref<10240x128xf32, #tpu.memory_space<vmem_shared>> -> memref<96x128xf32, #tpu.memory_space<vmem_shared>>
      %dma_start3A_187 = arith.constant 0 : i32
      %dma_start3A_188 = arith.constant 0 : i32
      %dma_start3A_189 = tpu.memref_slice %arg11[%dma_start3A_187, %dma_start3A_188] : memref<96x128xf32, #tpu.memory_space<vmem>> -> memref<96x128xf32, #tpu.memory_space<vmem>>
      tpu.enqueue_dma source(%dma_start3A_189 : memref<96x128xf32, #tpu.memory_space<vmem>>) target(%dma_start3A_186 : memref<96x128xf32, #tpu.memory_space<vmem_shared>>) target_semaphore(%run_scoped3A : memref<!tpu.dma_semaphore, #tpu.memory_space<semaphore_mem>>)
      %dma_wait3A_190 = arith.constant 0 : i32
      %dma_wait3A_191 = arith.constant 0 : i32
      %dma_wait3A_192 = tpu.memref_slice %arg11[%dma_wait3A_190, %dma_wait3A_191] : memref<96x128xf32, #tpu.memory_space<vmem>> -> memref<96x128xf32, #tpu.memory_space<vmem>>
      %dma_wait3A_193 = arith.constant 0 : i32
      %dma_wait3A_194 = tpu.memref_slice %arg7[%add3A_8, %dma_wait3A_193] : memref<10240x128xf32, #tpu.memory_space<vmem_shared>> -> memref<96x128xf32, #tpu.memory_space<vmem_shared>>
      %dma_wait3A_195 = arith.constant 0 : i32
      %dma_wait3A_196 = tpu.memref_slice %arg7[%add3A_8, %dma_wait3A_195] : memref<10240x128xf32, #tpu.memory_space<vmem_shared>> -> memref<96x128xf32, #tpu.memory_space<vmem_shared>>
      %dma_wait3A_197 = arith.constant 0 : i32
      %dma_wait3A_198 = arith.constant 0 : i32
      %dma_wait3A_199 = tpu.memref_slice %arg11[%dma_wait3A_197, %dma_wait3A_198] : memref<96x128xf32, #tpu.memory_space<vmem>> -> memref<96x128xf32, #tpu.memory_space<vmem>>
      tpu.wait_dma2 semaphore(%run_scoped3A : memref<!tpu.dma_semaphore, #tpu.memory_space<semaphore_mem>>) src(%dma_wait3A_199 : memref<96x128xf32, #tpu.memory_space<vmem>>) dst(%dma_wait3A_196 : memref<96x128xf32, #tpu.memory_space<vmem_shared>>)
      tpu.yield
    }) : () -> ()
    %mul3A_9 = arith.constant 640 : i32
    %mul3A_10 = arith.muli %arg1, %mul3A_9 : i32
    %add3A_11 = arith.constant 96 : i32
    %add3A_12 = arith.addi %mul3A_10, %add3A_11 : i32
    "tpu.region"() ({
      %run_scoped3A = tpu.sem_alloc : memref<!tpu.dma_semaphore, #tpu.memory_space<semaphore_mem>>
      %dma_start3A_180 = arith.constant 0 : i32
      %dma_start3A_181 = arith.constant 0 : i32
      %dma_start3A_182 = tpu.memref_slice %arg11[%dma_start3A_180, %dma_start3A_181] : memref<96x128xf32, #tpu.memory_space<vmem>> -> memref<96x128xf32, #tpu.memory_space<vmem>>
      %dma_start3A_183 = arith.constant 0 : i32
      %dma_start3A_184 = tpu.memref_slice %arg7[%add3A_12, %dma_start3A_183] : memref<10240x128xf32, #tpu.memory_space<vmem_shared>> -> memref<96x128xf32, #tpu.memory_space<vmem_shared>>
      %dma_start3A_185 = arith.constant 0 : i32
      %dma_start3A_186 = tpu.memref_slice %arg7[%add3A_12, %dma_start3A_185] : memref<10240x128xf32, #tpu.memory_space<vmem_shared>> -> memref<96x128xf32, #tpu.memory_space<vmem_shared>>
      %dma_start3A_187 = arith.constant 0 : i32
      %dma_start3A_188 = arith.constant 0 : i32
      %dma_start3A_189 = tpu.memref_slice %arg11[%dma_start3A_187, %dma_start3A_188] : memref<96x128xf32, #tpu.memory_space<vmem>> -> memref<96x128xf32, #tpu.memory_space<vmem>>
      tpu.enqueue_dma source(%dma_start3A_189 : memref<96x128xf32, #tpu.memory_space<vmem>>) target(%dma_start3A_186 : memref<96x128xf32, #tpu.memory_space<vmem_shared>>) target_semaphore(%run_scoped3A : memref<!tpu.dma_semaphore, #tpu.memory_space<semaphore_mem>>)
      %dma_wait3A_190 = arith.constant 0 : i32
      %dma_wait3A_191 = arith.constant 0 : i32
      %dma_wait3A_192 = tpu.memref_slice %arg11[%dma_wait3A_190, %dma_wait3A_191] : memref<96x128xf32, #tpu.memory_space<vmem>> -> memref<96x128xf32, #tpu.memory_space<vmem>>
      %dma_wait3A_193 = arith.constant 0 : i32
      %dma_wait3A_194 = tpu.memref_slice %arg7[%add3A_12, %dma_wait3A_193] : memref<10240x128xf32, #tpu.memory_space<vmem_shared>> -> memref<96x128xf32, #tpu.memory_space<vmem_shared>>
      %dma_wait3A_195 = arith.constant 0 : i32
      %dma_wait3A_196 = tpu.memref_slice %arg7[%add3A_12, %dma_wait3A_195] : memref<10240x128xf32, #tpu.memory_space<vmem_shared>> -> memref<96x128xf32, #tpu.memory_space<vmem_shared>>
      %dma_wait3A_197 = arith.constant 0 : i32
      %dma_wait3A_198 = arith.constant 0 : i32
      %dma_wait3A_199 = tpu.memref_slice %arg11[%dma_wait3A_197, %dma_wait3A_198] : memref<96x128xf32, #tpu.memory_space<vmem>> -> memref<96x128xf32, #tpu.memory_space<vmem>>
      tpu.wait_dma2 semaphore(%run_scoped3A : memref<!tpu.dma_semaphore, #tpu.memory_space<semaphore_mem>>) src(%dma_wait3A_199 : memref<96x128xf32, #tpu.memory_space<vmem>>) dst(%dma_wait3A_196 : memref<96x128xf32, #tpu.memory_space<vmem_shared>>)
      tpu.yield
    }) : () -> ()
    %mul3A_13 = arith.constant 640 : i32
    %mul3A_14 = arith.muli %arg1, %mul3A_13 : i32
    %add3A_15 = arith.constant 192 : i32
    %add3A_16 = arith.addi %mul3A_14, %add3A_15 : i32
    "tpu.region"() ({
      %run_scoped3A = tpu.sem_alloc : memref<!tpu.dma_semaphore, #tpu.memory_space<semaphore_mem>>
      %dma_start3A_180 = arith.constant 0 : i32
      %dma_start3A_181 = arith.constant 0 : i32
      %dma_start3A_182 = tpu.memref_slice %arg11[%dma_start3A_180, %dma_start3A_181] : memref<96x128xf32, #tpu.memory_space<vmem>> -> memref<96x128xf32, #tpu.memory_space<vmem>>
      %dma_start3A_183 = arith.constant 0 : i32
      %dma_start3A_184 = tpu.memref_slice %arg7[%add3A_16, %dma_start3A_183] : memref<10240x128xf32, #tpu.memory_space<vmem_shared>> -> memref<96x128xf32, #tpu.memory_space<vmem_shared>>
      %dma_start3A_185 = arith.constant 0 : i32
      %dma_start3A_186 = tpu.memref_slice %arg7[%add3A_16, %dma_start3A_185] : memref<10240x128xf32, #tpu.memory_space<vmem_shared>> -> memref<96x128xf32, #tpu.memory_space<vmem_shared>>
      %dma_start3A_187 = arith.constant 0 : i32
      %dma_start3A_188 = arith.constant 0 : i32
      %dma_start3A_189 = tpu.memref_slice %arg11[%dma_start3A_187, %dma_start3A_188] : memref<96x128xf32, #tpu.memory_space<vmem>> -> memref<96x128xf32, #tpu.memory_space<vmem>>
      tpu.enqueue_dma source(%dma_start3A_189 : memref<96x128xf32, #tpu.memory_space<vmem>>) target(%dma_start3A_186 : memref<96x128xf32, #tpu.memory_space<vmem_shared>>) target_semaphore(%run_scoped3A : memref<!tpu.dma_semaphore, #tpu.memory_space<semaphore_mem>>)
      %dma_wait3A_190 = arith.constant 0 : i32
      %dma_wait3A_191 = arith.constant 0 : i32
      %dma_wait3A_192 = tpu.memref_slice %arg11[%dma_wait3A_190, %dma_wait3A_191] : memref<96x128xf32, #tpu.memory_space<vmem>> -> memref<96x128xf32, #tpu.memory_space<vmem>>
      %dma_wait3A_193 = arith.constant 0 : i32
      %dma_wait3A_194 = tpu.memref_slice %arg7[%add3A_16, %dma_wait3A_193] : memref<10240x128xf32, #tpu.memory_space<vmem_shared>> -> memref<96x128xf32, #tpu.memory_space<vmem_shared>>
      %dma_wait3A_195 = arith.constant 0 : i32
      %dma_wait3A_196 = tpu.memref_slice %arg7[%add3A_16, %dma_wait3A_195] : memref<10240x128xf32, #tpu.memory_space<vmem_shared>> -> memref<96x128xf32, #tpu.memory_space<vmem_shared>>
      %dma_wait3A_197 = arith.constant 0 : i32
      %dma_wait3A_198 = arith.constant 0 : i32
      %dma_wait3A_199 = tpu.memref_slice %arg11[%dma_wait3A_197, %dma_wait3A_198] : memref<96x128xf32, #tpu.memory_space<vmem>> -> memref<96x128xf32, #tpu.memory_space<vmem>>
      tpu.wait_dma2 semaphore(%run_scoped3A : memref<!tpu.dma_semaphore, #tpu.memory_space<semaphore_mem>>) src(%dma_wait3A_199 : memref<96x128xf32, #tpu.memory_space<vmem>>) dst(%dma_wait3A_196 : memref<96x128xf32, #tpu.memory_space<vmem_shared>>)
      tpu.yield
    }) : () -> ()
    %mul3A_17 = arith.constant 640 : i32
    %mul3A_18 = arith.muli %arg1, %mul3A_17 : i32
    %add3A_19 = arith.constant 288 : i32
    %add3A_20 = arith.addi %mul3A_18, %add3A_19 : i32
    "tpu.region"() ({
      %run_scoped3A = tpu.sem_alloc : memref<!tpu.dma_semaphore, #tpu.memory_space<semaphore_mem>>
      %dma_start3A_180 = arith.constant 0 : i32
      %dma_start3A_181 = arith.constant 0 : i32
      %dma_start3A_182 = tpu.memref_slice %arg11[%dma_start3A_180, %dma_start3A_181] : memref<96x128xf32, #tpu.memory_space<vmem>> -> memref<96x128xf32, #tpu.memory_space<vmem>>
      %dma_start3A_183 = arith.constant 0 : i32
      %dma_start3A_184 = tpu.memref_slice %arg7[%add3A_20, %dma_start3A_183] : memref<10240x128xf32, #tpu.memory_space<vmem_shared>> -> memref<96x128xf32, #tpu.memory_space<vmem_shared>>
      %dma_start3A_185 = arith.constant 0 : i32
      %dma_start3A_186 = tpu.memref_slice %arg7[%add3A_20, %dma_start3A_185] : memref<10240x128xf32, #tpu.memory_space<vmem_shared>> -> memref<96x128xf32, #tpu.memory_space<vmem_shared>>
      %dma_start3A_187 = arith.constant 0 : i32
      %dma_start3A_188 = arith.constant 0 : i32
      %dma_start3A_189 = tpu.memref_slice %arg11[%dma_start3A_187, %dma_start3A_188] : memref<96x128xf32, #tpu.memory_space<vmem>> -> memref<96x128xf32, #tpu.memory_space<vmem>>
      tpu.enqueue_dma source(%dma_start3A_189 : memref<96x128xf32, #tpu.memory_space<vmem>>) target(%dma_start3A_186 : memref<96x128xf32, #tpu.memory_space<vmem_shared>>) target_semaphore(%run_scoped3A : memref<!tpu.dma_semaphore, #tpu.memory_space<semaphore_mem>>)
      %dma_wait3A_190 = arith.constant 0 : i32
      %dma_wait3A_191 = arith.constant 0 : i32
      %dma_wait3A_192 = tpu.memref_slice %arg11[%dma_wait3A_190, %dma_wait3A_191] : memref<96x128xf32, #tpu.memory_space<vmem>> -> memref<96x128xf32, #tpu.memory_space<vmem>>
      %dma_wait3A_193 = arith.constant 0 : i32
      %dma_wait3A_194 = tpu.memref_slice %arg7[%add3A_20, %dma_wait3A_193] : memref<10240x128xf32, #tpu.memory_space<vmem_shared>> -> memref<96x128xf32, #tpu.memory_space<vmem_shared>>
      %dma_wait3A_195 = arith.constant 0 : i32
      %dma_wait3A_196 = tpu.memref_slice %arg7[%add3A_20, %dma_wait3A_195] : memref<10240x128xf32, #tpu.memory_space<vmem_shared>> -> memref<96x128xf32, #tpu.memory_space<vmem_shared>>
      %dma_wait3A_197 = arith.constant 0 : i32
      %dma_wait3A_198 = arith.constant 0 : i32
      %dma_wait3A_199 = tpu.memref_slice %arg11[%dma_wait3A_197, %dma_wait3A_198] : memref<96x128xf32, #tpu.memory_space<vmem>> -> memref<96x128xf32, #tpu.memory_space<vmem>>
      tpu.wait_dma2 semaphore(%run_scoped3A : memref<!tpu.dma_semaphore, #tpu.memory_space<semaphore_mem>>) src(%dma_wait3A_199 : memref<96x128xf32, #tpu.memory_space<vmem>>) dst(%dma_wait3A_196 : memref<96x128xf32, #tpu.memory_space<vmem_shared>>)
      tpu.yield
    }) : () -> ()
    %mul3A_21 = arith.constant 640 : i32
    %mul3A_22 = arith.muli %arg1, %mul3A_21 : i32
    %add3A_23 = arith.constant 384 : i32
    %add3A_24 = arith.addi %mul3A_22, %add3A_23 : i32
    "tpu.region"() ({
      %run_scoped3A = tpu.sem_alloc : memref<!tpu.dma_semaphore, #tpu.memory_space<semaphore_mem>>
      %dma_start3A_180 = arith.constant 0 : i32
      %dma_start3A_181 = arith.constant 0 : i32
      %dma_start3A_182 = tpu.memref_slice %arg11[%dma_start3A_180, %dma_start3A_181] : memref<96x128xf32, #tpu.memory_space<vmem>> -> memref<96x128xf32, #tpu.memory_space<vmem>>
      %dma_start3A_183 = arith.constant 0 : i32
      %dma_start3A_184 = tpu.memref_slice %arg7[%add3A_24, %dma_start3A_183] : memref<10240x128xf32, #tpu.memory_space<vmem_shared>> -> memref<96x128xf32, #tpu.memory_space<vmem_shared>>
      %dma_start3A_185 = arith.constant 0 : i32
      %dma_start3A_186 = tpu.memref_slice %arg7[%add3A_24, %dma_start3A_185] : memref<10240x128xf32, #tpu.memory_space<vmem_shared>> -> memref<96x128xf32, #tpu.memory_space<vmem_shared>>
      %dma_start3A_187 = arith.constant 0 : i32
      %dma_start3A_188 = arith.constant 0 : i32
      %dma_start3A_189 = tpu.memref_slice %arg11[%dma_start3A_187, %dma_start3A_188] : memref<96x128xf32, #tpu.memory_space<vmem>> -> memref<96x128xf32, #tpu.memory_space<vmem>>
      tpu.enqueue_dma source(%dma_start3A_189 : memref<96x128xf32, #tpu.memory_space<vmem>>) target(%dma_start3A_186 : memref<96x128xf32, #tpu.memory_space<vmem_shared>>) target_semaphore(%run_scoped3A : memref<!tpu.dma_semaphore, #tpu.memory_space<semaphore_mem>>)
      %dma_wait3A_190 = arith.constant 0 : i32
      %dma_wait3A_191 = arith.constant 0 : i32
      %dma_wait3A_192 = tpu.memref_slice %arg11[%dma_wait3A_190, %dma_wait3A_191] : memref<96x128xf32, #tpu.memory_space<vmem>> -> memref<96x128xf32, #tpu.memory_space<vmem>>
      %dma_wait3A_193 = arith.constant 0 : i32
      %dma_wait3A_194 = tpu.memref_slice %arg7[%add3A_24, %dma_wait3A_193] : memref<10240x128xf32, #tpu.memory_space<vmem_shared>> -> memref<96x128xf32, #tpu.memory_space<vmem_shared>>
      %dma_wait3A_195 = arith.constant 0 : i32
      %dma_wait3A_196 = tpu.memref_slice %arg7[%add3A_24, %dma_wait3A_195] : memref<10240x128xf32, #tpu.memory_space<vmem_shared>> -> memref<96x128xf32, #tpu.memory_space<vmem_shared>>
      %dma_wait3A_197 = arith.constant 0 : i32
      %dma_wait3A_198 = arith.constant 0 : i32
      %dma_wait3A_199 = tpu.memref_slice %arg11[%dma_wait3A_197, %dma_wait3A_198] : memref<96x128xf32, #tpu.memory_space<vmem>> -> memref<96x128xf32, #tpu.memory_space<vmem>>
      tpu.wait_dma2 semaphore(%run_scoped3A : memref<!tpu.dma_semaphore, #tpu.memory_space<semaphore_mem>>) src(%dma_wait3A_199 : memref<96x128xf32, #tpu.memory_space<vmem>>) dst(%dma_wait3A_196 : memref<96x128xf32, #tpu.memory_space<vmem_shared>>)
      tpu.yield
    }) : () -> ()
    %mul3A_25 = arith.constant 640 : i32
    %mul3A_26 = arith.muli %arg1, %mul3A_25 : i32
    %add3A_27 = arith.constant 480 : i32
    %add3A_28 = arith.addi %mul3A_26, %add3A_27 : i32
    "tpu.region"() ({
      %run_scoped3A = tpu.sem_alloc : memref<!tpu.dma_semaphore, #tpu.memory_space<semaphore_mem>>
      %dma_start3A_180 = arith.constant 0 : i32
      %dma_start3A_181 = arith.constant 0 : i32
      %dma_start3A_182 = tpu.memref_slice %arg11[%dma_start3A_180, %dma_start3A_181] : memref<96x128xf32, #tpu.memory_space<vmem>> -> memref<96x128xf32, #tpu.memory_space<vmem>>
      %dma_start3A_183 = arith.constant 0 : i32
      %dma_start3A_184 = tpu.memref_slice %arg7[%add3A_28, %dma_start3A_183] : memref<10240x128xf32, #tpu.memory_space<vmem_shared>> -> memref<96x128xf32, #tpu.memory_space<vmem_shared>>
      %dma_start3A_185 = arith.constant 0 : i32
      %dma_start3A_186 = tpu.memref_slice %arg7[%add3A_28, %dma_start3A_185] : memref<10240x128xf32, #tpu.memory_space<vmem_shared>> -> memref<96x128xf32, #tpu.memory_space<vmem_shared>>
      %dma_start3A_187 = arith.constant 0 : i32
      %dma_start3A_188 = arith.constant 0 : i32
      %dma_start3A_189 = tpu.memref_slice %arg11[%dma_start3A_187, %dma_start3A_188] : memref<96x128xf32, #tpu.memory_space<vmem>> -> memref<96x128xf32, #tpu.memory_space<vmem>>
      tpu.enqueue_dma source(%dma_start3A_189 : memref<96x128xf32, #tpu.memory_space<vmem>>) target(%dma_start3A_186 : memref<96x128xf32, #tpu.memory_space<vmem_shared>>) target_semaphore(%run_scoped3A : memref<!tpu.dma_semaphore, #tpu.memory_space<semaphore_mem>>)
      %dma_wait3A_190 = arith.constant 0 : i32
      %dma_wait3A_191 = arith.constant 0 : i32
      %dma_wait3A_192 = tpu.memref_slice %arg11[%dma_wait3A_190, %dma_wait3A_191] : memref<96x128xf32, #tpu.memory_space<vmem>> -> memref<96x128xf32, #tpu.memory_space<vmem>>
      %dma_wait3A_193 = arith.constant 0 : i32
      %dma_wait3A_194 = tpu.memref_slice %arg7[%add3A_28, %dma_wait3A_193] : memref<10240x128xf32, #tpu.memory_space<vmem_shared>> -> memref<96x128xf32, #tpu.memory_space<vmem_shared>>
      %dma_wait3A_195 = arith.constant 0 : i32
      %dma_wait3A_196 = tpu.memref_slice %arg7[%add3A_28, %dma_wait3A_195] : memref<10240x128xf32, #tpu.memory_space<vmem_shared>> -> memref<96x128xf32, #tpu.memory_space<vmem_shared>>
      %dma_wait3A_197 = arith.constant 0 : i32
      %dma_wait3A_198 = arith.constant 0 : i32
      %dma_wait3A_199 = tpu.memref_slice %arg11[%dma_wait3A_197, %dma_wait3A_198] : memref<96x128xf32, #tpu.memory_space<vmem>> -> memref<96x128xf32, #tpu.memory_space<vmem>>
      tpu.wait_dma2 semaphore(%run_scoped3A : memref<!tpu.dma_semaphore, #tpu.memory_space<semaphore_mem>>) src(%dma_wait3A_199 : memref<96x128xf32, #tpu.memory_space<vmem>>) dst(%dma_wait3A_196 : memref<96x128xf32, #tpu.memory_space<vmem_shared>>)
      tpu.yield
    }) : () -> ()
    %mul3A_29 = arith.constant 640 : i32
    %mul3A_30 = arith.muli %arg1, %mul3A_29 : i32
    %add3A_31 = arith.constant 576 : i32
    %add3A_32 = arith.addi %mul3A_30, %add3A_31 : i32
    "tpu.region"() ({
      %run_scoped3A = tpu.sem_alloc : memref<!tpu.dma_semaphore, #tpu.memory_space<semaphore_mem>>
      %dma_start3A_180 = arith.constant 0 : i32
      %dma_start3A_181 = arith.constant 0 : i32
      %dma_start3A_182 = tpu.memref_slice %arg11[%dma_start3A_180, %dma_start3A_181] : memref<96x128xf32, #tpu.memory_space<vmem>> -> memref<64x128xf32, #tpu.memory_space<vmem>>
      %dma_start3A_183 = arith.constant 0 : i32
      %dma_start3A_184 = tpu.memref_slice %arg7[%add3A_32, %dma_start3A_183] : memref<10240x128xf32, #tpu.memory_space<vmem_shared>> -> memref<64x128xf32, #tpu.memory_space<vmem_shared>>
      %dma_start3A_185 = arith.constant 0 : i32
      %dma_start3A_186 = tpu.memref_slice %arg7[%add3A_32, %dma_start3A_185] : memref<10240x128xf32, #tpu.memory_space<vmem_shared>> -> memref<64x128xf32, #tpu.memory_space<vmem_shared>>
      %dma_start3A_187 = arith.constant 0 : i32
      %dma_start3A_188 = arith.constant 0 : i32
      %dma_start3A_189 = tpu.memref_slice %arg11[%dma_start3A_187, %dma_start3A_188] : memref<96x128xf32, #tpu.memory_space<vmem>> -> memref<64x128xf32, #tpu.memory_space<vmem>>
      tpu.enqueue_dma source(%dma_start3A_189 : memref<64x128xf32, #tpu.memory_space<vmem>>) target(%dma_start3A_186 : memref<64x128xf32, #tpu.memory_space<vmem_shared>>) target_semaphore(%run_scoped3A : memref<!tpu.dma_semaphore, #tpu.memory_space<semaphore_mem>>)
      %dma_wait3A_190 = arith.constant 0 : i32
      %dma_wait3A_191 = arith.constant 0 : i32
      %dma_wait3A_192 = tpu.memref_slice %arg11[%dma_wait3A_190, %dma_wait3A_191] : memref<96x128xf32, #tpu.memory_space<vmem>> -> memref<64x128xf32, #tpu.memory_space<vmem>>
      %dma_wait3A_193 = arith.constant 0 : i32
      %dma_wait3A_194 = tpu.memref_slice %arg7[%add3A_32, %dma_wait3A_193] : memref<10240x128xf32, #tpu.memory_space<vmem_shared>> -> memref<64x128xf32, #tpu.memory_space<vmem_shared>>
      %dma_wait3A_195 = arith.constant 0 : i32
      %dma_wait3A_196 = tpu.memref_slice %arg7[%add3A_32, %dma_wait3A_195] : memref<10240x128xf32, #tpu.memory_space<vmem_shared>> -> memref<64x128xf32, #tpu.memory_space<vmem_shared>>
      %dma_wait3A_197 = arith.constant 0 : i32
      %dma_wait3A_198 = arith.constant 0 : i32
      %dma_wait3A_199 = tpu.memref_slice %arg11[%dma_wait3A_197, %dma_wait3A_198] : memref<96x128xf32, #tpu.memory_space<vmem>> -> memref<64x128xf32, #tpu.memory_space<vmem>>
      tpu.wait_dma2 semaphore(%run_scoped3A : memref<!tpu.dma_semaphore, #tpu.memory_space<semaphore_mem>>) src(%dma_wait3A_199 : memref<64x128xf32, #tpu.memory_space<vmem>>) dst(%dma_wait3A_196 : memref<64x128xf32, #tpu.memory_space<vmem_shared>>)
      tpu.yield
    }) : () -> ()
    %mul3A_33 = arith.constant 4 : i32
    %mul3A_34 = arith.muli %add3A, %mul3A_33 : i32
    %add3A_35 = arith.constant 0 : i32
    %add3A_36 = arith.addi %mul3A_34, %add3A_35 : i32
    %mul3A_37 = arith.constant 2592 : i32
    %mul3A_38 = arith.muli %add3A_36, %mul3A_37 : i32
    "tpu.region"() ({
      %run_scoped3A = tpu.sem_alloc : memref<!tpu.dma_semaphore, #tpu.memory_space<semaphore_mem>>
      %dma_start3A_180 = tpu.memref_slice %arg3[%mul3A_38] : memref<331776xi32, #tpu.memory_space<hbm>> -> memref<2592xi32, #tpu.memory_space<hbm>>
      %dma_start3A_181 = tpu.memref_slice %arg3[%mul3A_38] : memref<331776xi32, #tpu.memory_space<hbm>> -> memref<2592xi32, #tpu.memory_space<hbm>>
      tpu.enqueue_dma source(%dma_start3A_181 : memref<2592xi32, #tpu.memory_space<hbm>>) target(%arg8 : memref<2592xi32, #tpu.memory_space<vmem>>) target_semaphore(%run_scoped3A : memref<!tpu.dma_semaphore, #tpu.memory_space<semaphore_mem>>)
      %dma_wait3A_182 = tpu.memref_slice %arg3[%mul3A_38] : memref<331776xi32, #tpu.memory_space<hbm>> -> memref<2592xi32, #tpu.memory_space<hbm>>
      %dma_wait3A_183 = tpu.memref_slice %arg3[%mul3A_38] : memref<331776xi32, #tpu.memory_space<hbm>> -> memref<2592xi32, #tpu.memory_space<hbm>>
      tpu.wait_dma2 semaphore(%run_scoped3A : memref<!tpu.dma_semaphore, #tpu.memory_space<semaphore_mem>>) src(%dma_wait3A_183 : memref<2592xi32, #tpu.memory_space<hbm>>) dst(%arg8 : memref<2592xi32, #tpu.memory_space<vmem>>)
      tpu.yield
    }) : () -> ()
    "tpu.region"() ({
      %run_scoped3A = tpu.sem_alloc : memref<!tpu.dma_semaphore, #tpu.memory_space<semaphore_mem>>
      %dma_start3A_180 = arith.constant 0 : i32
      %dma_start3A_181 = arith.constant 0 : i32
      %dma_start3A_182 = tpu.memref_slice %arg4[%add3A_36, %dma_start3A_180, %dma_start3A_181] : memref<128x27x96xi32, #tpu.memory_space<hbm>> -> memref<1x27x96xi32, #tpu.memory_space<hbm>>
      %dma_start3A_183 = tpu.memref_squeeze %dma_start3A_182 : memref<1x27x96xi32, #tpu.memory_space<hbm>> -> memref<27x96xi32, #tpu.memory_space<hbm>>
      %dma_start3A_184 = arith.constant 0 : i32
      %dma_start3A_185 = arith.constant 0 : i32
      %dma_start3A_186 = tpu.memref_slice %arg4[%add3A_36, %dma_start3A_184, %dma_start3A_185] : memref<128x27x96xi32, #tpu.memory_space<hbm>> -> memref<1x27x96xi32, #tpu.memory_space<hbm>>
      %dma_start3A_187 = tpu.memref_squeeze %dma_start3A_186 : memref<1x27x96xi32, #tpu.memory_space<hbm>> -> memref<27x96xi32, #tpu.memory_space<hbm>>
      tpu.enqueue_dma source(%dma_start3A_187 : memref<27x96xi32, #tpu.memory_space<hbm>>) target(%arg9 : memref<27x96xi32, #tpu.memory_space<vmem>>) target_semaphore(%run_scoped3A : memref<!tpu.dma_semaphore, #tpu.memory_space<semaphore_mem>>)
      %dma_wait3A_188 = arith.constant 0 : i32
      %dma_wait3A_189 = arith.constant 0 : i32
      %dma_wait3A_190 = tpu.memref_slice %arg4[%add3A_36, %dma_wait3A_188, %dma_wait3A_189] : memref<128x27x96xi32, #tpu.memory_space<hbm>> -> memref<1x27x96xi32, #tpu.memory_space<hbm>>
      %dma_wait3A_191 = tpu.memref_squeeze %dma_wait3A_190 : memref<1x27x96xi32, #tpu.memory_space<hbm>> -> memref<27x96xi32, #tpu.memory_space<hbm>>
      %dma_wait3A_192 = arith.constant 0 : i32
      %dma_wait3A_193 = arith.constant 0 : i32
      %dma_wait3A_194 = tpu.memref_slice %arg4[%add3A_36, %dma_wait3A_192, %dma_wait3A_193] : memref<128x27x96xi32, #tpu.memory_space<hbm>> -> memref<1x27x96xi32, #tpu.memory_space<hbm>>
      %dma_wait3A_195 = tpu.memref_squeeze %dma_wait3A_194 : memref<1x27x96xi32, #tpu.memory_space<hbm>> -> memref<27x96xi32, #tpu.memory_space<hbm>>
      tpu.wait_dma2 semaphore(%run_scoped3A : memref<!tpu.dma_semaphore, #tpu.memory_space<semaphore_mem>>) src(%dma_wait3A_195 : memref<27x96xi32, #tpu.memory_space<hbm>>) dst(%arg9 : memref<27x96xi32, #tpu.memory_space<vmem>>)
      tpu.yield
    }) : () -> ()
    %mul3A_39 = arith.constant 2592 : i32
    %mul3A_40 = arith.muli %add3A_36, %mul3A_39 : i32
    "tpu.region"() ({
      %run_scoped3A = tpu.sem_alloc : memref<!tpu.dma_semaphore, #tpu.memory_space<semaphore_mem>>
      %dma_start3A_180 = tpu.memref_slice %arg5[%mul3A_40] : memref<331776xf32, #tpu.memory_space<hbm>> -> memref<2592xf32, #tpu.memory_space<hbm>>
      %dma_start3A_181 = tpu.memref_slice %arg5[%mul3A_40] : memref<331776xf32, #tpu.memory_space<hbm>> -> memref<2592xf32, #tpu.memory_space<hbm>>
      tpu.enqueue_dma source(%dma_start3A_181 : memref<2592xf32, #tpu.memory_space<hbm>>) target(%arg10 : memref<2592xf32, #tpu.memory_space<vmem>>) target_semaphore(%run_scoped3A : memref<!tpu.dma_semaphore, #tpu.memory_space<semaphore_mem>>)
      %dma_wait3A_182 = tpu.memref_slice %arg5[%mul3A_40] : memref<331776xf32, #tpu.memory_space<hbm>> -> memref<2592xf32, #tpu.memory_space<hbm>>
      %dma_wait3A_183 = tpu.memref_slice %arg5[%mul3A_40] : memref<331776xf32, #tpu.memory_space<hbm>> -> memref<2592xf32, #tpu.memory_space<hbm>>
      tpu.wait_dma2 semaphore(%run_scoped3A : memref<!tpu.dma_semaphore, #tpu.memory_space<semaphore_mem>>) src(%dma_wait3A_183 : memref<2592xf32, #tpu.memory_space<hbm>>) dst(%arg10 : memref<2592xf32, #tpu.memory_space<vmem>>)
      tpu.yield
    }) : () -> ()
    %dma_start3A = arith.constant 0 : i32
    %dma_start3A_41 = tpu.memref_slice %arg8[%dma_start3A] : memref<2592xi32, #tpu.memory_space<vmem>> -> memref<96xi32, #tpu.memory_space<vmem>>
    %dma_start3A_42 = arith.constant 0 : i32
    %dma_start3A_43 = arith.constant 0 : i32
    %dma_start3A_44 = tpu.memref_slice %arg2[%dma_start3A_42, %dma_start3A_43] : memref<10000x128xf32, #tpu.memory_space<hbm>> -> memref<10000x128xf32, #tpu.memory_space<hbm>>
    tpu.enqueue_indirect_dma source(%dma_start3A_44 : memref<10000x128xf32, #tpu.memory_space<hbm>>) target(%arg11 : memref<96x128xf32, #tpu.memory_space<vmem>>) offsets(%dma_start3A_41 : memref<96xi32, #tpu.memory_space<vmem>>) semaphore(%arg14 : memref<!tpu.dma_semaphore, #tpu.memory_space<semaphore_mem>>)
    %dma_start3A_45 = arith.constant 96 : i32
    %dma_start3A_46 = tpu.memref_slice %arg8[%dma_start3A_45] : memref<2592xi32, #tpu.memory_space<vmem>> -> memref<96xi32, #tpu.memory_space<vmem>>
    %dma_start3A_47 = arith.constant 0 : i32
    %dma_start3A_48 = arith.constant 0 : i32
    %dma_start3A_49 = tpu.memref_slice %arg2[%dma_start3A_47, %dma_start3A_48] : memref<10000x128xf32, #tpu.memory_space<hbm>> -> memref<10000x128xf32, #tpu.memory_space<hbm>>
    tpu.enqueue_indirect_dma source(%dma_start3A_49 : memref<10000x128xf32, #tpu.memory_space<hbm>>) target(%arg12 : memref<96x128xf32, #tpu.memory_space<vmem>>) offsets(%dma_start3A_46 : memref<96xi32, #tpu.memory_space<vmem>>) semaphore(%arg15 : memref<!tpu.dma_semaphore, #tpu.memory_space<semaphore_mem>>)
    %barrier3A = arith.constant 0 : index
    tpu.barrier barrier_id(%barrier3A)
    %scan3A_50 = arith.constant 0 : i32
    %scan3A_51 = arith.constant 9 : i32
    %scan3A_52 = arith.addi %scan3A_50, %scan3A_51 : i32
    %scan3A_53 = arith.constant 1 : i32
    scf.for %scan3A_180 = %scan3A_50 to %scan3A_52 step %scan3A_53  : i32 {
      %mul3A_181 = arith.constant 1 : i32
      %mul3A_182 = arith.muli %scan3A_180, %mul3A_181 : i32
      %add3A_183 = arith.constant 0 : i32
      %add3A_184 = arith.addi %add3A_183, %mul3A_182 : i32
      %mul3A_185 = arith.constant 3 : i32
      %mul3A_186 = arith.muli %mul3A_185, %add3A_184 : i32
      %add3A_187 = arith.constant 0 : i32
      %add3A_188 = arith.addi %mul3A_186, %add3A_187 : i32
      %ge3A = arith.constant 1 : i32
      %ge3A_189 = arith.cmpi sge, %add3A_184, %ge3A : i32
      %convert_element_type3A = arith.extui %ge3A_189 : i1 to i32
      %cond3A = arith.constant 0 : i32
      %cond3A_190 = arith.cmpi ne, %convert_element_type3A, %cond3A : i32
      scf.if %cond3A_190 {
        %sub3A_283 = arith.constant 1 : i32
        %sub3A_284 = arith.subi %add3A_188, %sub3A_283 : i32
        %dma_wait3A_285 = arith.constant 0 : i32
        %dma_wait3A_286 = tpu.memref_slice %arg9[%sub3A_284, %dma_wait3A_285] : memref<27x96xi32, #tpu.memory_space<vmem>> -> memref<1x96xi32, #tpu.memory_space<vmem>>
        %dma_wait3A_287 = tpu.memref_squeeze %dma_wait3A_286 : memref<1x96xi32, #tpu.memory_space<vmem>> -> memref<96xi32, #tpu.memory_space<vmem>>
        %dma_wait3A_288 = arith.constant 0 : i32
        %dma_wait3A_289 = arith.constant 0 : i32
        %dma_wait3A_290 = tpu.memref_slice %arg7[%dma_wait3A_288, %dma_wait3A_289] : memref<10240x128xf32, #tpu.memory_space<vmem_shared>> -> memref<10240x128xf32, #tpu.memory_space<vmem_shared>>
        tpu.wait_indirect_dma semaphore(%arg19 : memref<!tpu.dma_semaphore, #tpu.memory_space<semaphore_mem>>) src(%arg13 : memref<96x128xf32, #tpu.memory_space<vmem>>) dst(%dma_wait3A_290 : memref<10240x128xf32, #tpu.memory_space<vmem_shared>>)
      } else {
      }
      %add3A_191 = arith.constant 2 : i32
      %add3A_192 = arith.addi %add3A_188, %add3A_191 : i32
      %mul3A_193 = arith.constant 96 : i32
      %mul3A_194 = arith.muli %add3A_192, %mul3A_193 : i32
      %dma_start3A_195 = tpu.memref_slice %arg8[%mul3A_194] : memref<2592xi32, #tpu.memory_space<vmem>> -> memref<96xi32, #tpu.memory_space<vmem>>
      %dma_start3A_196 = arith.constant 0 : i32
      %dma_start3A_197 = arith.constant 0 : i32
      %dma_start3A_198 = tpu.memref_slice %arg2[%dma_start3A_196, %dma_start3A_197] : memref<10000x128xf32, #tpu.memory_space<hbm>> -> memref<10000x128xf32, #tpu.memory_space<hbm>>
      tpu.enqueue_indirect_dma source(%dma_start3A_198 : memref<10000x128xf32, #tpu.memory_space<hbm>>) target(%arg13 : memref<96x128xf32, #tpu.memory_space<vmem>>) offsets(%dma_start3A_195 : memref<96xi32, #tpu.memory_space<vmem>>) semaphore(%arg16 : memref<!tpu.dma_semaphore, #tpu.memory_space<semaphore_mem>>)
      %mul3A_199 = arith.constant 96 : i32
      %mul3A_200 = arith.muli %add3A_188, %mul3A_199 : i32
      %dma_wait3A_201 = tpu.memref_slice %arg8[%mul3A_200] : memref<2592xi32, #tpu.memory_space<vmem>> -> memref<96xi32, #tpu.memory_space<vmem>>
      %dma_wait3A_202 = arith.constant 0 : i32
      %dma_wait3A_203 = arith.constant 0 : i32
      %dma_wait3A_204 = tpu.memref_slice %arg2[%dma_wait3A_202, %dma_wait3A_203] : memref<10000x128xf32, #tpu.memory_space<hbm>> -> memref<10000x128xf32, #tpu.memory_space<hbm>>
      tpu.wait_indirect_dma semaphore(%arg14 : memref<!tpu.dma_semaphore, #tpu.memory_space<semaphore_mem>>) src(%dma_wait3A_204 : memref<10000x128xf32, #tpu.memory_space<hbm>>) dst(%arg11 : memref<96x128xf32, #tpu.memory_space<vmem>>)
      %mul3A_205 = arith.constant 96 : i32
      %mul3A_206 = arith.muli %add3A_188, %mul3A_205 : i32
      %broadcast_in_dim3A = vector.broadcast %mul3A_206 : i32 to vector<16xi32>
      %parallel_loop3A = arith.constant 0 : i32
      %parallel_loop3A_207 = arith.constant 96 : i32
      %parallel_loop3A_208 = arith.constant 1 : i32
      scf.for %parallel_loop3A_283 = %parallel_loop3A to %parallel_loop3A_207 step %parallel_loop3A_208  : i32 {
        %parallel_loop3A_284 = vector.broadcast %parallel_loop3A_283 : i32 to vector<16xi32>
        %parallel_loop3A_285 = arith.addi %broadcast_in_dim3A, %parallel_loop3A_284 : vector<16xi32>
        %parallel_loop3A_286 = tpu.vector_load_idx %arg10[%parallel_loop3A_285] : memref<2592xf32, #tpu.memory_space<vmem>>[vector<16xi32>], vector<16xf32>,
        %parallel_loop3A_287 = arith.index_cast %parallel_loop3A_283 : i32 to index
        %parallel_loop3A_288 = arith.constant 0 : index
        %parallel_loop3A_289 = tpu.vector_load %arg11[%parallel_loop3A_287, %parallel_loop3A_288] {strides = array<i32>} : memref<96x128xf32, #tpu.memory_space<vmem>>, vector<16xf32>,
        %parallel_loop3A_290 = arith.mulf %parallel_loop3A_289, %parallel_loop3A_286 : vector<16xf32>
        %parallel_loop3A_291 = arith.index_cast %parallel_loop3A_283 : i32 to index
        %parallel_loop3A_292 = arith.constant 0 : index
        %parallel_loop3A_293 = tpu.vector_load %arg11[%parallel_loop3A_291, %parallel_loop3A_292] {strides = array<i32>} : memref<96x128xf32, #tpu.memory_space<vmem>>, vector<16xf32>,
        tpu.vector_store %arg11[%parallel_loop3A_291, %parallel_loop3A_292], %parallel_loop3A_290 {strides = array<i32>} : memref<96x128xf32, #tpu.memory_space<vmem>>, vector<16xf32>,
        %parallel_loop3A_294 = arith.index_cast %parallel_loop3A_283 : i32 to index
        %parallel_loop3A_295 = arith.constant 16 : index
        %parallel_loop3A_296 = tpu.vector_load %arg11[%parallel_loop3A_294, %parallel_loop3A_295] {strides = array<i32>} : memref<96x128xf32, #tpu.memory_space<vmem>>, vector<16xf32>,
        %parallel_loop3A_297 = arith.mulf %parallel_loop3A_296, %parallel_loop3A_286 : vector<16xf32>
        %parallel_loop3A_298 = arith.index_cast %parallel_loop3A_283 : i32 to index
        %parallel_loop3A_299 = arith.constant 16 : index
        %parallel_loop3A_300 = tpu.vector_load %arg11[%parallel_loop3A_298, %parallel_loop3A_299] {strides = array<i32>} : memref<96x128xf32, #tpu.memory_space<vmem>>, vector<16xf32>,
        tpu.vector_store %arg11[%parallel_loop3A_298, %parallel_loop3A_299], %parallel_loop3A_297 {strides = array<i32>} : memref<96x128xf32, #tpu.memory_space<vmem>>, vector<16xf32>,
        %parallel_loop3A_301 = arith.index_cast %parallel_loop3A_283 : i32 to index
        %parallel_loop3A_302 = arith.constant 32 : index
        %parallel_loop3A_303 = tpu.vector_load %arg11[%parallel_loop3A_301, %parallel_loop3A_302] {strides = array<i32>} : memref<96x128xf32, #tpu.memory_space<vmem>>, vector<16xf32>,
        %parallel_loop3A_304 = arith.mulf %parallel_loop3A_303, %parallel_loop3A_286 : vector<16xf32>
        %parallel_loop3A_305 = arith.index_cast %parallel_loop3A_283 : i32 to index
        %parallel_loop3A_306 = arith.constant 32 : index
        %parallel_loop3A_307 = tpu.vector_load %arg11[%parallel_loop3A_305, %parallel_loop3A_306] {strides = array<i32>} : memref<96x128xf32, #tpu.memory_space<vmem>>, vector<16xf32>,
        tpu.vector_store %arg11[%parallel_loop3A_305, %parallel_loop3A_306], %parallel_loop3A_304 {strides = array<i32>} : memref<96x128xf32, #tpu.memory_space<vmem>>, vector<16xf32>,
        %parallel_loop3A_308 = arith.index_cast %parallel_loop3A_283 : i32 to index
        %parallel_loop3A_309 = arith.constant 48 : index
        %parallel_loop3A_310 = tpu.vector_load %arg11[%parallel_loop3A_308, %parallel_loop3A_309] {strides = array<i32>} : memref<96x128xf32, #tpu.memory_space<vmem>>, vector<16xf32>,
        %parallel_loop3A_311 = arith.mulf %parallel_loop3A_310, %parallel_loop3A_286 : vector<16xf32>
        %parallel_loop3A_312 = arith.index_cast %parallel_loop3A_283 : i32 to index
        %parallel_loop3A_313 = arith.constant 48 : index
        %parallel_loop3A_314 = tpu.vector_load %arg11[%parallel_loop3A_312, %parallel_loop3A_313] {strides = array<i32>} : memref<96x128xf32, #tpu.memory_space<vmem>>, vector<16xf32>,
        tpu.vector_store %arg11[%parallel_loop3A_312, %parallel_loop3A_313], %parallel_loop3A_311 {strides = array<i32>} : memref<96x128xf32, #tpu.memory_space<vmem>>, vector<16xf32>,
        %parallel_loop3A_315 = arith.index_cast %parallel_loop3A_283 : i32 to index
        %parallel_loop3A_316 = arith.constant 64 : index
        %parallel_loop3A_317 = tpu.vector_load %arg11[%parallel_loop3A_315, %parallel_loop3A_316] {strides = array<i32>} : memref<96x128xf32, #tpu.memory_space<vmem>>, vector<16xf32>,
        %parallel_loop3A_318 = arith.mulf %parallel_loop3A_317, %parallel_loop3A_286 : vector<16xf32>
        %parallel_loop3A_319 = arith.index_cast %parallel_loop3A_283 : i32 to index
        %parallel_loop3A_320 = arith.constant 64 : index
        %parallel_loop3A_321 = tpu.vector_load %arg11[%parallel_loop3A_319, %parallel_loop3A_320] {strides = array<i32>} : memref<96x128xf32, #tpu.memory_space<vmem>>, vector<16xf32>,
        tpu.vector_store %arg11[%parallel_loop3A_319, %parallel_loop3A_320], %parallel_loop3A_318 {strides = array<i32>} : memref<96x128xf32, #tpu.memory_space<vmem>>, vector<16xf32>,
        %parallel_loop3A_322 = arith.index_cast %parallel_loop3A_283 : i32 to index
        %parallel_loop3A_323 = arith.constant 80 : index
        %parallel_loop3A_324 = tpu.vector_load %arg11[%parallel_loop3A_322, %parallel_loop3A_323] {strides = array<i32>} : memref<96x128xf32, #tpu.memory_space<vmem>>, vector<16xf32>,
        %parallel_loop3A_325 = arith.mulf %parallel_loop3A_324, %parallel_loop3A_286 : vector<16xf32>
        %parallel_loop3A_326 = arith.index_cast %parallel_loop3A_283 : i32 to index
        %parallel_loop3A_327 = arith.constant 80 : index
        %parallel_loop3A_328 = tpu.vector_load %arg11[%parallel_loop3A_326, %parallel_loop3A_327] {strides = array<i32>} : memref<96x128xf32, #tpu.memory_space<vmem>>, vector<16xf32>,
        tpu.vector_store %arg11[%parallel_loop3A_326, %parallel_loop3A_327], %parallel_loop3A_325 {strides = array<i32>} : memref<96x128xf32, #tpu.memory_space<vmem>>, vector<16xf32>,
        %parallel_loop3A_329 = arith.index_cast %parallel_loop3A_283 : i32 to index
        %parallel_loop3A_330 = arith.constant 96 : index
        %parallel_loop3A_331 = tpu.vector_load %arg11[%parallel_loop3A_329, %parallel_loop3A_330] {strides = array<i32>} : memref<96x128xf32, #tpu.memory_space<vmem>>, vector<16xf32>,
        %parallel_loop3A_332 = arith.mulf %parallel_loop3A_331, %parallel_loop3A_286 : vector<16xf32>
        %parallel_loop3A_333 = arith.index_cast %parallel_loop3A_283 : i32 to index
        %parallel_loop3A_334 = arith.constant 96 : index
        %parallel_loop3A_335 = tpu.vector_load %arg11[%parallel_loop3A_333, %parallel_loop3A_334] {strides = array<i32>} : memref<96x128xf32, #tpu.memory_space<vmem>>, vector<16xf32>,
        tpu.vector_store %arg11[%parallel_loop3A_333, %parallel_loop3A_334], %parallel_loop3A_332 {strides = array<i32>} : memref<96x128xf32, #tpu.memory_space<vmem>>, vector<16xf32>,
        %parallel_loop3A_336 = arith.index_cast %parallel_loop3A_283 : i32 to index
        %parallel_loop3A_337 = arith.constant 112 : index
        %parallel_loop3A_338 = tpu.vector_load %arg11[%parallel_loop3A_336, %parallel_loop3A_337] {strides = array<i32>} : memref<96x128xf32, #tpu.memory_space<vmem>>, vector<16xf32>,
        %parallel_loop3A_339 = arith.mulf %parallel_loop3A_338, %parallel_loop3A_286 : vector<16xf32>
        %parallel_loop3A_340 = arith.index_cast %parallel_loop3A_283 : i32 to index
        %parallel_loop3A_341 = arith.constant 112 : index
        %parallel_loop3A_342 = tpu.vector_load %arg11[%parallel_loop3A_340, %parallel_loop3A_341] {strides = array<i32>} : memref<96x128xf32, #tpu.memory_space<vmem>>, vector<16xf32>,
        tpu.vector_store %arg11[%parallel_loop3A_340, %parallel_loop3A_341], %parallel_loop3A_339 {strides = array<i32>} : memref<96x128xf32, #tpu.memory_space<vmem>>, vector<16xf32>,
      } {sc.loop_unroll_factor = 4 : i64, sc.parallel_access}
      %dma_start3A_209 = arith.constant 0 : i32
      %dma_start3A_210 = tpu.memref_slice %arg9[%add3A_188, %dma_start3A_209] : memref<27x96xi32, #tpu.memory_space<vmem>> -> memref<1x96xi32, #tpu.memory_space<vmem>>
      %dma_start3A_211 = tpu.memref_squeeze %dma_start3A_210 : memref<1x96xi32, #tpu.memory_space<vmem>> -> memref<96xi32, #tpu.memory_space<vmem>>
      %dma_start3A_212 = arith.constant 0 : i32
      %dma_start3A_213 = arith.constant 0 : i32
      %dma_start3A_214 = tpu.memref_slice %arg7[%dma_start3A_212, %dma_start3A_213] : memref<10240x128xf32, #tpu.memory_space<vmem_shared>> -> memref<10240x128xf32, #tpu.memory_space<vmem_shared>>
      tpu.enqueue_indirect_dma source(%arg11 : memref<96x128xf32, #tpu.memory_space<vmem>>) target(%dma_start3A_214 : memref<10240x128xf32, #tpu.memory_space<vmem_shared>>) offsets(%dma_start3A_211 : memref<96xi32, #tpu.memory_space<vmem>>) semaphore(%arg17 : memref<!tpu.dma_semaphore, #tpu.memory_space<semaphore_mem>>) {add = true}
      %mul3A_215 = arith.constant 3 : i32
      %mul3A_216 = arith.muli %mul3A_215, %add3A_184 : i32
      %add3A_217 = arith.constant 1 : i32
      %add3A_218 = arith.addi %mul3A_216, %add3A_217 : i32
      %sub3A = arith.constant 1 : i32
      %sub3A_219 = arith.subi %add3A_218, %sub3A : i32
      %dma_wait3A_220 = arith.constant 0 : i32
      %dma_wait3A_221 = tpu.memref_slice %arg9[%sub3A_219, %dma_wait3A_220] : memref<27x96xi32, #tpu.memory_space<vmem>> -> memref<1x96xi32, #tpu.memory_space<vmem>>
      %dma_wait3A_222 = tpu.memref_squeeze %dma_wait3A_221 : memref<1x96xi32, #tpu.memory_space<vmem>> -> memref<96xi32, #tpu.memory_space<vmem>>
      %dma_wait3A_223 = arith.constant 0 : i32
      %dma_wait3A_224 = arith.constant 0 : i32
      %dma_wait3A_225 = tpu.memref_slice %arg7[%dma_wait3A_223, %dma_wait3A_224] : memref<10240x128xf32, #tpu.memory_space<vmem_shared>> -> memref<10240x128xf32, #tpu.memory_space<vmem_shared>>
      tpu.wait_indirect_dma semaphore(%arg17 : memref<!tpu.dma_semaphore, #tpu.memory_space<semaphore_mem>>) src(%arg11 : memref<96x128xf32, #tpu.memory_space<vmem>>) dst(%dma_wait3A_225 : memref<10240x128xf32, #tpu.memory_space<vmem_shared>>)
      %lt3A = arith.constant 8 : i32
      %lt3A_226 = arith.cmpi slt, %add3A_184, %lt3A : i32
      %convert_element_type3A_227 = arith.extui %lt3A_226 : i1 to i32
      %cond3A_228 = arith.constant 0 : i32
      %cond3A_229 = arith.cmpi ne, %convert_element_type3A_227, %cond3A_228 : i32
      scf.if %cond3A_229 {
        %add3A_283 = arith.constant 2 : i32
        %add3A_284 = arith.addi %add3A_218, %add3A_283 : i32
        %mul3A_285 = arith.constant 96 : i32
        %mul3A_286 = arith.muli %add3A_284, %mul3A_285 : i32
        %dma_start3A_287 = tpu.memref_slice %arg8[%mul3A_286] : memref<2592xi32, #tpu.memory_space<vmem>> -> memref<96xi32, #tpu.memory_space<vmem>>
        %dma_start3A_288 = arith.constant 0 : i32
        %dma_start3A_289 = arith.constant 0 : i32
        %dma_start3A_290 = tpu.memref_slice %arg2[%dma_start3A_288, %dma_start3A_289] : memref<10000x128xf32, #tpu.memory_space<hbm>> -> memref<10000x128xf32, #tpu.memory_space<hbm>>
        tpu.enqueue_indirect_dma source(%dma_start3A_290 : memref<10000x128xf32, #tpu.memory_space<hbm>>) target(%arg11 : memref<96x128xf32, #tpu.memory_space<vmem>>) offsets(%dma_start3A_287 : memref<96xi32, #tpu.memory_space<vmem>>) semaphore(%arg14 : memref<!tpu.dma_semaphore, #tpu.memory_space<semaphore_mem>>)
      } else {
      }
      %mul3A_230 = arith.constant 96 : i32
      %mul3A_231 = arith.muli %add3A_218, %mul3A_230 : i32
      %dma_wait3A_232 = tpu.memref_slice %arg8[%mul3A_231] : memref<2592xi32, #tpu.memory_space<vmem>> -> memref<96xi32, #tpu.memory_space<vmem>>
      %dma_wait3A_233 = arith.constant 0 : i32
      %dma_wait3A_234 = arith.constant 0 : i32
      %dma_wait3A_235 = tpu.memref_slice %arg2[%dma_wait3A_233, %dma_wait3A_234] : memref<10000x128xf32, #tpu.memory_space<hbm>> -> memref<10000x128xf32, #tpu.memory_space<hbm>>
      tpu.wait_indirect_dma semaphore(%arg15 : memref<!tpu.dma_semaphore, #tpu.memory_space<semaphore_mem>>) src(%dma_wait3A_235 : memref<10000x128xf32, #tpu.memory_space<hbm>>) dst(%arg12 : memref<96x128xf32, #tpu.memory_space<vmem>>)
      %mul3A_236 = arith.constant 96 : i32
      %mul3A_237 = arith.muli %add3A_218, %mul3A_236 : i32
      %broadcast_in_dim3A_238 = vector.broadcast %mul3A_237 : i32 to vector<16xi32>
      %parallel_loop3A_239 = arith.constant 0 : i32
      %parallel_loop3A_240 = arith.constant 96 : i32
      %parallel_loop3A_241 = arith.constant 1 : i32
      scf.for %parallel_loop3A_283 = %parallel_loop3A_239 to %parallel_loop3A_240 step %parallel_loop3A_241  : i32 {
        %parallel_loop3A_284 = vector.broadcast %parallel_loop3A_283 : i32 to vector<16xi32>
        %parallel_loop3A_285 = arith.addi %broadcast_in_dim3A_238, %parallel_loop3A_284 : vector<16xi32>
        %parallel_loop3A_286 = tpu.vector_load_idx %arg10[%parallel_loop3A_285] : memref<2592xf32, #tpu.memory_space<vmem>>[vector<16xi32>], vector<16xf32>,
        %parallel_loop3A_287 = arith.index_cast %parallel_loop3A_283 : i32 to index
        %parallel_loop3A_288 = arith.constant 0 : index
        %parallel_loop3A_289 = tpu.vector_load %arg12[%parallel_loop3A_287, %parallel_loop3A_288] {strides = array<i32>} : memref<96x128xf32, #tpu.memory_space<vmem>>, vector<16xf32>,
        %parallel_loop3A_290 = arith.mulf %parallel_loop3A_289, %parallel_loop3A_286 : vector<16xf32>
        %parallel_loop3A_291 = arith.index_cast %parallel_loop3A_283 : i32 to index
        %parallel_loop3A_292 = arith.constant 0 : index
        %parallel_loop3A_293 = tpu.vector_load %arg12[%parallel_loop3A_291, %parallel_loop3A_292] {strides = array<i32>} : memref<96x128xf32, #tpu.memory_space<vmem>>, vector<16xf32>,
        tpu.vector_store %arg12[%parallel_loop3A_291, %parallel_loop3A_292], %parallel_loop3A_290 {strides = array<i32>} : memref<96x128xf32, #tpu.memory_space<vmem>>, vector<16xf32>,
        %parallel_loop3A_294 = arith.index_cast %parallel_loop3A_283 : i32 to index
        %parallel_loop3A_295 = arith.constant 16 : index
        %parallel_loop3A_296 = tpu.vector_load %arg12[%parallel_loop3A_294, %parallel_loop3A_295] {strides = array<i32>} : memref<96x128xf32, #tpu.memory_space<vmem>>, vector<16xf32>,
        %parallel_loop3A_297 = arith.mulf %parallel_loop3A_296, %parallel_loop3A_286 : vector<16xf32>
        %parallel_loop3A_298 = arith.index_cast %parallel_loop3A_283 : i32 to index
        %parallel_loop3A_299 = arith.constant 16 : index
        %parallel_loop3A_300 = tpu.vector_load %arg12[%parallel_loop3A_298, %parallel_loop3A_299] {strides = array<i32>} : memref<96x128xf32, #tpu.memory_space<vmem>>, vector<16xf32>,
        tpu.vector_store %arg12[%parallel_loop3A_298, %parallel_loop3A_299], %parallel_loop3A_297 {strides = array<i32>} : memref<96x128xf32, #tpu.memory_space<vmem>>, vector<16xf32>,
        %parallel_loop3A_301 = arith.index_cast %parallel_loop3A_283 : i32 to index
        %parallel_loop3A_302 = arith.constant 32 : index
        %parallel_loop3A_303 = tpu.vector_load %arg12[%parallel_loop3A_301, %parallel_loop3A_302] {strides = array<i32>} : memref<96x128xf32, #tpu.memory_space<vmem>>, vector<16xf32>,
        %parallel_loop3A_304 = arith.mulf %parallel_loop3A_303, %parallel_loop3A_286 : vector<16xf32>
        %parallel_loop3A_305 = arith.index_cast %parallel_loop3A_283 : i32 to index
        %parallel_loop3A_306 = arith.constant 32 : index
        %parallel_loop3A_307 = tpu.vector_load %arg12[%parallel_loop3A_305, %parallel_loop3A_306] {strides = array<i32>} : memref<96x128xf32, #tpu.memory_space<vmem>>, vector<16xf32>,
        tpu.vector_store %arg12[%parallel_loop3A_305, %parallel_loop3A_306], %parallel_loop3A_304 {strides = array<i32>} : memref<96x128xf32, #tpu.memory_space<vmem>>, vector<16xf32>,
        %parallel_loop3A_308 = arith.index_cast %parallel_loop3A_283 : i32 to index
        %parallel_loop3A_309 = arith.constant 48 : index
        %parallel_loop3A_310 = tpu.vector_load %arg12[%parallel_loop3A_308, %parallel_loop3A_309] {strides = array<i32>} : memref<96x128xf32, #tpu.memory_space<vmem>>, vector<16xf32>,
        %parallel_loop3A_311 = arith.mulf %parallel_loop3A_310, %parallel_loop3A_286 : vector<16xf32>
        %parallel_loop3A_312 = arith.index_cast %parallel_loop3A_283 : i32 to index
        %parallel_loop3A_313 = arith.constant 48 : index
        %parallel_loop3A_314 = tpu.vector_load %arg12[%parallel_loop3A_312, %parallel_loop3A_313] {strides = array<i32>} : memref<96x128xf32, #tpu.memory_space<vmem>>, vector<16xf32>,
        tpu.vector_store %arg12[%parallel_loop3A_312, %parallel_loop3A_313], %parallel_loop3A_311 {strides = array<i32>} : memref<96x128xf32, #tpu.memory_space<vmem>>, vector<16xf32>,
        %parallel_loop3A_315 = arith.index_cast %parallel_loop3A_283 : i32 to index
        %parallel_loop3A_316 = arith.constant 64 : index
        %parallel_loop3A_317 = tpu.vector_load %arg12[%parallel_loop3A_315, %parallel_loop3A_316] {strides = array<i32>} : memref<96x128xf32, #tpu.memory_space<vmem>>, vector<16xf32>,
        %parallel_loop3A_318 = arith.mulf %parallel_loop3A_317, %parallel_loop3A_286 : vector<16xf32>
        %parallel_loop3A_319 = arith.index_cast %parallel_loop3A_283 : i32 to index
        %parallel_loop3A_320 = arith.constant 64 : index
        %parallel_loop3A_321 = tpu.vector_load %arg12[%parallel_loop3A_319, %parallel_loop3A_320] {strides = array<i32>} : memref<96x128xf32, #tpu.memory_space<vmem>>, vector<16xf32>,
        tpu.vector_store %arg12[%parallel_loop3A_319, %parallel_loop3A_320], %parallel_loop3A_318 {strides = array<i32>} : memref<96x128xf32, #tpu.memory_space<vmem>>, vector<16xf32>,
        %parallel_loop3A_322 = arith.index_cast %parallel_loop3A_283 : i32 to index
        %parallel_loop3A_323 = arith.constant 80 : index
        %parallel_loop3A_324 = tpu.vector_load %arg12[%parallel_loop3A_322, %parallel_loop3A_323] {strides = array<i32>} : memref<96x128xf32, #tpu.memory_space<vmem>>, vector<16xf32>,
        %parallel_loop3A_325 = arith.mulf %parallel_loop3A_324, %parallel_loop3A_286 : vector<16xf32>
        %parallel_loop3A_326 = arith.index_cast %parallel_loop3A_283 : i32 to index
        %parallel_loop3A_327 = arith.constant 80 : index
        %parallel_loop3A_328 = tpu.vector_load %arg12[%parallel_loop3A_326, %parallel_loop3A_327] {strides = array<i32>} : memref<96x128xf32, #tpu.memory_space<vmem>>, vector<16xf32>,
        tpu.vector_store %arg12[%parallel_loop3A_326, %parallel_loop3A_327], %parallel_loop3A_325 {strides = array<i32>} : memref<96x128xf32, #tpu.memory_space<vmem>>, vector<16xf32>,
        %parallel_loop3A_329 = arith.index_cast %parallel_loop3A_283 : i32 to index
        %parallel_loop3A_330 = arith.constant 96 : index
        %parallel_loop3A_331 = tpu.vector_load %arg12[%parallel_loop3A_329, %parallel_loop3A_330] {strides = array<i32>} : memref<96x128xf32, #tpu.memory_space<vmem>>, vector<16xf32>,
        %parallel_loop3A_332 = arith.mulf %parallel_loop3A_331, %parallel_loop3A_286 : vector<16xf32>
        %parallel_loop3A_333 = arith.index_cast %parallel_loop3A_283 : i32 to index
        %parallel_loop3A_334 = arith.constant 96 : index
        %parallel_loop3A_335 = tpu.vector_load %arg12[%parallel_loop3A_333, %parallel_loop3A_334] {strides = array<i32>} : memref<96x128xf32, #tpu.memory_space<vmem>>, vector<16xf32>,
        tpu.vector_store %arg12[%parallel_loop3A_333, %parallel_loop3A_334], %parallel_loop3A_332 {strides = array<i32>} : memref<96x128xf32, #tpu.memory_space<vmem>>, vector<16xf32>,
        %parallel_loop3A_336 = arith.index_cast %parallel_loop3A_283 : i32 to index
        %parallel_loop3A_337 = arith.constant 112 : index
        %parallel_loop3A_338 = tpu.vector_load %arg12[%parallel_loop3A_336, %parallel_loop3A_337] {strides = array<i32>} : memref<96x128xf32, #tpu.memory_space<vmem>>, vector<16xf32>,
        %parallel_loop3A_339 = arith.mulf %parallel_loop3A_338, %parallel_loop3A_286 : vector<16xf32>
        %parallel_loop3A_340 = arith.index_cast %parallel_loop3A_283 : i32 to index
        %parallel_loop3A_341 = arith.constant 112 : index
        %parallel_loop3A_342 = tpu.vector_load %arg12[%parallel_loop3A_340, %parallel_loop3A_341] {strides = array<i32>} : memref<96x128xf32, #tpu.memory_space<vmem>>, vector<16xf32>,
        tpu.vector_store %arg12[%parallel_loop3A_340, %parallel_loop3A_341], %parallel_loop3A_339 {strides = array<i32>} : memref<96x128xf32, #tpu.memory_space<vmem>>, vector<16xf32>,
      } {sc.loop_unroll_factor = 4 : i64, sc.parallel_access}
      %dma_start3A_242 = arith.constant 0 : i32
      %dma_start3A_243 = tpu.memref_slice %arg9[%add3A_218, %dma_start3A_242] : memref<27x96xi32, #tpu.memory_space<vmem>> -> memref<1x96xi32, #tpu.memory_space<vmem>>
      %dma_start3A_244 = tpu.memref_squeeze %dma_start3A_243 : memref<1x96xi32, #tpu.memory_space<vmem>> -> memref<96xi32, #tpu.memory_space<vmem>>
      %dma_start3A_245 = arith.constant 0 : i32
      %dma_start3A_246 = arith.constant 0 : i32
      %dma_start3A_247 = tpu.memref_slice %arg7[%dma_start3A_245, %dma_start3A_246] : memref<10240x128xf32, #tpu.memory_space<vmem_shared>> -> memref<10240x128xf32, #tpu.memory_space<vmem_shared>>
      tpu.enqueue_indirect_dma source(%arg12 : memref<96x128xf32, #tpu.memory_space<vmem>>) target(%dma_start3A_247 : memref<10240x128xf32, #tpu.memory_space<vmem_shared>>) offsets(%dma_start3A_244 : memref<96xi32, #tpu.memory_space<vmem>>) semaphore(%arg18 : memref<!tpu.dma_semaphore, #tpu.memory_space<semaphore_mem>>) {add = true}
      %mul3A_248 = arith.constant 3 : i32
      %mul3A_249 = arith.muli %mul3A_248, %add3A_184 : i32
      %add3A_250 = arith.constant 2 : i32
      %add3A_251 = arith.addi %mul3A_249, %add3A_250 : i32
      %sub3A_252 = arith.constant 1 : i32
      %sub3A_253 = arith.subi %add3A_251, %sub3A_252 : i32
      %dma_wait3A_254 = arith.constant 0 : i32
      %dma_wait3A_255 = tpu.memref_slice %arg9[%sub3A_253, %dma_wait3A_254] : memref<27x96xi32, #tpu.memory_space<vmem>> -> memref<1x96xi32, #tpu.memory_space<vmem>>
      %dma_wait3A_256 = tpu.memref_squeeze %dma_wait3A_255 : memref<1x96xi32, #tpu.memory_space<vmem>> -> memref<96xi32, #tpu.memory_space<vmem>>
      %dma_wait3A_257 = arith.constant 0 : i32
      %dma_wait3A_258 = arith.constant 0 : i32
      %dma_wait3A_259 = tpu.memref_slice %arg7[%dma_wait3A_257, %dma_wait3A_258] : memref<10240x128xf32, #tpu.memory_space<vmem_shared>> -> memref<10240x128xf32, #tpu.memory_space<vmem_shared>>
      tpu.wait_indirect_dma semaphore(%arg18 : memref<!tpu.dma_semaphore, #tpu.memory_space<semaphore_mem>>) src(%arg12 : memref<96x128xf32, #tpu.memory_space<vmem>>) dst(%dma_wait3A_259 : memref<10240x128xf32, #tpu.memory_space<vmem_shared>>)
      %lt3A_260 = arith.constant 8 : i32
      %lt3A_261 = arith.cmpi slt, %add3A_184, %lt3A_260 : i32
      %convert_element_type3A_262 = arith.extui %lt3A_261 : i1 to i32
      %cond3A_263 = arith.constant 0 : i32
      %cond3A_264 = arith.cmpi ne, %convert_element_type3A_262, %cond3A_263 : i32
      scf.if %cond3A_264 {
        %add3A_283 = arith.constant 2 : i32
        %add3A_284 = arith.addi %add3A_251, %add3A_283 : i32
        %mul3A_285 = arith.constant 96 : i32
        %mul3A_286 = arith.muli %add3A_284, %mul3A_285 : i32
        %dma_start3A_287 = tpu.memref_slice %arg8[%mul3A_286] : memref<2592xi32, #tpu.memory_space<vmem>> -> memref<96xi32, #tpu.memory_space<vmem>>
        %dma_start3A_288 = arith.constant 0 : i32
        %dma_start3A_289 = arith.constant 0 : i32
        %dma_start3A_290 = tpu.memref_slice %arg2[%dma_start3A_288, %dma_start3A_289] : memref<10000x128xf32, #tpu.memory_space<hbm>> -> memref<10000x128xf32, #tpu.memory_space<hbm>>
        tpu.enqueue_indirect_dma source(%dma_start3A_290 : memref<10000x128xf32, #tpu.memory_space<hbm>>) target(%arg12 : memref<96x128xf32, #tpu.memory_space<vmem>>) offsets(%dma_start3A_287 : memref<96xi32, #tpu.memory_space<vmem>>) semaphore(%arg15 : memref<!tpu.dma_semaphore, #tpu.memory_space<semaphore_mem>>)
      } else {
      }
      %mul3A_265 = arith.constant 96 : i32
      %mul3A_266 = arith.muli %add3A_251, %mul3A_265 : i32
      %dma_wait3A_267 = tpu.memref_slice %arg8[%mul3A_266] : memref<2592xi32, #tpu.memory_space<vmem>> -> memref<96xi32, #tpu.memory_space<vmem>>
      %dma_wait3A_268 = arith.constant 0 : i32
      %dma_wait3A_269 = arith.constant 0 : i32
      %dma_wait3A_270 = tpu.memref_slice %arg2[%dma_wait3A_268, %dma_wait3A_269] : memref<10000x128xf32, #tpu.memory_space<hbm>> -> memref<10000x128xf32, #tpu.memory_space<hbm>>
      tpu.wait_indirect_dma semaphore(%arg16 : memref<!tpu.dma_semaphore, #tpu.memory_space<semaphore_mem>>) src(%dma_wait3A_270 : memref<10000x128xf32, #tpu.memory_space<hbm>>) dst(%arg13 : memref<96x128xf32, #tpu.memory_space<vmem>>)
      %mul3A_271 = arith.constant 96 : i32
      %mul3A_272 = arith.muli %add3A_251, %mul3A_271 : i32
      %broadcast_in_dim3A_273 = vector.broadcast %mul3A_272 : i32 to vector<16xi32>
      %parallel_loop3A_274 = arith.constant 0 : i32
      %parallel_loop3A_275 = arith.constant 96 : i32
      %parallel_loop3A_276 = arith.constant 1 : i32
      scf.for %parallel_loop3A_283 = %parallel_loop3A_274 to %parallel_loop3A_275 step %parallel_loop3A_276  : i32 {
        %parallel_loop3A_284 = vector.broadcast %parallel_loop3A_283 : i32 to vector<16xi32>
        %parallel_loop3A_285 = arith.addi %broadcast_in_dim3A_273, %parallel_loop3A_284 : vector<16xi32>
        %parallel_loop3A_286 = tpu.vector_load_idx %arg10[%parallel_loop3A_285] : memref<2592xf32, #tpu.memory_space<vmem>>[vector<16xi32>], vector<16xf32>,
        %parallel_loop3A_287 = arith.index_cast %parallel_loop3A_283 : i32 to index
        %parallel_loop3A_288 = arith.constant 0 : index
        %parallel_loop3A_289 = tpu.vector_load %arg13[%parallel_loop3A_287, %parallel_loop3A_288] {strides = array<i32>} : memref<96x128xf32, #tpu.memory_space<vmem>>, vector<16xf32>,
        %parallel_loop3A_290 = arith.mulf %parallel_loop3A_289, %parallel_loop3A_286 : vector<16xf32>
        %parallel_loop3A_291 = arith.index_cast %parallel_loop3A_283 : i32 to index
        %parallel_loop3A_292 = arith.constant 0 : index
        %parallel_loop3A_293 = tpu.vector_load %arg13[%parallel_loop3A_291, %parallel_loop3A_292] {strides = array<i32>} : memref<96x128xf32, #tpu.memory_space<vmem>>, vector<16xf32>,
        tpu.vector_store %arg13[%parallel_loop3A_291, %parallel_loop3A_292], %parallel_loop3A_290 {strides = array<i32>} : memref<96x128xf32, #tpu.memory_space<vmem>>, vector<16xf32>,
        %parallel_loop3A_294 = arith.index_cast %parallel_loop3A_283 : i32 to index
        %parallel_loop3A_295 = arith.constant 16 : index
        %parallel_loop3A_296 = tpu.vector_load %arg13[%parallel_loop3A_294, %parallel_loop3A_295] {strides = array<i32>} : memref<96x128xf32, #tpu.memory_space<vmem>>, vector<16xf32>,
        %parallel_loop3A_297 = arith.mulf %parallel_loop3A_296, %parallel_loop3A_286 : vector<16xf32>
        %parallel_loop3A_298 = arith.index_cast %parallel_loop3A_283 : i32 to index
        %parallel_loop3A_299 = arith.constant 16 : index
        %parallel_loop3A_300 = tpu.vector_load %arg13[%parallel_loop3A_298, %parallel_loop3A_299] {strides = array<i32>} : memref<96x128xf32, #tpu.memory_space<vmem>>, vector<16xf32>,
        tpu.vector_store %arg13[%parallel_loop3A_298, %parallel_loop3A_299], %parallel_loop3A_297 {strides = array<i32>} : memref<96x128xf32, #tpu.memory_space<vmem>>, vector<16xf32>,
        %parallel_loop3A_301 = arith.index_cast %parallel_loop3A_283 : i32 to index
        %parallel_loop3A_302 = arith.constant 32 : index
        %parallel_loop3A_303 = tpu.vector_load %arg13[%parallel_loop3A_301, %parallel_loop3A_302] {strides = array<i32>} : memref<96x128xf32, #tpu.memory_space<vmem>>, vector<16xf32>,
        %parallel_loop3A_304 = arith.mulf %parallel_loop3A_303, %parallel_loop3A_286 : vector<16xf32>
        %parallel_loop3A_305 = arith.index_cast %parallel_loop3A_283 : i32 to index
        %parallel_loop3A_306 = arith.constant 32 : index
        %parallel_loop3A_307 = tpu.vector_load %arg13[%parallel_loop3A_305, %parallel_loop3A_306] {strides = array<i32>} : memref<96x128xf32, #tpu.memory_space<vmem>>, vector<16xf32>,
        tpu.vector_store %arg13[%parallel_loop3A_305, %parallel_loop3A_306], %parallel_loop3A_304 {strides = array<i32>} : memref<96x128xf32, #tpu.memory_space<vmem>>, vector<16xf32>,
        %parallel_loop3A_308 = arith.index_cast %parallel_loop3A_283 : i32 to index
        %parallel_loop3A_309 = arith.constant 48 : index
        %parallel_loop3A_310 = tpu.vector_load %arg13[%parallel_loop3A_308, %parallel_loop3A_309] {strides = array<i32>} : memref<96x128xf32, #tpu.memory_space<vmem>>, vector<16xf32>,
        %parallel_loop3A_311 = arith.mulf %parallel_loop3A_310, %parallel_loop3A_286 : vector<16xf32>
        %parallel_loop3A_312 = arith.index_cast %parallel_loop3A_283 : i32 to index
        %parallel_loop3A_313 = arith.constant 48 : index
        %parallel_loop3A_314 = tpu.vector_load %arg13[%parallel_loop3A_312, %parallel_loop3A_313] {strides = array<i32>} : memref<96x128xf32, #tpu.memory_space<vmem>>, vector<16xf32>,
        tpu.vector_store %arg13[%parallel_loop3A_312, %parallel_loop3A_313], %parallel_loop3A_311 {strides = array<i32>} : memref<96x128xf32, #tpu.memory_space<vmem>>, vector<16xf32>,
        %parallel_loop3A_315 = arith.index_cast %parallel_loop3A_283 : i32 to index
        %parallel_loop3A_316 = arith.constant 64 : index
        %parallel_loop3A_317 = tpu.vector_load %arg13[%parallel_loop3A_315, %parallel_loop3A_316] {strides = array<i32>} : memref<96x128xf32, #tpu.memory_space<vmem>>, vector<16xf32>,
        %parallel_loop3A_318 = arith.mulf %parallel_loop3A_317, %parallel_loop3A_286 : vector<16xf32>
        %parallel_loop3A_319 = arith.index_cast %parallel_loop3A_283 : i32 to index
        %parallel_loop3A_320 = arith.constant 64 : index
        %parallel_loop3A_321 = tpu.vector_load %arg13[%parallel_loop3A_319, %parallel_loop3A_320] {strides = array<i32>} : memref<96x128xf32, #tpu.memory_space<vmem>>, vector<16xf32>,
        tpu.vector_store %arg13[%parallel_loop3A_319, %parallel_loop3A_320], %parallel_loop3A_318 {strides = array<i32>} : memref<96x128xf32, #tpu.memory_space<vmem>>, vector<16xf32>,
        %parallel_loop3A_322 = arith.index_cast %parallel_loop3A_283 : i32 to index
        %parallel_loop3A_323 = arith.constant 80 : index
        %parallel_loop3A_324 = tpu.vector_load %arg13[%parallel_loop3A_322, %parallel_loop3A_323] {strides = array<i32>} : memref<96x128xf32, #tpu.memory_space<vmem>>, vector<16xf32>,
        %parallel_loop3A_325 = arith.mulf %parallel_loop3A_324, %parallel_loop3A_286 : vector<16xf32>
        %parallel_loop3A_326 = arith.index_cast %parallel_loop3A_283 : i32 to index
        %parallel_loop3A_327 = arith.constant 80 : index
        %parallel_loop3A_328 = tpu.vector_load %arg13[%parallel_loop3A_326, %parallel_loop3A_327] {strides = array<i32>} : memref<96x128xf32, #tpu.memory_space<vmem>>, vector<16xf32>,
        tpu.vector_store %arg13[%parallel_loop3A_326, %parallel_loop3A_327], %parallel_loop3A_325 {strides = array<i32>} : memref<96x128xf32, #tpu.memory_space<vmem>>, vector<16xf32>,
        %parallel_loop3A_329 = arith.index_cast %parallel_loop3A_283 : i32 to index
        %parallel_loop3A_330 = arith.constant 96 : index
        %parallel_loop3A_331 = tpu.vector_load %arg13[%parallel_loop3A_329, %parallel_loop3A_330] {strides = array<i32>} : memref<96x128xf32, #tpu.memory_space<vmem>>, vector<16xf32>,
        %parallel_loop3A_332 = arith.mulf %parallel_loop3A_331, %parallel_loop3A_286 : vector<16xf32>
        %parallel_loop3A_333 = arith.index_cast %parallel_loop3A_283 : i32 to index
        %parallel_loop3A_334 = arith.constant 96 : index
        %parallel_loop3A_335 = tpu.vector_load %arg13[%parallel_loop3A_333, %parallel_loop3A_334] {strides = array<i32>} : memref<96x128xf32, #tpu.memory_space<vmem>>, vector<16xf32>,
        tpu.vector_store %arg13[%parallel_loop3A_333, %parallel_loop3A_334], %parallel_loop3A_332 {strides = array<i32>} : memref<96x128xf32, #tpu.memory_space<vmem>>, vector<16xf32>,
        %parallel_loop3A_336 = arith.index_cast %parallel_loop3A_283 : i32 to index
        %parallel_loop3A_337 = arith.constant 112 : index
        %parallel_loop3A_338 = tpu.vector_load %arg13[%parallel_loop3A_336, %parallel_loop3A_337] {strides = array<i32>} : memref<96x128xf32, #tpu.memory_space<vmem>>, vector<16xf32>,
        %parallel_loop3A_339 = arith.mulf %parallel_loop3A_338, %parallel_loop3A_286 : vector<16xf32>
        %parallel_loop3A_340 = arith.index_cast %parallel_loop3A_283 : i32 to index
        %parallel_loop3A_341 = arith.constant 112 : index
        %parallel_loop3A_342 = tpu.vector_load %arg13[%parallel_loop3A_340, %parallel_loop3A_341] {strides = array<i32>} : memref<96x128xf32, #tpu.memory_space<vmem>>, vector<16xf32>,
        tpu.vector_store %arg13[%parallel_loop3A_340, %parallel_loop3A_341], %parallel_loop3A_339 {strides = array<i32>} : memref<96x128xf32, #tpu.memory_space<vmem>>, vector<16xf32>,
      } {sc.loop_unroll_factor = 4 : i64, sc.parallel_access}
      %dma_start3A_277 = arith.constant 0 : i32
      %dma_start3A_278 = tpu.memref_slice %arg9[%add3A_251, %dma_start3A_277] : memref<27x96xi32, #tpu.memory_space<vmem>> -> memref<1x96xi32, #tpu.memory_space<vmem>>
      %dma_start3A_279 = tpu.memref_squeeze %dma_start3A_278 : memref<1x96xi32, #tpu.memory_space<vmem>> -> memref<96xi32, #tpu.memory_space<vmem>>
      %dma_start3A_280 = arith.constant 0 : i32
      %dma_start3A_281 = arith.constant 0 : i32
      %dma_start3A_282 = tpu.memref_slice %arg7[%dma_start3A_280, %dma_start3A_281] : memref<10240x128xf32, #tpu.memory_space<vmem_shared>> -> memref<10240x128xf32, #tpu.memory_space<vmem_shared>>
      tpu.enqueue_indirect_dma source(%arg13 : memref<96x128xf32, #tpu.memory_space<vmem>>) target(%dma_start3A_282 : memref<10240x128xf32, #tpu.memory_space<vmem_shared>>) offsets(%dma_start3A_279 : memref<96xi32, #tpu.memory_space<vmem>>) semaphore(%arg19 : memref<!tpu.dma_semaphore, #tpu.memory_space<semaphore_mem>>) {add = true}
    }
    %scan3A_54 = arith.constant 9 : i32
    %dma_wait3A = arith.constant 26 : i32
    %dma_wait3A_55 = arith.constant 0 : i32
    %dma_wait3A_56 = tpu.memref_slice %arg9[%dma_wait3A, %dma_wait3A_55] : memref<27x96xi32, #tpu.memory_space<vmem>> -> memref<1x96xi32, #tpu.memory_space<vmem>>
    %dma_wait3A_57 = tpu.memref_squeeze %dma_wait3A_56 : memref<1x96xi32, #tpu.memory_space<vmem>> -> memref<96xi32, #tpu.memory_space<vmem>>
    %dma_wait3A_58 = arith.constant 0 : i32
    %dma_wait3A_59 = arith.constant 0 : i32
    %dma_wait3A_60 = tpu.memref_slice %arg7[%dma_wait3A_58, %dma_wait3A_59] : memref<10240x128xf32, #tpu.memory_space<vmem_shared>> -> memref<10240x128xf32, #tpu.memory_space<vmem_shared>>
    tpu.wait_indirect_dma semaphore(%arg19 : memref<!tpu.dma_semaphore, #tpu.memory_space<semaphore_mem>>) src(%arg13 : memref<96x128xf32, #tpu.memory_space<vmem>>) dst(%dma_wait3A_60 : memref<10240x128xf32, #tpu.memory_space<vmem_shared>>)
    %mul3A_61 = arith.constant 4 : i32
    %mul3A_62 = arith.muli %add3A, %mul3A_61 : i32
    %add3A_63 = arith.constant 1 : i32
    %add3A_64 = arith.addi %mul3A_62, %add3A_63 : i32
    %mul3A_65 = arith.constant 2592 : i32
    %mul3A_66 = arith.muli %add3A_64, %mul3A_65 : i32
    "tpu.region"() ({
      %run_scoped3A = tpu.sem_alloc : memref<!tpu.dma_semaphore, #tpu.memory_space<semaphore_mem>>
      %dma_start3A_180 = tpu.memref_slice %arg3[%mul3A_66] : memref<331776xi32, #tpu.memory_space<hbm>> -> memref<2592xi32, #tpu.memory_space<hbm>>
      %dma_start3A_181 = tpu.memref_slice %arg3[%mul3A_66] : memref<331776xi32, #tpu.memory_space<hbm>> -> memref<2592xi32, #tpu.memory_space<hbm>>
      tpu.enqueue_dma source(%dma_start3A_181 : memref<2592xi32, #tpu.memory_space<hbm>>) target(%arg8 : memref<2592xi32, #tpu.memory_space<vmem>>) target_semaphore(%run_scoped3A : memref<!tpu.dma_semaphore, #tpu.memory_space<semaphore_mem>>)
      %dma_wait3A_182 = tpu.memref_slice %arg3[%mul3A_66] : memref<331776xi32, #tpu.memory_space<hbm>> -> memref<2592xi32, #tpu.memory_space<hbm>>
      %dma_wait3A_183 = tpu.memref_slice %arg3[%mul3A_66] : memref<331776xi32, #tpu.memory_space<hbm>> -> memref<2592xi32, #tpu.memory_space<hbm>>
      tpu.wait_dma2 semaphore(%run_scoped3A : memref<!tpu.dma_semaphore, #tpu.memory_space<semaphore_mem>>) src(%dma_wait3A_183 : memref<2592xi32, #tpu.memory_space<hbm>>) dst(%arg8 : memref<2592xi32, #tpu.memory_space<vmem>>)
      tpu.yield
    }) : () -> ()
    "tpu.region"() ({
      %run_scoped3A = tpu.sem_alloc : memref<!tpu.dma_semaphore, #tpu.memory_space<semaphore_mem>>
      %dma_start3A_180 = arith.constant 0 : i32
      %dma_start3A_181 = arith.constant 0 : i32
      %dma_start3A_182 = tpu.memref_slice %arg4[%add3A_64, %dma_start3A_180, %dma_start3A_181] : memref<128x27x96xi32, #tpu.memory_space<hbm>> -> memref<1x27x96xi32, #tpu.memory_space<hbm>>
      %dma_start3A_183 = tpu.memref_squeeze %dma_start3A_182 : memref<1x27x96xi32, #tpu.memory_space<hbm>> -> memref<27x96xi32, #tpu.memory_space<hbm>>
      %dma_start3A_184 = arith.constant 0 : i32
      %dma_start3A_185 = arith.constant 0 : i32
      %dma_start3A_186 = tpu.memref_slice %arg4[%add3A_64, %dma_start3A_184, %dma_start3A_185] : memref<128x27x96xi32, #tpu.memory_space<hbm>> -> memref<1x27x96xi32, #tpu.memory_space<hbm>>
      %dma_start3A_187 = tpu.memref_squeeze %dma_start3A_186 : memref<1x27x96xi32, #tpu.memory_space<hbm>> -> memref<27x96xi32, #tpu.memory_space<hbm>>
      tpu.enqueue_dma source(%dma_start3A_187 : memref<27x96xi32, #tpu.memory_space<hbm>>) target(%arg9 : memref<27x96xi32, #tpu.memory_space<vmem>>) target_semaphore(%run_scoped3A : memref<!tpu.dma_semaphore, #tpu.memory_space<semaphore_mem>>)
      %dma_wait3A_188 = arith.constant 0 : i32
      %dma_wait3A_189 = arith.constant 0 : i32
      %dma_wait3A_190 = tpu.memref_slice %arg4[%add3A_64, %dma_wait3A_188, %dma_wait3A_189] : memref<128x27x96xi32, #tpu.memory_space<hbm>> -> memref<1x27x96xi32, #tpu.memory_space<hbm>>
      %dma_wait3A_191 = tpu.memref_squeeze %dma_wait3A_190 : memref<1x27x96xi32, #tpu.memory_space<hbm>> -> memref<27x96xi32, #tpu.memory_space<hbm>>
      %dma_wait3A_192 = arith.constant 0 : i32
      %dma_wait3A_193 = arith.constant 0 : i32
      %dma_wait3A_194 = tpu.memref_slice %arg4[%add3A_64, %dma_wait3A_192, %dma_wait3A_193] : memref<128x27x96xi32, #tpu.memory_space<hbm>> -> memref<1x27x96xi32, #tpu.memory_space<hbm>>
      %dma_wait3A_195 = tpu.memref_squeeze %dma_wait3A_194 : memref<1x27x96xi32, #tpu.memory_space<hbm>> -> memref<27x96xi32, #tpu.memory_space<hbm>>
      tpu.wait_dma2 semaphore(%run_scoped3A : memref<!tpu.dma_semaphore, #tpu.memory_space<semaphore_mem>>) src(%dma_wait3A_195 : memref<27x96xi32, #tpu.memory_space<hbm>>) dst(%arg9 : memref<27x96xi32, #tpu.memory_space<vmem>>)
      tpu.yield
    }) : () -> ()
    %mul3A_67 = arith.constant 2592 : i32
    %mul3A_68 = arith.muli %add3A_64, %mul3A_67 : i32
    "tpu.region"() ({
      %run_scoped3A = tpu.sem_alloc : memref<!tpu.dma_semaphore, #tpu.memory_space<semaphore_mem>>
      %dma_start3A_180 = tpu.memref_slice %arg5[%mul3A_68] : memref<331776xf32, #tpu.memory_space<hbm>> -> memref<2592xf32, #tpu.memory_space<hbm>>
      %dma_start3A_181 = tpu.memref_slice %arg5[%mul3A_68] : memref<331776xf32, #tpu.memory_space<hbm>> -> memref<2592xf32, #tpu.memory_space<hbm>>
      tpu.enqueue_dma source(%dma_start3A_181 : memref<2592xf32, #tpu.memory_space<hbm>>) target(%arg10 : memref<2592xf32, #tpu.memory_space<vmem>>) target_semaphore(%run_scoped3A : memref<!tpu.dma_semaphore, #tpu.memory_space<semaphore_mem>>)
      %dma_wait3A_182 = tpu.memref_slice %arg5[%mul3A_68] : memref<331776xf32, #tpu.memory_space<hbm>> -> memref<2592xf32, #tpu.memory_space<hbm>>
      %dma_wait3A_183 = tpu.memref_slice %arg5[%mul3A_68] : memref<331776xf32, #tpu.memory_space<hbm>> -> memref<2592xf32, #tpu.memory_space<hbm>>
      tpu.wait_dma2 semaphore(%run_scoped3A : memref<!tpu.dma_semaphore, #tpu.memory_space<semaphore_mem>>) src(%dma_wait3A_183 : memref<2592xf32, #tpu.memory_space<hbm>>) dst(%arg10 : memref<2592xf32, #tpu.memory_space<vmem>>)
      tpu.yield
    }) : () -> ()
    %dma_start3A_69 = arith.constant 0 : i32
    %dma_start3A_70 = tpu.memref_slice %arg8[%dma_start3A_69] : memref<2592xi32, #tpu.memory_space<vmem>> -> memref<96xi32, #tpu.memory_space<vmem>>
    %dma_start3A_71 = arith.constant 0 : i32
    %dma_start3A_72 = arith.constant 0 : i32
    %dma_start3A_73 = tpu.memref_slice %arg2[%dma_start3A_71, %dma_start3A_72] : memref<10000x128xf32, #tpu.memory_space<hbm>> -> memref<10000x128xf32, #tpu.memory_space<hbm>>
    tpu.enqueue_indirect_dma source(%dma_start3A_73 : memref<10000x128xf32, #tpu.memory_space<hbm>>) target(%arg11 : memref<96x128xf32, #tpu.memory_space<vmem>>) offsets(%dma_start3A_70 : memref<96xi32, #tpu.memory_space<vmem>>) semaphore(%arg14 : memref<!tpu.dma_semaphore, #tpu.memory_space<semaphore_mem>>)
    %dma_start3A_74 = arith.constant 96 : i32
    %dma_start3A_75 = tpu.memref_slice %arg8[%dma_start3A_74] : memref<2592xi32, #tpu.memory_space<vmem>> -> memref<96xi32, #tpu.memory_space<vmem>>
    %dma_start3A_76 = arith.constant 0 : i32
    %dma_start3A_77 = arith.constant 0 : i32
    %dma_start3A_78 = tpu.memref_slice %arg2[%dma_start3A_76, %dma_start3A_77] : memref<10000x128xf32, #tpu.memory_space<hbm>> -> memref<10000x128xf32, #tpu.memory_space<hbm>>
    tpu.enqueue_indirect_dma source(%dma_start3A_78 : memref<10000x128xf32, #tpu.memory_space<hbm>>) target(%arg12 : memref<96x128xf32, #tpu.memory_space<vmem>>) offsets(%dma_start3A_75 : memref<96xi32, #tpu.memory_space<vmem>>) semaphore(%arg15 : memref<!tpu.dma_semaphore, #tpu.memory_space<semaphore_mem>>)
    %scan3A_79 = arith.constant 0 : i32
    %scan3A_80 = arith.constant 9 : i32
    %scan3A_81 = arith.addi %scan3A_79, %scan3A_80 : i32
    %scan3A_82 = arith.constant 1 : i32
    scf.for %scan3A_180 = %scan3A_79 to %scan3A_81 step %scan3A_82  : i32 {
      %mul3A_181 = arith.constant 1 : i32
      %mul3A_182 = arith.muli %scan3A_180, %mul3A_181 : i32
      %add3A_183 = arith.constant 0 : i32
      %add3A_184 = arith.addi %add3A_183, %mul3A_182 : i32
      %mul3A_185 = arith.constant 3 : i32
      %mul3A_186 = arith.muli %mul3A_185, %add3A_184 : i32
      %add3A_187 = arith.constant 0 : i32
      %add3A_188 = arith.addi %mul3A_186, %add3A_187 : i32
      %ge3A = arith.constant 1 : i32
      %ge3A_189 = arith.cmpi sge, %add3A_184, %ge3A : i32
      %convert_element_type3A = arith.extui %ge3A_189 : i1 to i32
      %cond3A = arith.constant 0 : i32
      %cond3A_190 = arith.cmpi ne, %convert_element_type3A, %cond3A : i32
      scf.if %cond3A_190 {
        %sub3A_283 = arith.constant 1 : i32
        %sub3A_284 = arith.subi %add3A_188, %sub3A_283 : i32
        %dma_wait3A_285 = arith.constant 0 : i32
        %dma_wait3A_286 = tpu.memref_slice %arg9[%sub3A_284, %dma_wait3A_285] : memref<27x96xi32, #tpu.memory_space<vmem>> -> memref<1x96xi32, #tpu.memory_space<vmem>>
        %dma_wait3A_287 = tpu.memref_squeeze %dma_wait3A_286 : memref<1x96xi32, #tpu.memory_space<vmem>> -> memref<96xi32, #tpu.memory_space<vmem>>
        %dma_wait3A_288 = arith.constant 0 : i32
        %dma_wait3A_289 = arith.constant 0 : i32
        %dma_wait3A_290 = tpu.memref_slice %arg7[%dma_wait3A_288, %dma_wait3A_289] : memref<10240x128xf32, #tpu.memory_space<vmem_shared>> -> memref<10240x128xf32, #tpu.memory_space<vmem_shared>>
        tpu.wait_indirect_dma semaphore(%arg19 : memref<!tpu.dma_semaphore, #tpu.memory_space<semaphore_mem>>) src(%arg13 : memref<96x128xf32, #tpu.memory_space<vmem>>) dst(%dma_wait3A_290 : memref<10240x128xf32, #tpu.memory_space<vmem_shared>>)
      } else {
      }
      %add3A_191 = arith.constant 2 : i32
      %add3A_192 = arith.addi %add3A_188, %add3A_191 : i32
      %mul3A_193 = arith.constant 96 : i32
      %mul3A_194 = arith.muli %add3A_192, %mul3A_193 : i32
      %dma_start3A_195 = tpu.memref_slice %arg8[%mul3A_194] : memref<2592xi32, #tpu.memory_space<vmem>> -> memref<96xi32, #tpu.memory_space<vmem>>
      %dma_start3A_196 = arith.constant 0 : i32
      %dma_start3A_197 = arith.constant 0 : i32
      %dma_start3A_198 = tpu.memref_slice %arg2[%dma_start3A_196, %dma_start3A_197] : memref<10000x128xf32, #tpu.memory_space<hbm>> -> memref<10000x128xf32, #tpu.memory_space<hbm>>
      tpu.enqueue_indirect_dma source(%dma_start3A_198 : memref<10000x128xf32, #tpu.memory_space<hbm>>) target(%arg13 : memref<96x128xf32, #tpu.memory_space<vmem>>) offsets(%dma_start3A_195 : memref<96xi32, #tpu.memory_space<vmem>>) semaphore(%arg16 : memref<!tpu.dma_semaphore, #tpu.memory_space<semaphore_mem>>)
      %mul3A_199 = arith.constant 96 : i32
      %mul3A_200 = arith.muli %add3A_188, %mul3A_199 : i32
      %dma_wait3A_201 = tpu.memref_slice %arg8[%mul3A_200] : memref<2592xi32, #tpu.memory_space<vmem>> -> memref<96xi32, #tpu.memory_space<vmem>>
      %dma_wait3A_202 = arith.constant 0 : i32
      %dma_wait3A_203 = arith.constant 0 : i32
      %dma_wait3A_204 = tpu.memref_slice %arg2[%dma_wait3A_202, %dma_wait3A_203] : memref<10000x128xf32, #tpu.memory_space<hbm>> -> memref<10000x128xf32, #tpu.memory_space<hbm>>
      tpu.wait_indirect_dma semaphore(%arg14 : memref<!tpu.dma_semaphore, #tpu.memory_space<semaphore_mem>>) src(%dma_wait3A_204 : memref<10000x128xf32, #tpu.memory_space<hbm>>) dst(%arg11 : memref<96x128xf32, #tpu.memory_space<vmem>>)
      %mul3A_205 = arith.constant 96 : i32
      %mul3A_206 = arith.muli %add3A_188, %mul3A_205 : i32
      %broadcast_in_dim3A = vector.broadcast %mul3A_206 : i32 to vector<16xi32>
      %parallel_loop3A = arith.constant 0 : i32
      %parallel_loop3A_207 = arith.constant 96 : i32
      %parallel_loop3A_208 = arith.constant 1 : i32
      scf.for %parallel_loop3A_283 = %parallel_loop3A to %parallel_loop3A_207 step %parallel_loop3A_208  : i32 {
        %parallel_loop3A_284 = vector.broadcast %parallel_loop3A_283 : i32 to vector<16xi32>
        %parallel_loop3A_285 = arith.addi %broadcast_in_dim3A, %parallel_loop3A_284 : vector<16xi32>
        %parallel_loop3A_286 = tpu.vector_load_idx %arg10[%parallel_loop3A_285] : memref<2592xf32, #tpu.memory_space<vmem>>[vector<16xi32>], vector<16xf32>,
        %parallel_loop3A_287 = arith.index_cast %parallel_loop3A_283 : i32 to index
        %parallel_loop3A_288 = arith.constant 0 : index
        %parallel_loop3A_289 = tpu.vector_load %arg11[%parallel_loop3A_287, %parallel_loop3A_288] {strides = array<i32>} : memref<96x128xf32, #tpu.memory_space<vmem>>, vector<16xf32>,
        %parallel_loop3A_290 = arith.mulf %parallel_loop3A_289, %parallel_loop3A_286 : vector<16xf32>
        %parallel_loop3A_291 = arith.index_cast %parallel_loop3A_283 : i32 to index
        %parallel_loop3A_292 = arith.constant 0 : index
        %parallel_loop3A_293 = tpu.vector_load %arg11[%parallel_loop3A_291, %parallel_loop3A_292] {strides = array<i32>} : memref<96x128xf32, #tpu.memory_space<vmem>>, vector<16xf32>,
        tpu.vector_store %arg11[%parallel_loop3A_291, %parallel_loop3A_292], %parallel_loop3A_290 {strides = array<i32>} : memref<96x128xf32, #tpu.memory_space<vmem>>, vector<16xf32>,
        %parallel_loop3A_294 = arith.index_cast %parallel_loop3A_283 : i32 to index
        %parallel_loop3A_295 = arith.constant 16 : index
        %parallel_loop3A_296 = tpu.vector_load %arg11[%parallel_loop3A_294, %parallel_loop3A_295] {strides = array<i32>} : memref<96x128xf32, #tpu.memory_space<vmem>>, vector<16xf32>,
        %parallel_loop3A_297 = arith.mulf %parallel_loop3A_296, %parallel_loop3A_286 : vector<16xf32>
        %parallel_loop3A_298 = arith.index_cast %parallel_loop3A_283 : i32 to index
        %parallel_loop3A_299 = arith.constant 16 : index
        %parallel_loop3A_300 = tpu.vector_load %arg11[%parallel_loop3A_298, %parallel_loop3A_299] {strides = array<i32>} : memref<96x128xf32, #tpu.memory_space<vmem>>, vector<16xf32>,
        tpu.vector_store %arg11[%parallel_loop3A_298, %parallel_loop3A_299], %parallel_loop3A_297 {strides = array<i32>} : memref<96x128xf32, #tpu.memory_space<vmem>>, vector<16xf32>,
        %parallel_loop3A_301 = arith.index_cast %parallel_loop3A_283 : i32 to index
        %parallel_loop3A_302 = arith.constant 32 : index
        %parallel_loop3A_303 = tpu.vector_load %arg11[%parallel_loop3A_301, %parallel_loop3A_302] {strides = array<i32>} : memref<96x128xf32, #tpu.memory_space<vmem>>, vector<16xf32>,
        %parallel_loop3A_304 = arith.mulf %parallel_loop3A_303, %parallel_loop3A_286 : vector<16xf32>
        %parallel_loop3A_305 = arith.index_cast %parallel_loop3A_283 : i32 to index
        %parallel_loop3A_306 = arith.constant 32 : index
        %parallel_loop3A_307 = tpu.vector_load %arg11[%parallel_loop3A_305, %parallel_loop3A_306] {strides = array<i32>} : memref<96x128xf32, #tpu.memory_space<vmem>>, vector<16xf32>,
        tpu.vector_store %arg11[%parallel_loop3A_305, %parallel_loop3A_306], %parallel_loop3A_304 {strides = array<i32>} : memref<96x128xf32, #tpu.memory_space<vmem>>, vector<16xf32>,
        %parallel_loop3A_308 = arith.index_cast %parallel_loop3A_283 : i32 to index
        %parallel_loop3A_309 = arith.constant 48 : index
        %parallel_loop3A_310 = tpu.vector_load %arg11[%parallel_loop3A_308, %parallel_loop3A_309] {strides = array<i32>} : memref<96x128xf32, #tpu.memory_space<vmem>>, vector<16xf32>,
        %parallel_loop3A_311 = arith.mulf %parallel_loop3A_310, %parallel_loop3A_286 : vector<16xf32>
        %parallel_loop3A_312 = arith.index_cast %parallel_loop3A_283 : i32 to index
        %parallel_loop3A_313 = arith.constant 48 : index
        %parallel_loop3A_314 = tpu.vector_load %arg11[%parallel_loop3A_312, %parallel_loop3A_313] {strides = array<i32>} : memref<96x128xf32, #tpu.memory_space<vmem>>, vector<16xf32>,
        tpu.vector_store %arg11[%parallel_loop3A_312, %parallel_loop3A_313], %parallel_loop3A_311 {strides = array<i32>} : memref<96x128xf32, #tpu.memory_space<vmem>>, vector<16xf32>,
        %parallel_loop3A_315 = arith.index_cast %parallel_loop3A_283 : i32 to index
        %parallel_loop3A_316 = arith.constant 64 : index
        %parallel_loop3A_317 = tpu.vector_load %arg11[%parallel_loop3A_315, %parallel_loop3A_316] {strides = array<i32>} : memref<96x128xf32, #tpu.memory_space<vmem>>, vector<16xf32>,
        %parallel_loop3A_318 = arith.mulf %parallel_loop3A_317, %parallel_loop3A_286 : vector<16xf32>
        %parallel_loop3A_319 = arith.index_cast %parallel_loop3A_283 : i32 to index
        %parallel_loop3A_320 = arith.constant 64 : index
        %parallel_loop3A_321 = tpu.vector_load %arg11[%parallel_loop3A_319, %parallel_loop3A_320] {strides = array<i32>} : memref<96x128xf32, #tpu.memory_space<vmem>>, vector<16xf32>,
        tpu.vector_store %arg11[%parallel_loop3A_319, %parallel_loop3A_320], %parallel_loop3A_318 {strides = array<i32>} : memref<96x128xf32, #tpu.memory_space<vmem>>, vector<16xf32>,
        %parallel_loop3A_322 = arith.index_cast %parallel_loop3A_283 : i32 to index
        %parallel_loop3A_323 = arith.constant 80 : index
        %parallel_loop3A_324 = tpu.vector_load %arg11[%parallel_loop3A_322, %parallel_loop3A_323] {strides = array<i32>} : memref<96x128xf32, #tpu.memory_space<vmem>>, vector<16xf32>,
        %parallel_loop3A_325 = arith.mulf %parallel_loop3A_324, %parallel_loop3A_286 : vector<16xf32>
        %parallel_loop3A_326 = arith.index_cast %parallel_loop3A_283 : i32 to index
        %parallel_loop3A_327 = arith.constant 80 : index
        %parallel_loop3A_328 = tpu.vector_load %arg11[%parallel_loop3A_326, %parallel_loop3A_327] {strides = array<i32>} : memref<96x128xf32, #tpu.memory_space<vmem>>, vector<16xf32>,
        tpu.vector_store %arg11[%parallel_loop3A_326, %parallel_loop3A_327], %parallel_loop3A_325 {strides = array<i32>} : memref<96x128xf32, #tpu.memory_space<vmem>>, vector<16xf32>,
        %parallel_loop3A_329 = arith.index_cast %parallel_loop3A_283 : i32 to index
        %parallel_loop3A_330 = arith.constant 96 : index
        %parallel_loop3A_331 = tpu.vector_load %arg11[%parallel_loop3A_329, %parallel_loop3A_330] {strides = array<i32>} : memref<96x128xf32, #tpu.memory_space<vmem>>, vector<16xf32>,
        %parallel_loop3A_332 = arith.mulf %parallel_loop3A_331, %parallel_loop3A_286 : vector<16xf32>
        %parallel_loop3A_333 = arith.index_cast %parallel_loop3A_283 : i32 to index
        %parallel_loop3A_334 = arith.constant 96 : index
        %parallel_loop3A_335 = tpu.vector_load %arg11[%parallel_loop3A_333, %parallel_loop3A_334] {strides = array<i32>} : memref<96x128xf32, #tpu.memory_space<vmem>>, vector<16xf32>,
        tpu.vector_store %arg11[%parallel_loop3A_333, %parallel_loop3A_334], %parallel_loop3A_332 {strides = array<i32>} : memref<96x128xf32, #tpu.memory_space<vmem>>, vector<16xf32>,
        %parallel_loop3A_336 = arith.index_cast %parallel_loop3A_283 : i32 to index
        %parallel_loop3A_337 = arith.constant 112 : index
        %parallel_loop3A_338 = tpu.vector_load %arg11[%parallel_loop3A_336, %parallel_loop3A_337] {strides = array<i32>} : memref<96x128xf32, #tpu.memory_space<vmem>>, vector<16xf32>,
        %parallel_loop3A_339 = arith.mulf %parallel_loop3A_338, %parallel_loop3A_286 : vector<16xf32>
        %parallel_loop3A_340 = arith.index_cast %parallel_loop3A_283 : i32 to index
        %parallel_loop3A_341 = arith.constant 112 : index
        %parallel_loop3A_342 = tpu.vector_load %arg11[%parallel_loop3A_340, %parallel_loop3A_341] {strides = array<i32>} : memref<96x128xf32, #tpu.memory_space<vmem>>, vector<16xf32>,
        tpu.vector_store %arg11[%parallel_loop3A_340, %parallel_loop3A_341], %parallel_loop3A_339 {strides = array<i32>} : memref<96x128xf32, #tpu.memory_space<vmem>>, vector<16xf32>,
      } {sc.loop_unroll_factor = 4 : i64, sc.parallel_access}
      %dma_start3A_209 = arith.constant 0 : i32
      %dma_start3A_210 = tpu.memref_slice %arg9[%add3A_188, %dma_start3A_209] : memref<27x96xi32, #tpu.memory_space<vmem>> -> memref<1x96xi32, #tpu.memory_space<vmem>>
      %dma_start3A_211 = tpu.memref_squeeze %dma_start3A_210 : memref<1x96xi32, #tpu.memory_space<vmem>> -> memref<96xi32, #tpu.memory_space<vmem>>
      %dma_start3A_212 = arith.constant 0 : i32
      %dma_start3A_213 = arith.constant 0 : i32
      %dma_start3A_214 = tpu.memref_slice %arg7[%dma_start3A_212, %dma_start3A_213] : memref<10240x128xf32, #tpu.memory_space<vmem_shared>> -> memref<10240x128xf32, #tpu.memory_space<vmem_shared>>
      tpu.enqueue_indirect_dma source(%arg11 : memref<96x128xf32, #tpu.memory_space<vmem>>) target(%dma_start3A_214 : memref<10240x128xf32, #tpu.memory_space<vmem_shared>>) offsets(%dma_start3A_211 : memref<96xi32, #tpu.memory_space<vmem>>) semaphore(%arg17 : memref<!tpu.dma_semaphore, #tpu.memory_space<semaphore_mem>>) {add = true}
      %mul3A_215 = arith.constant 3 : i32
      %mul3A_216 = arith.muli %mul3A_215, %add3A_184 : i32
      %add3A_217 = arith.constant 1 : i32
      %add3A_218 = arith.addi %mul3A_216, %add3A_217 : i32
      %sub3A = arith.constant 1 : i32
      %sub3A_219 = arith.subi %add3A_218, %sub3A : i32
      %dma_wait3A_220 = arith.constant 0 : i32
      %dma_wait3A_221 = tpu.memref_slice %arg9[%sub3A_219, %dma_wait3A_220] : memref<27x96xi32, #tpu.memory_space<vmem>> -> memref<1x96xi32, #tpu.memory_space<vmem>>
      %dma_wait3A_222 = tpu.memref_squeeze %dma_wait3A_221 : memref<1x96xi32, #tpu.memory_space<vmem>> -> memref<96xi32, #tpu.memory_space<vmem>>
      %dma_wait3A_223 = arith.constant 0 : i32
      %dma_wait3A_224 = arith.constant 0 : i32
      %dma_wait3A_225 = tpu.memref_slice %arg7[%dma_wait3A_223, %dma_wait3A_224] : memref<10240x128xf32, #tpu.memory_space<vmem_shared>> -> memref<10240x128xf32, #tpu.memory_space<vmem_shared>>
      tpu.wait_indirect_dma semaphore(%arg17 : memref<!tpu.dma_semaphore, #tpu.memory_space<semaphore_mem>>) src(%arg11 : memref<96x128xf32, #tpu.memory_space<vmem>>) dst(%dma_wait3A_225 : memref<10240x128xf32, #tpu.memory_space<vmem_shared>>)
      %lt3A = arith.constant 8 : i32
      %lt3A_226 = arith.cmpi slt, %add3A_184, %lt3A : i32
      %convert_element_type3A_227 = arith.extui %lt3A_226 : i1 to i32
      %cond3A_228 = arith.constant 0 : i32
      %cond3A_229 = arith.cmpi ne, %convert_element_type3A_227, %cond3A_228 : i32
      scf.if %cond3A_229 {
        %add3A_283 = arith.constant 2 : i32
        %add3A_284 = arith.addi %add3A_218, %add3A_283 : i32
        %mul3A_285 = arith.constant 96 : i32
        %mul3A_286 = arith.muli %add3A_284, %mul3A_285 : i32
        %dma_start3A_287 = tpu.memref_slice %arg8[%mul3A_286] : memref<2592xi32, #tpu.memory_space<vmem>> -> memref<96xi32, #tpu.memory_space<vmem>>
        %dma_start3A_288 = arith.constant 0 : i32
        %dma_start3A_289 = arith.constant 0 : i32
        %dma_start3A_290 = tpu.memref_slice %arg2[%dma_start3A_288, %dma_start3A_289] : memref<10000x128xf32, #tpu.memory_space<hbm>> -> memref<10000x128xf32, #tpu.memory_space<hbm>>
        tpu.enqueue_indirect_dma source(%dma_start3A_290 : memref<10000x128xf32, #tpu.memory_space<hbm>>) target(%arg11 : memref<96x128xf32, #tpu.memory_space<vmem>>) offsets(%dma_start3A_287 : memref<96xi32, #tpu.memory_space<vmem>>) semaphore(%arg14 : memref<!tpu.dma_semaphore, #tpu.memory_space<semaphore_mem>>)
      } else {
      }
      %mul3A_230 = arith.constant 96 : i32
      %mul3A_231 = arith.muli %add3A_218, %mul3A_230 : i32
      %dma_wait3A_232 = tpu.memref_slice %arg8[%mul3A_231] : memref<2592xi32, #tpu.memory_space<vmem>> -> memref<96xi32, #tpu.memory_space<vmem>>
      %dma_wait3A_233 = arith.constant 0 : i32
      %dma_wait3A_234 = arith.constant 0 : i32
      %dma_wait3A_235 = tpu.memref_slice %arg2[%dma_wait3A_233, %dma_wait3A_234] : memref<10000x128xf32, #tpu.memory_space<hbm>> -> memref<10000x128xf32, #tpu.memory_space<hbm>>
      tpu.wait_indirect_dma semaphore(%arg15 : memref<!tpu.dma_semaphore, #tpu.memory_space<semaphore_mem>>) src(%dma_wait3A_235 : memref<10000x128xf32, #tpu.memory_space<hbm>>) dst(%arg12 : memref<96x128xf32, #tpu.memory_space<vmem>>)
      %mul3A_236 = arith.constant 96 : i32
      %mul3A_237 = arith.muli %add3A_218, %mul3A_236 : i32
      %broadcast_in_dim3A_238 = vector.broadcast %mul3A_237 : i32 to vector<16xi32>
      %parallel_loop3A_239 = arith.constant 0 : i32
      %parallel_loop3A_240 = arith.constant 96 : i32
      %parallel_loop3A_241 = arith.constant 1 : i32
      scf.for %parallel_loop3A_283 = %parallel_loop3A_239 to %parallel_loop3A_240 step %parallel_loop3A_241  : i32 {
        %parallel_loop3A_284 = vector.broadcast %parallel_loop3A_283 : i32 to vector<16xi32>
        %parallel_loop3A_285 = arith.addi %broadcast_in_dim3A_238, %parallel_loop3A_284 : vector<16xi32>
        %parallel_loop3A_286 = tpu.vector_load_idx %arg10[%parallel_loop3A_285] : memref<2592xf32, #tpu.memory_space<vmem>>[vector<16xi32>], vector<16xf32>,
        %parallel_loop3A_287 = arith.index_cast %parallel_loop3A_283 : i32 to index
        %parallel_loop3A_288 = arith.constant 0 : index
        %parallel_loop3A_289 = tpu.vector_load %arg12[%parallel_loop3A_287, %parallel_loop3A_288] {strides = array<i32>} : memref<96x128xf32, #tpu.memory_space<vmem>>, vector<16xf32>,
        %parallel_loop3A_290 = arith.mulf %parallel_loop3A_289, %parallel_loop3A_286 : vector<16xf32>
        %parallel_loop3A_291 = arith.index_cast %parallel_loop3A_283 : i32 to index
        %parallel_loop3A_292 = arith.constant 0 : index
        %parallel_loop3A_293 = tpu.vector_load %arg12[%parallel_loop3A_291, %parallel_loop3A_292] {strides = array<i32>} : memref<96x128xf32, #tpu.memory_space<vmem>>, vector<16xf32>,
        tpu.vector_store %arg12[%parallel_loop3A_291, %parallel_loop3A_292], %parallel_loop3A_290 {strides = array<i32>} : memref<96x128xf32, #tpu.memory_space<vmem>>, vector<16xf32>,
        %parallel_loop3A_294 = arith.index_cast %parallel_loop3A_283 : i32 to index
        %parallel_loop3A_295 = arith.constant 16 : index
        %parallel_loop3A_296 = tpu.vector_load %arg12[%parallel_loop3A_294, %parallel_loop3A_295] {strides = array<i32>} : memref<96x128xf32, #tpu.memory_space<vmem>>, vector<16xf32>,
        %parallel_loop3A_297 = arith.mulf %parallel_loop3A_296, %parallel_loop3A_286 : vector<16xf32>
        %parallel_loop3A_298 = arith.index_cast %parallel_loop3A_283 : i32 to index
        %parallel_loop3A_299 = arith.constant 16 : index
        %parallel_loop3A_300 = tpu.vector_load %arg12[%parallel_loop3A_298, %parallel_loop3A_299] {strides = array<i32>} : memref<96x128xf32, #tpu.memory_space<vmem>>, vector<16xf32>,
        tpu.vector_store %arg12[%parallel_loop3A_298, %parallel_loop3A_299], %parallel_loop3A_297 {strides = array<i32>} : memref<96x128xf32, #tpu.memory_space<vmem>>, vector<16xf32>,
        %parallel_loop3A_301 = arith.index_cast %parallel_loop3A_283 : i32 to index
        %parallel_loop3A_302 = arith.constant 32 : index
        %parallel_loop3A_303 = tpu.vector_load %arg12[%parallel_loop3A_301, %parallel_loop3A_302] {strides = array<i32>} : memref<96x128xf32, #tpu.memory_space<vmem>>, vector<16xf32>,
        %parallel_loop3A_304 = arith.mulf %parallel_loop3A_303, %parallel_loop3A_286 : vector<16xf32>
        %parallel_loop3A_305 = arith.index_cast %parallel_loop3A_283 : i32 to index
        %parallel_loop3A_306 = arith.constant 32 : index
        %parallel_loop3A_307 = tpu.vector_load %arg12[%parallel_loop3A_305, %parallel_loop3A_306] {strides = array<i32>} : memref<96x128xf32, #tpu.memory_space<vmem>>, vector<16xf32>,
        tpu.vector_store %arg12[%parallel_loop3A_305, %parallel_loop3A_306], %parallel_loop3A_304 {strides = array<i32>} : memref<96x128xf32, #tpu.memory_space<vmem>>, vector<16xf32>,
        %parallel_loop3A_308 = arith.index_cast %parallel_loop3A_283 : i32 to index
        %parallel_loop3A_309 = arith.constant 48 : index
        %parallel_loop3A_310 = tpu.vector_load %arg12[%parallel_loop3A_308, %parallel_loop3A_309] {strides = array<i32>} : memref<96x128xf32, #tpu.memory_space<vmem>>, vector<16xf32>,
        %parallel_loop3A_311 = arith.mulf %parallel_loop3A_310, %parallel_loop3A_286 : vector<16xf32>
        %parallel_loop3A_312 = arith.index_cast %parallel_loop3A_283 : i32 to index
        %parallel_loop3A_313 = arith.constant 48 : index
        %parallel_loop3A_314 = tpu.vector_load %arg12[%parallel_loop3A_312, %parallel_loop3A_313] {strides = array<i32>} : memref<96x128xf32, #tpu.memory_space<vmem>>, vector<16xf32>,
        tpu.vector_store %arg12[%parallel_loop3A_312, %parallel_loop3A_313], %parallel_loop3A_311 {strides = array<i32>} : memref<96x128xf32, #tpu.memory_space<vmem>>, vector<16xf32>,
        %parallel_loop3A_315 = arith.index_cast %parallel_loop3A_283 : i32 to index
        %parallel_loop3A_316 = arith.constant 64 : index
        %parallel_loop3A_317 = tpu.vector_load %arg12[%parallel_loop3A_315, %parallel_loop3A_316] {strides = array<i32>} : memref<96x128xf32, #tpu.memory_space<vmem>>, vector<16xf32>,
        %parallel_loop3A_318 = arith.mulf %parallel_loop3A_317, %parallel_loop3A_286 : vector<16xf32>
        %parallel_loop3A_319 = arith.index_cast %parallel_loop3A_283 : i32 to index
        %parallel_loop3A_320 = arith.constant 64 : index
        %parallel_loop3A_321 = tpu.vector_load %arg12[%parallel_loop3A_319, %parallel_loop3A_320] {strides = array<i32>} : memref<96x128xf32, #tpu.memory_space<vmem>>, vector<16xf32>,
        tpu.vector_store %arg12[%parallel_loop3A_319, %parallel_loop3A_320], %parallel_loop3A_318 {strides = array<i32>} : memref<96x128xf32, #tpu.memory_space<vmem>>, vector<16xf32>,
        %parallel_loop3A_322 = arith.index_cast %parallel_loop3A_283 : i32 to index
        %parallel_loop3A_323 = arith.constant 80 : index
        %parallel_loop3A_324 = tpu.vector_load %arg12[%parallel_loop3A_322, %parallel_loop3A_323] {strides = array<i32>} : memref<96x128xf32, #tpu.memory_space<vmem>>, vector<16xf32>,
        %parallel_loop3A_325 = arith.mulf %parallel_loop3A_324, %parallel_loop3A_286 : vector<16xf32>
        %parallel_loop3A_326 = arith.index_cast %parallel_loop3A_283 : i32 to index
        %parallel_loop3A_327 = arith.constant 80 : index
        %parallel_loop3A_328 = tpu.vector_load %arg12[%parallel_loop3A_326, %parallel_loop3A_327] {strides = array<i32>} : memref<96x128xf32, #tpu.memory_space<vmem>>, vector<16xf32>,
        tpu.vector_store %arg12[%parallel_loop3A_326, %parallel_loop3A_327], %parallel_loop3A_325 {strides = array<i32>} : memref<96x128xf32, #tpu.memory_space<vmem>>, vector<16xf32>,
        %parallel_loop3A_329 = arith.index_cast %parallel_loop3A_283 : i32 to index
        %parallel_loop3A_330 = arith.constant 96 : index
        %parallel_loop3A_331 = tpu.vector_load %arg12[%parallel_loop3A_329, %parallel_loop3A_330] {strides = array<i32>} : memref<96x128xf32, #tpu.memory_space<vmem>>, vector<16xf32>,
        %parallel_loop3A_332 = arith.mulf %parallel_loop3A_331, %parallel_loop3A_286 : vector<16xf32>
        %parallel_loop3A_333 = arith.index_cast %parallel_loop3A_283 : i32 to index
        %parallel_loop3A_334 = arith.constant 96 : index
        %parallel_loop3A_335 = tpu.vector_load %arg12[%parallel_loop3A_333, %parallel_loop3A_334] {strides = array<i32>} : memref<96x128xf32, #tpu.memory_space<vmem>>, vector<16xf32>,
        tpu.vector_store %arg12[%parallel_loop3A_333, %parallel_loop3A_334], %parallel_loop3A_332 {strides = array<i32>} : memref<96x128xf32, #tpu.memory_space<vmem>>, vector<16xf32>,
        %parallel_loop3A_336 = arith.index_cast %parallel_loop3A_283 : i32 to index
        %parallel_loop3A_337 = arith.constant 112 : index
        %parallel_loop3A_338 = tpu.vector_load %arg12[%parallel_loop3A_336, %parallel_loop3A_337] {strides = array<i32>} : memref<96x128xf32, #tpu.memory_space<vmem>>, vector<16xf32>,
        %parallel_loop3A_339 = arith.mulf %parallel_loop3A_338, %parallel_loop3A_286 : vector<16xf32>
        %parallel_loop3A_340 = arith.index_cast %parallel_loop3A_283 : i32 to index
        %parallel_loop3A_341 = arith.constant 112 : index
        %parallel_loop3A_342 = tpu.vector_load %arg12[%parallel_loop3A_340, %parallel_loop3A_341] {strides = array<i32>} : memref<96x128xf32, #tpu.memory_space<vmem>>, vector<16xf32>,
        tpu.vector_store %arg12[%parallel_loop3A_340, %parallel_loop3A_341], %parallel_loop3A_339 {strides = array<i32>} : memref<96x128xf32, #tpu.memory_space<vmem>>, vector<16xf32>,
      } {sc.loop_unroll_factor = 4 : i64, sc.parallel_access}
      %dma_start3A_242 = arith.constant 0 : i32
      %dma_start3A_243 = tpu.memref_slice %arg9[%add3A_218, %dma_start3A_242] : memref<27x96xi32, #tpu.memory_space<vmem>> -> memref<1x96xi32, #tpu.memory_space<vmem>>
      %dma_start3A_244 = tpu.memref_squeeze %dma_start3A_243 : memref<1x96xi32, #tpu.memory_space<vmem>> -> memref<96xi32, #tpu.memory_space<vmem>>
      %dma_start3A_245 = arith.constant 0 : i32
      %dma_start3A_246 = arith.constant 0 : i32
      %dma_start3A_247 = tpu.memref_slice %arg7[%dma_start3A_245, %dma_start3A_246] : memref<10240x128xf32, #tpu.memory_space<vmem_shared>> -> memref<10240x128xf32, #tpu.memory_space<vmem_shared>>
      tpu.enqueue_indirect_dma source(%arg12 : memref<96x128xf32, #tpu.memory_space<vmem>>) target(%dma_start3A_247 : memref<10240x128xf32, #tpu.memory_space<vmem_shared>>) offsets(%dma_start3A_244 : memref<96xi32, #tpu.memory_space<vmem>>) semaphore(%arg18 : memref<!tpu.dma_semaphore, #tpu.memory_space<semaphore_mem>>) {add = true}
      %mul3A_248 = arith.constant 3 : i32
      %mul3A_249 = arith.muli %mul3A_248, %add3A_184 : i32
      %add3A_250 = arith.constant 2 : i32
      %add3A_251 = arith.addi %mul3A_249, %add3A_250 : i32
      %sub3A_252 = arith.constant 1 : i32
      %sub3A_253 = arith.subi %add3A_251, %sub3A_252 : i32
      %dma_wait3A_254 = arith.constant 0 : i32
      %dma_wait3A_255 = tpu.memref_slice %arg9[%sub3A_253, %dma_wait3A_254] : memref<27x96xi32, #tpu.memory_space<vmem>> -> memref<1x96xi32, #tpu.memory_space<vmem>>
      %dma_wait3A_256 = tpu.memref_squeeze %dma_wait3A_255 : memref<1x96xi32, #tpu.memory_space<vmem>> -> memref<96xi32, #tpu.memory_space<vmem>>
      %dma_wait3A_257 = arith.constant 0 : i32
      %dma_wait3A_258 = arith.constant 0 : i32
      %dma_wait3A_259 = tpu.memref_slice %arg7[%dma_wait3A_257, %dma_wait3A_258] : memref<10240x128xf32, #tpu.memory_space<vmem_shared>> -> memref<10240x128xf32, #tpu.memory_space<vmem_shared>>
      tpu.wait_indirect_dma semaphore(%arg18 : memref<!tpu.dma_semaphore, #tpu.memory_space<semaphore_mem>>) src(%arg12 : memref<96x128xf32, #tpu.memory_space<vmem>>) dst(%dma_wait3A_259 : memref<10240x128xf32, #tpu.memory_space<vmem_shared>>)
      %lt3A_260 = arith.constant 8 : i32
      %lt3A_261 = arith.cmpi slt, %add3A_184, %lt3A_260 : i32
      %convert_element_type3A_262 = arith.extui %lt3A_261 : i1 to i32
      %cond3A_263 = arith.constant 0 : i32
      %cond3A_264 = arith.cmpi ne, %convert_element_type3A_262, %cond3A_263 : i32
      scf.if %cond3A_264 {
        %add3A_283 = arith.constant 2 : i32
        %add3A_284 = arith.addi %add3A_251, %add3A_283 : i32
        %mul3A_285 = arith.constant 96 : i32
        %mul3A_286 = arith.muli %add3A_284, %mul3A_285 : i32
        %dma_start3A_287 = tpu.memref_slice %arg8[%mul3A_286] : memref<2592xi32, #tpu.memory_space<vmem>> -> memref<96xi32, #tpu.memory_space<vmem>>
        %dma_start3A_288 = arith.constant 0 : i32
        %dma_start3A_289 = arith.constant 0 : i32
        %dma_start3A_290 = tpu.memref_slice %arg2[%dma_start3A_288, %dma_start3A_289] : memref<10000x128xf32, #tpu.memory_space<hbm>> -> memref<10000x128xf32, #tpu.memory_space<hbm>>
        tpu.enqueue_indirect_dma source(%dma_start3A_290 : memref<10000x128xf32, #tpu.memory_space<hbm>>) target(%arg12 : memref<96x128xf32, #tpu.memory_space<vmem>>) offsets(%dma_start3A_287 : memref<96xi32, #tpu.memory_space<vmem>>) semaphore(%arg15 : memref<!tpu.dma_semaphore, #tpu.memory_space<semaphore_mem>>)
      } else {
      }
      %mul3A_265 = arith.constant 96 : i32
      %mul3A_266 = arith.muli %add3A_251, %mul3A_265 : i32
      %dma_wait3A_267 = tpu.memref_slice %arg8[%mul3A_266] : memref<2592xi32, #tpu.memory_space<vmem>> -> memref<96xi32, #tpu.memory_space<vmem>>
      %dma_wait3A_268 = arith.constant 0 : i32
      %dma_wait3A_269 = arith.constant 0 : i32
      %dma_wait3A_270 = tpu.memref_slice %arg2[%dma_wait3A_268, %dma_wait3A_269] : memref<10000x128xf32, #tpu.memory_space<hbm>> -> memref<10000x128xf32, #tpu.memory_space<hbm>>
      tpu.wait_indirect_dma semaphore(%arg16 : memref<!tpu.dma_semaphore, #tpu.memory_space<semaphore_mem>>) src(%dma_wait3A_270 : memref<10000x128xf32, #tpu.memory_space<hbm>>) dst(%arg13 : memref<96x128xf32, #tpu.memory_space<vmem>>)
      %mul3A_271 = arith.constant 96 : i32
      %mul3A_272 = arith.muli %add3A_251, %mul3A_271 : i32
      %broadcast_in_dim3A_273 = vector.broadcast %mul3A_272 : i32 to vector<16xi32>
      %parallel_loop3A_274 = arith.constant 0 : i32
      %parallel_loop3A_275 = arith.constant 96 : i32
      %parallel_loop3A_276 = arith.constant 1 : i32
      scf.for %parallel_loop3A_283 = %parallel_loop3A_274 to %parallel_loop3A_275 step %parallel_loop3A_276  : i32 {
        %parallel_loop3A_284 = vector.broadcast %parallel_loop3A_283 : i32 to vector<16xi32>
        %parallel_loop3A_285 = arith.addi %broadcast_in_dim3A_273, %parallel_loop3A_284 : vector<16xi32>
        %parallel_loop3A_286 = tpu.vector_load_idx %arg10[%parallel_loop3A_285] : memref<2592xf32, #tpu.memory_space<vmem>>[vector<16xi32>], vector<16xf32>,
        %parallel_loop3A_287 = arith.index_cast %parallel_loop3A_283 : i32 to index
        %parallel_loop3A_288 = arith.constant 0 : index
        %parallel_loop3A_289 = tpu.vector_load %arg13[%parallel_loop3A_287, %parallel_loop3A_288] {strides = array<i32>} : memref<96x128xf32, #tpu.memory_space<vmem>>, vector<16xf32>,
        %parallel_loop3A_290 = arith.mulf %parallel_loop3A_289, %parallel_loop3A_286 : vector<16xf32>
        %parallel_loop3A_291 = arith.index_cast %parallel_loop3A_283 : i32 to index
        %parallel_loop3A_292 = arith.constant 0 : index
        %parallel_loop3A_293 = tpu.vector_load %arg13[%parallel_loop3A_291, %parallel_loop3A_292] {strides = array<i32>} : memref<96x128xf32, #tpu.memory_space<vmem>>, vector<16xf32>,
        tpu.vector_store %arg13[%parallel_loop3A_291, %parallel_loop3A_292], %parallel_loop3A_290 {strides = array<i32>} : memref<96x128xf32, #tpu.memory_space<vmem>>, vector<16xf32>,
        %parallel_loop3A_294 = arith.index_cast %parallel_loop3A_283 : i32 to index
        %parallel_loop3A_295 = arith.constant 16 : index
        %parallel_loop3A_296 = tpu.vector_load %arg13[%parallel_loop3A_294, %parallel_loop3A_295] {strides = array<i32>} : memref<96x128xf32, #tpu.memory_space<vmem>>, vector<16xf32>,
        %parallel_loop3A_297 = arith.mulf %parallel_loop3A_296, %parallel_loop3A_286 : vector<16xf32>
        %parallel_loop3A_298 = arith.index_cast %parallel_loop3A_283 : i32 to index
        %parallel_loop3A_299 = arith.constant 16 : index
        %parallel_loop3A_300 = tpu.vector_load %arg13[%parallel_loop3A_298, %parallel_loop3A_299] {strides = array<i32>} : memref<96x128xf32, #tpu.memory_space<vmem>>, vector<16xf32>,
        tpu.vector_store %arg13[%parallel_loop3A_298, %parallel_loop3A_299], %parallel_loop3A_297 {strides = array<i32>} : memref<96x128xf32, #tpu.memory_space<vmem>>, vector<16xf32>,
        %parallel_loop3A_301 = arith.index_cast %parallel_loop3A_283 : i32 to index
        %parallel_loop3A_302 = arith.constant 32 : index
        %parallel_loop3A_303 = tpu.vector_load %arg13[%parallel_loop3A_301, %parallel_loop3A_302] {strides = array<i32>} : memref<96x128xf32, #tpu.memory_space<vmem>>, vector<16xf32>,
        %parallel_loop3A_304 = arith.mulf %parallel_loop3A_303, %parallel_loop3A_286 : vector<16xf32>
        %parallel_loop3A_305 = arith.index_cast %parallel_loop3A_283 : i32 to index
        %parallel_loop3A_306 = arith.constant 32 : index
        %parallel_loop3A_307 = tpu.vector_load %arg13[%parallel_loop3A_305, %parallel_loop3A_306] {strides = array<i32>} : memref<96x128xf32, #tpu.memory_space<vmem>>, vector<16xf32>,
        tpu.vector_store %arg13[%parallel_loop3A_305, %parallel_loop3A_306], %parallel_loop3A_304 {strides = array<i32>} : memref<96x128xf32, #tpu.memory_space<vmem>>, vector<16xf32>,
        %parallel_loop3A_308 = arith.index_cast %parallel_loop3A_283 : i32 to index
        %parallel_loop3A_309 = arith.constant 48 : index
        %parallel_loop3A_310 = tpu.vector_load %arg13[%parallel_loop3A_308, %parallel_loop3A_309] {strides = array<i32>} : memref<96x128xf32, #tpu.memory_space<vmem>>, vector<16xf32>,
        %parallel_loop3A_311 = arith.mulf %parallel_loop3A_310, %parallel_loop3A_286 : vector<16xf32>
        %parallel_loop3A_312 = arith.index_cast %parallel_loop3A_283 : i32 to index
        %parallel_loop3A_313 = arith.constant 48 : index
        %parallel_loop3A_314 = tpu.vector_load %arg13[%parallel_loop3A_312, %parallel_loop3A_313] {strides = array<i32>} : memref<96x128xf32, #tpu.memory_space<vmem>>, vector<16xf32>,
        tpu.vector_store %arg13[%parallel_loop3A_312, %parallel_loop3A_313], %parallel_loop3A_311 {strides = array<i32>} : memref<96x128xf32, #tpu.memory_space<vmem>>, vector<16xf32>,
        %parallel_loop3A_315 = arith.index_cast %parallel_loop3A_283 : i32 to index
        %parallel_loop3A_316 = arith.constant 64 : index
        %parallel_loop3A_317 = tpu.vector_load %arg13[%parallel_loop3A_315, %parallel_loop3A_316] {strides = array<i32>} : memref<96x128xf32, #tpu.memory_space<vmem>>, vector<16xf32>,
        %parallel_loop3A_318 = arith.mulf %parallel_loop3A_317, %parallel_loop3A_286 : vector<16xf32>
        %parallel_loop3A_319 = arith.index_cast %parallel_loop3A_283 : i32 to index
        %parallel_loop3A_320 = arith.constant 64 : index
        %parallel_loop3A_321 = tpu.vector_load %arg13[%parallel_loop3A_319, %parallel_loop3A_320] {strides = array<i32>} : memref<96x128xf32, #tpu.memory_space<vmem>>, vector<16xf32>,
        tpu.vector_store %arg13[%parallel_loop3A_319, %parallel_loop3A_320], %parallel_loop3A_318 {strides = array<i32>} : memref<96x128xf32, #tpu.memory_space<vmem>>, vector<16xf32>,
        %parallel_loop3A_322 = arith.index_cast %parallel_loop3A_283 : i32 to index
        %parallel_loop3A_323 = arith.constant 80 : index
        %parallel_loop3A_324 = tpu.vector_load %arg13[%parallel_loop3A_322, %parallel_loop3A_323] {strides = array<i32>} : memref<96x128xf32, #tpu.memory_space<vmem>>, vector<16xf32>,
        %parallel_loop3A_325 = arith.mulf %parallel_loop3A_324, %parallel_loop3A_286 : vector<16xf32>
        %parallel_loop3A_326 = arith.index_cast %parallel_loop3A_283 : i32 to index
        %parallel_loop3A_327 = arith.constant 80 : index
        %parallel_loop3A_328 = tpu.vector_load %arg13[%parallel_loop3A_326, %parallel_loop3A_327] {strides = array<i32>} : memref<96x128xf32, #tpu.memory_space<vmem>>, vector<16xf32>,
        tpu.vector_store %arg13[%parallel_loop3A_326, %parallel_loop3A_327], %parallel_loop3A_325 {strides = array<i32>} : memref<96x128xf32, #tpu.memory_space<vmem>>, vector<16xf32>,
        %parallel_loop3A_329 = arith.index_cast %parallel_loop3A_283 : i32 to index
        %parallel_loop3A_330 = arith.constant 96 : index
        %parallel_loop3A_331 = tpu.vector_load %arg13[%parallel_loop3A_329, %parallel_loop3A_330] {strides = array<i32>} : memref<96x128xf32, #tpu.memory_space<vmem>>, vector<16xf32>,
        %parallel_loop3A_332 = arith.mulf %parallel_loop3A_331, %parallel_loop3A_286 : vector<16xf32>
        %parallel_loop3A_333 = arith.index_cast %parallel_loop3A_283 : i32 to index
        %parallel_loop3A_334 = arith.constant 96 : index
        %parallel_loop3A_335 = tpu.vector_load %arg13[%parallel_loop3A_333, %parallel_loop3A_334] {strides = array<i32>} : memref<96x128xf32, #tpu.memory_space<vmem>>, vector<16xf32>,
        tpu.vector_store %arg13[%parallel_loop3A_333, %parallel_loop3A_334], %parallel_loop3A_332 {strides = array<i32>} : memref<96x128xf32, #tpu.memory_space<vmem>>, vector<16xf32>,
        %parallel_loop3A_336 = arith.index_cast %parallel_loop3A_283 : i32 to index
        %parallel_loop3A_337 = arith.constant 112 : index
        %parallel_loop3A_338 = tpu.vector_load %arg13[%parallel_loop3A_336, %parallel_loop3A_337] {strides = array<i32>} : memref<96x128xf32, #tpu.memory_space<vmem>>, vector<16xf32>,
        %parallel_loop3A_339 = arith.mulf %parallel_loop3A_338, %parallel_loop3A_286 : vector<16xf32>
        %parallel_loop3A_340 = arith.index_cast %parallel_loop3A_283 : i32 to index
        %parallel_loop3A_341 = arith.constant 112 : index
        %parallel_loop3A_342 = tpu.vector_load %arg13[%parallel_loop3A_340, %parallel_loop3A_341] {strides = array<i32>} : memref<96x128xf32, #tpu.memory_space<vmem>>, vector<16xf32>,
        tpu.vector_store %arg13[%parallel_loop3A_340, %parallel_loop3A_341], %parallel_loop3A_339 {strides = array<i32>} : memref<96x128xf32, #tpu.memory_space<vmem>>, vector<16xf32>,
      } {sc.loop_unroll_factor = 4 : i64, sc.parallel_access}
      %dma_start3A_277 = arith.constant 0 : i32
      %dma_start3A_278 = tpu.memref_slice %arg9[%add3A_251, %dma_start3A_277] : memref<27x96xi32, #tpu.memory_space<vmem>> -> memref<1x96xi32, #tpu.memory_space<vmem>>
      %dma_start3A_279 = tpu.memref_squeeze %dma_start3A_278 : memref<1x96xi32, #tpu.memory_space<vmem>> -> memref<96xi32, #tpu.memory_space<vmem>>
      %dma_start3A_280 = arith.constant 0 : i32
      %dma_start3A_281 = arith.constant 0 : i32
      %dma_start3A_282 = tpu.memref_slice %arg7[%dma_start3A_280, %dma_start3A_281] : memref<10240x128xf32, #tpu.memory_space<vmem_shared>> -> memref<10240x128xf32, #tpu.memory_space<vmem_shared>>
      tpu.enqueue_indirect_dma source(%arg13 : memref<96x128xf32, #tpu.memory_space<vmem>>) target(%dma_start3A_282 : memref<10240x128xf32, #tpu.memory_space<vmem_shared>>) offsets(%dma_start3A_279 : memref<96xi32, #tpu.memory_space<vmem>>) semaphore(%arg19 : memref<!tpu.dma_semaphore, #tpu.memory_space<semaphore_mem>>) {add = true}
    }
    %scan3A_83 = arith.constant 9 : i32
    %dma_wait3A_84 = arith.constant 26 : i32
    %dma_wait3A_85 = arith.constant 0 : i32
    %dma_wait3A_86 = tpu.memref_slice %arg9[%dma_wait3A_84, %dma_wait3A_85] : memref<27x96xi32, #tpu.memory_space<vmem>> -> memref<1x96xi32, #tpu.memory_space<vmem>>
    %dma_wait3A_87 = tpu.memref_squeeze %dma_wait3A_86 : memref<1x96xi32, #tpu.memory_space<vmem>> -> memref<96xi32, #tpu.memory_space<vmem>>
    %dma_wait3A_88 = arith.constant 0 : i32
    %dma_wait3A_89 = arith.constant 0 : i32
    %dma_wait3A_90 = tpu.memref_slice %arg7[%dma_wait3A_88, %dma_wait3A_89] : memref<10240x128xf32, #tpu.memory_space<vmem_shared>> -> memref<10240x128xf32, #tpu.memory_space<vmem_shared>>
    tpu.wait_indirect_dma semaphore(%arg19 : memref<!tpu.dma_semaphore, #tpu.memory_space<semaphore_mem>>) src(%arg13 : memref<96x128xf32, #tpu.memory_space<vmem>>) dst(%dma_wait3A_90 : memref<10240x128xf32, #tpu.memory_space<vmem_shared>>)
    %mul3A_91 = arith.constant 4 : i32
    %mul3A_92 = arith.muli %add3A, %mul3A_91 : i32
    %add3A_93 = arith.constant 2 : i32
    %add3A_94 = arith.addi %mul3A_92, %add3A_93 : i32
    %mul3A_95 = arith.constant 2592 : i32
    %mul3A_96 = arith.muli %add3A_94, %mul3A_95 : i32
    "tpu.region"() ({
      %run_scoped3A = tpu.sem_alloc : memref<!tpu.dma_semaphore, #tpu.memory_space<semaphore_mem>>
      %dma_start3A_180 = tpu.memref_slice %arg3[%mul3A_96] : memref<331776xi32, #tpu.memory_space<hbm>> -> memref<2592xi32, #tpu.memory_space<hbm>>
      %dma_start3A_181 = tpu.memref_slice %arg3[%mul3A_96] : memref<331776xi32, #tpu.memory_space<hbm>> -> memref<2592xi32, #tpu.memory_space<hbm>>
      tpu.enqueue_dma source(%dma_start3A_181 : memref<2592xi32, #tpu.memory_space<hbm>>) target(%arg8 : memref<2592xi32, #tpu.memory_space<vmem>>) target_semaphore(%run_scoped3A : memref<!tpu.dma_semaphore, #tpu.memory_space<semaphore_mem>>)
      %dma_wait3A_182 = tpu.memref_slice %arg3[%mul3A_96] : memref<331776xi32, #tpu.memory_space<hbm>> -> memref<2592xi32, #tpu.memory_space<hbm>>
      %dma_wait3A_183 = tpu.memref_slice %arg3[%mul3A_96] : memref<331776xi32, #tpu.memory_space<hbm>> -> memref<2592xi32, #tpu.memory_space<hbm>>
      tpu.wait_dma2 semaphore(%run_scoped3A : memref<!tpu.dma_semaphore, #tpu.memory_space<semaphore_mem>>) src(%dma_wait3A_183 : memref<2592xi32, #tpu.memory_space<hbm>>) dst(%arg8 : memref<2592xi32, #tpu.memory_space<vmem>>)
      tpu.yield
    }) : () -> ()
    "tpu.region"() ({
      %run_scoped3A = tpu.sem_alloc : memref<!tpu.dma_semaphore, #tpu.memory_space<semaphore_mem>>
      %dma_start3A_180 = arith.constant 0 : i32
      %dma_start3A_181 = arith.constant 0 : i32
      %dma_start3A_182 = tpu.memref_slice %arg4[%add3A_94, %dma_start3A_180, %dma_start3A_181] : memref<128x27x96xi32, #tpu.memory_space<hbm>> -> memref<1x27x96xi32, #tpu.memory_space<hbm>>
      %dma_start3A_183 = tpu.memref_squeeze %dma_start3A_182 : memref<1x27x96xi32, #tpu.memory_space<hbm>> -> memref<27x96xi32, #tpu.memory_space<hbm>>
      %dma_start3A_184 = arith.constant 0 : i32
      %dma_start3A_185 = arith.constant 0 : i32
      %dma_start3A_186 = tpu.memref_slice %arg4[%add3A_94, %dma_start3A_184, %dma_start3A_185] : memref<128x27x96xi32, #tpu.memory_space<hbm>> -> memref<1x27x96xi32, #tpu.memory_space<hbm>>
      %dma_start3A_187 = tpu.memref_squeeze %dma_start3A_186 : memref<1x27x96xi32, #tpu.memory_space<hbm>> -> memref<27x96xi32, #tpu.memory_space<hbm>>
      tpu.enqueue_dma source(%dma_start3A_187 : memref<27x96xi32, #tpu.memory_space<hbm>>) target(%arg9 : memref<27x96xi32, #tpu.memory_space<vmem>>) target_semaphore(%run_scoped3A : memref<!tpu.dma_semaphore, #tpu.memory_space<semaphore_mem>>)
      %dma_wait3A_188 = arith.constant 0 : i32
      %dma_wait3A_189 = arith.constant 0 : i32
      %dma_wait3A_190 = tpu.memref_slice %arg4[%add3A_94, %dma_wait3A_188, %dma_wait3A_189] : memref<128x27x96xi32, #tpu.memory_space<hbm>> -> memref<1x27x96xi32, #tpu.memory_space<hbm>>
      %dma_wait3A_191 = tpu.memref_squeeze %dma_wait3A_190 : memref<1x27x96xi32, #tpu.memory_space<hbm>> -> memref<27x96xi32, #tpu.memory_space<hbm>>
      %dma_wait3A_192 = arith.constant 0 : i32
      %dma_wait3A_193 = arith.constant 0 : i32
      %dma_wait3A_194 = tpu.memref_slice %arg4[%add3A_94, %dma_wait3A_192, %dma_wait3A_193] : memref<128x27x96xi32, #tpu.memory_space<hbm>> -> memref<1x27x96xi32, #tpu.memory_space<hbm>>
      %dma_wait3A_195 = tpu.memref_squeeze %dma_wait3A_194 : memref<1x27x96xi32, #tpu.memory_space<hbm>> -> memref<27x96xi32, #tpu.memory_space<hbm>>
      tpu.wait_dma2 semaphore(%run_scoped3A : memref<!tpu.dma_semaphore, #tpu.memory_space<semaphore_mem>>) src(%dma_wait3A_195 : memref<27x96xi32, #tpu.memory_space<hbm>>) dst(%arg9 : memref<27x96xi32, #tpu.memory_space<vmem>>)
      tpu.yield
    }) : () -> ()
    %mul3A_97 = arith.constant 2592 : i32
    %mul3A_98 = arith.muli %add3A_94, %mul3A_97 : i32
    "tpu.region"() ({
      %run_scoped3A = tpu.sem_alloc : memref<!tpu.dma_semaphore, #tpu.memory_space<semaphore_mem>>
      %dma_start3A_180 = tpu.memref_slice %arg5[%mul3A_98] : memref<331776xf32, #tpu.memory_space<hbm>> -> memref<2592xf32, #tpu.memory_space<hbm>>
      %dma_start3A_181 = tpu.memref_slice %arg5[%mul3A_98] : memref<331776xf32, #tpu.memory_space<hbm>> -> memref<2592xf32, #tpu.memory_space<hbm>>
      tpu.enqueue_dma source(%dma_start3A_181 : memref<2592xf32, #tpu.memory_space<hbm>>) target(%arg10 : memref<2592xf32, #tpu.memory_space<vmem>>) target_semaphore(%run_scoped3A : memref<!tpu.dma_semaphore, #tpu.memory_space<semaphore_mem>>)
      %dma_wait3A_182 = tpu.memref_slice %arg5[%mul3A_98] : memref<331776xf32, #tpu.memory_space<hbm>> -> memref<2592xf32, #tpu.memory_space<hbm>>
      %dma_wait3A_183 = tpu.memref_slice %arg5[%mul3A_98] : memref<331776xf32, #tpu.memory_space<hbm>> -> memref<2592xf32, #tpu.memory_space<hbm>>
      tpu.wait_dma2 semaphore(%run_scoped3A : memref<!tpu.dma_semaphore, #tpu.memory_space<semaphore_mem>>) src(%dma_wait3A_183 : memref<2592xf32, #tpu.memory_space<hbm>>) dst(%arg10 : memref<2592xf32, #tpu.memory_space<vmem>>)
      tpu.yield
    }) : () -> ()
    %dma_start3A_99 = arith.constant 0 : i32
    %dma_start3A_100 = tpu.memref_slice %arg8[%dma_start3A_99] : memref<2592xi32, #tpu.memory_space<vmem>> -> memref<96xi32, #tpu.memory_space<vmem>>
    %dma_start3A_101 = arith.constant 0 : i32
    %dma_start3A_102 = arith.constant 0 : i32
    %dma_start3A_103 = tpu.memref_slice %arg2[%dma_start3A_101, %dma_start3A_102] : memref<10000x128xf32, #tpu.memory_space<hbm>> -> memref<10000x128xf32, #tpu.memory_space<hbm>>
    tpu.enqueue_indirect_dma source(%dma_start3A_103 : memref<10000x128xf32, #tpu.memory_space<hbm>>) target(%arg11 : memref<96x128xf32, #tpu.memory_space<vmem>>) offsets(%dma_start3A_100 : memref<96xi32, #tpu.memory_space<vmem>>) semaphore(%arg14 : memref<!tpu.dma_semaphore, #tpu.memory_space<semaphore_mem>>)
    %dma_start3A_104 = arith.constant 96 : i32
    %dma_start3A_105 = tpu.memref_slice %arg8[%dma_start3A_104] : memref<2592xi32, #tpu.memory_space<vmem>> -> memref<96xi32, #tpu.memory_space<vmem>>
    %dma_start3A_106 = arith.constant 0 : i32
    %dma_start3A_107 = arith.constant 0 : i32
    %dma_start3A_108 = tpu.memref_slice %arg2[%dma_start3A_106, %dma_start3A_107] : memref<10000x128xf32, #tpu.memory_space<hbm>> -> memref<10000x128xf32, #tpu.memory_space<hbm>>
    tpu.enqueue_indirect_dma source(%dma_start3A_108 : memref<10000x128xf32, #tpu.memory_space<hbm>>) target(%arg12 : memref<96x128xf32, #tpu.memory_space<vmem>>) offsets(%dma_start3A_105 : memref<96xi32, #tpu.memory_space<vmem>>) semaphore(%arg15 : memref<!tpu.dma_semaphore, #tpu.memory_space<semaphore_mem>>)
    %scan3A_109 = arith.constant 0 : i32
    %scan3A_110 = arith.constant 9 : i32
    %scan3A_111 = arith.addi %scan3A_109, %scan3A_110 : i32
    %scan3A_112 = arith.constant 1 : i32
    scf.for %scan3A_180 = %scan3A_109 to %scan3A_111 step %scan3A_112  : i32 {
      %mul3A_181 = arith.constant 1 : i32
      %mul3A_182 = arith.muli %scan3A_180, %mul3A_181 : i32
      %add3A_183 = arith.constant 0 : i32
      %add3A_184 = arith.addi %add3A_183, %mul3A_182 : i32
      %mul3A_185 = arith.constant 3 : i32
      %mul3A_186 = arith.muli %mul3A_185, %add3A_184 : i32
      %add3A_187 = arith.constant 0 : i32
      %add3A_188 = arith.addi %mul3A_186, %add3A_187 : i32
      %ge3A = arith.constant 1 : i32
      %ge3A_189 = arith.cmpi sge, %add3A_184, %ge3A : i32
      %convert_element_type3A = arith.extui %ge3A_189 : i1 to i32
      %cond3A = arith.constant 0 : i32
      %cond3A_190 = arith.cmpi ne, %convert_element_type3A, %cond3A : i32
      scf.if %cond3A_190 {
        %sub3A_283 = arith.constant 1 : i32
        %sub3A_284 = arith.subi %add3A_188, %sub3A_283 : i32
        %dma_wait3A_285 = arith.constant 0 : i32
        %dma_wait3A_286 = tpu.memref_slice %arg9[%sub3A_284, %dma_wait3A_285] : memref<27x96xi32, #tpu.memory_space<vmem>> -> memref<1x96xi32, #tpu.memory_space<vmem>>
        %dma_wait3A_287 = tpu.memref_squeeze %dma_wait3A_286 : memref<1x96xi32, #tpu.memory_space<vmem>> -> memref<96xi32, #tpu.memory_space<vmem>>
        %dma_wait3A_288 = arith.constant 0 : i32
        %dma_wait3A_289 = arith.constant 0 : i32
        %dma_wait3A_290 = tpu.memref_slice %arg7[%dma_wait3A_288, %dma_wait3A_289] : memref<10240x128xf32, #tpu.memory_space<vmem_shared>> -> memref<10240x128xf32, #tpu.memory_space<vmem_shared>>
        tpu.wait_indirect_dma semaphore(%arg19 : memref<!tpu.dma_semaphore, #tpu.memory_space<semaphore_mem>>) src(%arg13 : memref<96x128xf32, #tpu.memory_space<vmem>>) dst(%dma_wait3A_290 : memref<10240x128xf32, #tpu.memory_space<vmem_shared>>)
      } else {
      }
      %add3A_191 = arith.constant 2 : i32
      %add3A_192 = arith.addi %add3A_188, %add3A_191 : i32
      %mul3A_193 = arith.constant 96 : i32
      %mul3A_194 = arith.muli %add3A_192, %mul3A_193 : i32
      %dma_start3A_195 = tpu.memref_slice %arg8[%mul3A_194] : memref<2592xi32, #tpu.memory_space<vmem>> -> memref<96xi32, #tpu.memory_space<vmem>>
      %dma_start3A_196 = arith.constant 0 : i32
      %dma_start3A_197 = arith.constant 0 : i32
      %dma_start3A_198 = tpu.memref_slice %arg2[%dma_start3A_196, %dma_start3A_197] : memref<10000x128xf32, #tpu.memory_space<hbm>> -> memref<10000x128xf32, #tpu.memory_space<hbm>>
      tpu.enqueue_indirect_dma source(%dma_start3A_198 : memref<10000x128xf32, #tpu.memory_space<hbm>>) target(%arg13 : memref<96x128xf32, #tpu.memory_space<vmem>>) offsets(%dma_start3A_195 : memref<96xi32, #tpu.memory_space<vmem>>) semaphore(%arg16 : memref<!tpu.dma_semaphore, #tpu.memory_space<semaphore_mem>>)
      %mul3A_199 = arith.constant 96 : i32
      %mul3A_200 = arith.muli %add3A_188, %mul3A_199 : i32
      %dma_wait3A_201 = tpu.memref_slice %arg8[%mul3A_200] : memref<2592xi32, #tpu.memory_space<vmem>> -> memref<96xi32, #tpu.memory_space<vmem>>
      %dma_wait3A_202 = arith.constant 0 : i32
      %dma_wait3A_203 = arith.constant 0 : i32
      %dma_wait3A_204 = tpu.memref_slice %arg2[%dma_wait3A_202, %dma_wait3A_203] : memref<10000x128xf32, #tpu.memory_space<hbm>> -> memref<10000x128xf32, #tpu.memory_space<hbm>>
      tpu.wait_indirect_dma semaphore(%arg14 : memref<!tpu.dma_semaphore, #tpu.memory_space<semaphore_mem>>) src(%dma_wait3A_204 : memref<10000x128xf32, #tpu.memory_space<hbm>>) dst(%arg11 : memref<96x128xf32, #tpu.memory_space<vmem>>)
      %mul3A_205 = arith.constant 96 : i32
      %mul3A_206 = arith.muli %add3A_188, %mul3A_205 : i32
      %broadcast_in_dim3A = vector.broadcast %mul3A_206 : i32 to vector<16xi32>
      %parallel_loop3A = arith.constant 0 : i32
      %parallel_loop3A_207 = arith.constant 96 : i32
      %parallel_loop3A_208 = arith.constant 1 : i32
      scf.for %parallel_loop3A_283 = %parallel_loop3A to %parallel_loop3A_207 step %parallel_loop3A_208  : i32 {
        %parallel_loop3A_284 = vector.broadcast %parallel_loop3A_283 : i32 to vector<16xi32>
        %parallel_loop3A_285 = arith.addi %broadcast_in_dim3A, %parallel_loop3A_284 : vector<16xi32>
        %parallel_loop3A_286 = tpu.vector_load_idx %arg10[%parallel_loop3A_285] : memref<2592xf32, #tpu.memory_space<vmem>>[vector<16xi32>], vector<16xf32>,
        %parallel_loop3A_287 = arith.index_cast %parallel_loop3A_283 : i32 to index
        %parallel_loop3A_288 = arith.constant 0 : index
        %parallel_loop3A_289 = tpu.vector_load %arg11[%parallel_loop3A_287, %parallel_loop3A_288] {strides = array<i32>} : memref<96x128xf32, #tpu.memory_space<vmem>>, vector<16xf32>,
        %parallel_loop3A_290 = arith.mulf %parallel_loop3A_289, %parallel_loop3A_286 : vector<16xf32>
        %parallel_loop3A_291 = arith.index_cast %parallel_loop3A_283 : i32 to index
        %parallel_loop3A_292 = arith.constant 0 : index
        %parallel_loop3A_293 = tpu.vector_load %arg11[%parallel_loop3A_291, %parallel_loop3A_292] {strides = array<i32>} : memref<96x128xf32, #tpu.memory_space<vmem>>, vector<16xf32>,
        tpu.vector_store %arg11[%parallel_loop3A_291, %parallel_loop3A_292], %parallel_loop3A_290 {strides = array<i32>} : memref<96x128xf32, #tpu.memory_space<vmem>>, vector<16xf32>,
        %parallel_loop3A_294 = arith.index_cast %parallel_loop3A_283 : i32 to index
        %parallel_loop3A_295 = arith.constant 16 : index
        %parallel_loop3A_296 = tpu.vector_load %arg11[%parallel_loop3A_294, %parallel_loop3A_295] {strides = array<i32>} : memref<96x128xf32, #tpu.memory_space<vmem>>, vector<16xf32>,
        %parallel_loop3A_297 = arith.mulf %parallel_loop3A_296, %parallel_loop3A_286 : vector<16xf32>
        %parallel_loop3A_298 = arith.index_cast %parallel_loop3A_283 : i32 to index
        %parallel_loop3A_299 = arith.constant 16 : index
        %parallel_loop3A_300 = tpu.vector_load %arg11[%parallel_loop3A_298, %parallel_loop3A_299] {strides = array<i32>} : memref<96x128xf32, #tpu.memory_space<vmem>>, vector<16xf32>,
        tpu.vector_store %arg11[%parallel_loop3A_298, %parallel_loop3A_299], %parallel_loop3A_297 {strides = array<i32>} : memref<96x128xf32, #tpu.memory_space<vmem>>, vector<16xf32>,
        %parallel_loop3A_301 = arith.index_cast %parallel_loop3A_283 : i32 to index
        %parallel_loop3A_302 = arith.constant 32 : index
        %parallel_loop3A_303 = tpu.vector_load %arg11[%parallel_loop3A_301, %parallel_loop3A_302] {strides = array<i32>} : memref<96x128xf32, #tpu.memory_space<vmem>>, vector<16xf32>,
        %parallel_loop3A_304 = arith.mulf %parallel_loop3A_303, %parallel_loop3A_286 : vector<16xf32>
        %parallel_loop3A_305 = arith.index_cast %parallel_loop3A_283 : i32 to index
        %parallel_loop3A_306 = arith.constant 32 : index
        %parallel_loop3A_307 = tpu.vector_load %arg11[%parallel_loop3A_305, %parallel_loop3A_306] {strides = array<i32>} : memref<96x128xf32, #tpu.memory_space<vmem>>, vector<16xf32>,
        tpu.vector_store %arg11[%parallel_loop3A_305, %parallel_loop3A_306], %parallel_loop3A_304 {strides = array<i32>} : memref<96x128xf32, #tpu.memory_space<vmem>>, vector<16xf32>,
        %parallel_loop3A_308 = arith.index_cast %parallel_loop3A_283 : i32 to index
        %parallel_loop3A_309 = arith.constant 48 : index
        %parallel_loop3A_310 = tpu.vector_load %arg11[%parallel_loop3A_308, %parallel_loop3A_309] {strides = array<i32>} : memref<96x128xf32, #tpu.memory_space<vmem>>, vector<16xf32>,
        %parallel_loop3A_311 = arith.mulf %parallel_loop3A_310, %parallel_loop3A_286 : vector<16xf32>
        %parallel_loop3A_312 = arith.index_cast %parallel_loop3A_283 : i32 to index
        %parallel_loop3A_313 = arith.constant 48 : index
        %parallel_loop3A_314 = tpu.vector_load %arg11[%parallel_loop3A_312, %parallel_loop3A_313] {strides = array<i32>} : memref<96x128xf32, #tpu.memory_space<vmem>>, vector<16xf32>,
        tpu.vector_store %arg11[%parallel_loop3A_312, %parallel_loop3A_313], %parallel_loop3A_311 {strides = array<i32>} : memref<96x128xf32, #tpu.memory_space<vmem>>, vector<16xf32>,
        %parallel_loop3A_315 = arith.index_cast %parallel_loop3A_283 : i32 to index
        %parallel_loop3A_316 = arith.constant 64 : index
        %parallel_loop3A_317 = tpu.vector_load %arg11[%parallel_loop3A_315, %parallel_loop3A_316] {strides = array<i32>} : memref<96x128xf32, #tpu.memory_space<vmem>>, vector<16xf32>,
        %parallel_loop3A_318 = arith.mulf %parallel_loop3A_317, %parallel_loop3A_286 : vector<16xf32>
        %parallel_loop3A_319 = arith.index_cast %parallel_loop3A_283 : i32 to index
        %parallel_loop3A_320 = arith.constant 64 : index
        %parallel_loop3A_321 = tpu.vector_load %arg11[%parallel_loop3A_319, %parallel_loop3A_320] {strides = array<i32>} : memref<96x128xf32, #tpu.memory_space<vmem>>, vector<16xf32>,
        tpu.vector_store %arg11[%parallel_loop3A_319, %parallel_loop3A_320], %parallel_loop3A_318 {strides = array<i32>} : memref<96x128xf32, #tpu.memory_space<vmem>>, vector<16xf32>,
        %parallel_loop3A_322 = arith.index_cast %parallel_loop3A_283 : i32 to index
        %parallel_loop3A_323 = arith.constant 80 : index
        %parallel_loop3A_324 = tpu.vector_load %arg11[%parallel_loop3A_322, %parallel_loop3A_323] {strides = array<i32>} : memref<96x128xf32, #tpu.memory_space<vmem>>, vector<16xf32>,
        %parallel_loop3A_325 = arith.mulf %parallel_loop3A_324, %parallel_loop3A_286 : vector<16xf32>
        %parallel_loop3A_326 = arith.index_cast %parallel_loop3A_283 : i32 to index
        %parallel_loop3A_327 = arith.constant 80 : index
        %parallel_loop3A_328 = tpu.vector_load %arg11[%parallel_loop3A_326, %parallel_loop3A_327] {strides = array<i32>} : memref<96x128xf32, #tpu.memory_space<vmem>>, vector<16xf32>,
        tpu.vector_store %arg11[%parallel_loop3A_326, %parallel_loop3A_327], %parallel_loop3A_325 {strides = array<i32>} : memref<96x128xf32, #tpu.memory_space<vmem>>, vector<16xf32>,
        %parallel_loop3A_329 = arith.index_cast %parallel_loop3A_283 : i32 to index
        %parallel_loop3A_330 = arith.constant 96 : index
        %parallel_loop3A_331 = tpu.vector_load %arg11[%parallel_loop3A_329, %parallel_loop3A_330] {strides = array<i32>} : memref<96x128xf32, #tpu.memory_space<vmem>>, vector<16xf32>,
        %parallel_loop3A_332 = arith.mulf %parallel_loop3A_331, %parallel_loop3A_286 : vector<16xf32>
        %parallel_loop3A_333 = arith.index_cast %parallel_loop3A_283 : i32 to index
        %parallel_loop3A_334 = arith.constant 96 : index
        %parallel_loop3A_335 = tpu.vector_load %arg11[%parallel_loop3A_333, %parallel_loop3A_334] {strides = array<i32>} : memref<96x128xf32, #tpu.memory_space<vmem>>, vector<16xf32>,
        tpu.vector_store %arg11[%parallel_loop3A_333, %parallel_loop3A_334], %parallel_loop3A_332 {strides = array<i32>} : memref<96x128xf32, #tpu.memory_space<vmem>>, vector<16xf32>,
        %parallel_loop3A_336 = arith.index_cast %parallel_loop3A_283 : i32 to index
        %parallel_loop3A_337 = arith.constant 112 : index
        %parallel_loop3A_338 = tpu.vector_load %arg11[%parallel_loop3A_336, %parallel_loop3A_337] {strides = array<i32>} : memref<96x128xf32, #tpu.memory_space<vmem>>, vector<16xf32>,
        %parallel_loop3A_339 = arith.mulf %parallel_loop3A_338, %parallel_loop3A_286 : vector<16xf32>
        %parallel_loop3A_340 = arith.index_cast %parallel_loop3A_283 : i32 to index
        %parallel_loop3A_341 = arith.constant 112 : index
        %parallel_loop3A_342 = tpu.vector_load %arg11[%parallel_loop3A_340, %parallel_loop3A_341] {strides = array<i32>} : memref<96x128xf32, #tpu.memory_space<vmem>>, vector<16xf32>,
        tpu.vector_store %arg11[%parallel_loop3A_340, %parallel_loop3A_341], %parallel_loop3A_339 {strides = array<i32>} : memref<96x128xf32, #tpu.memory_space<vmem>>, vector<16xf32>,
      } {sc.loop_unroll_factor = 4 : i64, sc.parallel_access}
      %dma_start3A_209 = arith.constant 0 : i32
      %dma_start3A_210 = tpu.memref_slice %arg9[%add3A_188, %dma_start3A_209] : memref<27x96xi32, #tpu.memory_space<vmem>> -> memref<1x96xi32, #tpu.memory_space<vmem>>
      %dma_start3A_211 = tpu.memref_squeeze %dma_start3A_210 : memref<1x96xi32, #tpu.memory_space<vmem>> -> memref<96xi32, #tpu.memory_space<vmem>>
      %dma_start3A_212 = arith.constant 0 : i32
      %dma_start3A_213 = arith.constant 0 : i32
      %dma_start3A_214 = tpu.memref_slice %arg7[%dma_start3A_212, %dma_start3A_213] : memref<10240x128xf32, #tpu.memory_space<vmem_shared>> -> memref<10240x128xf32, #tpu.memory_space<vmem_shared>>
      tpu.enqueue_indirect_dma source(%arg11 : memref<96x128xf32, #tpu.memory_space<vmem>>) target(%dma_start3A_214 : memref<10240x128xf32, #tpu.memory_space<vmem_shared>>) offsets(%dma_start3A_211 : memref<96xi32, #tpu.memory_space<vmem>>) semaphore(%arg17 : memref<!tpu.dma_semaphore, #tpu.memory_space<semaphore_mem>>) {add = true}
      %mul3A_215 = arith.constant 3 : i32
      %mul3A_216 = arith.muli %mul3A_215, %add3A_184 : i32
      %add3A_217 = arith.constant 1 : i32
      %add3A_218 = arith.addi %mul3A_216, %add3A_217 : i32
      %sub3A = arith.constant 1 : i32
      %sub3A_219 = arith.subi %add3A_218, %sub3A : i32
      %dma_wait3A_220 = arith.constant 0 : i32
      %dma_wait3A_221 = tpu.memref_slice %arg9[%sub3A_219, %dma_wait3A_220] : memref<27x96xi32, #tpu.memory_space<vmem>> -> memref<1x96xi32, #tpu.memory_space<vmem>>
      %dma_wait3A_222 = tpu.memref_squeeze %dma_wait3A_221 : memref<1x96xi32, #tpu.memory_space<vmem>> -> memref<96xi32, #tpu.memory_space<vmem>>
      %dma_wait3A_223 = arith.constant 0 : i32
      %dma_wait3A_224 = arith.constant 0 : i32
      %dma_wait3A_225 = tpu.memref_slice %arg7[%dma_wait3A_223, %dma_wait3A_224] : memref<10240x128xf32, #tpu.memory_space<vmem_shared>> -> memref<10240x128xf32, #tpu.memory_space<vmem_shared>>
      tpu.wait_indirect_dma semaphore(%arg17 : memref<!tpu.dma_semaphore, #tpu.memory_space<semaphore_mem>>) src(%arg11 : memref<96x128xf32, #tpu.memory_space<vmem>>) dst(%dma_wait3A_225 : memref<10240x128xf32, #tpu.memory_space<vmem_shared>>)
      %lt3A = arith.constant 8 : i32
      %lt3A_226 = arith.cmpi slt, %add3A_184, %lt3A : i32
      %convert_element_type3A_227 = arith.extui %lt3A_226 : i1 to i32
      %cond3A_228 = arith.constant 0 : i32
      %cond3A_229 = arith.cmpi ne, %convert_element_type3A_227, %cond3A_228 : i32
      scf.if %cond3A_229 {
        %add3A_283 = arith.constant 2 : i32
        %add3A_284 = arith.addi %add3A_218, %add3A_283 : i32
        %mul3A_285 = arith.constant 96 : i32
        %mul3A_286 = arith.muli %add3A_284, %mul3A_285 : i32
        %dma_start3A_287 = tpu.memref_slice %arg8[%mul3A_286] : memref<2592xi32, #tpu.memory_space<vmem>> -> memref<96xi32, #tpu.memory_space<vmem>>
        %dma_start3A_288 = arith.constant 0 : i32
        %dma_start3A_289 = arith.constant 0 : i32
        %dma_start3A_290 = tpu.memref_slice %arg2[%dma_start3A_288, %dma_start3A_289] : memref<10000x128xf32, #tpu.memory_space<hbm>> -> memref<10000x128xf32, #tpu.memory_space<hbm>>
        tpu.enqueue_indirect_dma source(%dma_start3A_290 : memref<10000x128xf32, #tpu.memory_space<hbm>>) target(%arg11 : memref<96x128xf32, #tpu.memory_space<vmem>>) offsets(%dma_start3A_287 : memref<96xi32, #tpu.memory_space<vmem>>) semaphore(%arg14 : memref<!tpu.dma_semaphore, #tpu.memory_space<semaphore_mem>>)
      } else {
      }
      %mul3A_230 = arith.constant 96 : i32
      %mul3A_231 = arith.muli %add3A_218, %mul3A_230 : i32
      %dma_wait3A_232 = tpu.memref_slice %arg8[%mul3A_231] : memref<2592xi32, #tpu.memory_space<vmem>> -> memref<96xi32, #tpu.memory_space<vmem>>
      %dma_wait3A_233 = arith.constant 0 : i32
      %dma_wait3A_234 = arith.constant 0 : i32
      %dma_wait3A_235 = tpu.memref_slice %arg2[%dma_wait3A_233, %dma_wait3A_234] : memref<10000x128xf32, #tpu.memory_space<hbm>> -> memref<10000x128xf32, #tpu.memory_space<hbm>>
      tpu.wait_indirect_dma semaphore(%arg15 : memref<!tpu.dma_semaphore, #tpu.memory_space<semaphore_mem>>) src(%dma_wait3A_235 : memref<10000x128xf32, #tpu.memory_space<hbm>>) dst(%arg12 : memref<96x128xf32, #tpu.memory_space<vmem>>)
      %mul3A_236 = arith.constant 96 : i32
      %mul3A_237 = arith.muli %add3A_218, %mul3A_236 : i32
      %broadcast_in_dim3A_238 = vector.broadcast %mul3A_237 : i32 to vector<16xi32>
      %parallel_loop3A_239 = arith.constant 0 : i32
      %parallel_loop3A_240 = arith.constant 96 : i32
      %parallel_loop3A_241 = arith.constant 1 : i32
      scf.for %parallel_loop3A_283 = %parallel_loop3A_239 to %parallel_loop3A_240 step %parallel_loop3A_241  : i32 {
        %parallel_loop3A_284 = vector.broadcast %parallel_loop3A_283 : i32 to vector<16xi32>
        %parallel_loop3A_285 = arith.addi %broadcast_in_dim3A_238, %parallel_loop3A_284 : vector<16xi32>
        %parallel_loop3A_286 = tpu.vector_load_idx %arg10[%parallel_loop3A_285] : memref<2592xf32, #tpu.memory_space<vmem>>[vector<16xi32>], vector<16xf32>,
        %parallel_loop3A_287 = arith.index_cast %parallel_loop3A_283 : i32 to index
        %parallel_loop3A_288 = arith.constant 0 : index
        %parallel_loop3A_289 = tpu.vector_load %arg12[%parallel_loop3A_287, %parallel_loop3A_288] {strides = array<i32>} : memref<96x128xf32, #tpu.memory_space<vmem>>, vector<16xf32>,
        %parallel_loop3A_290 = arith.mulf %parallel_loop3A_289, %parallel_loop3A_286 : vector<16xf32>
        %parallel_loop3A_291 = arith.index_cast %parallel_loop3A_283 : i32 to index
        %parallel_loop3A_292 = arith.constant 0 : index
        %parallel_loop3A_293 = tpu.vector_load %arg12[%parallel_loop3A_291, %parallel_loop3A_292] {strides = array<i32>} : memref<96x128xf32, #tpu.memory_space<vmem>>, vector<16xf32>,
        tpu.vector_store %arg12[%parallel_loop3A_291, %parallel_loop3A_292], %parallel_loop3A_290 {strides = array<i32>} : memref<96x128xf32, #tpu.memory_space<vmem>>, vector<16xf32>,
        %parallel_loop3A_294 = arith.index_cast %parallel_loop3A_283 : i32 to index
        %parallel_loop3A_295 = arith.constant 16 : index
        %parallel_loop3A_296 = tpu.vector_load %arg12[%parallel_loop3A_294, %parallel_loop3A_295] {strides = array<i32>} : memref<96x128xf32, #tpu.memory_space<vmem>>, vector<16xf32>,
        %parallel_loop3A_297 = arith.mulf %parallel_loop3A_296, %parallel_loop3A_286 : vector<16xf32>
        %parallel_loop3A_298 = arith.index_cast %parallel_loop3A_283 : i32 to index
        %parallel_loop3A_299 = arith.constant 16 : index
        %parallel_loop3A_300 = tpu.vector_load %arg12[%parallel_loop3A_298, %parallel_loop3A_299] {strides = array<i32>} : memref<96x128xf32, #tpu.memory_space<vmem>>, vector<16xf32>,
        tpu.vector_store %arg12[%parallel_loop3A_298, %parallel_loop3A_299], %parallel_loop3A_297 {strides = array<i32>} : memref<96x128xf32, #tpu.memory_space<vmem>>, vector<16xf32>,
        %parallel_loop3A_301 = arith.index_cast %parallel_loop3A_283 : i32 to index
        %parallel_loop3A_302 = arith.constant 32 : index
        %parallel_loop3A_303 = tpu.vector_load %arg12[%parallel_loop3A_301, %parallel_loop3A_302] {strides = array<i32>} : memref<96x128xf32, #tpu.memory_space<vmem>>, vector<16xf32>,
        %parallel_loop3A_304 = arith.mulf %parallel_loop3A_303, %parallel_loop3A_286 : vector<16xf32>
        %parallel_loop3A_305 = arith.index_cast %parallel_loop3A_283 : i32 to index
        %parallel_loop3A_306 = arith.constant 32 : index
        %parallel_loop3A_307 = tpu.vector_load %arg12[%parallel_loop3A_305, %parallel_loop3A_306] {strides = array<i32>} : memref<96x128xf32, #tpu.memory_space<vmem>>, vector<16xf32>,
        tpu.vector_store %arg12[%parallel_loop3A_305, %parallel_loop3A_306], %parallel_loop3A_304 {strides = array<i32>} : memref<96x128xf32, #tpu.memory_space<vmem>>, vector<16xf32>,
        %parallel_loop3A_308 = arith.index_cast %parallel_loop3A_283 : i32 to index
        %parallel_loop3A_309 = arith.constant 48 : index
        %parallel_loop3A_310 = tpu.vector_load %arg12[%parallel_loop3A_308, %parallel_loop3A_309] {strides = array<i32>} : memref<96x128xf32, #tpu.memory_space<vmem>>, vector<16xf32>,
        %parallel_loop3A_311 = arith.mulf %parallel_loop3A_310, %parallel_loop3A_286 : vector<16xf32>
        %parallel_loop3A_312 = arith.index_cast %parallel_loop3A_283 : i32 to index
        %parallel_loop3A_313 = arith.constant 48 : index
        %parallel_loop3A_314 = tpu.vector_load %arg12[%parallel_loop3A_312, %parallel_loop3A_313] {strides = array<i32>} : memref<96x128xf32, #tpu.memory_space<vmem>>, vector<16xf32>,
        tpu.vector_store %arg12[%parallel_loop3A_312, %parallel_loop3A_313], %parallel_loop3A_311 {strides = array<i32>} : memref<96x128xf32, #tpu.memory_space<vmem>>, vector<16xf32>,
        %parallel_loop3A_315 = arith.index_cast %parallel_loop3A_283 : i32 to index
        %parallel_loop3A_316 = arith.constant 64 : index
        %parallel_loop3A_317 = tpu.vector_load %arg12[%parallel_loop3A_315, %parallel_loop3A_316] {strides = array<i32>} : memref<96x128xf32, #tpu.memory_space<vmem>>, vector<16xf32>,
        %parallel_loop3A_318 = arith.mulf %parallel_loop3A_317, %parallel_loop3A_286 : vector<16xf32>
        %parallel_loop3A_319 = arith.index_cast %parallel_loop3A_283 : i32 to index
        %parallel_loop3A_320 = arith.constant 64 : index
        %parallel_loop3A_321 = tpu.vector_load %arg12[%parallel_loop3A_319, %parallel_loop3A_320] {strides = array<i32>} : memref<96x128xf32, #tpu.memory_space<vmem>>, vector<16xf32>,
        tpu.vector_store %arg12[%parallel_loop3A_319, %parallel_loop3A_320], %parallel_loop3A_318 {strides = array<i32>} : memref<96x128xf32, #tpu.memory_space<vmem>>, vector<16xf32>,
        %parallel_loop3A_322 = arith.index_cast %parallel_loop3A_283 : i32 to index
        %parallel_loop3A_323 = arith.constant 80 : index
        %parallel_loop3A_324 = tpu.vector_load %arg12[%parallel_loop3A_322, %parallel_loop3A_323] {strides = array<i32>} : memref<96x128xf32, #tpu.memory_space<vmem>>, vector<16xf32>,
        %parallel_loop3A_325 = arith.mulf %parallel_loop3A_324, %parallel_loop3A_286 : vector<16xf32>
        %parallel_loop3A_326 = arith.index_cast %parallel_loop3A_283 : i32 to index
        %parallel_loop3A_327 = arith.constant 80 : index
        %parallel_loop3A_328 = tpu.vector_load %arg12[%parallel_loop3A_326, %parallel_loop3A_327] {strides = array<i32>} : memref<96x128xf32, #tpu.memory_space<vmem>>, vector<16xf32>,
        tpu.vector_store %arg12[%parallel_loop3A_326, %parallel_loop3A_327], %parallel_loop3A_325 {strides = array<i32>} : memref<96x128xf32, #tpu.memory_space<vmem>>, vector<16xf32>,
        %parallel_loop3A_329 = arith.index_cast %parallel_loop3A_283 : i32 to index
        %parallel_loop3A_330 = arith.constant 96 : index
        %parallel_loop3A_331 = tpu.vector_load %arg12[%parallel_loop3A_329, %parallel_loop3A_330] {strides = array<i32>} : memref<96x128xf32, #tpu.memory_space<vmem>>, vector<16xf32>,
        %parallel_loop3A_332 = arith.mulf %parallel_loop3A_331, %parallel_loop3A_286 : vector<16xf32>
        %parallel_loop3A_333 = arith.index_cast %parallel_loop3A_283 : i32 to index
        %parallel_loop3A_334 = arith.constant 96 : index
        %parallel_loop3A_335 = tpu.vector_load %arg12[%parallel_loop3A_333, %parallel_loop3A_334] {strides = array<i32>} : memref<96x128xf32, #tpu.memory_space<vmem>>, vector<16xf32>,
        tpu.vector_store %arg12[%parallel_loop3A_333, %parallel_loop3A_334], %parallel_loop3A_332 {strides = array<i32>} : memref<96x128xf32, #tpu.memory_space<vmem>>, vector<16xf32>,
        %parallel_loop3A_336 = arith.index_cast %parallel_loop3A_283 : i32 to index
        %parallel_loop3A_337 = arith.constant 112 : index
        %parallel_loop3A_338 = tpu.vector_load %arg12[%parallel_loop3A_336, %parallel_loop3A_337] {strides = array<i32>} : memref<96x128xf32, #tpu.memory_space<vmem>>, vector<16xf32>,
        %parallel_loop3A_339 = arith.mulf %parallel_loop3A_338, %parallel_loop3A_286 : vector<16xf32>
        %parallel_loop3A_340 = arith.index_cast %parallel_loop3A_283 : i32 to index
        %parallel_loop3A_341 = arith.constant 112 : index
        %parallel_loop3A_342 = tpu.vector_load %arg12[%parallel_loop3A_340, %parallel_loop3A_341] {strides = array<i32>} : memref<96x128xf32, #tpu.memory_space<vmem>>, vector<16xf32>,
        tpu.vector_store %arg12[%parallel_loop3A_340, %parallel_loop3A_341], %parallel_loop3A_339 {strides = array<i32>} : memref<96x128xf32, #tpu.memory_space<vmem>>, vector<16xf32>,
      } {sc.loop_unroll_factor = 4 : i64, sc.parallel_access}
      %dma_start3A_242 = arith.constant 0 : i32
      %dma_start3A_243 = tpu.memref_slice %arg9[%add3A_218, %dma_start3A_242] : memref<27x96xi32, #tpu.memory_space<vmem>> -> memref<1x96xi32, #tpu.memory_space<vmem>>
      %dma_start3A_244 = tpu.memref_squeeze %dma_start3A_243 : memref<1x96xi32, #tpu.memory_space<vmem>> -> memref<96xi32, #tpu.memory_space<vmem>>
      %dma_start3A_245 = arith.constant 0 : i32
      %dma_start3A_246 = arith.constant 0 : i32
      %dma_start3A_247 = tpu.memref_slice %arg7[%dma_start3A_245, %dma_start3A_246] : memref<10240x128xf32, #tpu.memory_space<vmem_shared>> -> memref<10240x128xf32, #tpu.memory_space<vmem_shared>>
      tpu.enqueue_indirect_dma source(%arg12 : memref<96x128xf32, #tpu.memory_space<vmem>>) target(%dma_start3A_247 : memref<10240x128xf32, #tpu.memory_space<vmem_shared>>) offsets(%dma_start3A_244 : memref<96xi32, #tpu.memory_space<vmem>>) semaphore(%arg18 : memref<!tpu.dma_semaphore, #tpu.memory_space<semaphore_mem>>) {add = true}
      %mul3A_248 = arith.constant 3 : i32
      %mul3A_249 = arith.muli %mul3A_248, %add3A_184 : i32
      %add3A_250 = arith.constant 2 : i32
      %add3A_251 = arith.addi %mul3A_249, %add3A_250 : i32
      %sub3A_252 = arith.constant 1 : i32
      %sub3A_253 = arith.subi %add3A_251, %sub3A_252 : i32
      %dma_wait3A_254 = arith.constant 0 : i32
      %dma_wait3A_255 = tpu.memref_slice %arg9[%sub3A_253, %dma_wait3A_254] : memref<27x96xi32, #tpu.memory_space<vmem>> -> memref<1x96xi32, #tpu.memory_space<vmem>>
      %dma_wait3A_256 = tpu.memref_squeeze %dma_wait3A_255 : memref<1x96xi32, #tpu.memory_space<vmem>> -> memref<96xi32, #tpu.memory_space<vmem>>
      %dma_wait3A_257 = arith.constant 0 : i32
      %dma_wait3A_258 = arith.constant 0 : i32
      %dma_wait3A_259 = tpu.memref_slice %arg7[%dma_wait3A_257, %dma_wait3A_258] : memref<10240x128xf32, #tpu.memory_space<vmem_shared>> -> memref<10240x128xf32, #tpu.memory_space<vmem_shared>>
      tpu.wait_indirect_dma semaphore(%arg18 : memref<!tpu.dma_semaphore, #tpu.memory_space<semaphore_mem>>) src(%arg12 : memref<96x128xf32, #tpu.memory_space<vmem>>) dst(%dma_wait3A_259 : memref<10240x128xf32, #tpu.memory_space<vmem_shared>>)
      %lt3A_260 = arith.constant 8 : i32
      %lt3A_261 = arith.cmpi slt, %add3A_184, %lt3A_260 : i32
      %convert_element_type3A_262 = arith.extui %lt3A_261 : i1 to i32
      %cond3A_263 = arith.constant 0 : i32
      %cond3A_264 = arith.cmpi ne, %convert_element_type3A_262, %cond3A_263 : i32
      scf.if %cond3A_264 {
        %add3A_283 = arith.constant 2 : i32
        %add3A_284 = arith.addi %add3A_251, %add3A_283 : i32
        %mul3A_285 = arith.constant 96 : i32
        %mul3A_286 = arith.muli %add3A_284, %mul3A_285 : i32
        %dma_start3A_287 = tpu.memref_slice %arg8[%mul3A_286] : memref<2592xi32, #tpu.memory_space<vmem>> -> memref<96xi32, #tpu.memory_space<vmem>>
        %dma_start3A_288 = arith.constant 0 : i32
        %dma_start3A_289 = arith.constant 0 : i32
        %dma_start3A_290 = tpu.memref_slice %arg2[%dma_start3A_288, %dma_start3A_289] : memref<10000x128xf32, #tpu.memory_space<hbm>> -> memref<10000x128xf32, #tpu.memory_space<hbm>>
        tpu.enqueue_indirect_dma source(%dma_start3A_290 : memref<10000x128xf32, #tpu.memory_space<hbm>>) target(%arg12 : memref<96x128xf32, #tpu.memory_space<vmem>>) offsets(%dma_start3A_287 : memref<96xi32, #tpu.memory_space<vmem>>) semaphore(%arg15 : memref<!tpu.dma_semaphore, #tpu.memory_space<semaphore_mem>>)
      } else {
      }
      %mul3A_265 = arith.constant 96 : i32
      %mul3A_266 = arith.muli %add3A_251, %mul3A_265 : i32
      %dma_wait3A_267 = tpu.memref_slice %arg8[%mul3A_266] : memref<2592xi32, #tpu.memory_space<vmem>> -> memref<96xi32, #tpu.memory_space<vmem>>
      %dma_wait3A_268 = arith.constant 0 : i32
      %dma_wait3A_269 = arith.constant 0 : i32
      %dma_wait3A_270 = tpu.memref_slice %arg2[%dma_wait3A_268, %dma_wait3A_269] : memref<10000x128xf32, #tpu.memory_space<hbm>> -> memref<10000x128xf32, #tpu.memory_space<hbm>>
      tpu.wait_indirect_dma semaphore(%arg16 : memref<!tpu.dma_semaphore, #tpu.memory_space<semaphore_mem>>) src(%dma_wait3A_270 : memref<10000x128xf32, #tpu.memory_space<hbm>>) dst(%arg13 : memref<96x128xf32, #tpu.memory_space<vmem>>)
      %mul3A_271 = arith.constant 96 : i32
      %mul3A_272 = arith.muli %add3A_251, %mul3A_271 : i32
      %broadcast_in_dim3A_273 = vector.broadcast %mul3A_272 : i32 to vector<16xi32>
      %parallel_loop3A_274 = arith.constant 0 : i32
      %parallel_loop3A_275 = arith.constant 96 : i32
      %parallel_loop3A_276 = arith.constant 1 : i32
      scf.for %parallel_loop3A_283 = %parallel_loop3A_274 to %parallel_loop3A_275 step %parallel_loop3A_276  : i32 {
        %parallel_loop3A_284 = vector.broadcast %parallel_loop3A_283 : i32 to vector<16xi32>
        %parallel_loop3A_285 = arith.addi %broadcast_in_dim3A_273, %parallel_loop3A_284 : vector<16xi32>
        %parallel_loop3A_286 = tpu.vector_load_idx %arg10[%parallel_loop3A_285] : memref<2592xf32, #tpu.memory_space<vmem>>[vector<16xi32>], vector<16xf32>,
        %parallel_loop3A_287 = arith.index_cast %parallel_loop3A_283 : i32 to index
        %parallel_loop3A_288 = arith.constant 0 : index
        %parallel_loop3A_289 = tpu.vector_load %arg13[%parallel_loop3A_287, %parallel_loop3A_288] {strides = array<i32>} : memref<96x128xf32, #tpu.memory_space<vmem>>, vector<16xf32>,
        %parallel_loop3A_290 = arith.mulf %parallel_loop3A_289, %parallel_loop3A_286 : vector<16xf32>
        %parallel_loop3A_291 = arith.index_cast %parallel_loop3A_283 : i32 to index
        %parallel_loop3A_292 = arith.constant 0 : index
        %parallel_loop3A_293 = tpu.vector_load %arg13[%parallel_loop3A_291, %parallel_loop3A_292] {strides = array<i32>} : memref<96x128xf32, #tpu.memory_space<vmem>>, vector<16xf32>,
        tpu.vector_store %arg13[%parallel_loop3A_291, %parallel_loop3A_292], %parallel_loop3A_290 {strides = array<i32>} : memref<96x128xf32, #tpu.memory_space<vmem>>, vector<16xf32>,
        %parallel_loop3A_294 = arith.index_cast %parallel_loop3A_283 : i32 to index
        %parallel_loop3A_295 = arith.constant 16 : index
        %parallel_loop3A_296 = tpu.vector_load %arg13[%parallel_loop3A_294, %parallel_loop3A_295] {strides = array<i32>} : memref<96x128xf32, #tpu.memory_space<vmem>>, vector<16xf32>,
        %parallel_loop3A_297 = arith.mulf %parallel_loop3A_296, %parallel_loop3A_286 : vector<16xf32>
        %parallel_loop3A_298 = arith.index_cast %parallel_loop3A_283 : i32 to index
        %parallel_loop3A_299 = arith.constant 16 : index
        %parallel_loop3A_300 = tpu.vector_load %arg13[%parallel_loop3A_298, %parallel_loop3A_299] {strides = array<i32>} : memref<96x128xf32, #tpu.memory_space<vmem>>, vector<16xf32>,
        tpu.vector_store %arg13[%parallel_loop3A_298, %parallel_loop3A_299], %parallel_loop3A_297 {strides = array<i32>} : memref<96x128xf32, #tpu.memory_space<vmem>>, vector<16xf32>,
        %parallel_loop3A_301 = arith.index_cast %parallel_loop3A_283 : i32 to index
        %parallel_loop3A_302 = arith.constant 32 : index
        %parallel_loop3A_303 = tpu.vector_load %arg13[%parallel_loop3A_301, %parallel_loop3A_302] {strides = array<i32>} : memref<96x128xf32, #tpu.memory_space<vmem>>, vector<16xf32>,
        %parallel_loop3A_304 = arith.mulf %parallel_loop3A_303, %parallel_loop3A_286 : vector<16xf32>
        %parallel_loop3A_305 = arith.index_cast %parallel_loop3A_283 : i32 to index
        %parallel_loop3A_306 = arith.constant 32 : index
        %parallel_loop3A_307 = tpu.vector_load %arg13[%parallel_loop3A_305, %parallel_loop3A_306] {strides = array<i32>} : memref<96x128xf32, #tpu.memory_space<vmem>>, vector<16xf32>,
        tpu.vector_store %arg13[%parallel_loop3A_305, %parallel_loop3A_306], %parallel_loop3A_304 {strides = array<i32>} : memref<96x128xf32, #tpu.memory_space<vmem>>, vector<16xf32>,
        %parallel_loop3A_308 = arith.index_cast %parallel_loop3A_283 : i32 to index
        %parallel_loop3A_309 = arith.constant 48 : index
        %parallel_loop3A_310 = tpu.vector_load %arg13[%parallel_loop3A_308, %parallel_loop3A_309] {strides = array<i32>} : memref<96x128xf32, #tpu.memory_space<vmem>>, vector<16xf32>,
        %parallel_loop3A_311 = arith.mulf %parallel_loop3A_310, %parallel_loop3A_286 : vector<16xf32>
        %parallel_loop3A_312 = arith.index_cast %parallel_loop3A_283 : i32 to index
        %parallel_loop3A_313 = arith.constant 48 : index
        %parallel_loop3A_314 = tpu.vector_load %arg13[%parallel_loop3A_312, %parallel_loop3A_313] {strides = array<i32>} : memref<96x128xf32, #tpu.memory_space<vmem>>, vector<16xf32>,
        tpu.vector_store %arg13[%parallel_loop3A_312, %parallel_loop3A_313], %parallel_loop3A_311 {strides = array<i32>} : memref<96x128xf32, #tpu.memory_space<vmem>>, vector<16xf32>,
        %parallel_loop3A_315 = arith.index_cast %parallel_loop3A_283 : i32 to index
        %parallel_loop3A_316 = arith.constant 64 : index
        %parallel_loop3A_317 = tpu.vector_load %arg13[%parallel_loop3A_315, %parallel_loop3A_316] {strides = array<i32>} : memref<96x128xf32, #tpu.memory_space<vmem>>, vector<16xf32>,
        %parallel_loop3A_318 = arith.mulf %parallel_loop3A_317, %parallel_loop3A_286 : vector<16xf32>
        %parallel_loop3A_319 = arith.index_cast %parallel_loop3A_283 : i32 to index
        %parallel_loop3A_320 = arith.constant 64 : index
        %parallel_loop3A_321 = tpu.vector_load %arg13[%parallel_loop3A_319, %parallel_loop3A_320] {strides = array<i32>} : memref<96x128xf32, #tpu.memory_space<vmem>>, vector<16xf32>,
        tpu.vector_store %arg13[%parallel_loop3A_319, %parallel_loop3A_320], %parallel_loop3A_318 {strides = array<i32>} : memref<96x128xf32, #tpu.memory_space<vmem>>, vector<16xf32>,
        %parallel_loop3A_322 = arith.index_cast %parallel_loop3A_283 : i32 to index
        %parallel_loop3A_323 = arith.constant 80 : index
        %parallel_loop3A_324 = tpu.vector_load %arg13[%parallel_loop3A_322, %parallel_loop3A_323] {strides = array<i32>} : memref<96x128xf32, #tpu.memory_space<vmem>>, vector<16xf32>,
        %parallel_loop3A_325 = arith.mulf %parallel_loop3A_324, %parallel_loop3A_286 : vector<16xf32>
        %parallel_loop3A_326 = arith.index_cast %parallel_loop3A_283 : i32 to index
        %parallel_loop3A_327 = arith.constant 80 : index
        %parallel_loop3A_328 = tpu.vector_load %arg13[%parallel_loop3A_326, %parallel_loop3A_327] {strides = array<i32>} : memref<96x128xf32, #tpu.memory_space<vmem>>, vector<16xf32>,
        tpu.vector_store %arg13[%parallel_loop3A_326, %parallel_loop3A_327], %parallel_loop3A_325 {strides = array<i32>} : memref<96x128xf32, #tpu.memory_space<vmem>>, vector<16xf32>,
        %parallel_loop3A_329 = arith.index_cast %parallel_loop3A_283 : i32 to index
        %parallel_loop3A_330 = arith.constant 96 : index
        %parallel_loop3A_331 = tpu.vector_load %arg13[%parallel_loop3A_329, %parallel_loop3A_330] {strides = array<i32>} : memref<96x128xf32, #tpu.memory_space<vmem>>, vector<16xf32>,
        %parallel_loop3A_332 = arith.mulf %parallel_loop3A_331, %parallel_loop3A_286 : vector<16xf32>
        %parallel_loop3A_333 = arith.index_cast %parallel_loop3A_283 : i32 to index
        %parallel_loop3A_334 = arith.constant 96 : index
        %parallel_loop3A_335 = tpu.vector_load %arg13[%parallel_loop3A_333, %parallel_loop3A_334] {strides = array<i32>} : memref<96x128xf32, #tpu.memory_space<vmem>>, vector<16xf32>,
        tpu.vector_store %arg13[%parallel_loop3A_333, %parallel_loop3A_334], %parallel_loop3A_332 {strides = array<i32>} : memref<96x128xf32, #tpu.memory_space<vmem>>, vector<16xf32>,
        %parallel_loop3A_336 = arith.index_cast %parallel_loop3A_283 : i32 to index
        %parallel_loop3A_337 = arith.constant 112 : index
        %parallel_loop3A_338 = tpu.vector_load %arg13[%parallel_loop3A_336, %parallel_loop3A_337] {strides = array<i32>} : memref<96x128xf32, #tpu.memory_space<vmem>>, vector<16xf32>,
        %parallel_loop3A_339 = arith.mulf %parallel_loop3A_338, %parallel_loop3A_286 : vector<16xf32>
        %parallel_loop3A_340 = arith.index_cast %parallel_loop3A_283 : i32 to index
        %parallel_loop3A_341 = arith.constant 112 : index
        %parallel_loop3A_342 = tpu.vector_load %arg13[%parallel_loop3A_340, %parallel_loop3A_341] {strides = array<i32>} : memref<96x128xf32, #tpu.memory_space<vmem>>, vector<16xf32>,
        tpu.vector_store %arg13[%parallel_loop3A_340, %parallel_loop3A_341], %parallel_loop3A_339 {strides = array<i32>} : memref<96x128xf32, #tpu.memory_space<vmem>>, vector<16xf32>,
      } {sc.loop_unroll_factor = 4 : i64, sc.parallel_access}
      %dma_start3A_277 = arith.constant 0 : i32
      %dma_start3A_278 = tpu.memref_slice %arg9[%add3A_251, %dma_start3A_277] : memref<27x96xi32, #tpu.memory_space<vmem>> -> memref<1x96xi32, #tpu.memory_space<vmem>>
      %dma_start3A_279 = tpu.memref_squeeze %dma_start3A_278 : memref<1x96xi32, #tpu.memory_space<vmem>> -> memref<96xi32, #tpu.memory_space<vmem>>
      %dma_start3A_280 = arith.constant 0 : i32
      %dma_start3A_281 = arith.constant 0 : i32
      %dma_start3A_282 = tpu.memref_slice %arg7[%dma_start3A_280, %dma_start3A_281] : memref<10240x128xf32, #tpu.memory_space<vmem_shared>> -> memref<10240x128xf32, #tpu.memory_space<vmem_shared>>
      tpu.enqueue_indirect_dma source(%arg13 : memref<96x128xf32, #tpu.memory_space<vmem>>) target(%dma_start3A_282 : memref<10240x128xf32, #tpu.memory_space<vmem_shared>>) offsets(%dma_start3A_279 : memref<96xi32, #tpu.memory_space<vmem>>) semaphore(%arg19 : memref<!tpu.dma_semaphore, #tpu.memory_space<semaphore_mem>>) {add = true}
    }
    %scan3A_113 = arith.constant 9 : i32
    %dma_wait3A_114 = arith.constant 26 : i32
    %dma_wait3A_115 = arith.constant 0 : i32
    %dma_wait3A_116 = tpu.memref_slice %arg9[%dma_wait3A_114, %dma_wait3A_115] : memref<27x96xi32, #tpu.memory_space<vmem>> -> memref<1x96xi32, #tpu.memory_space<vmem>>
    %dma_wait3A_117 = tpu.memref_squeeze %dma_wait3A_116 : memref<1x96xi32, #tpu.memory_space<vmem>> -> memref<96xi32, #tpu.memory_space<vmem>>
    %dma_wait3A_118 = arith.constant 0 : i32
    %dma_wait3A_119 = arith.constant 0 : i32
    %dma_wait3A_120 = tpu.memref_slice %arg7[%dma_wait3A_118, %dma_wait3A_119] : memref<10240x128xf32, #tpu.memory_space<vmem_shared>> -> memref<10240x128xf32, #tpu.memory_space<vmem_shared>>
    tpu.wait_indirect_dma semaphore(%arg19 : memref<!tpu.dma_semaphore, #tpu.memory_space<semaphore_mem>>) src(%arg13 : memref<96x128xf32, #tpu.memory_space<vmem>>) dst(%dma_wait3A_120 : memref<10240x128xf32, #tpu.memory_space<vmem_shared>>)
    %mul3A_121 = arith.constant 4 : i32
    %mul3A_122 = arith.muli %add3A, %mul3A_121 : i32
    %add3A_123 = arith.constant 3 : i32
    %add3A_124 = arith.addi %mul3A_122, %add3A_123 : i32
    %mul3A_125 = arith.constant 2592 : i32
    %mul3A_126 = arith.muli %add3A_124, %mul3A_125 : i32
    "tpu.region"() ({
      %run_scoped3A = tpu.sem_alloc : memref<!tpu.dma_semaphore, #tpu.memory_space<semaphore_mem>>
      %dma_start3A_180 = tpu.memref_slice %arg3[%mul3A_126] : memref<331776xi32, #tpu.memory_space<hbm>> -> memref<2592xi32, #tpu.memory_space<hbm>>
      %dma_start3A_181 = tpu.memref_slice %arg3[%mul3A_126] : memref<331776xi32, #tpu.memory_space<hbm>> -> memref<2592xi32, #tpu.memory_space<hbm>>
      tpu.enqueue_dma source(%dma_start3A_181 : memref<2592xi32, #tpu.memory_space<hbm>>) target(%arg8 : memref<2592xi32, #tpu.memory_space<vmem>>) target_semaphore(%run_scoped3A : memref<!tpu.dma_semaphore, #tpu.memory_space<semaphore_mem>>)
      %dma_wait3A_182 = tpu.memref_slice %arg3[%mul3A_126] : memref<331776xi32, #tpu.memory_space<hbm>> -> memref<2592xi32, #tpu.memory_space<hbm>>
      %dma_wait3A_183 = tpu.memref_slice %arg3[%mul3A_126] : memref<331776xi32, #tpu.memory_space<hbm>> -> memref<2592xi32, #tpu.memory_space<hbm>>
      tpu.wait_dma2 semaphore(%run_scoped3A : memref<!tpu.dma_semaphore, #tpu.memory_space<semaphore_mem>>) src(%dma_wait3A_183 : memref<2592xi32, #tpu.memory_space<hbm>>) dst(%arg8 : memref<2592xi32, #tpu.memory_space<vmem>>)
      tpu.yield
    }) : () -> ()
    "tpu.region"() ({
      %run_scoped3A = tpu.sem_alloc : memref<!tpu.dma_semaphore, #tpu.memory_space<semaphore_mem>>
      %dma_start3A_180 = arith.constant 0 : i32
      %dma_start3A_181 = arith.constant 0 : i32
      %dma_start3A_182 = tpu.memref_slice %arg4[%add3A_124, %dma_start3A_180, %dma_start3A_181] : memref<128x27x96xi32, #tpu.memory_space<hbm>> -> memref<1x27x96xi32, #tpu.memory_space<hbm>>
      %dma_start3A_183 = tpu.memref_squeeze %dma_start3A_182 : memref<1x27x96xi32, #tpu.memory_space<hbm>> -> memref<27x96xi32, #tpu.memory_space<hbm>>
      %dma_start3A_184 = arith.constant 0 : i32
      %dma_start3A_185 = arith.constant 0 : i32
      %dma_start3A_186 = tpu.memref_slice %arg4[%add3A_124, %dma_start3A_184, %dma_start3A_185] : memref<128x27x96xi32, #tpu.memory_space<hbm>> -> memref<1x27x96xi32, #tpu.memory_space<hbm>>
      %dma_start3A_187 = tpu.memref_squeeze %dma_start3A_186 : memref<1x27x96xi32, #tpu.memory_space<hbm>> -> memref<27x96xi32, #tpu.memory_space<hbm>>
      tpu.enqueue_dma source(%dma_start3A_187 : memref<27x96xi32, #tpu.memory_space<hbm>>) target(%arg9 : memref<27x96xi32, #tpu.memory_space<vmem>>) target_semaphore(%run_scoped3A : memref<!tpu.dma_semaphore, #tpu.memory_space<semaphore_mem>>)
      %dma_wait3A_188 = arith.constant 0 : i32
      %dma_wait3A_189 = arith.constant 0 : i32
      %dma_wait3A_190 = tpu.memref_slice %arg4[%add3A_124, %dma_wait3A_188, %dma_wait3A_189] : memref<128x27x96xi32, #tpu.memory_space<hbm>> -> memref<1x27x96xi32, #tpu.memory_space<hbm>>
      %dma_wait3A_191 = tpu.memref_squeeze %dma_wait3A_190 : memref<1x27x96xi32, #tpu.memory_space<hbm>> -> memref<27x96xi32, #tpu.memory_space<hbm>>
      %dma_wait3A_192 = arith.constant 0 : i32
      %dma_wait3A_193 = arith.constant 0 : i32
      %dma_wait3A_194 = tpu.memref_slice %arg4[%add3A_124, %dma_wait3A_192, %dma_wait3A_193] : memref<128x27x96xi32, #tpu.memory_space<hbm>> -> memref<1x27x96xi32, #tpu.memory_space<hbm>>
      %dma_wait3A_195 = tpu.memref_squeeze %dma_wait3A_194 : memref<1x27x96xi32, #tpu.memory_space<hbm>> -> memref<27x96xi32, #tpu.memory_space<hbm>>
      tpu.wait_dma2 semaphore(%run_scoped3A : memref<!tpu.dma_semaphore, #tpu.memory_space<semaphore_mem>>) src(%dma_wait3A_195 : memref<27x96xi32, #tpu.memory_space<hbm>>) dst(%arg9 : memref<27x96xi32, #tpu.memory_space<vmem>>)
      tpu.yield
    }) : () -> ()
    %mul3A_127 = arith.constant 2592 : i32
    %mul3A_128 = arith.muli %add3A_124, %mul3A_127 : i32
    "tpu.region"() ({
      %run_scoped3A = tpu.sem_alloc : memref<!tpu.dma_semaphore, #tpu.memory_space<semaphore_mem>>
      %dma_start3A_180 = tpu.memref_slice %arg5[%mul3A_128] : memref<331776xf32, #tpu.memory_space<hbm>> -> memref<2592xf32, #tpu.memory_space<hbm>>
      %dma_start3A_181 = tpu.memref_slice %arg5[%mul3A_128] : memref<331776xf32, #tpu.memory_space<hbm>> -> memref<2592xf32, #tpu.memory_space<hbm>>
      tpu.enqueue_dma source(%dma_start3A_181 : memref<2592xf32, #tpu.memory_space<hbm>>) target(%arg10 : memref<2592xf32, #tpu.memory_space<vmem>>) target_semaphore(%run_scoped3A : memref<!tpu.dma_semaphore, #tpu.memory_space<semaphore_mem>>)
      %dma_wait3A_182 = tpu.memref_slice %arg5[%mul3A_128] : memref<331776xf32, #tpu.memory_space<hbm>> -> memref<2592xf32, #tpu.memory_space<hbm>>
      %dma_wait3A_183 = tpu.memref_slice %arg5[%mul3A_128] : memref<331776xf32, #tpu.memory_space<hbm>> -> memref<2592xf32, #tpu.memory_space<hbm>>
      tpu.wait_dma2 semaphore(%run_scoped3A : memref<!tpu.dma_semaphore, #tpu.memory_space<semaphore_mem>>) src(%dma_wait3A_183 : memref<2592xf32, #tpu.memory_space<hbm>>) dst(%arg10 : memref<2592xf32, #tpu.memory_space<vmem>>)
      tpu.yield
    }) : () -> ()
    %dma_start3A_129 = arith.constant 0 : i32
    %dma_start3A_130 = tpu.memref_slice %arg8[%dma_start3A_129] : memref<2592xi32, #tpu.memory_space<vmem>> -> memref<96xi32, #tpu.memory_space<vmem>>
    %dma_start3A_131 = arith.constant 0 : i32
    %dma_start3A_132 = arith.constant 0 : i32
    %dma_start3A_133 = tpu.memref_slice %arg2[%dma_start3A_131, %dma_start3A_132] : memref<10000x128xf32, #tpu.memory_space<hbm>> -> memref<10000x128xf32, #tpu.memory_space<hbm>>
    tpu.enqueue_indirect_dma source(%dma_start3A_133 : memref<10000x128xf32, #tpu.memory_space<hbm>>) target(%arg11 : memref<96x128xf32, #tpu.memory_space<vmem>>) offsets(%dma_start3A_130 : memref<96xi32, #tpu.memory_space<vmem>>) semaphore(%arg14 : memref<!tpu.dma_semaphore, #tpu.memory_space<semaphore_mem>>)
    %dma_start3A_134 = arith.constant 96 : i32
    %dma_start3A_135 = tpu.memref_slice %arg8[%dma_start3A_134] : memref<2592xi32, #tpu.memory_space<vmem>> -> memref<96xi32, #tpu.memory_space<vmem>>
    %dma_start3A_136 = arith.constant 0 : i32
    %dma_start3A_137 = arith.constant 0 : i32
    %dma_start3A_138 = tpu.memref_slice %arg2[%dma_start3A_136, %dma_start3A_137] : memref<10000x128xf32, #tpu.memory_space<hbm>> -> memref<10000x128xf32, #tpu.memory_space<hbm>>
    tpu.enqueue_indirect_dma source(%dma_start3A_138 : memref<10000x128xf32, #tpu.memory_space<hbm>>) target(%arg12 : memref<96x128xf32, #tpu.memory_space<vmem>>) offsets(%dma_start3A_135 : memref<96xi32, #tpu.memory_space<vmem>>) semaphore(%arg15 : memref<!tpu.dma_semaphore, #tpu.memory_space<semaphore_mem>>)
    %scan3A_139 = arith.constant 0 : i32
    %scan3A_140 = arith.constant 9 : i32
    %scan3A_141 = arith.addi %scan3A_139, %scan3A_140 : i32
    %scan3A_142 = arith.constant 1 : i32
    scf.for %scan3A_180 = %scan3A_139 to %scan3A_141 step %scan3A_142  : i32 {
      %mul3A_181 = arith.constant 1 : i32
      %mul3A_182 = arith.muli %scan3A_180, %mul3A_181 : i32
      %add3A_183 = arith.constant 0 : i32
      %add3A_184 = arith.addi %add3A_183, %mul3A_182 : i32
      %mul3A_185 = arith.constant 3 : i32
      %mul3A_186 = arith.muli %mul3A_185, %add3A_184 : i32
      %add3A_187 = arith.constant 0 : i32
      %add3A_188 = arith.addi %mul3A_186, %add3A_187 : i32
      %ge3A = arith.constant 1 : i32
      %ge3A_189 = arith.cmpi sge, %add3A_184, %ge3A : i32
      %convert_element_type3A = arith.extui %ge3A_189 : i1 to i32
      %cond3A = arith.constant 0 : i32
      %cond3A_190 = arith.cmpi ne, %convert_element_type3A, %cond3A : i32
      scf.if %cond3A_190 {
        %sub3A_283 = arith.constant 1 : i32
        %sub3A_284 = arith.subi %add3A_188, %sub3A_283 : i32
        %dma_wait3A_285 = arith.constant 0 : i32
        %dma_wait3A_286 = tpu.memref_slice %arg9[%sub3A_284, %dma_wait3A_285] : memref<27x96xi32, #tpu.memory_space<vmem>> -> memref<1x96xi32, #tpu.memory_space<vmem>>
        %dma_wait3A_287 = tpu.memref_squeeze %dma_wait3A_286 : memref<1x96xi32, #tpu.memory_space<vmem>> -> memref<96xi32, #tpu.memory_space<vmem>>
        %dma_wait3A_288 = arith.constant 0 : i32
        %dma_wait3A_289 = arith.constant 0 : i32
        %dma_wait3A_290 = tpu.memref_slice %arg7[%dma_wait3A_288, %dma_wait3A_289] : memref<10240x128xf32, #tpu.memory_space<vmem_shared>> -> memref<10240x128xf32, #tpu.memory_space<vmem_shared>>
        tpu.wait_indirect_dma semaphore(%arg19 : memref<!tpu.dma_semaphore, #tpu.memory_space<semaphore_mem>>) src(%arg13 : memref<96x128xf32, #tpu.memory_space<vmem>>) dst(%dma_wait3A_290 : memref<10240x128xf32, #tpu.memory_space<vmem_shared>>)
      } else {
      }
      %add3A_191 = arith.constant 2 : i32
      %add3A_192 = arith.addi %add3A_188, %add3A_191 : i32
      %mul3A_193 = arith.constant 96 : i32
      %mul3A_194 = arith.muli %add3A_192, %mul3A_193 : i32
      %dma_start3A_195 = tpu.memref_slice %arg8[%mul3A_194] : memref<2592xi32, #tpu.memory_space<vmem>> -> memref<96xi32, #tpu.memory_space<vmem>>
      %dma_start3A_196 = arith.constant 0 : i32
      %dma_start3A_197 = arith.constant 0 : i32
      %dma_start3A_198 = tpu.memref_slice %arg2[%dma_start3A_196, %dma_start3A_197] : memref<10000x128xf32, #tpu.memory_space<hbm>> -> memref<10000x128xf32, #tpu.memory_space<hbm>>
      tpu.enqueue_indirect_dma source(%dma_start3A_198 : memref<10000x128xf32, #tpu.memory_space<hbm>>) target(%arg13 : memref<96x128xf32, #tpu.memory_space<vmem>>) offsets(%dma_start3A_195 : memref<96xi32, #tpu.memory_space<vmem>>) semaphore(%arg16 : memref<!tpu.dma_semaphore, #tpu.memory_space<semaphore_mem>>)
      %mul3A_199 = arith.constant 96 : i32
      %mul3A_200 = arith.muli %add3A_188, %mul3A_199 : i32
      %dma_wait3A_201 = tpu.memref_slice %arg8[%mul3A_200] : memref<2592xi32, #tpu.memory_space<vmem>> -> memref<96xi32, #tpu.memory_space<vmem>>
      %dma_wait3A_202 = arith.constant 0 : i32
      %dma_wait3A_203 = arith.constant 0 : i32
      %dma_wait3A_204 = tpu.memref_slice %arg2[%dma_wait3A_202, %dma_wait3A_203] : memref<10000x128xf32, #tpu.memory_space<hbm>> -> memref<10000x128xf32, #tpu.memory_space<hbm>>
      tpu.wait_indirect_dma semaphore(%arg14 : memref<!tpu.dma_semaphore, #tpu.memory_space<semaphore_mem>>) src(%dma_wait3A_204 : memref<10000x128xf32, #tpu.memory_space<hbm>>) dst(%arg11 : memref<96x128xf32, #tpu.memory_space<vmem>>)
      %mul3A_205 = arith.constant 96 : i32
      %mul3A_206 = arith.muli %add3A_188, %mul3A_205 : i32
      %broadcast_in_dim3A = vector.broadcast %mul3A_206 : i32 to vector<16xi32>
      %parallel_loop3A = arith.constant 0 : i32
      %parallel_loop3A_207 = arith.constant 96 : i32
      %parallel_loop3A_208 = arith.constant 1 : i32
      scf.for %parallel_loop3A_283 = %parallel_loop3A to %parallel_loop3A_207 step %parallel_loop3A_208  : i32 {
        %parallel_loop3A_284 = vector.broadcast %parallel_loop3A_283 : i32 to vector<16xi32>
        %parallel_loop3A_285 = arith.addi %broadcast_in_dim3A, %parallel_loop3A_284 : vector<16xi32>
        %parallel_loop3A_286 = tpu.vector_load_idx %arg10[%parallel_loop3A_285] : memref<2592xf32, #tpu.memory_space<vmem>>[vector<16xi32>], vector<16xf32>,
        %parallel_loop3A_287 = arith.index_cast %parallel_loop3A_283 : i32 to index
        %parallel_loop3A_288 = arith.constant 0 : index
        %parallel_loop3A_289 = tpu.vector_load %arg11[%parallel_loop3A_287, %parallel_loop3A_288] {strides = array<i32>} : memref<96x128xf32, #tpu.memory_space<vmem>>, vector<16xf32>,
        %parallel_loop3A_290 = arith.mulf %parallel_loop3A_289, %parallel_loop3A_286 : vector<16xf32>
        %parallel_loop3A_291 = arith.index_cast %parallel_loop3A_283 : i32 to index
        %parallel_loop3A_292 = arith.constant 0 : index
        %parallel_loop3A_293 = tpu.vector_load %arg11[%parallel_loop3A_291, %parallel_loop3A_292] {strides = array<i32>} : memref<96x128xf32, #tpu.memory_space<vmem>>, vector<16xf32>,
        tpu.vector_store %arg11[%parallel_loop3A_291, %parallel_loop3A_292], %parallel_loop3A_290 {strides = array<i32>} : memref<96x128xf32, #tpu.memory_space<vmem>>, vector<16xf32>,
        %parallel_loop3A_294 = arith.index_cast %parallel_loop3A_283 : i32 to index
        %parallel_loop3A_295 = arith.constant 16 : index
        %parallel_loop3A_296 = tpu.vector_load %arg11[%parallel_loop3A_294, %parallel_loop3A_295] {strides = array<i32>} : memref<96x128xf32, #tpu.memory_space<vmem>>, vector<16xf32>,
        %parallel_loop3A_297 = arith.mulf %parallel_loop3A_296, %parallel_loop3A_286 : vector<16xf32>
        %parallel_loop3A_298 = arith.index_cast %parallel_loop3A_283 : i32 to index
        %parallel_loop3A_299 = arith.constant 16 : index
        %parallel_loop3A_300 = tpu.vector_load %arg11[%parallel_loop3A_298, %parallel_loop3A_299] {strides = array<i32>} : memref<96x128xf32, #tpu.memory_space<vmem>>, vector<16xf32>,
        tpu.vector_store %arg11[%parallel_loop3A_298, %parallel_loop3A_299], %parallel_loop3A_297 {strides = array<i32>} : memref<96x128xf32, #tpu.memory_space<vmem>>, vector<16xf32>,
        %parallel_loop3A_301 = arith.index_cast %parallel_loop3A_283 : i32 to index
        %parallel_loop3A_302 = arith.constant 32 : index
        %parallel_loop3A_303 = tpu.vector_load %arg11[%parallel_loop3A_301, %parallel_loop3A_302] {strides = array<i32>} : memref<96x128xf32, #tpu.memory_space<vmem>>, vector<16xf32>,
        %parallel_loop3A_304 = arith.mulf %parallel_loop3A_303, %parallel_loop3A_286 : vector<16xf32>
        %parallel_loop3A_305 = arith.index_cast %parallel_loop3A_283 : i32 to index
        %parallel_loop3A_306 = arith.constant 32 : index
        %parallel_loop3A_307 = tpu.vector_load %arg11[%parallel_loop3A_305, %parallel_loop3A_306] {strides = array<i32>} : memref<96x128xf32, #tpu.memory_space<vmem>>, vector<16xf32>,
        tpu.vector_store %arg11[%parallel_loop3A_305, %parallel_loop3A_306], %parallel_loop3A_304 {strides = array<i32>} : memref<96x128xf32, #tpu.memory_space<vmem>>, vector<16xf32>,
        %parallel_loop3A_308 = arith.index_cast %parallel_loop3A_283 : i32 to index
        %parallel_loop3A_309 = arith.constant 48 : index
        %parallel_loop3A_310 = tpu.vector_load %arg11[%parallel_loop3A_308, %parallel_loop3A_309] {strides = array<i32>} : memref<96x128xf32, #tpu.memory_space<vmem>>, vector<16xf32>,
        %parallel_loop3A_311 = arith.mulf %parallel_loop3A_310, %parallel_loop3A_286 : vector<16xf32>
        %parallel_loop3A_312 = arith.index_cast %parallel_loop3A_283 : i32 to index
        %parallel_loop3A_313 = arith.constant 48 : index
        %parallel_loop3A_314 = tpu.vector_load %arg11[%parallel_loop3A_312, %parallel_loop3A_313] {strides = array<i32>} : memref<96x128xf32, #tpu.memory_space<vmem>>, vector<16xf32>,
        tpu.vector_store %arg11[%parallel_loop3A_312, %parallel_loop3A_313], %parallel_loop3A_311 {strides = array<i32>} : memref<96x128xf32, #tpu.memory_space<vmem>>, vector<16xf32>,
        %parallel_loop3A_315 = arith.index_cast %parallel_loop3A_283 : i32 to index
        %parallel_loop3A_316 = arith.constant 64 : index
        %parallel_loop3A_317 = tpu.vector_load %arg11[%parallel_loop3A_315, %parallel_loop3A_316] {strides = array<i32>} : memref<96x128xf32, #tpu.memory_space<vmem>>, vector<16xf32>,
        %parallel_loop3A_318 = arith.mulf %parallel_loop3A_317, %parallel_loop3A_286 : vector<16xf32>
        %parallel_loop3A_319 = arith.index_cast %parallel_loop3A_283 : i32 to index
        %parallel_loop3A_320 = arith.constant 64 : index
        %parallel_loop3A_321 = tpu.vector_load %arg11[%parallel_loop3A_319, %parallel_loop3A_320] {strides = array<i32>} : memref<96x128xf32, #tpu.memory_space<vmem>>, vector<16xf32>,
        tpu.vector_store %arg11[%parallel_loop3A_319, %parallel_loop3A_320], %parallel_loop3A_318 {strides = array<i32>} : memref<96x128xf32, #tpu.memory_space<vmem>>, vector<16xf32>,
        %parallel_loop3A_322 = arith.index_cast %parallel_loop3A_283 : i32 to index
        %parallel_loop3A_323 = arith.constant 80 : index
        %parallel_loop3A_324 = tpu.vector_load %arg11[%parallel_loop3A_322, %parallel_loop3A_323] {strides = array<i32>} : memref<96x128xf32, #tpu.memory_space<vmem>>, vector<16xf32>,
        %parallel_loop3A_325 = arith.mulf %parallel_loop3A_324, %parallel_loop3A_286 : vector<16xf32>
        %parallel_loop3A_326 = arith.index_cast %parallel_loop3A_283 : i32 to index
        %parallel_loop3A_327 = arith.constant 80 : index
        %parallel_loop3A_328 = tpu.vector_load %arg11[%parallel_loop3A_326, %parallel_loop3A_327] {strides = array<i32>} : memref<96x128xf32, #tpu.memory_space<vmem>>, vector<16xf32>,
        tpu.vector_store %arg11[%parallel_loop3A_326, %parallel_loop3A_327], %parallel_loop3A_325 {strides = array<i32>} : memref<96x128xf32, #tpu.memory_space<vmem>>, vector<16xf32>,
        %parallel_loop3A_329 = arith.index_cast %parallel_loop3A_283 : i32 to index
        %parallel_loop3A_330 = arith.constant 96 : index
        %parallel_loop3A_331 = tpu.vector_load %arg11[%parallel_loop3A_329, %parallel_loop3A_330] {strides = array<i32>} : memref<96x128xf32, #tpu.memory_space<vmem>>, vector<16xf32>,
        %parallel_loop3A_332 = arith.mulf %parallel_loop3A_331, %parallel_loop3A_286 : vector<16xf32>
        %parallel_loop3A_333 = arith.index_cast %parallel_loop3A_283 : i32 to index
        %parallel_loop3A_334 = arith.constant 96 : index
        %parallel_loop3A_335 = tpu.vector_load %arg11[%parallel_loop3A_333, %parallel_loop3A_334] {strides = array<i32>} : memref<96x128xf32, #tpu.memory_space<vmem>>, vector<16xf32>,
        tpu.vector_store %arg11[%parallel_loop3A_333, %parallel_loop3A_334], %parallel_loop3A_332 {strides = array<i32>} : memref<96x128xf32, #tpu.memory_space<vmem>>, vector<16xf32>,
        %parallel_loop3A_336 = arith.index_cast %parallel_loop3A_283 : i32 to index
        %parallel_loop3A_337 = arith.constant 112 : index
        %parallel_loop3A_338 = tpu.vector_load %arg11[%parallel_loop3A_336, %parallel_loop3A_337] {strides = array<i32>} : memref<96x128xf32, #tpu.memory_space<vmem>>, vector<16xf32>,
        %parallel_loop3A_339 = arith.mulf %parallel_loop3A_338, %parallel_loop3A_286 : vector<16xf32>
        %parallel_loop3A_340 = arith.index_cast %parallel_loop3A_283 : i32 to index
        %parallel_loop3A_341 = arith.constant 112 : index
        %parallel_loop3A_342 = tpu.vector_load %arg11[%parallel_loop3A_340, %parallel_loop3A_341] {strides = array<i32>} : memref<96x128xf32, #tpu.memory_space<vmem>>, vector<16xf32>,
        tpu.vector_store %arg11[%parallel_loop3A_340, %parallel_loop3A_341], %parallel_loop3A_339 {strides = array<i32>} : memref<96x128xf32, #tpu.memory_space<vmem>>, vector<16xf32>,
      } {sc.loop_unroll_factor = 4 : i64, sc.parallel_access}
      %dma_start3A_209 = arith.constant 0 : i32
      %dma_start3A_210 = tpu.memref_slice %arg9[%add3A_188, %dma_start3A_209] : memref<27x96xi32, #tpu.memory_space<vmem>> -> memref<1x96xi32, #tpu.memory_space<vmem>>
      %dma_start3A_211 = tpu.memref_squeeze %dma_start3A_210 : memref<1x96xi32, #tpu.memory_space<vmem>> -> memref<96xi32, #tpu.memory_space<vmem>>
      %dma_start3A_212 = arith.constant 0 : i32
      %dma_start3A_213 = arith.constant 0 : i32
      %dma_start3A_214 = tpu.memref_slice %arg7[%dma_start3A_212, %dma_start3A_213] : memref<10240x128xf32, #tpu.memory_space<vmem_shared>> -> memref<10240x128xf32, #tpu.memory_space<vmem_shared>>
      tpu.enqueue_indirect_dma source(%arg11 : memref<96x128xf32, #tpu.memory_space<vmem>>) target(%dma_start3A_214 : memref<10240x128xf32, #tpu.memory_space<vmem_shared>>) offsets(%dma_start3A_211 : memref<96xi32, #tpu.memory_space<vmem>>) semaphore(%arg17 : memref<!tpu.dma_semaphore, #tpu.memory_space<semaphore_mem>>) {add = true}
      %mul3A_215 = arith.constant 3 : i32
      %mul3A_216 = arith.muli %mul3A_215, %add3A_184 : i32
      %add3A_217 = arith.constant 1 : i32
      %add3A_218 = arith.addi %mul3A_216, %add3A_217 : i32
      %sub3A = arith.constant 1 : i32
      %sub3A_219 = arith.subi %add3A_218, %sub3A : i32
      %dma_wait3A_220 = arith.constant 0 : i32
      %dma_wait3A_221 = tpu.memref_slice %arg9[%sub3A_219, %dma_wait3A_220] : memref<27x96xi32, #tpu.memory_space<vmem>> -> memref<1x96xi32, #tpu.memory_space<vmem>>
      %dma_wait3A_222 = tpu.memref_squeeze %dma_wait3A_221 : memref<1x96xi32, #tpu.memory_space<vmem>> -> memref<96xi32, #tpu.memory_space<vmem>>
      %dma_wait3A_223 = arith.constant 0 : i32
      %dma_wait3A_224 = arith.constant 0 : i32
      %dma_wait3A_225 = tpu.memref_slice %arg7[%dma_wait3A_223, %dma_wait3A_224] : memref<10240x128xf32, #tpu.memory_space<vmem_shared>> -> memref<10240x128xf32, #tpu.memory_space<vmem_shared>>
      tpu.wait_indirect_dma semaphore(%arg17 : memref<!tpu.dma_semaphore, #tpu.memory_space<semaphore_mem>>) src(%arg11 : memref<96x128xf32, #tpu.memory_space<vmem>>) dst(%dma_wait3A_225 : memref<10240x128xf32, #tpu.memory_space<vmem_shared>>)
      %lt3A = arith.constant 8 : i32
      %lt3A_226 = arith.cmpi slt, %add3A_184, %lt3A : i32
      %convert_element_type3A_227 = arith.extui %lt3A_226 : i1 to i32
      %cond3A_228 = arith.constant 0 : i32
      %cond3A_229 = arith.cmpi ne, %convert_element_type3A_227, %cond3A_228 : i32
      scf.if %cond3A_229 {
        %add3A_283 = arith.constant 2 : i32
        %add3A_284 = arith.addi %add3A_218, %add3A_283 : i32
        %mul3A_285 = arith.constant 96 : i32
        %mul3A_286 = arith.muli %add3A_284, %mul3A_285 : i32
        %dma_start3A_287 = tpu.memref_slice %arg8[%mul3A_286] : memref<2592xi32, #tpu.memory_space<vmem>> -> memref<96xi32, #tpu.memory_space<vmem>>
        %dma_start3A_288 = arith.constant 0 : i32
        %dma_start3A_289 = arith.constant 0 : i32
        %dma_start3A_290 = tpu.memref_slice %arg2[%dma_start3A_288, %dma_start3A_289] : memref<10000x128xf32, #tpu.memory_space<hbm>> -> memref<10000x128xf32, #tpu.memory_space<hbm>>
        tpu.enqueue_indirect_dma source(%dma_start3A_290 : memref<10000x128xf32, #tpu.memory_space<hbm>>) target(%arg11 : memref<96x128xf32, #tpu.memory_space<vmem>>) offsets(%dma_start3A_287 : memref<96xi32, #tpu.memory_space<vmem>>) semaphore(%arg14 : memref<!tpu.dma_semaphore, #tpu.memory_space<semaphore_mem>>)
      } else {
      }
      %mul3A_230 = arith.constant 96 : i32
      %mul3A_231 = arith.muli %add3A_218, %mul3A_230 : i32
      %dma_wait3A_232 = tpu.memref_slice %arg8[%mul3A_231] : memref<2592xi32, #tpu.memory_space<vmem>> -> memref<96xi32, #tpu.memory_space<vmem>>
      %dma_wait3A_233 = arith.constant 0 : i32
      %dma_wait3A_234 = arith.constant 0 : i32
      %dma_wait3A_235 = tpu.memref_slice %arg2[%dma_wait3A_233, %dma_wait3A_234] : memref<10000x128xf32, #tpu.memory_space<hbm>> -> memref<10000x128xf32, #tpu.memory_space<hbm>>
      tpu.wait_indirect_dma semaphore(%arg15 : memref<!tpu.dma_semaphore, #tpu.memory_space<semaphore_mem>>) src(%dma_wait3A_235 : memref<10000x128xf32, #tpu.memory_space<hbm>>) dst(%arg12 : memref<96x128xf32, #tpu.memory_space<vmem>>)
      %mul3A_236 = arith.constant 96 : i32
      %mul3A_237 = arith.muli %add3A_218, %mul3A_236 : i32
      %broadcast_in_dim3A_238 = vector.broadcast %mul3A_237 : i32 to vector<16xi32>
      %parallel_loop3A_239 = arith.constant 0 : i32
      %parallel_loop3A_240 = arith.constant 96 : i32
      %parallel_loop3A_241 = arith.constant 1 : i32
      scf.for %parallel_loop3A_283 = %parallel_loop3A_239 to %parallel_loop3A_240 step %parallel_loop3A_241  : i32 {
        %parallel_loop3A_284 = vector.broadcast %parallel_loop3A_283 : i32 to vector<16xi32>
        %parallel_loop3A_285 = arith.addi %broadcast_in_dim3A_238, %parallel_loop3A_284 : vector<16xi32>
        %parallel_loop3A_286 = tpu.vector_load_idx %arg10[%parallel_loop3A_285] : memref<2592xf32, #tpu.memory_space<vmem>>[vector<16xi32>], vector<16xf32>,
        %parallel_loop3A_287 = arith.index_cast %parallel_loop3A_283 : i32 to index
        %parallel_loop3A_288 = arith.constant 0 : index
        %parallel_loop3A_289 = tpu.vector_load %arg12[%parallel_loop3A_287, %parallel_loop3A_288] {strides = array<i32>} : memref<96x128xf32, #tpu.memory_space<vmem>>, vector<16xf32>,
        %parallel_loop3A_290 = arith.mulf %parallel_loop3A_289, %parallel_loop3A_286 : vector<16xf32>
        %parallel_loop3A_291 = arith.index_cast %parallel_loop3A_283 : i32 to index
        %parallel_loop3A_292 = arith.constant 0 : index
        %parallel_loop3A_293 = tpu.vector_load %arg12[%parallel_loop3A_291, %parallel_loop3A_292] {strides = array<i32>} : memref<96x128xf32, #tpu.memory_space<vmem>>, vector<16xf32>,
        tpu.vector_store %arg12[%parallel_loop3A_291, %parallel_loop3A_292], %parallel_loop3A_290 {strides = array<i32>} : memref<96x128xf32, #tpu.memory_space<vmem>>, vector<16xf32>,
        %parallel_loop3A_294 = arith.index_cast %parallel_loop3A_283 : i32 to index
        %parallel_loop3A_295 = arith.constant 16 : index
        %parallel_loop3A_296 = tpu.vector_load %arg12[%parallel_loop3A_294, %parallel_loop3A_295] {strides = array<i32>} : memref<96x128xf32, #tpu.memory_space<vmem>>, vector<16xf32>,
        %parallel_loop3A_297 = arith.mulf %parallel_loop3A_296, %parallel_loop3A_286 : vector<16xf32>
        %parallel_loop3A_298 = arith.index_cast %parallel_loop3A_283 : i32 to index
        %parallel_loop3A_299 = arith.constant 16 : index
        %parallel_loop3A_300 = tpu.vector_load %arg12[%parallel_loop3A_298, %parallel_loop3A_299] {strides = array<i32>} : memref<96x128xf32, #tpu.memory_space<vmem>>, vector<16xf32>,
        tpu.vector_store %arg12[%parallel_loop3A_298, %parallel_loop3A_299], %parallel_loop3A_297 {strides = array<i32>} : memref<96x128xf32, #tpu.memory_space<vmem>>, vector<16xf32>,
        %parallel_loop3A_301 = arith.index_cast %parallel_loop3A_283 : i32 to index
        %parallel_loop3A_302 = arith.constant 32 : index
        %parallel_loop3A_303 = tpu.vector_load %arg12[%parallel_loop3A_301, %parallel_loop3A_302] {strides = array<i32>} : memref<96x128xf32, #tpu.memory_space<vmem>>, vector<16xf32>,
        %parallel_loop3A_304 = arith.mulf %parallel_loop3A_303, %parallel_loop3A_286 : vector<16xf32>
        %parallel_loop3A_305 = arith.index_cast %parallel_loop3A_283 : i32 to index
        %parallel_loop3A_306 = arith.constant 32 : index
        %parallel_loop3A_307 = tpu.vector_load %arg12[%parallel_loop3A_305, %parallel_loop3A_306] {strides = array<i32>} : memref<96x128xf32, #tpu.memory_space<vmem>>, vector<16xf32>,
        tpu.vector_store %arg12[%parallel_loop3A_305, %parallel_loop3A_306], %parallel_loop3A_304 {strides = array<i32>} : memref<96x128xf32, #tpu.memory_space<vmem>>, vector<16xf32>,
        %parallel_loop3A_308 = arith.index_cast %parallel_loop3A_283 : i32 to index
        %parallel_loop3A_309 = arith.constant 48 : index
        %parallel_loop3A_310 = tpu.vector_load %arg12[%parallel_loop3A_308, %parallel_loop3A_309] {strides = array<i32>} : memref<96x128xf32, #tpu.memory_space<vmem>>, vector<16xf32>,
        %parallel_loop3A_311 = arith.mulf %parallel_loop3A_310, %parallel_loop3A_286 : vector<16xf32>
        %parallel_loop3A_312 = arith.index_cast %parallel_loop3A_283 : i32 to index
        %parallel_loop3A_313 = arith.constant 48 : index
        %parallel_loop3A_314 = tpu.vector_load %arg12[%parallel_loop3A_312, %parallel_loop3A_313] {strides = array<i32>} : memref<96x128xf32, #tpu.memory_space<vmem>>, vector<16xf32>,
        tpu.vector_store %arg12[%parallel_loop3A_312, %parallel_loop3A_313], %parallel_loop3A_311 {strides = array<i32>} : memref<96x128xf32, #tpu.memory_space<vmem>>, vector<16xf32>,
        %parallel_loop3A_315 = arith.index_cast %parallel_loop3A_283 : i32 to index
        %parallel_loop3A_316 = arith.constant 64 : index
        %parallel_loop3A_317 = tpu.vector_load %arg12[%parallel_loop3A_315, %parallel_loop3A_316] {strides = array<i32>} : memref<96x128xf32, #tpu.memory_space<vmem>>, vector<16xf32>,
        %parallel_loop3A_318 = arith.mulf %parallel_loop3A_317, %parallel_loop3A_286 : vector<16xf32>
        %parallel_loop3A_319 = arith.index_cast %parallel_loop3A_283 : i32 to index
        %parallel_loop3A_320 = arith.constant 64 : index
        %parallel_loop3A_321 = tpu.vector_load %arg12[%parallel_loop3A_319, %parallel_loop3A_320] {strides = array<i32>} : memref<96x128xf32, #tpu.memory_space<vmem>>, vector<16xf32>,
        tpu.vector_store %arg12[%parallel_loop3A_319, %parallel_loop3A_320], %parallel_loop3A_318 {strides = array<i32>} : memref<96x128xf32, #tpu.memory_space<vmem>>, vector<16xf32>,
        %parallel_loop3A_322 = arith.index_cast %parallel_loop3A_283 : i32 to index
        %parallel_loop3A_323 = arith.constant 80 : index
        %parallel_loop3A_324 = tpu.vector_load %arg12[%parallel_loop3A_322, %parallel_loop3A_323] {strides = array<i32>} : memref<96x128xf32, #tpu.memory_space<vmem>>, vector<16xf32>,
        %parallel_loop3A_325 = arith.mulf %parallel_loop3A_324, %parallel_loop3A_286 : vector<16xf32>
        %parallel_loop3A_326 = arith.index_cast %parallel_loop3A_283 : i32 to index
        %parallel_loop3A_327 = arith.constant 80 : index
        %parallel_loop3A_328 = tpu.vector_load %arg12[%parallel_loop3A_326, %parallel_loop3A_327] {strides = array<i32>} : memref<96x128xf32, #tpu.memory_space<vmem>>, vector<16xf32>,
        tpu.vector_store %arg12[%parallel_loop3A_326, %parallel_loop3A_327], %parallel_loop3A_325 {strides = array<i32>} : memref<96x128xf32, #tpu.memory_space<vmem>>, vector<16xf32>,
        %parallel_loop3A_329 = arith.index_cast %parallel_loop3A_283 : i32 to index
        %parallel_loop3A_330 = arith.constant 96 : index
        %parallel_loop3A_331 = tpu.vector_load %arg12[%parallel_loop3A_329, %parallel_loop3A_330] {strides = array<i32>} : memref<96x128xf32, #tpu.memory_space<vmem>>, vector<16xf32>,
        %parallel_loop3A_332 = arith.mulf %parallel_loop3A_331, %parallel_loop3A_286 : vector<16xf32>
        %parallel_loop3A_333 = arith.index_cast %parallel_loop3A_283 : i32 to index
        %parallel_loop3A_334 = arith.constant 96 : index
        %parallel_loop3A_335 = tpu.vector_load %arg12[%parallel_loop3A_333, %parallel_loop3A_334] {strides = array<i32>} : memref<96x128xf32, #tpu.memory_space<vmem>>, vector<16xf32>,
        tpu.vector_store %arg12[%parallel_loop3A_333, %parallel_loop3A_334], %parallel_loop3A_332 {strides = array<i32>} : memref<96x128xf32, #tpu.memory_space<vmem>>, vector<16xf32>,
        %parallel_loop3A_336 = arith.index_cast %parallel_loop3A_283 : i32 to index
        %parallel_loop3A_337 = arith.constant 112 : index
        %parallel_loop3A_338 = tpu.vector_load %arg12[%parallel_loop3A_336, %parallel_loop3A_337] {strides = array<i32>} : memref<96x128xf32, #tpu.memory_space<vmem>>, vector<16xf32>,
        %parallel_loop3A_339 = arith.mulf %parallel_loop3A_338, %parallel_loop3A_286 : vector<16xf32>
        %parallel_loop3A_340 = arith.index_cast %parallel_loop3A_283 : i32 to index
        %parallel_loop3A_341 = arith.constant 112 : index
        %parallel_loop3A_342 = tpu.vector_load %arg12[%parallel_loop3A_340, %parallel_loop3A_341] {strides = array<i32>} : memref<96x128xf32, #tpu.memory_space<vmem>>, vector<16xf32>,
        tpu.vector_store %arg12[%parallel_loop3A_340, %parallel_loop3A_341], %parallel_loop3A_339 {strides = array<i32>} : memref<96x128xf32, #tpu.memory_space<vmem>>, vector<16xf32>,
      } {sc.loop_unroll_factor = 4 : i64, sc.parallel_access}
      %dma_start3A_242 = arith.constant 0 : i32
      %dma_start3A_243 = tpu.memref_slice %arg9[%add3A_218, %dma_start3A_242] : memref<27x96xi32, #tpu.memory_space<vmem>> -> memref<1x96xi32, #tpu.memory_space<vmem>>
      %dma_start3A_244 = tpu.memref_squeeze %dma_start3A_243 : memref<1x96xi32, #tpu.memory_space<vmem>> -> memref<96xi32, #tpu.memory_space<vmem>>
      %dma_start3A_245 = arith.constant 0 : i32
      %dma_start3A_246 = arith.constant 0 : i32
      %dma_start3A_247 = tpu.memref_slice %arg7[%dma_start3A_245, %dma_start3A_246] : memref<10240x128xf32, #tpu.memory_space<vmem_shared>> -> memref<10240x128xf32, #tpu.memory_space<vmem_shared>>
      tpu.enqueue_indirect_dma source(%arg12 : memref<96x128xf32, #tpu.memory_space<vmem>>) target(%dma_start3A_247 : memref<10240x128xf32, #tpu.memory_space<vmem_shared>>) offsets(%dma_start3A_244 : memref<96xi32, #tpu.memory_space<vmem>>) semaphore(%arg18 : memref<!tpu.dma_semaphore, #tpu.memory_space<semaphore_mem>>) {add = true}
      %mul3A_248 = arith.constant 3 : i32
      %mul3A_249 = arith.muli %mul3A_248, %add3A_184 : i32
      %add3A_250 = arith.constant 2 : i32
      %add3A_251 = arith.addi %mul3A_249, %add3A_250 : i32
      %sub3A_252 = arith.constant 1 : i32
      %sub3A_253 = arith.subi %add3A_251, %sub3A_252 : i32
      %dma_wait3A_254 = arith.constant 0 : i32
      %dma_wait3A_255 = tpu.memref_slice %arg9[%sub3A_253, %dma_wait3A_254] : memref<27x96xi32, #tpu.memory_space<vmem>> -> memref<1x96xi32, #tpu.memory_space<vmem>>
      %dma_wait3A_256 = tpu.memref_squeeze %dma_wait3A_255 : memref<1x96xi32, #tpu.memory_space<vmem>> -> memref<96xi32, #tpu.memory_space<vmem>>
      %dma_wait3A_257 = arith.constant 0 : i32
      %dma_wait3A_258 = arith.constant 0 : i32
      %dma_wait3A_259 = tpu.memref_slice %arg7[%dma_wait3A_257, %dma_wait3A_258] : memref<10240x128xf32, #tpu.memory_space<vmem_shared>> -> memref<10240x128xf32, #tpu.memory_space<vmem_shared>>
      tpu.wait_indirect_dma semaphore(%arg18 : memref<!tpu.dma_semaphore, #tpu.memory_space<semaphore_mem>>) src(%arg12 : memref<96x128xf32, #tpu.memory_space<vmem>>) dst(%dma_wait3A_259 : memref<10240x128xf32, #tpu.memory_space<vmem_shared>>)
      %lt3A_260 = arith.constant 8 : i32
      %lt3A_261 = arith.cmpi slt, %add3A_184, %lt3A_260 : i32
      %convert_element_type3A_262 = arith.extui %lt3A_261 : i1 to i32
      %cond3A_263 = arith.constant 0 : i32
      %cond3A_264 = arith.cmpi ne, %convert_element_type3A_262, %cond3A_263 : i32
      scf.if %cond3A_264 {
        %add3A_283 = arith.constant 2 : i32
        %add3A_284 = arith.addi %add3A_251, %add3A_283 : i32
        %mul3A_285 = arith.constant 96 : i32
        %mul3A_286 = arith.muli %add3A_284, %mul3A_285 : i32
        %dma_start3A_287 = tpu.memref_slice %arg8[%mul3A_286] : memref<2592xi32, #tpu.memory_space<vmem>> -> memref<96xi32, #tpu.memory_space<vmem>>
        %dma_start3A_288 = arith.constant 0 : i32
        %dma_start3A_289 = arith.constant 0 : i32
        %dma_start3A_290 = tpu.memref_slice %arg2[%dma_start3A_288, %dma_start3A_289] : memref<10000x128xf32, #tpu.memory_space<hbm>> -> memref<10000x128xf32, #tpu.memory_space<hbm>>
        tpu.enqueue_indirect_dma source(%dma_start3A_290 : memref<10000x128xf32, #tpu.memory_space<hbm>>) target(%arg12 : memref<96x128xf32, #tpu.memory_space<vmem>>) offsets(%dma_start3A_287 : memref<96xi32, #tpu.memory_space<vmem>>) semaphore(%arg15 : memref<!tpu.dma_semaphore, #tpu.memory_space<semaphore_mem>>)
      } else {
      }
      %mul3A_265 = arith.constant 96 : i32
      %mul3A_266 = arith.muli %add3A_251, %mul3A_265 : i32
      %dma_wait3A_267 = tpu.memref_slice %arg8[%mul3A_266] : memref<2592xi32, #tpu.memory_space<vmem>> -> memref<96xi32, #tpu.memory_space<vmem>>
      %dma_wait3A_268 = arith.constant 0 : i32
      %dma_wait3A_269 = arith.constant 0 : i32
      %dma_wait3A_270 = tpu.memref_slice %arg2[%dma_wait3A_268, %dma_wait3A_269] : memref<10000x128xf32, #tpu.memory_space<hbm>> -> memref<10000x128xf32, #tpu.memory_space<hbm>>
      tpu.wait_indirect_dma semaphore(%arg16 : memref<!tpu.dma_semaphore, #tpu.memory_space<semaphore_mem>>) src(%dma_wait3A_270 : memref<10000x128xf32, #tpu.memory_space<hbm>>) dst(%arg13 : memref<96x128xf32, #tpu.memory_space<vmem>>)
      %mul3A_271 = arith.constant 96 : i32
      %mul3A_272 = arith.muli %add3A_251, %mul3A_271 : i32
      %broadcast_in_dim3A_273 = vector.broadcast %mul3A_272 : i32 to vector<16xi32>
      %parallel_loop3A_274 = arith.constant 0 : i32
      %parallel_loop3A_275 = arith.constant 96 : i32
      %parallel_loop3A_276 = arith.constant 1 : i32
      scf.for %parallel_loop3A_283 = %parallel_loop3A_274 to %parallel_loop3A_275 step %parallel_loop3A_276  : i32 {
        %parallel_loop3A_284 = vector.broadcast %parallel_loop3A_283 : i32 to vector<16xi32>
        %parallel_loop3A_285 = arith.addi %broadcast_in_dim3A_273, %parallel_loop3A_284 : vector<16xi32>
        %parallel_loop3A_286 = tpu.vector_load_idx %arg10[%parallel_loop3A_285] : memref<2592xf32, #tpu.memory_space<vmem>>[vector<16xi32>], vector<16xf32>,
        %parallel_loop3A_287 = arith.index_cast %parallel_loop3A_283 : i32 to index
        %parallel_loop3A_288 = arith.constant 0 : index
        %parallel_loop3A_289 = tpu.vector_load %arg13[%parallel_loop3A_287, %parallel_loop3A_288] {strides = array<i32>} : memref<96x128xf32, #tpu.memory_space<vmem>>, vector<16xf32>,
        %parallel_loop3A_290 = arith.mulf %parallel_loop3A_289, %parallel_loop3A_286 : vector<16xf32>
        %parallel_loop3A_291 = arith.index_cast %parallel_loop3A_283 : i32 to index
        %parallel_loop3A_292 = arith.constant 0 : index
        %parallel_loop3A_293 = tpu.vector_load %arg13[%parallel_loop3A_291, %parallel_loop3A_292] {strides = array<i32>} : memref<96x128xf32, #tpu.memory_space<vmem>>, vector<16xf32>,
        tpu.vector_store %arg13[%parallel_loop3A_291, %parallel_loop3A_292], %parallel_loop3A_290 {strides = array<i32>} : memref<96x128xf32, #tpu.memory_space<vmem>>, vector<16xf32>,
        %parallel_loop3A_294 = arith.index_cast %parallel_loop3A_283 : i32 to index
        %parallel_loop3A_295 = arith.constant 16 : index
        %parallel_loop3A_296 = tpu.vector_load %arg13[%parallel_loop3A_294, %parallel_loop3A_295] {strides = array<i32>} : memref<96x128xf32, #tpu.memory_space<vmem>>, vector<16xf32>,
        %parallel_loop3A_297 = arith.mulf %parallel_loop3A_296, %parallel_loop3A_286 : vector<16xf32>
        %parallel_loop3A_298 = arith.index_cast %parallel_loop3A_283 : i32 to index
        %parallel_loop3A_299 = arith.constant 16 : index
        %parallel_loop3A_300 = tpu.vector_load %arg13[%parallel_loop3A_298, %parallel_loop3A_299] {strides = array<i32>} : memref<96x128xf32, #tpu.memory_space<vmem>>, vector<16xf32>,
        tpu.vector_store %arg13[%parallel_loop3A_298, %parallel_loop3A_299], %parallel_loop3A_297 {strides = array<i32>} : memref<96x128xf32, #tpu.memory_space<vmem>>, vector<16xf32>,
        %parallel_loop3A_301 = arith.index_cast %parallel_loop3A_283 : i32 to index
        %parallel_loop3A_302 = arith.constant 32 : index
        %parallel_loop3A_303 = tpu.vector_load %arg13[%parallel_loop3A_301, %parallel_loop3A_302] {strides = array<i32>} : memref<96x128xf32, #tpu.memory_space<vmem>>, vector<16xf32>,
        %parallel_loop3A_304 = arith.mulf %parallel_loop3A_303, %parallel_loop3A_286 : vector<16xf32>
        %parallel_loop3A_305 = arith.index_cast %parallel_loop3A_283 : i32 to index
        %parallel_loop3A_306 = arith.constant 32 : index
        %parallel_loop3A_307 = tpu.vector_load %arg13[%parallel_loop3A_305, %parallel_loop3A_306] {strides = array<i32>} : memref<96x128xf32, #tpu.memory_space<vmem>>, vector<16xf32>,
        tpu.vector_store %arg13[%parallel_loop3A_305, %parallel_loop3A_306], %parallel_loop3A_304 {strides = array<i32>} : memref<96x128xf32, #tpu.memory_space<vmem>>, vector<16xf32>,
        %parallel_loop3A_308 = arith.index_cast %parallel_loop3A_283 : i32 to index
        %parallel_loop3A_309 = arith.constant 48 : index
        %parallel_loop3A_310 = tpu.vector_load %arg13[%parallel_loop3A_308, %parallel_loop3A_309] {strides = array<i32>} : memref<96x128xf32, #tpu.memory_space<vmem>>, vector<16xf32>,
        %parallel_loop3A_311 = arith.mulf %parallel_loop3A_310, %parallel_loop3A_286 : vector<16xf32>
        %parallel_loop3A_312 = arith.index_cast %parallel_loop3A_283 : i32 to index
        %parallel_loop3A_313 = arith.constant 48 : index
        %parallel_loop3A_314 = tpu.vector_load %arg13[%parallel_loop3A_312, %parallel_loop3A_313] {strides = array<i32>} : memref<96x128xf32, #tpu.memory_space<vmem>>, vector<16xf32>,
        tpu.vector_store %arg13[%parallel_loop3A_312, %parallel_loop3A_313], %parallel_loop3A_311 {strides = array<i32>} : memref<96x128xf32, #tpu.memory_space<vmem>>, vector<16xf32>,
        %parallel_loop3A_315 = arith.index_cast %parallel_loop3A_283 : i32 to index
        %parallel_loop3A_316 = arith.constant 64 : index
        %parallel_loop3A_317 = tpu.vector_load %arg13[%parallel_loop3A_315, %parallel_loop3A_316] {strides = array<i32>} : memref<96x128xf32, #tpu.memory_space<vmem>>, vector<16xf32>,
        %parallel_loop3A_318 = arith.mulf %parallel_loop3A_317, %parallel_loop3A_286 : vector<16xf32>
        %parallel_loop3A_319 = arith.index_cast %parallel_loop3A_283 : i32 to index
        %parallel_loop3A_320 = arith.constant 64 : index
        %parallel_loop3A_321 = tpu.vector_load %arg13[%parallel_loop3A_319, %parallel_loop3A_320] {strides = array<i32>} : memref<96x128xf32, #tpu.memory_space<vmem>>, vector<16xf32>,
        tpu.vector_store %arg13[%parallel_loop3A_319, %parallel_loop3A_320], %parallel_loop3A_318 {strides = array<i32>} : memref<96x128xf32, #tpu.memory_space<vmem>>, vector<16xf32>,
        %parallel_loop3A_322 = arith.index_cast %parallel_loop3A_283 : i32 to index
        %parallel_loop3A_323 = arith.constant 80 : index
        %parallel_loop3A_324 = tpu.vector_load %arg13[%parallel_loop3A_322, %parallel_loop3A_323] {strides = array<i32>} : memref<96x128xf32, #tpu.memory_space<vmem>>, vector<16xf32>,
        %parallel_loop3A_325 = arith.mulf %parallel_loop3A_324, %parallel_loop3A_286 : vector<16xf32>
        %parallel_loop3A_326 = arith.index_cast %parallel_loop3A_283 : i32 to index
        %parallel_loop3A_327 = arith.constant 80 : index
        %parallel_loop3A_328 = tpu.vector_load %arg13[%parallel_loop3A_326, %parallel_loop3A_327] {strides = array<i32>} : memref<96x128xf32, #tpu.memory_space<vmem>>, vector<16xf32>,
        tpu.vector_store %arg13[%parallel_loop3A_326, %parallel_loop3A_327], %parallel_loop3A_325 {strides = array<i32>} : memref<96x128xf32, #tpu.memory_space<vmem>>, vector<16xf32>,
        %parallel_loop3A_329 = arith.index_cast %parallel_loop3A_283 : i32 to index
        %parallel_loop3A_330 = arith.constant 96 : index
        %parallel_loop3A_331 = tpu.vector_load %arg13[%parallel_loop3A_329, %parallel_loop3A_330] {strides = array<i32>} : memref<96x128xf32, #tpu.memory_space<vmem>>, vector<16xf32>,
        %parallel_loop3A_332 = arith.mulf %parallel_loop3A_331, %parallel_loop3A_286 : vector<16xf32>
        %parallel_loop3A_333 = arith.index_cast %parallel_loop3A_283 : i32 to index
        %parallel_loop3A_334 = arith.constant 96 : index
        %parallel_loop3A_335 = tpu.vector_load %arg13[%parallel_loop3A_333, %parallel_loop3A_334] {strides = array<i32>} : memref<96x128xf32, #tpu.memory_space<vmem>>, vector<16xf32>,
        tpu.vector_store %arg13[%parallel_loop3A_333, %parallel_loop3A_334], %parallel_loop3A_332 {strides = array<i32>} : memref<96x128xf32, #tpu.memory_space<vmem>>, vector<16xf32>,
        %parallel_loop3A_336 = arith.index_cast %parallel_loop3A_283 : i32 to index
        %parallel_loop3A_337 = arith.constant 112 : index
        %parallel_loop3A_338 = tpu.vector_load %arg13[%parallel_loop3A_336, %parallel_loop3A_337] {strides = array<i32>} : memref<96x128xf32, #tpu.memory_space<vmem>>, vector<16xf32>,
        %parallel_loop3A_339 = arith.mulf %parallel_loop3A_338, %parallel_loop3A_286 : vector<16xf32>
        %parallel_loop3A_340 = arith.index_cast %parallel_loop3A_283 : i32 to index
        %parallel_loop3A_341 = arith.constant 112 : index
        %parallel_loop3A_342 = tpu.vector_load %arg13[%parallel_loop3A_340, %parallel_loop3A_341] {strides = array<i32>} : memref<96x128xf32, #tpu.memory_space<vmem>>, vector<16xf32>,
        tpu.vector_store %arg13[%parallel_loop3A_340, %parallel_loop3A_341], %parallel_loop3A_339 {strides = array<i32>} : memref<96x128xf32, #tpu.memory_space<vmem>>, vector<16xf32>,
      } {sc.loop_unroll_factor = 4 : i64, sc.parallel_access}
      %dma_start3A_277 = arith.constant 0 : i32
      %dma_start3A_278 = tpu.memref_slice %arg9[%add3A_251, %dma_start3A_277] : memref<27x96xi32, #tpu.memory_space<vmem>> -> memref<1x96xi32, #tpu.memory_space<vmem>>
      %dma_start3A_279 = tpu.memref_squeeze %dma_start3A_278 : memref<1x96xi32, #tpu.memory_space<vmem>> -> memref<96xi32, #tpu.memory_space<vmem>>
      %dma_start3A_280 = arith.constant 0 : i32
      %dma_start3A_281 = arith.constant 0 : i32
      %dma_start3A_282 = tpu.memref_slice %arg7[%dma_start3A_280, %dma_start3A_281] : memref<10240x128xf32, #tpu.memory_space<vmem_shared>> -> memref<10240x128xf32, #tpu.memory_space<vmem_shared>>
      tpu.enqueue_indirect_dma source(%arg13 : memref<96x128xf32, #tpu.memory_space<vmem>>) target(%dma_start3A_282 : memref<10240x128xf32, #tpu.memory_space<vmem_shared>>) offsets(%dma_start3A_279 : memref<96xi32, #tpu.memory_space<vmem>>) semaphore(%arg19 : memref<!tpu.dma_semaphore, #tpu.memory_space<semaphore_mem>>) {add = true}
    }
    %scan3A_143 = arith.constant 9 : i32
    %dma_wait3A_144 = arith.constant 26 : i32
    %dma_wait3A_145 = arith.constant 0 : i32
    %dma_wait3A_146 = tpu.memref_slice %arg9[%dma_wait3A_144, %dma_wait3A_145] : memref<27x96xi32, #tpu.memory_space<vmem>> -> memref<1x96xi32, #tpu.memory_space<vmem>>
    %dma_wait3A_147 = tpu.memref_squeeze %dma_wait3A_146 : memref<1x96xi32, #tpu.memory_space<vmem>> -> memref<96xi32, #tpu.memory_space<vmem>>
    %dma_wait3A_148 = arith.constant 0 : i32
    %dma_wait3A_149 = arith.constant 0 : i32
    %dma_wait3A_150 = tpu.memref_slice %arg7[%dma_wait3A_148, %dma_wait3A_149] : memref<10240x128xf32, #tpu.memory_space<vmem_shared>> -> memref<10240x128xf32, #tpu.memory_space<vmem_shared>>
    tpu.wait_indirect_dma semaphore(%arg19 : memref<!tpu.dma_semaphore, #tpu.memory_space<semaphore_mem>>) src(%arg13 : memref<96x128xf32, #tpu.memory_space<vmem>>) dst(%dma_wait3A_150 : memref<10240x128xf32, #tpu.memory_space<vmem_shared>>)
    %barrier3A_151 = arith.constant 0 : index
    tpu.barrier barrier_id(%barrier3A_151)
    %mul3A_152 = arith.constant 640 : i32
    %mul3A_153 = arith.muli %arg1, %mul3A_152 : i32
    %add3A_154 = arith.constant 0 : i32
    %add3A_155 = arith.addi %mul3A_153, %add3A_154 : i32
    "tpu.region"() ({
      %run_scoped3A = tpu.sem_alloc : memref<!tpu.dma_semaphore, #tpu.memory_space<semaphore_mem>>
      %dma_start3A_180 = arith.constant 0 : i32
      %dma_start3A_181 = tpu.memref_slice %arg6[%arg0, %add3A_155, %dma_start3A_180] : memref<2x10240x128xf32, #tpu.memory_space<hbm>> -> memref<1x96x128xf32, #tpu.memory_space<hbm>>
      %dma_start3A_182 = tpu.memref_squeeze %dma_start3A_181 : memref<1x96x128xf32, #tpu.memory_space<hbm>> -> memref<96x128xf32, #tpu.memory_space<hbm>>
      %dma_start3A_183 = arith.constant 0 : i32
      %dma_start3A_184 = tpu.memref_slice %arg7[%add3A_155, %dma_start3A_183] : memref<10240x128xf32, #tpu.memory_space<vmem_shared>> -> memref<96x128xf32, #tpu.memory_space<vmem_shared>>
      tpu.enqueue_dma source(%dma_start3A_184 : memref<96x128xf32, #tpu.memory_space<vmem_shared>>) target(%dma_start3A_182 : memref<96x128xf32, #tpu.memory_space<hbm>>) target_semaphore(%run_scoped3A : memref<!tpu.dma_semaphore, #tpu.memory_space<semaphore_mem>>)
      %dma_wait3A_185 = arith.constant 0 : i32
      %dma_wait3A_186 = tpu.memref_slice %arg6[%arg0, %add3A_155, %dma_wait3A_185] : memref<2x10240x128xf32, #tpu.memory_space<hbm>> -> memref<1x96x128xf32, #tpu.memory_space<hbm>>
      %dma_wait3A_187 = tpu.memref_squeeze %dma_wait3A_186 : memref<1x96x128xf32, #tpu.memory_space<hbm>> -> memref<96x128xf32, #tpu.memory_space<hbm>>
      %dma_wait3A_188 = arith.constant 0 : i32
      %dma_wait3A_189 = tpu.memref_slice %arg7[%add3A_155, %dma_wait3A_188] : memref<10240x128xf32, #tpu.memory_space<vmem_shared>> -> memref<96x128xf32, #tpu.memory_space<vmem_shared>>
      tpu.wait_dma2 semaphore(%run_scoped3A : memref<!tpu.dma_semaphore, #tpu.memory_space<semaphore_mem>>) src(%dma_wait3A_189 : memref<96x128xf32, #tpu.memory_space<vmem_shared>>) dst(%dma_wait3A_187 : memref<96x128xf32, #tpu.memory_space<hbm>>)
      tpu.yield
    }) : () -> ()
    %mul3A_156 = arith.constant 640 : i32
    %mul3A_157 = arith.muli %arg1, %mul3A_156 : i32
    %add3A_158 = arith.constant 96 : i32
    %add3A_159 = arith.addi %mul3A_157, %add3A_158 : i32
    "tpu.region"() ({
      %run_scoped3A = tpu.sem_alloc : memref<!tpu.dma_semaphore, #tpu.memory_space<semaphore_mem>>
      %dma_start3A_180 = arith.constant 0 : i32
      %dma_start3A_181 = tpu.memref_slice %arg6[%arg0, %add3A_159, %dma_start3A_180] : memref<2x10240x128xf32, #tpu.memory_space<hbm>> -> memref<1x96x128xf32, #tpu.memory_space<hbm>>
      %dma_start3A_182 = tpu.memref_squeeze %dma_start3A_181 : memref<1x96x128xf32, #tpu.memory_space<hbm>> -> memref<96x128xf32, #tpu.memory_space<hbm>>
      %dma_start3A_183 = arith.constant 0 : i32
      %dma_start3A_184 = tpu.memref_slice %arg7[%add3A_159, %dma_start3A_183] : memref<10240x128xf32, #tpu.memory_space<vmem_shared>> -> memref<96x128xf32, #tpu.memory_space<vmem_shared>>
      tpu.enqueue_dma source(%dma_start3A_184 : memref<96x128xf32, #tpu.memory_space<vmem_shared>>) target(%dma_start3A_182 : memref<96x128xf32, #tpu.memory_space<hbm>>) target_semaphore(%run_scoped3A : memref<!tpu.dma_semaphore, #tpu.memory_space<semaphore_mem>>)
      %dma_wait3A_185 = arith.constant 0 : i32
      %dma_wait3A_186 = tpu.memref_slice %arg6[%arg0, %add3A_159, %dma_wait3A_185] : memref<2x10240x128xf32, #tpu.memory_space<hbm>> -> memref<1x96x128xf32, #tpu.memory_space<hbm>>
      %dma_wait3A_187 = tpu.memref_squeeze %dma_wait3A_186 : memref<1x96x128xf32, #tpu.memory_space<hbm>> -> memref<96x128xf32, #tpu.memory_space<hbm>>
      %dma_wait3A_188 = arith.constant 0 : i32
      %dma_wait3A_189 = tpu.memref_slice %arg7[%add3A_159, %dma_wait3A_188] : memref<10240x128xf32, #tpu.memory_space<vmem_shared>> -> memref<96x128xf32, #tpu.memory_space<vmem_shared>>
      tpu.wait_dma2 semaphore(%run_scoped3A : memref<!tpu.dma_semaphore, #tpu.memory_space<semaphore_mem>>) src(%dma_wait3A_189 : memref<96x128xf32, #tpu.memory_space<vmem_shared>>) dst(%dma_wait3A_187 : memref<96x128xf32, #tpu.memory_space<hbm>>)
      tpu.yield
    }) : () -> ()
    %mul3A_160 = arith.constant 640 : i32
    %mul3A_161 = arith.muli %arg1, %mul3A_160 : i32
    %add3A_162 = arith.constant 192 : i32
    %add3A_163 = arith.addi %mul3A_161, %add3A_162 : i32
    "tpu.region"() ({
      %run_scoped3A = tpu.sem_alloc : memref<!tpu.dma_semaphore, #tpu.memory_space<semaphore_mem>>
      %dma_start3A_180 = arith.constant 0 : i32
      %dma_start3A_181 = tpu.memref_slice %arg6[%arg0, %add3A_163, %dma_start3A_180] : memref<2x10240x128xf32, #tpu.memory_space<hbm>> -> memref<1x96x128xf32, #tpu.memory_space<hbm>>
      %dma_start3A_182 = tpu.memref_squeeze %dma_start3A_181 : memref<1x96x128xf32, #tpu.memory_space<hbm>> -> memref<96x128xf32, #tpu.memory_space<hbm>>
      %dma_start3A_183 = arith.constant 0 : i32
      %dma_start3A_184 = tpu.memref_slice %arg7[%add3A_163, %dma_start3A_183] : memref<10240x128xf32, #tpu.memory_space<vmem_shared>> -> memref<96x128xf32, #tpu.memory_space<vmem_shared>>
      tpu.enqueue_dma source(%dma_start3A_184 : memref<96x128xf32, #tpu.memory_space<vmem_shared>>) target(%dma_start3A_182 : memref<96x128xf32, #tpu.memory_space<hbm>>) target_semaphore(%run_scoped3A : memref<!tpu.dma_semaphore, #tpu.memory_space<semaphore_mem>>)
      %dma_wait3A_185 = arith.constant 0 : i32
      %dma_wait3A_186 = tpu.memref_slice %arg6[%arg0, %add3A_163, %dma_wait3A_185] : memref<2x10240x128xf32, #tpu.memory_space<hbm>> -> memref<1x96x128xf32, #tpu.memory_space<hbm>>
      %dma_wait3A_187 = tpu.memref_squeeze %dma_wait3A_186 : memref<1x96x128xf32, #tpu.memory_space<hbm>> -> memref<96x128xf32, #tpu.memory_space<hbm>>
      %dma_wait3A_188 = arith.constant 0 : i32
      %dma_wait3A_189 = tpu.memref_slice %arg7[%add3A_163, %dma_wait3A_188] : memref<10240x128xf32, #tpu.memory_space<vmem_shared>> -> memref<96x128xf32, #tpu.memory_space<vmem_shared>>
      tpu.wait_dma2 semaphore(%run_scoped3A : memref<!tpu.dma_semaphore, #tpu.memory_space<semaphore_mem>>) src(%dma_wait3A_189 : memref<96x128xf32, #tpu.memory_space<vmem_shared>>) dst(%dma_wait3A_187 : memref<96x128xf32, #tpu.memory_space<hbm>>)
      tpu.yield
    }) : () -> ()
    %mul3A_164 = arith.constant 640 : i32
    %mul3A_165 = arith.muli %arg1, %mul3A_164 : i32
    %add3A_166 = arith.constant 288 : i32
    %add3A_167 = arith.addi %mul3A_165, %add3A_166 : i32
    "tpu.region"() ({
      %run_scoped3A = tpu.sem_alloc : memref<!tpu.dma_semaphore, #tpu.memory_space<semaphore_mem>>
      %dma_start3A_180 = arith.constant 0 : i32
      %dma_start3A_181 = tpu.memref_slice %arg6[%arg0, %add3A_167, %dma_start3A_180] : memref<2x10240x128xf32, #tpu.memory_space<hbm>> -> memref<1x96x128xf32, #tpu.memory_space<hbm>>
      %dma_start3A_182 = tpu.memref_squeeze %dma_start3A_181 : memref<1x96x128xf32, #tpu.memory_space<hbm>> -> memref<96x128xf32, #tpu.memory_space<hbm>>
      %dma_start3A_183 = arith.constant 0 : i32
      %dma_start3A_184 = tpu.memref_slice %arg7[%add3A_167, %dma_start3A_183] : memref<10240x128xf32, #tpu.memory_space<vmem_shared>> -> memref<96x128xf32, #tpu.memory_space<vmem_shared>>
      tpu.enqueue_dma source(%dma_start3A_184 : memref<96x128xf32, #tpu.memory_space<vmem_shared>>) target(%dma_start3A_182 : memref<96x128xf32, #tpu.memory_space<hbm>>) target_semaphore(%run_scoped3A : memref<!tpu.dma_semaphore, #tpu.memory_space<semaphore_mem>>)
      %dma_wait3A_185 = arith.constant 0 : i32
      %dma_wait3A_186 = tpu.memref_slice %arg6[%arg0, %add3A_167, %dma_wait3A_185] : memref<2x10240x128xf32, #tpu.memory_space<hbm>> -> memref<1x96x128xf32, #tpu.memory_space<hbm>>
      %dma_wait3A_187 = tpu.memref_squeeze %dma_wait3A_186 : memref<1x96x128xf32, #tpu.memory_space<hbm>> -> memref<96x128xf32, #tpu.memory_space<hbm>>
      %dma_wait3A_188 = arith.constant 0 : i32
      %dma_wait3A_189 = tpu.memref_slice %arg7[%add3A_167, %dma_wait3A_188] : memref<10240x128xf32, #tpu.memory_space<vmem_shared>> -> memref<96x128xf32, #tpu.memory_space<vmem_shared>>
      tpu.wait_dma2 semaphore(%run_scoped3A : memref<!tpu.dma_semaphore, #tpu.memory_space<semaphore_mem>>) src(%dma_wait3A_189 : memref<96x128xf32, #tpu.memory_space<vmem_shared>>) dst(%dma_wait3A_187 : memref<96x128xf32, #tpu.memory_space<hbm>>)
      tpu.yield
    }) : () -> ()
    %mul3A_168 = arith.constant 640 : i32
    %mul3A_169 = arith.muli %arg1, %mul3A_168 : i32
    %add3A_170 = arith.constant 384 : i32
    %add3A_171 = arith.addi %mul3A_169, %add3A_170 : i32
    "tpu.region"() ({
      %run_scoped3A = tpu.sem_alloc : memref<!tpu.dma_semaphore, #tpu.memory_space<semaphore_mem>>
      %dma_start3A_180 = arith.constant 0 : i32
      %dma_start3A_181 = tpu.memref_slice %arg6[%arg0, %add3A_171, %dma_start3A_180] : memref<2x10240x128xf32, #tpu.memory_space<hbm>> -> memref<1x96x128xf32, #tpu.memory_space<hbm>>
      %dma_start3A_182 = tpu.memref_squeeze %dma_start3A_181 : memref<1x96x128xf32, #tpu.memory_space<hbm>> -> memref<96x128xf32, #tpu.memory_space<hbm>>
      %dma_start3A_183 = arith.constant 0 : i32
      %dma_start3A_184 = tpu.memref_slice %arg7[%add3A_171, %dma_start3A_183] : memref<10240x128xf32, #tpu.memory_space<vmem_shared>> -> memref<96x128xf32, #tpu.memory_space<vmem_shared>>
      tpu.enqueue_dma source(%dma_start3A_184 : memref<96x128xf32, #tpu.memory_space<vmem_shared>>) target(%dma_start3A_182 : memref<96x128xf32, #tpu.memory_space<hbm>>) target_semaphore(%run_scoped3A : memref<!tpu.dma_semaphore, #tpu.memory_space<semaphore_mem>>)
      %dma_wait3A_185 = arith.constant 0 : i32
      %dma_wait3A_186 = tpu.memref_slice %arg6[%arg0, %add3A_171, %dma_wait3A_185] : memref<2x10240x128xf32, #tpu.memory_space<hbm>> -> memref<1x96x128xf32, #tpu.memory_space<hbm>>
      %dma_wait3A_187 = tpu.memref_squeeze %dma_wait3A_186 : memref<1x96x128xf32, #tpu.memory_space<hbm>> -> memref<96x128xf32, #tpu.memory_space<hbm>>
      %dma_wait3A_188 = arith.constant 0 : i32
      %dma_wait3A_189 = tpu.memref_slice %arg7[%add3A_171, %dma_wait3A_188] : memref<10240x128xf32, #tpu.memory_space<vmem_shared>> -> memref<96x128xf32, #tpu.memory_space<vmem_shared>>
      tpu.wait_dma2 semaphore(%run_scoped3A : memref<!tpu.dma_semaphore, #tpu.memory_space<semaphore_mem>>) src(%dma_wait3A_189 : memref<96x128xf32, #tpu.memory_space<vmem_shared>>) dst(%dma_wait3A_187 : memref<96x128xf32, #tpu.memory_space<hbm>>)
      tpu.yield
    }) : () -> ()
    %mul3A_172 = arith.constant 640 : i32
    %mul3A_173 = arith.muli %arg1, %mul3A_172 : i32
    %add3A_174 = arith.constant 480 : i32
    %add3A_175 = arith.addi %mul3A_173, %add3A_174 : i32
    "tpu.region"() ({
      %run_scoped3A = tpu.sem_alloc : memref<!tpu.dma_semaphore, #tpu.memory_space<semaphore_mem>>
      %dma_start3A_180 = arith.constant 0 : i32
      %dma_start3A_181 = tpu.memref_slice %arg6[%arg0, %add3A_175, %dma_start3A_180] : memref<2x10240x128xf32, #tpu.memory_space<hbm>> -> memref<1x96x128xf32, #tpu.memory_space<hbm>>
      %dma_start3A_182 = tpu.memref_squeeze %dma_start3A_181 : memref<1x96x128xf32, #tpu.memory_space<hbm>> -> memref<96x128xf32, #tpu.memory_space<hbm>>
      %dma_start3A_183 = arith.constant 0 : i32
      %dma_start3A_184 = tpu.memref_slice %arg7[%add3A_175, %dma_start3A_183] : memref<10240x128xf32, #tpu.memory_space<vmem_shared>> -> memref<96x128xf32, #tpu.memory_space<vmem_shared>>
      tpu.enqueue_dma source(%dma_start3A_184 : memref<96x128xf32, #tpu.memory_space<vmem_shared>>) target(%dma_start3A_182 : memref<96x128xf32, #tpu.memory_space<hbm>>) target_semaphore(%run_scoped3A : memref<!tpu.dma_semaphore, #tpu.memory_space<semaphore_mem>>)
      %dma_wait3A_185 = arith.constant 0 : i32
      %dma_wait3A_186 = tpu.memref_slice %arg6[%arg0, %add3A_175, %dma_wait3A_185] : memref<2x10240x128xf32, #tpu.memory_space<hbm>> -> memref<1x96x128xf32, #tpu.memory_space<hbm>>
      %dma_wait3A_187 = tpu.memref_squeeze %dma_wait3A_186 : memref<1x96x128xf32, #tpu.memory_space<hbm>> -> memref<96x128xf32, #tpu.memory_space<hbm>>
      %dma_wait3A_188 = arith.constant 0 : i32
      %dma_wait3A_189 = tpu.memref_slice %arg7[%add3A_175, %dma_wait3A_188] : memref<10240x128xf32, #tpu.memory_space<vmem_shared>> -> memref<96x128xf32, #tpu.memory_space<vmem_shared>>
      tpu.wait_dma2 semaphore(%run_scoped3A : memref<!tpu.dma_semaphore, #tpu.memory_space<semaphore_mem>>) src(%dma_wait3A_189 : memref<96x128xf32, #tpu.memory_space<vmem_shared>>) dst(%dma_wait3A_187 : memref<96x128xf32, #tpu.memory_space<hbm>>)
      tpu.yield
    }) : () -> ()
    %mul3A_176 = arith.constant 640 : i32
    %mul3A_177 = arith.muli %arg1, %mul3A_176 : i32
    %add3A_178 = arith.constant 576 : i32
    %add3A_179 = arith.addi %mul3A_177, %add3A_178 : i32
    "tpu.region"() ({
      %run_scoped3A = tpu.sem_alloc : memref<!tpu.dma_semaphore, #tpu.memory_space<semaphore_mem>>
      %dma_start3A_180 = arith.constant 0 : i32
      %dma_start3A_181 = tpu.memref_slice %arg6[%arg0, %add3A_179, %dma_start3A_180] : memref<2x10240x128xf32, #tpu.memory_space<hbm>> -> memref<1x64x128xf32, #tpu.memory_space<hbm>>
      %dma_start3A_182 = tpu.memref_squeeze %dma_start3A_181 : memref<1x64x128xf32, #tpu.memory_space<hbm>> -> memref<64x128xf32, #tpu.memory_space<hbm>>
      %dma_start3A_183 = arith.constant 0 : i32
      %dma_start3A_184 = tpu.memref_slice %arg7[%add3A_179, %dma_start3A_183] : memref<10240x128xf32, #tpu.memory_space<vmem_shared>> -> memref<64x128xf32, #tpu.memory_space<vmem_shared>>
      tpu.enqueue_dma source(%dma_start3A_184 : memref<64x128xf32, #tpu.memory_space<vmem_shared>>) target(%dma_start3A_182 : memref<64x128xf32, #tpu.memory_space<hbm>>) target_semaphore(%run_scoped3A : memref<!tpu.dma_semaphore, #tpu.memory_space<semaphore_mem>>)
      %dma_wait3A_185 = arith.constant 0 : i32
      %dma_wait3A_186 = tpu.memref_slice %arg6[%arg0, %add3A_179, %dma_wait3A_185] : memref<2x10240x128xf32, #tpu.memory_space<hbm>> -> memref<1x64x128xf32, #tpu.memory_space<hbm>>
      %dma_wait3A_187 = tpu.memref_squeeze %dma_wait3A_186 : memref<1x64x128xf32, #tpu.memory_space<hbm>> -> memref<64x128xf32, #tpu.memory_space<hbm>>
      %dma_wait3A_188 = arith.constant 0 : i32
      %dma_wait3A_189 = tpu.memref_slice %arg7[%add3A_179, %dma_wait3A_188] : memref<10240x128xf32, #tpu.memory_space<vmem_shared>> -> memref<64x128xf32, #tpu.memory_space<vmem_shared>>
      tpu.wait_dma2 semaphore(%run_scoped3A : memref<!tpu.dma_semaphore, #tpu.memory_space<semaphore_mem>>) src(%dma_wait3A_189 : memref<64x128xf32, #tpu.memory_space<vmem_shared>>) dst(%dma_wait3A_187 : memref<64x128xf32, #tpu.memory_space<hbm>>)
      tpu.yield
    }) : () -> ()
    return
  }
}

module attributes {stable_mosaic.version = 14 : i64} {
  func.func @body(%arg0: memref<2x10240x128xf32, #tpu.memory_space<vmem>>, %arg1: memref<10000x128xf32, #tpu.memory_space<vmem>>) attributes {dimension_semantics = [], scalar_prefetch = 0 : i64, scratch_operands = 0 : i64, tpu.core_type = #tpu.core_type<tc>} {
    %get3A = arith.constant 0 : index
    %get3A_0 = arith.constant 0 : index
    %get3A_1 = arith.constant 0 : index
    %get3A_2 = vector.load %arg0[%get3A, %get3A_0, %get3A_1] : memref<2x10240x128xf32, #tpu.memory_space<vmem>>, vector<1x10000x128xf32>
    %get3A_3 = vector.shape_cast %get3A_2 : vector<1x10000x128xf32> to vector<10000x128xf32>
    %get3A_4 = arith.constant 1 : index
    %get3A_5 = arith.constant 0 : index
    %get3A_6 = arith.constant 0 : index
    %get3A_7 = vector.load %arg0[%get3A_4, %get3A_5, %get3A_6] : memref<2x10240x128xf32, #tpu.memory_space<vmem>>, vector<1x10000x128xf32>
    %get3A_8 = vector.shape_cast %get3A_7 : vector<1x10000x128xf32> to vector<10000x128xf32>
    %add3A = arith.addf %get3A_3, %get3A_8 : vector<10000x128xf32>
    %swap3A = arith.constant 0 : index
    %swap3A_9 = arith.constant 0 : index
    %swap3A_10 = vector.load %arg1[%swap3A, %swap3A_9] : memref<10000x128xf32, #tpu.memory_space<vmem>>, vector<10000x128xf32>
    tpu.vector_store %arg1[%swap3A, %swap3A_9], %add3A {strides = array<i32>} : memref<10000x128xf32, #tpu.memory_space<vmem>>, vector<10000x128xf32>,
    return
  }
}

</mosaic_0001>

<sc_bundles>
// kernel: _run.4.cloned.1.call-start
scs
__scs_entry_jumppad:
0x0: {  	(pc) =	sbr.rel $0x88, $3  }
0x1: {  	(tag) =	ssettag $0x0;
	lr =	simm.s32 $0x1  }
0x2: {  	[smem:$0x3F9E] =	sst lr;
	_ =	strace $0xD0000000  }
0x3: {  	_ = 	snop  }
0x4: {  	_ = 	snop  }
0x5: {  	_ = 	snop  }
0x6: {  	_ = 	snop  }
0x7: {  	_ = 	snop  }
__scs_overlays_trampoline_lowered:
0x8: {  	[smem:$0x3FAD] =	sst s0  }
0x9: {  	[smem:$0x3FAE] =	sst s1  }
0xa: {  	[smem:$0x3FAF] =	sst s2  }
0xb: {  	[smem:$0x3FB0] =	sst s3  }
0xc: {  	[smem:$0x3FB1] =	sst s4  }
0xd: {  	[smem:$0x3FB2] =	sst s5  }
0xe: {  	[smem:$0x3FB3] =	sst s6  }
0xf: {  	[smem:$0x3FB4] =	sst s7  }
0x10: {  	[smem:$0x3FB5] =	sst s8  }
0x11: {  	[smem:$0x3FB6] =	sst s9;
	s0 =	simm.s32 @!p0 $0x0  }
0x12: {  	s1 =	sld [smem:$0x3F9C];
	s0 =	simm.s32 @p0 $0x1  }
0x13: {  	[smem:$0x3FB7] =	sst s0;
	s0 =	simm.s32 @!p1 $0x0  }
0x14: {  	s2 =	sld [smem:$0x3F9B];
	s0 =	simm.s32 @p1 $0x1  }
0x15: {  	[smem:$0x3FB8] =	sst s0;
	s0 =	simm.s32 @!p2 $0x0  }
0x16: {  	s3 =	sld [smem:$0x3FDB];
	s0 =	simm.s32 @p2 $0x1  }
0x17: {  	s4 =	simm.s32 $0x1BF5;
	[smem:$0x3FBA] =	sst s0  }
0x18: {  	s0 =	sld [smem:$0x3F9D];
	_ =	swait.ge [sflag:s4], $0x0  }
0x19: {  	s7 =	sld [smem:$0x3F9E]  }
0x1a: {  	s8 =	sadd.s32 $0xFFFFE003, lr  }
0x1b: {  	s9 =	sadd.s32 $0xFFFFFEF7, lr;
	s5 =	simm.s32 $0xFFFFFFFF;
	p2 =	slt.u32 s8, $0xFFFFF086  }
0x1c: {  	p1 =	slt.u32 s9, $0xF7A;
	s5 =	simm.s32 @!p2 $0x0  }
0x1d: {  	s5 =	simm.s32 @p1 $0x1;
	p0 =	seq.s32 s7, s2  }
0x1e: {  	s7 =	smul.u32 @!p0 $0xF7A, s2;
	p2 =	seq.s32 @!p0 s5, $0x0  }
0x1f: {  	s9 =	smul.u32 $0xF7A, s1;
	s8 =	simm.s32 @!p0 $0x1BF5;
	p2 =	por !p2, p0  }
0x20: {  	[sflag:s8] =	ssyncset.s32 @!p0 $0xFFFFF086;
	s6 =	sadd.s32 @!p0 s3, s7;
	s7 =	simm.s32 @!p0 $0x108  }
0x21: {  	s3 =	sadd.s32 s3, s9;
	s6 =	sadd.s32 @!p0 $0x88, s6;
	s7 =	simm.s32 @p2 $0x1082  }
0x22: {  	[simem:s7], [sflag:s8] =	dma.local @!p0 [hbm:s6], $0xF7A  }
0x23: {  	s9 =	sor.u32 $0xD0000000, s2;
	s6 =	simm.s32 $0x108;
	_ =	swait.ge @!p0 [sflag:s8], $0x0  }
0x24: {  	s3 =	sadd.s32 $0x88, s3;
	s6 =	simm.s32 @!p1 $0x1082;
	[sflag:s4] =	ssyncset.s32 $0xFFFFF086  }
0x25: {  	[simem:s6], [sflag:s4] =	dma.local [hbm:s3], $0xF7A  }
0x26: {  	[smem:$0x3F9E] =	sst s1;
	(tag) =	ssettag s2;
	_ =	strace s9  }
0x27: {  	s1 =	sld [smem:$0x3FAE]  }
0x28: {  	s2 =	sld [smem:$0x3FAF]  }
0x29: {  	s4 =	sld [smem:$0x3FB1]  }
0x2a: {  	p0 =	seq.s32 s5, $0x0;
	s5 =	sld [smem:$0x3FB2]  }
0x2b: {  	s6 =	sld [smem:$0x3FB3]  }
0x2c: {  	s7 =	sld [smem:$0x3FB4]  }
0x2d: {  	s3 =	simm.s32 $0x108;
	s8 =	sld [smem:$0x3FB5]  }
0x2e: {  	s3 =	simm.s32 @!p0 $0x1082;
	s9 =	sld [smem:$0x3FB6]  }
0x2f: {  	lr =	sadd.s32 s0, s3;
	s0 =	sld [smem:$0x3FAD]  }
0x30: {  	s3 =	sld [smem:$0x3FB0]  }
0x31: {  	[smem:$0x3FB9] =	sst s10  }
0x32: {  	s10 =	sld [smem:$0x3FB7];
	_ =	sdelay $0x3  }
0x33: {  	p0 =	seq.s32 s10, $0x1;
	s10 =	sld [smem:$0x3FB9];
	_ =	sdelay $0x3  }
0x34: {  	[smem:$0x3FB9] =	sst s10  }
0x35: {  	s10 =	sld [smem:$0x3FB8];
	_ =	sdelay $0x3  }
0x36: {  	p1 =	seq.s32 s10, $0x1;
	s10 =	sld [smem:$0x3FB9];
	_ =	sdelay $0x3  }
0x37: {  	[smem:$0x3FB9] =	sst s10  }
0x38: {  	s10 =	sld [smem:$0x3FBA]  }
0x39: {  	_ = 	snop;
	(pc) =	sbr.ind lr, $3  }
0x3a: {  	_ = 	snop  }
0x3b: {  	_ = 	snop  }
0x3c: {  	p2 =	seq.s32 s10, $0x1;
	s10 =	sld [smem:$0x3FB9]  }
0x3d: {  	_ =	shalt  }
0x3e: {  	_ =	shalt  }
0x3f: {  	_ =	shalt  }
0x40: {  	_ =	shalt  }
0x41: {  	_ =	shalt  }
0x42: {  	_ =	shalt  }
0x43: {  	_ =	shalt  }
0x44: {  	_ =	shalt  }
0x45: {  	_ =	shalt  }
0x46: {  	_ =	shalt  }
0x47: {  	_ =	shalt  }
0x48: {  	_ =	shalt  }
0x49: {  	_ =	shalt  }
0x4a: {  	_ =	shalt  }
0x4b: {  	_ =	shalt  }
0x4c: {  	_ =	shalt  }
0x4d: {  	_ =	shalt  }
0x4e: {  	_ =	shalt  }
0x4f: {  	_ =	shalt  }
0x50: {  	_ =	shalt  }
0x51: {  	_ =	shalt  }
0x52: {  	_ =	shalt  }
0x53: {  	_ =	shalt  }
0x54: {  	_ =	shalt  }
0x55: {  	_ =	shalt  }
0x56: {  	_ =	shalt  }
0x57: {  	_ =	shalt  }
0x58: {  	_ =	shalt  }
0x59: {  	_ =	shalt  }
0x5a: {  	_ =	shalt  }
0x5b: {  	_ =	shalt  }
0x5c: {  	_ =	shalt  }
0x5d: {  	_ =	shalt  }
0x5e: {  	_ =	shalt  }
0x5f: {  	_ =	shalt  }
0x60: {  	_ =	shalt  }
0x61: {  	_ =	shalt  }
0x62: {  	_ =	shalt  }
0x63: {  	_ =	shalt  }
0x64: {  	_ =	shalt  }
0x65: {  	_ =	shalt  }
0x66: {  	_ =	shalt  }
0x67: {  	_ =	shalt  }
0x68: {  	_ =	shalt  }
0x69: {  	_ =	shalt  }
0x6a: {  	_ =	shalt  }
0x6b: {  	_ =	shalt  }
0x6c: {  	_ =	shalt  }
0x6d: {  	_ =	shalt  }
0x6e: {  	_ =	shalt  }
0x6f: {  	_ =	shalt  }
0x70: {  	_ =	shalt  }
0x71: {  	_ =	shalt  }
0x72: {  	_ =	shalt  }
0x73: {  	_ =	shalt  }
0x74: {  	_ =	shalt  }
0x75: {  	_ =	shalt  }
0x76: {  	_ =	shalt  }
0x77: {  	_ =	shalt  }
0x78: {  	_ =	shalt  }
0x79: {  	_ =	shalt  }
0x7a: {  	_ =	shalt  }
0x7b: {  	_ =	shalt  }
0x7c: {  	_ =	shalt  }
0x7d: {  	_ =	shalt  }
0x7e: {  	_ =	shalt  }
0x7f: {  	_ =	shalt  }
0x80: {  	_ =	shalt  }
0x81: {  	_ =	shalt  }
0x82: {  	_ =	shalt  }
0x83: {  	_ =	shalt  }
0x84: {  	_ =	shalt  }
0x85: {  	_ =	shalt  }
0x86: {  	_ =	shalt  }
0x87: {  	_ =	shalt  }
.Lfunc_end0:
.L_simem_size_0:
called_computation_lowered:
.L_overlay_start_0:
0x88: {  	s2 =	sld [smem:$0x3FD9]  }
0x89: {  	s3 =	sld [smem:$0x3FFE];
	_ =	sdelay $0x1  }
0x8a: {  	s1 =	srdreg.scid  }
0x8b: {  	s0 =	sand.u32 $0x1, s1  }
0x8c: {  	s17 =	sshll.u32 s0, $0xA;
	s2 =	sadd.s32 s3, s2  }
0x8d: {  	s2 =	sadd.s32 s2, s17  }
0x8e: {  	[smem:$0x3FC5] =	sst s2  }
0x8f: {  	_ = 	snop  }
0x90: {  	s2 =	sld [smem:$0x3FC9]  }
0x91: {  	s18 =	sld [smem:$0x3FD0];
	(tm) =	ssettm $0x1  }
0x92: {  	s4 =	sld [smem:$0x3FFB];
	_ =	sdelay $0x3  }
0x93: {  	_ =	strace s4  }
0x94: {  	s4 =	sld [smem:$0x3FFC];
	_ =	sdelay $0x3  }
0x95: {  	_ =	strace s4  }
0x96: {  	s4 =	sld [smem:$0x3FFD];
	_ =	sdelay $0x3  }
0x97: {  	_ =	strace s4  }
0x98: {  	_ =	strace $0x8FFFFFFF  }
0x99: {  	s19 =	sld [smem:$0x3FDB];
	_ =	sdelay $0x1  }
0x9a: {  	s5 =	simm.s32 $_scs_section_size  }
0x9b: {  	s6 =	simm.s32 $_size__tile_overlayer_lowered;
	s7 =	simm.s32 $_tile_overlayer_lowered  }
0x9c: {  	s22 =	simm.s32 $0x1BFF;
	s21 =	sshll.u32 s7, $0x1;
	s4 =	sadd.s32 s5, s19  }
0x9d: {  	s8 =	simm.s32 $0x0;
	s20 =	sshll.u32 s6, $0x1;
	s6 =	sadd.s32 s21, s4  }
0x9e: {  	[timem:s8], [sflag:s22] =	dma.local [hbm:s6], s20  }
0x9f: {  	_ =	swait.ge [sflag:s22], s20  }
0xa0: {  	s5 =	ssub.s32 $0x0, s20;
	[sflag:s22] =	ssyncset.done $0x0  }
0xa1: {  	[sflag:s22] =	ssyncadd.s32 s5;
	_ =	sdelay $0x1  }
0xa2: {  	s23 =	simm.s32 $0x1B8B  }
0xa3: {  	_ =	swait.ge [sflag:s23], $0x1  }
0xa4: {  	[sflag:s23] =	ssyncset.done $0x0  }
0xa5: {  	s25 =	simm.s32 $0x1B8E;
	s24 =	sld [smem:$0x3FFE];
	[sflag:s23] =	ssyncadd.s32 $0xFFFFFFFF  }
0xa6: {  	s26 =	simm.s32 $execute0_lowered;
	[smem:$0x3FD2] =	sst s25  }
0xa7: {  	s6 =	sshll.u32 s26, $0x1;
	_ =	strace $0x80000046;
	[dreg:$0x1] =	wrdreg $0xFFFFFFFF  }
0xa8: {  	s28 =	simm.s32 $_size_execute0_lowered;
	s4 =	sadd.s32 s4, s6;
	[dreg:$0x0] =	wrdreg $0x0  }
0xa9: {  	s6 =	sshll.u32 s28, $0x1;
	[dreg:$0x2] =	wrdreg s4  }
0xaa: {  	[dreg:$0x3] =	wrdreg s6  }
0xab: {  	[dreg:$0x4] =	wrdreg $0xC0  }
0xac: {  	_ =	task [dreg:s8], $0x5FFFF  }
0xad: {  	[dreg:$0x1] =	wrdreg $0xFFFFFFFF  }
0xae: {  	[dreg:$0x0] =	wrdreg $0x60  }
0xaf: {  	[dreg:$0x2] =	wrdreg s2  }
0xb0: {  	[dreg:$0x3] =	wrdreg s24  }
0xb1: {  	[dreg:$0x4] =	wrdreg s18  }
0xb2: {  	[dreg:$0x5] =	wrdreg $0x0  }
0xb3: {  	[dreg:$0x6] =	wrdreg $0x9  }
0xb4: {  	_ =	task.clear_ibuf [dreg:s8], $0x7FFFF;
	_ =	strace $0x90000046  }
0xb5: {  	s29 =	simm.s32 $0x9;
	_ =	strace $0x80000048  }
0xb6: {  	_ =	swait.ge [sflag:s29], $0x1  }
0xb7: {  	[sflag:s29] =	ssyncadd.s32 $0xFFFFFFFF  }
0xb8: {  	_ =	strace $0x90000048  }
0xb9: {  	_ =	sfence  }
0xba: {  	s30 =	sld [smem:$0x0];
	_ =	sdelay $0x2  }
0xbb: {  	s31 =	sshll.u32 s1, $0xD;
	s1 =	sshrl.u32 s1, $0x2  }
0xbc: {  	s3 =	sand.u32 $0x4000, s31;
	s1 =	sadd.s32 s1, s30  }
0xbd: {  	s0 =	sor.u32 s3, s0;
	s1 =	sshll.u32 s1, $0x11  }
0xbe: {  	s0 =	sor.u32 s1, s0  }
0xbf: {  	s0 =	sadd.s32 $0x8F2B, s0  }
0xc0: {  	[sflag:s0] =	ssyncadd.remote.s32 $0x1  }
0xc1: {  	_ =	sfence.sel $0xFFFF  }
0xc2: {  	[dreg:$0x0] =	wrdreg $0xFFFFFFFF;
	(pc) =	sbr.abs _section_cstart, $3  }
0xc3: {  	[dreg:$0x1] =	wrdreg $0xFFFFFFFF  }
0xc4: {  	_ =	task.clear_ibuf [dreg:s8], $0x2FFFF;
	_ =	strace $0x9FFFFFFF  }
0xc5: {  	(tm) =	ssettm $0x7FFFFFFF  }
tec
execute0_lowered:
.L_overlay_start_1:
0x0: {  	(tag) =	ssettag $0x1  }
0x1: {  	s1 =	rddreg [dreg:$0x1]  }
0x2: {  	s2 =	rddreg [dreg:$0x2];
	s0 =	simm.s32 $0x0;
	s3 =	srdreg.scid  }
0x3: {  	s20 =	stileid.u32;
	[smem:$0x7FF] =	sst s0;
	s4 =	sadd.s32 $0x600, s1  }
0x4: {  	s3 =	sand.u32 $0x1, s3;
	s5 =	sadd.s32 $0xA800, s1;
	s8 =	sshll.u32 s20, $0x1  }
0x5: {  	s9 =	smul.u32 $0x14000, s20;
	s10 =	sadd.s32 $0x14A00, s1;
	s6 =	ssub.s32 $0x2, s3  }
0x6: {  	s22 =	sor.u32 s3, s8;
	s3 =	smul.u32 $0x140000, s3;
	s7 =	sshrl.u32 s6, $0x1  }
0x7: {  	s8 =	sadd.s32 $0x6000, s9;
	s11 =	sadd.s32 $0x9000, s9;
	s12 =	sadd.s32 $0xC000, s9  }
0x8: {  	s13 =	sshll.u32 s22, $0x2;
	s14 =	smul.u32 $0x510, s22;
	s15 =	sadd.s32 $0xF000, s9  }
0x9: {  	s16 =	sadd.s32 $0x12000, s9;
	s23 =	sshll.u32 s22, $0xB;
	s1 =	ssub.s32 s6, s7  }
0xa: {  	s7 =	sor.u32 $0x3000, s9;
	s17 =	sor.u32 $0x1, s13;
	s13 =	sor.u32 $0x2, s13  }
0xb: {  	s6 =	sshllo.u32 s22, $0x2;
	s18 =	sadd.s32 s4, s14;
	s19 =	smul.u32 $0x144, s17  }
0xc: {  	s14 =	sadd.s32 s5, s14;
	s25 =	sshll.u32 s17, $0x9;
	s26 =	smul.u32 $0x144, s13  }
0xd: {  	s13 =	sshll.u32 s13, $0x9;
	s30 =	smul.u32 $0x144, s6;
	[dreg:$0x5] =	wrdreg s18  }
0xe: {  	s6 =	sshll.u32 s6, $0x9;
	s18 =	sadd.s32 s2, s23;
	[dreg:$0x7] =	wrdreg s14  }
0xf: {  	s17 =	sadd.s32 s9, s3;
	s14 =	sadd.s32 s2, s25;
	[dreg:$0x6] =	wrdreg s18  }
0x10: {  	s1 =	smax.u32 s1, $0x1;
	s13 =	sadd.s32 s2, s13;
	[dreg:$0x9] =	wrdreg s14  }
0x11: {  	s9 =	simm.s32 $0x1C500;
	s2 =	sadd.s32 s2, s6;
	[dreg:$0xc] =	wrdreg s13  }
0x12: {  	s23 =	sadd.s32 s3, s11;
	s24 =	sadd.s32 s4, s19;
	[dreg:$0xf] =	wrdreg s2  }
0x13: {  	s25 =	sadd.s32 s3, s15;
	s28 =	sadd.s32 s5, s19;
	[dreg:$0x8] =	wrdreg s24  }
0x14: {  	s6 =	simm.s32 $0x60;
	s29 =	sadd.s32 s4, s26;
	[dreg:$0xa] =	wrdreg s28  }
0x15: {  	s31 =	sadd.s32 s5, s26;
	s4 =	sadd.s32 s4, s30;
	[dreg:$0xb] =	wrdreg s29  }
0x16: {  	s14 =	sadd.s32 s5, s30;
	s18 =	sadd.s32 s3, s7;
	[dreg:$0xd] =	wrdreg s31  }
0x17: {  	s2 =	sshrl.u32 s17, $0x3;
	s19 =	sadd.s32 s3, s8;
	[dreg:$0xe] =	wrdreg s4  }
0x18: {  	s5 =	simm.s32 $0x15A80;
	s13 =	simm.s32 $0x5;
	[dreg:$0x10] =	wrdreg s14  }
0x19: {  	s4 =	sshrl.u32 s18, $0x3;
	s2 =	sadd.s32 s10, s2;
	s22 =	sshrl.u32 s19, $0x3  }
0x1a: {  	s24 =	sadd.s32 s3, s12;
	s28 =	sshrl.u32 s25, $0x3;
	s19 =	rddreg [dreg:$0x0]  }
0x1b: {  	s3 =	sadd.s32 s3, s16;
	s29 =	smul.u32 $0x50000, s20;
	[dreg:$0x11] =	wrdreg s2  }
0x1c: {  	s21 =	sadd.s32 s10, s4;
	s2 =	sadd.s32 s10, s22;
	s22 =	rddreg [dreg:$0x3]  }
0x1d: {  	s14 =	simm.s32 $0x3;
	s4 =	sshrl.u32 s24, $0x3;
	[dreg:$0x12] =	wrdreg s21  }
0x1e: {  	s30 =	sshrl.u32 s3, $0x3;
	s3 =	simm.s32 $0x14000;
	[dreg:$0x13] =	wrdreg s2  }
0x1f: {  	s2 =	sshrl.u32 s23, $0x3;
	s26 =	sadd.s32 s10, s4;
	s31 =	sshrl.u32 s29, $0x2  }
0x20: {  	s18 =	sadd.s32 s7, s22;
	s2 =	sadd.s32 s10, s2;
	[dreg:$0x15] =	wrdreg s26  }
0x21: {  	s20 =	sadd.s32 s8, s22;
	[dreg:$0x14] =	wrdreg s2;
	s2 =	sadd.s32 s10, s28  }
0x22: {  	s21 =	sadd.s32 s11, s22;
	[dreg:$0x16] =	wrdreg s2;
	s2 =	sadd.s32 s10, s30  }
0x23: {  	s23 =	sadd.s32 s12, s22;
	s24 =	sadd.s32 s15, s22;
	[dreg:$0x17] =	wrdreg s2  }
0x24: {  	s25 =	sadd.s32 s16, s22;
	_ =	strace $0x80000047;
	[dreg:$0x1c] =	wrdreg s1  }
0x25: {  	s8 =	simm.s32 $0x19500;
	s11 =	simm.s32 $0x4;
	[dreg:$0x18] =	wrdreg s21  }
0x26: {  	s12 =	simm.s32 $0x2;
	s15 =	simm.s32 $0x6;
	[dreg:$0x19] =	wrdreg s23  }
0x27: {  	s17 =	sadd.s32 s31, s22;
	s10 =	simm.s32 $0x1;
	[dreg:$0x1a] =	wrdreg s24  }
0x28: {  	v0 =	vimm.f32 $0.0e+00;
	s2 =	simm.s32 $0x7;
	s1 =	simm.s32 $0x16500;
	[dreg:$0x1b] =	wrdreg s25  }
.LBB2_1:
0x29: {  	s4 =	simm.s32 $0x0;
	s7 =	simm.s32 $0x200  }
.LBB2_2:
0x2a: {  	p0 =	sne.s32 s7, $0xBE00;
	[tilespmem:s4+$0x16570] =	vst v0  }
0x2b: {  	[tilespmem:s4+$0x16500] =	vst v0  }
0x2c: {  	[tilespmem:s4+$0x16510] =	vst v0  }
.Ltmp0:
0x2d: {  	[tilespmem:s4+$0x16520] =	vst v0;
	(pc) =	sbr.rel @p0 .LBB2_2-.Ltmp0, $4  }
0x2e: {  	[tilespmem:s4+$0x16530] =	vst v0  }
0x2f: {  	[tilespmem:s4+$0x16540] =	vst v0  }
0x30: {  	[tilespmem:s4+$0x16550] =	vst v0  }
0x31: {  	[tilespmem:s4+$0x16560] =	vst v0;
	s4 =	sshra.s32 s7, $0x2;
	s7 =	sadd.s32 $0x200, s7  }
0x32: {  	[tilespmem:s4+$0x16570] =	vst v0  }
0x33: {  	[tilespmem:s4+$0x16500] =	vst v0  }
0x34: {  	[tilespmem:s4+$0x16510] =	vst v0  }
0x35: {  	[tilespmem:s4+$0x16520] =	vst v0  }
0x36: {  	[tilespmem:s4+$0x16530] =	vst v0  }
0x37: {  	[tilespmem:s4+$0x16540] =	vst v0  }
0x38: {  	[tilespmem:s4+$0x16550] =	vst v0  }
0x39: {  	[tilespmem:s4+$0x16560] =	vst v0  }
0x3a: {  	[spmem:s17] =	stream.linear.scatter [tilespmem:s1], [sflag:$0x7], $0x3000, $0x38;
	[tilespmem:$0x1F500] =	vst v63  }
0x3b: {  	_ =	swait.ge [sflag:s2], $0x3000  }
0x3c: {  	[sflag:s2] =	ssyncset.done $0x0  }
0x3d: {  	[sflag:s2] =	ssyncadd.s32 $0xFFFFD000  }
0x3e: {  	[spmem:s18] =	stream.linear.scatter [tilespmem:s1], [sflag:$0x7], $0x3000, $0x38;
	[tilespmem:$0x1F500] =	vst v63  }
0x3f: {  	_ =	swait.ge [sflag:s2], $0x3000  }
0x40: {  	[sflag:s2] =	ssyncset.done $0x0  }
0x41: {  	[sflag:s2] =	ssyncadd.s32 $0xFFFFD000  }
0x42: {  	[spmem:s20] =	stream.linear.scatter [tilespmem:s1], [sflag:$0x7], $0x3000, $0x38;
	[tilespmem:$0x1F500] =	vst v63  }
0x43: {  	_ =	swait.ge [sflag:s2], $0x3000  }
0x44: {  	[sflag:s2] =	ssyncset.done $0x0  }
0x45: {  	[sflag:s2] =	ssyncadd.s32 $0xFFFFD000  }
0x46: {  	[spmem:s21] =	stream.linear.scatter [tilespmem:s1], [sflag:$0x7], $0x3000, $0x38;
	[tilespmem:$0x1F500] =	vst v63  }
0x47: {  	_ =	swait.ge [sflag:s2], $0x3000  }
0x48: {  	[sflag:s2] =	ssyncset.done $0x0  }
0x49: {  	[sflag:s2] =	ssyncadd.s32 $0xFFFFD000  }
0x4a: {  	[spmem:s23] =	stream.linear.scatter [tilespmem:s1], [sflag:$0x7], $0x3000, $0x38;
	[tilespmem:$0x1F500] =	vst v63  }
0x4b: {  	_ =	swait.ge [sflag:s2], $0x3000  }
0x4c: {  	[sflag:s2] =	ssyncset.done $0x0  }
0x4d: {  	[sflag:s2] =	ssyncadd.s32 $0xFFFFD000  }
0x4e: {  	[spmem:s24] =	stream.linear.scatter [tilespmem:s1], [sflag:$0x7], $0x3000, $0x38;
	[tilespmem:$0x1F500] =	vst v63  }
0x4f: {  	_ =	swait.ge [sflag:s2], $0x3000  }
0x50: {  	[sflag:s2] =	ssyncset.done $0x0  }
0x51: {  	[sflag:s2] =	ssyncadd.s32 $0xFFFFD000  }
0x52: {  	[spmem:s25] =	stream.linear.scatter [tilespmem:s1], [sflag:$0x7], $0x2000, $0x38;
	[tilespmem:$0x1F500] =	vst v63  }
0x53: {  	_ =	swait.ge [sflag:s2], $0x2000  }
0x54: {  	[sflag:s2] =	ssyncset.done $0x0  }
0x55: {  	s16 =	simm.s32 $0x0;
	s24 =	rddreg [dreg:$0x5];
	[sflag:s2] =	ssyncadd.s32 $0xFFFFE000  }
0x56: {  	[tilespmem:s3], [sflag:$0x7] =	stream.linear.gather [hbm4b:s24+s16], $0xA20, $0x38;
	[tilespmem:$0x1F500] =	vst v63  }
0x57: {  	_ =	swait.ge [sflag:s2], $0xA20  }
0x58: {  	[sflag:s2] =	ssyncset.done $0x0  }
0x59: {  	s7 =	simm.s32 $0x14A80;
	s25 =	rddreg [dreg:$0x6];
	[sflag:s2] =	ssyncadd.s32 $0xFFFFF5E0  }
0x5a: {  	[tilespmem:s7], [sflag:$0x7] =	stream.linear.gather [hbm4b:s25+s16], $0xD80, $0x38;
	[tilespmem:$0x1F500] =	vst v63  }
0x5b: {  	_ =	swait.ge [sflag:s2], $0xD80  }
0x5c: {  	[sflag:s2] =	ssyncset.done $0x0  }
0x5d: {  	s26 =	rddreg [dreg:$0x7];
	[sflag:s2] =	ssyncadd.s32 $0xFFFFF280  }
0x5e: {  	[tilespmem:s5], [sflag:$0x7] =	stream.linear.gather [hbm4b:s26+s16], $0xA20, $0x38;
	[tilespmem:$0x1F500] =	vst v63  }
0x5f: {  	_ =	swait.ge [sflag:s2], $0xA20  }
0x60: {  	[sflag:s2] =	ssyncset.done $0x0  }
0x61: {  	[sflag:s2] =	ssyncadd.s32 $0xFFFFF5E0  }
0x62: {  	[tilespmem:s1], [sflag:$0x1] =	stream.indirect.gather [hbm4b:s19+s6], $0x80, s3, s6, $0xb8;
	[tilespmem:$0x1F500] =	vst v63  }
0x63: {  	s29 =	smov.u32 s17;
	s28 =	simm.s32 $0x14060  }
0x64: {  	[tilespmem:s8], [sflag:$0x2] =	stream.indirect.gather [hbm4b:s19+s6], $0x80, s28, s6, $0xb8;
	[tilespmem:$0x1F500] =	vst v63  }
0x65: {  	s30 =	smov.u32 s18;
	s31 =	smov.u32 s20;
	[bflag:$0x0] =	sbarrier.arrive $0xFFFF  }
.LBB2_4:
0x66: {  	s21 =	smul.u32 $0x3, s16  }
0x67: {  	p0 =	seq.s32 s16, $0x0  }
0x68: {  	s4 =	smul.u32 $0x120, s16;
	s20 =	simm.s32 @!p0 $0x6;
	s17 =	sadd.s32 $0x2, s21  }
0x69: {  	_ =	swait.ge @!p0 [sflag:s20], $0x3000;
	s18 =	smul.u32 $0x60, s17  }
0x6a: {  	s7 =	sadd.s32 $0x0, s4;
	[sflag:s20] =	ssyncset.done @!p0 $0x0  }
0x6b: {  	s23 =	sadd.s32 $0x2, s7;
	[sflag:s20] =	ssyncadd.s32 @!p0 $0xFFFFD000;
	s26 =	sadd.s32 $0x14000, s18  }
0x6c: {  	v1 =	vmov s7;
	[tilespmem:s9], [sflag:$0x3] =	stream.indirect.gather [hbm4b:s19+s6], $0x80, s26, s6, $0xb8;
	[tilespmem:$0x1F500] =	vst v63  }
0x6d: {  	v1 =	vand.u32 $0xFFFFFFFC, v1;
	v2 =	vmov s23;
	_ =	swait.ge [sflag:s10], $0x3000  }
0x6e: {  	v1 =	vbroadcast v1, $0x0;
	v2 =	vand.u32 $0xFFFFFFFE, v2;
	[sflag:s10] =	ssyncset.done $0x0  }
0x6f: {  	s23 =	simm.s32 $0x16600;
	v2 =	vbroadcast v2, $0x0;
	[sflag:s10] =	ssyncadd.s32 $0xFFFFD000  }
0x70: {  	v4 =	vld [tilespmem:s23+$0x70]  }
0x71: {  	s28 =	sadd.s32 $0x1, s7;
	v5 =	vld [tilespmem:s23+$0xFFFFFF00]  }
0x72: {  	v3 =	vmov s28;
	v6 =	vld [tilespmem:s23+$0xFFFFFF10]  }
0x73: {  	v3 =	vand.u32 $0xFFFFFFFD, v3;
	v7 =	vld [tilespmem:s23+$0xFFFFFF20]  }
0x74: {  	v3 =	vbroadcast v3, $0x0;
	v1 =	vld.idx.msk [tilespmem:v1+s5+$0x0], $0xffff  }
0x75: {  	v2 =	vld.idx.msk [tilespmem:v2+s5+$0x0], $0xffff  }
0x76: {  	v8 =	vld [tilespmem:s23+$0xFFFFFF30]  }
0x77: {  	v9 =	vld [tilespmem:s23+$0xFFFFFF40]  }
0x78: {  	v10 =	vld [tilespmem:s23+$0xFFFFFF50]  }
0x79: {  	v11 =	vld [tilespmem:s23+$0xFFFFFF60];
	v5 =	vmul.f32 v5, v1  }
0x7a: {  	v12 =	vld.idx.msk [tilespmem:v3+s5+$0x0], $0xffff;
	v3 =	vmul.f32 v4, v2  }
0x7b: {  	v4 =	vmul.f32 v6, v1;
	v6 =	vld [tilespmem:s23+$0xFFFFFF80];
	[tilespmem:s23+$0xFFFFFF00] =	vst v5  }
0x7c: {  	s7 =	sadd.s32 $0x3, s7;
	v5 =	vld [tilespmem:s23+$0xFFFFFF70];
	[tilespmem:s23+$0x70] =	vst v3;
	v3 =	vmul.f32 v7, v1  }
0x7d: {  	[tilespmem:s23+$0xFFFFFF10] =	vst v4;
	v4 =	vmul.f32 v8, v1;
	v7 =	vld [tilespmem:s23+$0xFFFFFF90];
	v8 =	vmov s7  }
0x7e: {  	[tilespmem:s23+$0xFFFFFF20] =	vst v3;
	v3 =	vmul.f32 v9, v1;
	v9 =	vld [tilespmem:s23+$0xFFFFFFA0]  }
0x7f: {  	[tilespmem:s23+$0xFFFFFF30] =	vst v4;
	v4 =	vmul.f32 v10, v1;
	v10 =	vld [tilespmem:s23+$0xFFFFFFB0]  }
0x80: {  	[tilespmem:s23+$0xFFFFFF40] =	vst v3;
	v3 =	vmul.f32 v11, v1;
	v11 =	vld [tilespmem:s23+$0xFFFFFFC0]  }
0x81: {  	[tilespmem:s23+$0xFFFFFF50] =	vst v4;
	v4 =	vmul.f32 v6, v12;
	v6 =	vld [tilespmem:s23+$0xFFFFFFD0]  }
0x82: {  	v5 =	vmul.f32 v5, v1;
	v1 =	vld.idx.msk [tilespmem:v8+s5+$0x0], $0xffff;
	[tilespmem:s23+$0xFFFFFF60] =	vst v3  }
0x83: {  	v7 =	vmul.f32 v7, v12;
	v3 =	vld [tilespmem:s23+$0xFFFFFFE0];
	[tilespmem:s23+$0xFFFFFF80] =	vst v4  }
0x84: {  	[tilespmem:s23+$0xFFFFFF70] =	vst v5;
	v5 =	vld [tilespmem:s23+$0xFFFFFFF0];
	v4 =	vmul.f32 v9, v12  }
0x85: {  	v8 =	vld [tilespmem:s23+$0x0];
	[tilespmem:s23+$0xFFFFFF90] =	vst v7;
	v7 =	vmul.f32 v10, v12  }
0x86: {  	v10 =	vld [tilespmem:s23+$0x10];
	[tilespmem:s23+$0xFFFFFFA0] =	vst v4;
	v4 =	vmul.f32 v11, v12  }
0x87: {  	[tilespmem:s23+$0xFFFFFFB0] =	vst v7;
	v6 =	vmul.f32 v6, v12;
	v7 =	vld [tilespmem:s23+$0x20]  }
0x88: {  	[tilespmem:s23+$0xFFFFFFC0] =	vst v4;
	v9 =	vmul.f32 v3, v12;
	v3 =	vld [tilespmem:s23+$0x30]  }
0x89: {  	[tilespmem:s23+$0xFFFFFFD0] =	vst v6;
	v6 =	vmul.f32 v5, v12;
	v4 =	vld [tilespmem:s23+$0x40]  }
0x8a: {  	v5 =	vld [tilespmem:s23+$0x50];
	[tilespmem:s23+$0xFFFFFFE0] =	vst v9;
	v9 =	vmul.f32 v8, v2  }
0x8b: {  	s24 =	sadd.s32 $0x4, s4;
	s20 =	simm.s32 $0x16600;
	s7 =	simm.s32 $0x8;
	[tilespmem:s23+$0xFFFFFFF0] =	vst v6;
	v8 =	vmul.f32 v10, v2;
	v6 =	vld [tilespmem:s23+$0x60]  }
.LBB2_5:
0x8c: {  	p0 =	slt.u32 s7, $0x5C;
	v10 =	vmov s24;
	s25 =	sadd.s32 $0x1, s24;
	s26 =	sadd.s32 $0x2, s24;
	[tilespmem:s23+$0x0] =	vst v9;
	v7 =	vmul.f32 v7, v2;
	v9 =	vld [tilespmem:s23+$0x80]  }
0x8d: {  	s24 =	sadd.s32 $0x3, s24;
	v10 =	vand.u32 $0xFFFFFFFC, v10;
	v11 =	vmov s25;
	v12 =	vmov s26;
	[tilespmem:s23+$0x10] =	vst v8;
	v8 =	vld [tilespmem:s23+$0x90]  }
0x8e: {  	v10 =	vbroadcast v10, $0x0;
	v11 =	vand.u32 $0xFFFFFFFD, v11;
	v12 =	vand.u32 $0xFFFFFFFE, v12;
	[tilespmem:s23+$0x20] =	vst v7;
	v7 =	vld [tilespmem:s23+$0xA0]  }
0x8f: {  	v13 =	vmov s24;
	v11 =	vbroadcast v11, $0x0;
	v12 =	vbroadcast v12, $0x0;
	v14 =	vld [tilespmem:s23+$0xB0]  }
0x90: {  	v3 =	vmul.f32 v3, v2;
	v4 =	vmul.f32 v4, v2;
	v15 =	vld [tilespmem:s23+$0xC0]  }
0x91: {  	v5 =	vmul.f32 v5, v2;
	v6 =	vmul.f32 v6, v2;
	v16 =	vld [tilespmem:s23+$0xD0]  }
0x92: {  	[tilespmem:s23+$0x30] =	vst v3;
	v3 =	vmul.f32 v9, v1;
	v8 =	vmul.f32 v8, v1;
	v9 =	vld [tilespmem:s23+$0xE0]  }
0x93: {  	[tilespmem:s23+$0x40] =	vst v4;
	v4 =	vmul.f32 v7, v1;
	v7 =	vld [tilespmem:s23+$0xF0]  }
0x94: {  	v10 =	vld.idx.msk [tilespmem:v10+s5+$0x0], $0xffff;
	[tilespmem:s23+$0x50] =	vst v5;
	v5 =	vmul.f32 v14, v1  }
0x95: {  	s23 =	sadd.s32 $0x200, s23;
	v2 =	vld.idx.msk [tilespmem:v12+s5+$0x0], $0xffff;
	[tilespmem:s20+$0x60] =	vst v6;
	v6 =	vmul.f32 v15, v1  }
0x96: {  	v12 =	vld [tilespmem:s23+$0x70];
	[tilespmem:s20+$0x80] =	vst v3;
	v3 =	vmul.f32 v16, v1  }
0x97: {  	v11 =	vld.idx.msk [tilespmem:v11+s5+$0x0], $0xffff;
	[tilespmem:s20+$0x90] =	vst v8;
	v8 =	vmul.f32 v9, v1  }
0x98: {  	[tilespmem:s20+$0xA0] =	vst v4;
	v4 =	vmul.f32 v7, v1;
	v1 =	vld.idx.msk [tilespmem:v13+s5+$0x0], $0xffff  }
0x99: {  	v7 =	vld [tilespmem:s23+$0xFFFFFF00];
	[tilespmem:s20+$0xB0] =	vst v5  }
0x9a: {  	v5 =	vld [tilespmem:s23+$0xFFFFFF10];
	[tilespmem:s20+$0xC0] =	vst v6  }
0x9b: {  	v6 =	vld [tilespmem:s23+$0xFFFFFF20];
	v9 =	vmul.f32 v12, v2;
	[tilespmem:s20+$0xD0] =	vst v3  }
0x9c: {  	v3 =	vld [tilespmem:s23+$0xFFFFFF30];
	[tilespmem:s20+$0xE0] =	vst v8  }
0x9d: {  	v8 =	vld [tilespmem:s23+$0xFFFFFF40];
	[tilespmem:s23+$0x70] =	vst v9  }
0x9e: {  	v7 =	vmul.f32 v7, v10;
	v9 =	vld [tilespmem:s23+$0xFFFFFF50];
	[tilespmem:s20+$0xF0] =	vst v4;
	s20 =	smov.u32 s23  }
0x9f: {  	v4 =	vmul.f32 v5, v10;
	v5 =	vld [tilespmem:s23+$0xFFFFFF60]  }
0xa0: {  	[tilespmem:s23+$0xFFFFFF00] =	vst v7;
	v6 =	vmul.f32 v6, v10;
	v7 =	vld [tilespmem:s23+$0xFFFFFF70]  }
0xa1: {  	[tilespmem:s23+$0xFFFFFF10] =	vst v4;
	v3 =	vmul.f32 v3, v10;
	v4 =	vld [tilespmem:s23+$0xFFFFFF80]  }
0xa2: {  	[tilespmem:s23+$0xFFFFFF20] =	vst v6;
	v6 =	vmul.f32 v8, v10;
	v8 =	vld [tilespmem:s23+$0xFFFFFF90]  }
0xa3: {  	[tilespmem:s23+$0xFFFFFF30] =	vst v3;
	v3 =	vmul.f32 v9, v10;
	v9 =	vld [tilespmem:s23+$0xFFFFFFA0]  }
0xa4: {  	[tilespmem:s23+$0xFFFFFF40] =	vst v6;
	v5 =	vmul.f32 v5, v10;
	v6 =	vld [tilespmem:s23+$0xFFFFFFB0]  }
0xa5: {  	[tilespmem:s23+$0xFFFFFF50] =	vst v3;
	v3 =	vmul.f32 v7, v10;
	v7 =	vld [tilespmem:s23+$0xFFFFFFC0]  }
0xa6: {  	[tilespmem:s23+$0xFFFFFF60] =	vst v5;
	v4 =	vmul.f32 v4, v11;
	v5 =	vld [tilespmem:s23+$0xFFFFFFD0]  }
0xa7: {  	[tilespmem:s23+$0xFFFFFF70] =	vst v3;
	v3 =	vmul.f32 v8, v11;
	v8 =	vld [tilespmem:s23+$0xFFFFFFE0]  }
0xa8: {  	[tilespmem:s23+$0xFFFFFF80] =	vst v4;
	v4 =	vmul.f32 v9, v11;
	v9 =	vld [tilespmem:s23+$0xFFFFFFF0]  }
0xa9: {  	[tilespmem:s23+$0xFFFFFF90] =	vst v3;
	v3 =	vmul.f32 v6, v11;
	v6 =	vld [tilespmem:s23+$0x0]  }
0xaa: {  	[tilespmem:s23+$0xFFFFFFA0] =	vst v4;
	v4 =	vmul.f32 v7, v11;
	v10 =	vld [tilespmem:s23+$0x10]  }
.Ltmp1:
0xab: {  	[tilespmem:s23+$0xFFFFFFB0] =	vst v3;
	v5 =	vmul.f32 v5, v11;
	v7 =	vld [tilespmem:s23+$0x20];
	(pc) =	sbr.rel @p0 .LBB2_5-.Ltmp1, $4  }
0xac: {  	[tilespmem:s23+$0xFFFFFFC0] =	vst v4;
	v8 =	vmul.f32 v8, v11;
	v3 =	vld [tilespmem:s23+$0x30]  }
0xad: {  	[tilespmem:s23+$0xFFFFFFD0] =	vst v5;
	v11 =	vmul.f32 v9, v11;
	v4 =	vld [tilespmem:s23+$0x40]  }
0xae: {  	[tilespmem:s23+$0xFFFFFFE0] =	vst v8;
	v9 =	vmul.f32 v6, v2;
	v5 =	vld [tilespmem:s23+$0x50]  }
0xaf: {  	s24 =	sadd.s32 s4, s7;
	s7 =	sadd.s32 $0x4, s7;
	[tilespmem:s23+$0xFFFFFFF0] =	vst v11;
	v8 =	vmul.f32 v10, v2;
	v6 =	vld [tilespmem:s23+$0x60]  }
0xb0: {  	v11 =	vld [tilespmem:s23+$0x80]  }
0xb1: {  	v13 =	vld [tilespmem:s23+$0x90]  }
0xb2: {  	s4 =	sadd.s32 $0x2, s24;
	v14 =	vld [tilespmem:s23+$0xA0]  }
0xb3: {  	v10 =	vmov s24;
	s7 =	sadd.s32 $0x1, s24;
	v16 =	vld [tilespmem:s23+$0xB0];
	[tilespmem:s23+$0x0] =	vst v9;
	v7 =	vmul.f32 v7, v2;
	v12 =	vmov s4  }
0xb4: {  	v60 =	vld [tilespmem:s23+$0xC0];
	s25 =	sadd.s32 $0x200, s23;
	v15 =	vmov s7;
	[tilespmem:s23+$0x10] =	vst v8;
	v3 =	vmul.f32 v3, v2;
	v12 =	vand.u32 $0xFFFFFFFE, v12  }
0xb5: {  	v62 =	vld [tilespmem:s25+$0xFFFFFF20];
	v9 =	vand.u32 $0xFFFFFFFD, v15;
	[tilespmem:s23+$0x20] =	vst v7;
	v4 =	vmul.f32 v4, v2;
	v12 =	vbroadcast v12, $0x0  }
0xb6: {  	v10 =	vand.u32 $0xFFFFFFFC, v10;
	v7 =	vld [tilespmem:s23+$0xE0];
	v8 =	vbroadcast v9, $0x0;
	v5 =	vmul.f32 v5, v2;
	[tilespmem:s23+$0x30] =	vst v3  }
0xb7: {  	v10 =	vbroadcast v10, $0x0;
	v9 =	vld [tilespmem:s23+$0xD0];
	v2 =	vmul.f32 v6, v2;
	[tilespmem:s23+$0x40] =	vst v4  }
0xb8: {  	v3 =	vld [tilespmem:s23+$0xF0];
	v6 =	vmul.f32 v11, v1;
	[tilespmem:s23+$0x50] =	vst v5;
	v11 =	vmul.f32 v14, v1  }
0xb9: {  	[tilespmem:s20+$0x60] =	vst v2;
	v2 =	vld [tilespmem:s25+$0x70]  }
0xba: {  	[tilespmem:s20+$0xA0] =	vst v11;
	v11 =	vld [tilespmem:s25+$0xFFFFFF00]  }
0xbb: {  	v61 =	vmul.f32 v60, v1;
	v5 =	vld.idx.msk [tilespmem:v12+s5+$0x0], $0xffff  }
0xbc: {  	s24 =	sadd.s32 $0x3, s24;
	[tilespmem:s20+$0x80] =	vst v6;
	v6 =	vld.idx.msk [tilespmem:v8+s5+$0x0], $0xffff;
	v8 =	vmul.f32 v16, v1  }
0xbd: {  	v17 =	vmov s24;
	v7 =	vmul.f32 v7, v1;
	[tilespmem:s20+$0xC0] =	vst v61;
	v4 =	vld.idx.msk [tilespmem:v10+s5+$0x0], $0xffff  }
0xbe: {  	v9 =	vmul.f32 v9, v1;
	[tilespmem:s20+$0xB0] =	vst v8;
	v8 =	vld [tilespmem:s25+$0xFFFFFF10]  }
0xbf: {  	v10 =	vmul.f32 v13, v1;
	v1 =	vmul.f32 v3, v1;
	[tilespmem:s20+$0xE0] =	vst v7;
	v3 =	vld [tilespmem:s25+$0xFFFFFF40]  }
0xc0: {  	[tilespmem:s20+$0xD0] =	vst v9;
	v9 =	vld [tilespmem:s25+$0xFFFFFF30];
	v2 =	vmul.f32 v2, v5  }
0xc1: {  	v7 =	vld [tilespmem:s25+$0xFFFFFF50];
	[tilespmem:s20+$0x90] =	vst v10  }
0xc2: {  	v10 =	vld.idx.msk [tilespmem:v17+s5+$0x0], $0xffff;
	[tilespmem:s25+$0x70] =	vst v2;
	v2 =	vmul.f32 v11, v4  }
0xc3: {  	[tilespmem:s20+$0xF0] =	vst v1;
	v1 =	vmul.f32 v8, v4;
	v8 =	vld [tilespmem:s25+$0xFFFFFF60]  }
0xc4: {  	v11 =	vld [tilespmem:s25+$0xFFFFFF70];
	[tilespmem:s25+$0xFFFFFF00] =	vst v2;
	v2 =	vmul.f32 v62, v4  }
0xc5: {  	[tilespmem:s25+$0xFFFFFF10] =	vst v1;
	v1 =	vmul.f32 v9, v4;
	v9 =	vld [tilespmem:s25+$0xFFFFFF80]  }
0xc6: {  	[tilespmem:s25+$0xFFFFFF20] =	vst v2;
	v2 =	vmul.f32 v3, v4;
	v3 =	vld [tilespmem:s25+$0xFFFFFF90]  }
0xc7: {  	[tilespmem:s25+$0xFFFFFF30] =	vst v1;
	v1 =	vmul.f32 v7, v4;
	v7 =	vld [tilespmem:s25+$0xFFFFFFA0]  }
0xc8: {  	[tilespmem:s25+$0xFFFFFF40] =	vst v2;
	v2 =	vmul.f32 v8, v4;
	v8 =	vld [tilespmem:s25+$0xFFFFFFB0]  }
0xc9: {  	[tilespmem:s25+$0xFFFFFF50] =	vst v1;
	v1 =	vmul.f32 v11, v4;
	v4 =	vld [tilespmem:s25+$0xFFFFFFC0]  }
0xca: {  	[tilespmem:s25+$0xFFFFFF60] =	vst v2;
	v2 =	vmul.f32 v9, v6;
	v9 =	vld [tilespmem:s25+$0xFFFFFFD0]  }
0xcb: {  	[tilespmem:s25+$0xFFFFFF70] =	vst v1;
	v1 =	vmul.f32 v3, v6;
	v3 =	vld [tilespmem:s25+$0xFFFFFFE0]  }
0xcc: {  	[tilespmem:s25+$0xFFFFFF80] =	vst v2;
	v2 =	vmul.f32 v7, v6;
	v7 =	vld [tilespmem:s25+$0xFFFFFFF0]  }
0xcd: {  	[tilespmem:s25+$0xFFFFFF90] =	vst v1;
	v1 =	vmul.f32 v8, v6;
	v8 =	vld [tilespmem:s25+$0x0]  }
0xce: {  	[tilespmem:s25+$0xFFFFFFA0] =	vst v2;
	v2 =	vmul.f32 v4, v6;
	v4 =	vld [tilespmem:s25+$0x10]  }
0xcf: {  	[tilespmem:s25+$0xFFFFFFB0] =	vst v1;
	v1 =	vmul.f32 v9, v6;
	v9 =	vld [tilespmem:s25+$0x20]  }
0xd0: {  	[tilespmem:s25+$0xFFFFFFC0] =	vst v2;
	v2 =	vmul.f32 v3, v6;
	v3 =	vld [tilespmem:s25+$0x30]  }
0xd1: {  	[tilespmem:s25+$0xFFFFFFD0] =	vst v1;
	v1 =	vmul.f32 v7, v6;
	v6 =	vld [tilespmem:s25+$0x40]  }
0xd2: {  	v7 =	vld [tilespmem:s25+$0x50];
	[tilespmem:s25+$0xFFFFFFE0] =	vst v2;
	v2 =	vmul.f32 v8, v5  }
0xd3: {  	[tilespmem:s25+$0xFFFFFFF0] =	vst v1;
	v1 =	vmul.f32 v4, v5;
	v4 =	vld [tilespmem:s25+$0x60]  }
0xd4: {  	v8 =	vld [tilespmem:s25+$0x80];
	[tilespmem:s25+$0x0] =	vst v2;
	v2 =	vmul.f32 v9, v5  }
0xd5: {  	[tilespmem:s25+$0x10] =	vst v1;
	v1 =	vld [tilespmem:s25+$0x90];
	v3 =	vmul.f32 v3, v5  }
0xd6: {  	v9 =	vld [tilespmem:s25+$0xB0];
	[tilespmem:s25+$0x20] =	vst v2;
	v6 =	vmul.f32 v6, v5  }
0xd7: {  	v2 =	vld [tilespmem:s25+$0xA0];
	v7 =	vmul.f32 v7, v5;
	[tilespmem:s25+$0x30] =	vst v3  }
0xd8: {  	v3 =	vld [tilespmem:s25+$0xC0];
	v4 =	vmul.f32 v4, v5;
	[tilespmem:s25+$0x40] =	vst v6  }
0xd9: {  	v5 =	vld [tilespmem:s25+$0xD0];
	v6 =	vmul.f32 v8, v10;
	[tilespmem:s25+$0x50] =	vst v7  }
0xda: {  	v7 =	vld [tilespmem:s25+$0xE0];
	v1 =	vmul.f32 v1, v10;
	[tilespmem:s25+$0x60] =	vst v4  }
0xdb: {  	v4 =	vld [tilespmem:s25+$0xF0];
	[tilespmem:s25+$0x80] =	vst v6;
	v6 =	vmul.f32 v9, v10  }
0xdc: {  	v2 =	vmul.f32 v2, v10;
	[tilespmem:s25+$0x90] =	vst v1  }
0xdd: {  	v1 =	vmul.f32 v3, v10;
	[tilespmem:s25+$0xB0] =	vst v6  }
0xde: {  	[tilespmem:s25+$0xA0] =	vst v2;
	v2 =	vmul.f32 v5, v10  }
0xdf: {  	s7 =	smul.u32 $0x600, s16;
	v3 =	vmul.f32 v7, v10;
	[tilespmem:s25+$0xC0] =	vst v1  }
0xe0: {  	s23 =	sadd.s32 $0x1, s21;
	v1 =	vmul.f32 v4, v10;
	[tilespmem:s25+$0xD0] =	vst v2  }
0xe1: {  	p0 =	seq.s32 s16, $0x8;
	s7 =	sshra.s32 s7, $0x2;
	s4 =	smul.u32 $0x60, s23;
	[tilespmem:s25+$0xE0] =	vst v3  }
0xe2: {  	s7 =	sadd.s32 $0x14A80, s7;
	s20 =	smul.u32 @!p0 $0x480, s16;
	[tilespmem:s25+$0xF0] =	vst v1  }
0xe3: {  	[spmem:s22] =	stream.indirect.scatter.add.f32 [tilespmem:s1], [sflag:$0x4], $0x80, s7, s6, $0xb8;
	[tilespmem:$0x1F500] =	vst v63  }
0xe4: {  	s24 =	simm.s32 @!p0 $0x60;
	s21 =	sshra.s32 @!p0 s20, $0x2;
	_ =	swait.ge [sflag:s11], $0x3000  }
0xe5: {  	s20 =	sadd.s32 @!p0 $0x14120, s21;
	s7 =	sadd.s32 $0x0, s4;
	[sflag:s11] =	ssyncset.done $0x0  }
0xe6: {  	s25 =	simm.s32 @!p0 $0x16500;
	s26 =	sadd.s32 $0x2, s7;
	[sflag:s11] =	ssyncadd.s32 $0xFFFFD000  }
0xe7: {  	v1 =	vmov s7;
	[tilespmem:s25], [sflag:$0x1] =	stream.indirect.gather @!p0 [hbm4b:s19+s24], $0x80, s20, s24, $0xb8;
	[tilespmem:$0x1F500] =	vst v63  }
0xe8: {  	v1 =	vand.u32 $0xFFFFFFFC, v1;
	v2 =	vmov s26;
	_ =	swait.ge [sflag:s12], $0x3000  }
0xe9: {  	v1 =	vbroadcast v1, $0x0;
	v2 =	vand.u32 $0xFFFFFFFE, v2;
	[sflag:s12] =	ssyncset.done $0x0  }
0xea: {  	v2 =	vbroadcast v2, $0x0;
	s20 =	simm.s32 $0x19600;
	[sflag:s12] =	ssyncadd.s32 $0xFFFFD000  }
0xeb: {  	v4 =	vld [tilespmem:s20+$0x70]  }
0xec: {  	s28 =	sadd.s32 $0x1, s7;
	v5 =	vld [tilespmem:s20+$0xFFFFFF00]  }
0xed: {  	v3 =	vmov s28;
	v6 =	vld [tilespmem:s20+$0xFFFFFF10]  }
0xee: {  	v3 =	vand.u32 $0xFFFFFFFD, v3;
	v7 =	vld [tilespmem:s20+$0xFFFFFF20]  }
0xef: {  	v3 =	vbroadcast v3, $0x0;
	v1 =	vld.idx.msk [tilespmem:v1+s5+$0x0], $0xffff  }
0xf0: {  	v2 =	vld.idx.msk [tilespmem:v2+s5+$0x0], $0xffff  }
0xf1: {  	v8 =	vld [tilespmem:s20+$0xFFFFFF30]  }
0xf2: {  	v9 =	vld [tilespmem:s20+$0xFFFFFF40]  }
0xf3: {  	v10 =	vld [tilespmem:s20+$0xFFFFFF50]  }
0xf4: {  	v11 =	vld [tilespmem:s20+$0xFFFFFF60];
	v5 =	vmul.f32 v5, v1  }
0xf5: {  	v63 =	vld.idx.msk [tilespmem:v3+s5+$0x0], $0xffff;
	v3 =	vmul.f32 v4, v2  }
0xf6: {  	v4 =	vmul.f32 v6, v1;
	v6 =	vld [tilespmem:s20+$0xFFFFFF80];
	[tilespmem:s20+$0xFFFFFF00] =	vst v5  }
0xf7: {  	s7 =	sadd.s32 $0x3, s7;
	v5 =	vld [tilespmem:s20+$0xFFFFFF70];
	[tilespmem:s20+$0x70] =	vst v3;
	v3 =	vmul.f32 v7, v1  }
0xf8: {  	[tilespmem:s20+$0xFFFFFF10] =	vst v4;
	v4 =	vmul.f32 v8, v1;
	v7 =	vld [tilespmem:s20+$0xFFFFFF90];
	v8 =	vmov s7  }
0xf9: {  	[tilespmem:s20+$0xFFFFFF20] =	vst v3;
	v3 =	vmul.f32 v9, v1;
	v9 =	vld [tilespmem:s20+$0xFFFFFFA0]  }
0xfa: {  	[tilespmem:s20+$0xFFFFFF30] =	vst v4;
	v4 =	vmul.f32 v10, v1;
	v10 =	vld [tilespmem:s20+$0xFFFFFFB0]  }
0xfb: {  	[tilespmem:s20+$0xFFFFFF40] =	vst v3;
	v3 =	vmul.f32 v11, v1;
	v11 =	vld [tilespmem:s20+$0xFFFFFFC0]  }
0xfc: {  	[tilespmem:s20+$0xFFFFFF50] =	vst v4;
	v4 =	vmul.f32 v6, v63;
	v6 =	vld [tilespmem:s20+$0xFFFFFFD0]  }
0xfd: {  	v5 =	vmul.f32 v5, v1;
	v1 =	vld.idx.msk [tilespmem:v8+s5+$0x0], $0xffff;
	[tilespmem:s20+$0xFFFFFF60] =	vst v3  }
0xfe: {  	v7 =	vmul.f32 v7, v63;
	v3 =	vld [tilespmem:s20+$0xFFFFFFE0];
	[tilespmem:s20+$0xFFFFFF80] =	vst v4  }
0xff: {  	[tilespmem:s20+$0xFFFFFF70] =	vst v5;
	v5 =	vld [tilespmem:s20+$0xFFFFFFF0];
	v4 =	vmul.f32 v9, v63  }
0x100: {  	v8 =	vld [tilespmem:s20+$0x0];
	[tilespmem:s20+$0xFFFFFF90] =	vst v7;
	v7 =	vmul.f32 v10, v63  }
0x101: {  	v10 =	vld [tilespmem:s20+$0x10];
	[tilespmem:s20+$0xFFFFFFA0] =	vst v4;
	v4 =	vmul.f32 v11, v63  }
0x102: {  	[tilespmem:s20+$0xFFFFFFB0] =	vst v7;
	v6 =	vmul.f32 v6, v63;
	v7 =	vld [tilespmem:s20+$0x20]  }
0x103: {  	[tilespmem:s20+$0xFFFFFFC0] =	vst v4;
	v9 =	vmul.f32 v3, v63;
	v3 =	vld [tilespmem:s20+$0x30]  }
0x104: {  	[tilespmem:s20+$0xFFFFFFD0] =	vst v6;
	v6 =	vmul.f32 v5, v63;
	v4 =	vld [tilespmem:s20+$0x40]  }
0x105: {  	v5 =	vld [tilespmem:s20+$0x50];
	[tilespmem:s20+$0xFFFFFFE0] =	vst v9;
	v9 =	vmul.f32 v8, v2  }
0x106: {  	s25 =	sadd.s32 $0x4, s4;
	s24 =	simm.s32 $0x8;
	s7 =	simm.s32 $0x19600;
	[tilespmem:s20+$0xFFFFFFF0] =	vst v6;
	v8 =	vmul.f32 v10, v2;
	v6 =	vld [tilespmem:s20+$0x60]  }
.LBB2_7:
0x107: {  	p1 =	slt.u32 s24, $0x5C;
	v10 =	vmov s25;
	s26 =	sadd.s32 $0x1, s25;
	s28 =	sadd.s32 $0x2, s25;
	[tilespmem:s20+$0x0] =	vst v9;
	v7 =	vmul.f32 v7, v2;
	v9 =	vld [tilespmem:s20+$0x80]  }
0x108: {  	s25 =	sadd.s32 $0x3, s25;
	v10 =	vand.u32 $0xFFFFFFFC, v10;
	v11 =	vmov s26;
	v12 =	vmov s28;
	[tilespmem:s20+$0x10] =	vst v8;
	v8 =	vld [tilespmem:s20+$0x90]  }
0x109: {  	v10 =	vbroadcast v10, $0x0;
	v11 =	vand.u32 $0xFFFFFFFD, v11;
	v12 =	vand.u32 $0xFFFFFFFE, v12;
	[tilespmem:s20+$0x20] =	vst v7;
	v7 =	vld [tilespmem:s20+$0xA0]  }
0x10a: {  	v13 =	vmov s25;
	v11 =	vbroadcast v11, $0x0;
	v12 =	vbroadcast v12, $0x0;
	v14 =	vld [tilespmem:s20+$0xB0]  }
0x10b: {  	v3 =	vmul.f32 v3, v2;
	v4 =	vmul.f32 v4, v2;
	v15 =	vld [tilespmem:s20+$0xC0]  }
0x10c: {  	v5 =	vmul.f32 v5, v2;
	v6 =	vmul.f32 v6, v2;
	v16 =	vld [tilespmem:s20+$0xD0]  }
0x10d: {  	[tilespmem:s20+$0x30] =	vst v3;
	v3 =	vmul.f32 v9, v1;
	v8 =	vmul.f32 v8, v1;
	v9 =	vld [tilespmem:s20+$0xE0]  }
0x10e: {  	[tilespmem:s20+$0x40] =	vst v4;
	v4 =	vmul.f32 v7, v1;
	v7 =	vld [tilespmem:s20+$0xF0]  }
0x10f: {  	v10 =	vld.idx.msk [tilespmem:v10+s5+$0x0], $0xffff;
	[tilespmem:s20+$0x50] =	vst v5;
	v5 =	vmul.f32 v14, v1  }
0x110: {  	s20 =	sadd.s32 $0x200, s20;
	v2 =	vld.idx.msk [tilespmem:v12+s5+$0x0], $0xffff;
	[tilespmem:s7+$0x60] =	vst v6;
	v6 =	vmul.f32 v15, v1  }
0x111: {  	v12 =	vld [tilespmem:s20+$0x70];
	[tilespmem:s7+$0x80] =	vst v3;
	v3 =	vmul.f32 v16, v1  }
0x112: {  	v11 =	vld.idx.msk [tilespmem:v11+s5+$0x0], $0xffff;
	[tilespmem:s7+$0x90] =	vst v8;
	v8 =	vmul.f32 v9, v1  }
0x113: {  	[tilespmem:s7+$0xA0] =	vst v4;
	v4 =	vmul.f32 v7, v1;
	v1 =	vld.idx.msk [tilespmem:v13+s5+$0x0], $0xffff  }
0x114: {  	v7 =	vld [tilespmem:s20+$0xFFFFFF00];
	[tilespmem:s7+$0xB0] =	vst v5  }
0x115: {  	v5 =	vld [tilespmem:s20+$0xFFFFFF10];
	[tilespmem:s7+$0xC0] =	vst v6  }
0x116: {  	v6 =	vld [tilespmem:s20+$0xFFFFFF20];
	v9 =	vmul.f32 v12, v2;
	[tilespmem:s7+$0xD0] =	vst v3  }
0x117: {  	v3 =	vld [tilespmem:s20+$0xFFFFFF30];
	[tilespmem:s7+$0xE0] =	vst v8  }
0x118: {  	v8 =	vld [tilespmem:s20+$0xFFFFFF40];
	[tilespmem:s20+$0x70] =	vst v9  }
0x119: {  	v7 =	vmul.f32 v7, v10;
	v9 =	vld [tilespmem:s20+$0xFFFFFF50];
	[tilespmem:s7+$0xF0] =	vst v4;
	s7 =	smov.u32 s20  }
0x11a: {  	v4 =	vmul.f32 v5, v10;
	v5 =	vld [tilespmem:s20+$0xFFFFFF60]  }
0x11b: {  	[tilespmem:s20+$0xFFFFFF00] =	vst v7;
	v6 =	vmul.f32 v6, v10;
	v7 =	vld [tilespmem:s20+$0xFFFFFF70]  }
0x11c: {  	[tilespmem:s20+$0xFFFFFF10] =	vst v4;
	v3 =	vmul.f32 v3, v10;
	v4 =	vld [tilespmem:s20+$0xFFFFFF80]  }
0x11d: {  	[tilespmem:s20+$0xFFFFFF20] =	vst v6;
	v6 =	vmul.f32 v8, v10;
	v8 =	vld [tilespmem:s20+$0xFFFFFF90]  }
0x11e: {  	[tilespmem:s20+$0xFFFFFF30] =	vst v3;
	v3 =	vmul.f32 v9, v10;
	v9 =	vld [tilespmem:s20+$0xFFFFFFA0]  }
0x11f: {  	[tilespmem:s20+$0xFFFFFF40] =	vst v6;
	v5 =	vmul.f32 v5, v10;
	v6 =	vld [tilespmem:s20+$0xFFFFFFB0]  }
0x120: {  	[tilespmem:s20+$0xFFFFFF50] =	vst v3;
	v3 =	vmul.f32 v7, v10;
	v7 =	vld [tilespmem:s20+$0xFFFFFFC0]  }
0x121: {  	[tilespmem:s20+$0xFFFFFF60] =	vst v5;
	v4 =	vmul.f32 v4, v11;
	v5 =	vld [tilespmem:s20+$0xFFFFFFD0]  }
0x122: {  	[tilespmem:s20+$0xFFFFFF70] =	vst v3;
	v3 =	vmul.f32 v8, v11;
	v8 =	vld [tilespmem:s20+$0xFFFFFFE0]  }
0x123: {  	[tilespmem:s20+$0xFFFFFF80] =	vst v4;
	v4 =	vmul.f32 v9, v11;
	v9 =	vld [tilespmem:s20+$0xFFFFFFF0]  }
0x124: {  	[tilespmem:s20+$0xFFFFFF90] =	vst v3;
	v3 =	vmul.f32 v6, v11;
	v6 =	vld [tilespmem:s20+$0x0]  }
0x125: {  	[tilespmem:s20+$0xFFFFFFA0] =	vst v4;
	v4 =	vmul.f32 v7, v11;
	v10 =	vld [tilespmem:s20+$0x10]  }
.Ltmp2:
0x126: {  	[tilespmem:s20+$0xFFFFFFB0] =	vst v3;
	v5 =	vmul.f32 v5, v11;
	v7 =	vld [tilespmem:s20+$0x20];
	(pc) =	sbr.rel @p1 .LBB2_7-.Ltmp2, $4  }
0x127: {  	[tilespmem:s20+$0xFFFFFFC0] =	vst v4;
	v8 =	vmul.f32 v8, v11;
	v3 =	vld [tilespmem:s20+$0x30]  }
0x128: {  	[tilespmem:s20+$0xFFFFFFD0] =	vst v5;
	v11 =	vmul.f32 v9, v11;
	v4 =	vld [tilespmem:s20+$0x40]  }
0x129: {  	[tilespmem:s20+$0xFFFFFFE0] =	vst v8;
	v9 =	vmul.f32 v6, v2;
	v5 =	vld [tilespmem:s20+$0x50]  }
0x12a: {  	s25 =	sadd.s32 s4, s24;
	s24 =	sadd.s32 $0x4, s24;
	[tilespmem:s20+$0xFFFFFFF0] =	vst v11;
	v8 =	vmul.f32 v10, v2;
	v6 =	vld [tilespmem:s20+$0x60]  }
0x12b: {  	v11 =	vld [tilespmem:s20+$0x80]  }
0x12c: {  	v13 =	vld [tilespmem:s20+$0x90]  }
0x12d: {  	s4 =	sadd.s32 $0x2, s25;
	v14 =	vld [tilespmem:s20+$0xA0];
	[tilespmem:s20+$0x0] =	vst v9;
	v7 =	vmul.f32 v7, v2  }
0x12e: {  	v10 =	vmov s25;
	s26 =	sadd.s32 $0x1, s25;
	v16 =	vld [tilespmem:s20+$0xB0];
	v12 =	vmov s4;
	[tilespmem:s20+$0x10] =	vst v8;
	v3 =	vmul.f32 v3, v2  }
0x12f: {  	v60 =	vld [tilespmem:s20+$0xC0];
	v15 =	vmov s26;
	v12 =	vand.u32 $0xFFFFFFFE, v12;
	[tilespmem:s20+$0x20] =	vst v7;
	v4 =	vmul.f32 v4, v2  }
0x130: {  	v9 =	vand.u32 $0xFFFFFFFD, v15;
	v7 =	vld [tilespmem:s20+$0xE0];
	v12 =	vbroadcast v12, $0x0;
	v5 =	vmul.f32 v5, v2;
	[tilespmem:s20+$0x30] =	vst v3  }
0x131: {  	v10 =	vand.u32 $0xFFFFFFFC, v10;
	v8 =	vbroadcast v9, $0x0;
	v9 =	vld [tilespmem:s20+$0xD0];
	v2 =	vmul.f32 v6, v2;
	[tilespmem:s20+$0x40] =	vst v4  }
0x132: {  	v10 =	vbroadcast v10, $0x0;
	v3 =	vld [tilespmem:s20+$0xF0];
	[tilespmem:s20+$0x50] =	vst v5;
	s20 =	sadd.s32 $0x200, s20  }
0x133: {  	v6 =	vmul.f32 v11, v1;
	v11 =	vmul.f32 v14, v1;
	[tilespmem:s7+$0x60] =	vst v2;
	v2 =	vld [tilespmem:s20+$0x70]  }
0x134: {  	v62 =	vld [tilespmem:s20+$0xFFFFFF20]  }
0x135: {  	[tilespmem:s7+$0xA0] =	vst v11;
	v11 =	vld [tilespmem:s20+$0xFFFFFF00]  }
0x136: {  	v61 =	vmul.f32 v60, v1;
	v5 =	vld.idx.msk [tilespmem:v12+s5+$0x0], $0xffff  }
0x137: {  	s28 =	sadd.s32 $0x3, s25;
	[tilespmem:s7+$0x80] =	vst v6;
	v6 =	vld.idx.msk [tilespmem:v8+s5+$0x0], $0xffff;
	v8 =	vmul.f32 v16, v1  }
0x138: {  	v17 =	vmov s28;
	v7 =	vmul.f32 v7, v1;
	[tilespmem:s7+$0xC0] =	vst v61;
	v4 =	vld.idx.msk [tilespmem:v10+s5+$0x0], $0xffff  }
0x139: {  	v9 =	vmul.f32 v9, v1;
	[tilespmem:s7+$0xB0] =	vst v8;
	v8 =	vld [tilespmem:s20+$0xFFFFFF10]  }
0x13a: {  	v10 =	vmul.f32 v13, v1;
	v1 =	vmul.f32 v3, v1;
	[tilespmem:s7+$0xE0] =	vst v7;
	v3 =	vld [tilespmem:s20+$0xFFFFFF40]  }
0x13b: {  	[tilespmem:s7+$0xD0] =	vst v9;
	v9 =	vld [tilespmem:s20+$0xFFFFFF30];
	v2 =	vmul.f32 v2, v5  }
0x13c: {  	v7 =	vld [tilespmem:s20+$0xFFFFFF50];
	[tilespmem:s7+$0x90] =	vst v10  }
0x13d: {  	v10 =	vld.idx.msk [tilespmem:v17+s5+$0x0], $0xffff;
	[tilespmem:s20+$0x70] =	vst v2;
	v2 =	vmul.f32 v11, v4  }
0x13e: {  	[tilespmem:s7+$0xF0] =	vst v1;
	v1 =	vmul.f32 v8, v4;
	v8 =	vld [tilespmem:s20+$0xFFFFFF60]  }
0x13f: {  	v11 =	vld [tilespmem:s20+$0xFFFFFF70];
	[tilespmem:s20+$0xFFFFFF00] =	vst v2;
	v2 =	vmul.f32 v62, v4  }
0x140: {  	[tilespmem:s20+$0xFFFFFF10] =	vst v1;
	v1 =	vmul.f32 v9, v4;
	v9 =	vld [tilespmem:s20+$0xFFFFFF80]  }
0x141: {  	[tilespmem:s20+$0xFFFFFF20] =	vst v2;
	v2 =	vmul.f32 v3, v4;
	v3 =	vld [tilespmem:s20+$0xFFFFFF90]  }
0x142: {  	[tilespmem:s20+$0xFFFFFF30] =	vst v1;
	v1 =	vmul.f32 v7, v4;
	v7 =	vld [tilespmem:s20+$0xFFFFFFA0]  }
0x143: {  	[tilespmem:s20+$0xFFFFFF40] =	vst v2;
	v2 =	vmul.f32 v8, v4;
	v8 =	vld [tilespmem:s20+$0xFFFFFFB0]  }
0x144: {  	[tilespmem:s20+$0xFFFFFF50] =	vst v1;
	v1 =	vmul.f32 v11, v4;
	v4 =	vld [tilespmem:s20+$0xFFFFFFC0]  }
0x145: {  	[tilespmem:s20+$0xFFFFFF60] =	vst v2;
	v2 =	vmul.f32 v9, v6;
	v9 =	vld [tilespmem:s20+$0xFFFFFFD0]  }
0x146: {  	[tilespmem:s20+$0xFFFFFF70] =	vst v1;
	v1 =	vmul.f32 v3, v6;
	v3 =	vld [tilespmem:s20+$0xFFFFFFE0]  }
0x147: {  	[tilespmem:s20+$0xFFFFFF80] =	vst v2;
	v2 =	vmul.f32 v7, v6;
	v7 =	vld [tilespmem:s20+$0xFFFFFFF0]  }
0x148: {  	[tilespmem:s20+$0xFFFFFF90] =	vst v1;
	v1 =	vmul.f32 v8, v6;
	v8 =	vld [tilespmem:s20+$0x0]  }
0x149: {  	[tilespmem:s20+$0xFFFFFFA0] =	vst v2;
	v2 =	vmul.f32 v4, v6;
	v4 =	vld [tilespmem:s20+$0x10]  }
0x14a: {  	[tilespmem:s20+$0xFFFFFFB0] =	vst v1;
	v1 =	vmul.f32 v9, v6;
	v9 =	vld [tilespmem:s20+$0x20]  }
0x14b: {  	[tilespmem:s20+$0xFFFFFFC0] =	vst v2;
	v2 =	vmul.f32 v3, v6;
	v3 =	vld [tilespmem:s20+$0x30]  }
0x14c: {  	[tilespmem:s20+$0xFFFFFFD0] =	vst v1;
	v1 =	vmul.f32 v7, v6;
	v6 =	vld [tilespmem:s20+$0x40]  }
0x14d: {  	v7 =	vld [tilespmem:s20+$0x50];
	[tilespmem:s20+$0xFFFFFFE0] =	vst v2;
	v2 =	vmul.f32 v8, v5  }
0x14e: {  	[tilespmem:s20+$0xFFFFFFF0] =	vst v1;
	v1 =	vmul.f32 v4, v5;
	v4 =	vld [tilespmem:s20+$0x60]  }
0x14f: {  	v8 =	vld [tilespmem:s20+$0x80];
	[tilespmem:s20+$0x0] =	vst v2;
	v2 =	vmul.f32 v9, v5  }
0x150: {  	[tilespmem:s20+$0x10] =	vst v1;
	v1 =	vld [tilespmem:s20+$0x90];
	v3 =	vmul.f32 v3, v5  }
0x151: {  	v9 =	vld [tilespmem:s20+$0xB0];
	[tilespmem:s20+$0x20] =	vst v2;
	v6 =	vmul.f32 v6, v5  }
0x152: {  	v2 =	vld [tilespmem:s20+$0xA0];
	v7 =	vmul.f32 v7, v5;
	[tilespmem:s20+$0x30] =	vst v3  }
0x153: {  	v3 =	vld [tilespmem:s20+$0xC0];
	v4 =	vmul.f32 v4, v5;
	[tilespmem:s20+$0x40] =	vst v6  }
0x154: {  	v5 =	vld [tilespmem:s20+$0xD0];
	v6 =	vmul.f32 v8, v10;
	[tilespmem:s20+$0x50] =	vst v7  }
0x155: {  	v7 =	vld [tilespmem:s20+$0xE0];
	v1 =	vmul.f32 v1, v10;
	[tilespmem:s20+$0x60] =	vst v4  }
0x156: {  	v4 =	vld [tilespmem:s20+$0xF0];
	[tilespmem:s20+$0x80] =	vst v6;
	v6 =	vmul.f32 v9, v10  }
0x157: {  	v2 =	vmul.f32 v2, v10;
	[tilespmem:s20+$0x90] =	vst v1  }
0x158: {  	v1 =	vmul.f32 v3, v10;
	[tilespmem:s20+$0xB0] =	vst v6  }
0x159: {  	[tilespmem:s20+$0xA0] =	vst v2;
	v2 =	vmul.f32 v5, v10  }
0x15a: {  	v3 =	vmul.f32 v7, v10;
	[tilespmem:s20+$0xC0] =	vst v1  }
0x15b: {  	s23 =	sshll.u32 s23, $0x7;
	v1 =	vmul.f32 v4, v10;
	[tilespmem:s20+$0xD0] =	vst v2  }
0x15c: {  	s25 =	sadd.s32 $0x0, s18;
	s7 =	sand.u32 $0x3FFFFF80, s23;
	[tilespmem:s20+$0xE0] =	vst v3  }
0x15d: {  	s26 =	sadd.s32 $0x2, s25;
	s24 =	sadd.s32 $0x14A80, s7;
	[tilespmem:s20+$0xF0] =	vst v1  }
0x15e: {  	v1 =	vmov s25;
	[spmem:s22] =	stream.indirect.scatter.add.f32 [tilespmem:s8], [sflag:$0x5], $0x80, s24, s6, $0xb8;
	[tilespmem:$0x1F500] =	vst v63  }
0x15f: {  	v2 =	vmov s26;
	v1 =	vand.u32 $0xFFFFFFFC, v1;
	_ =	swait.ge [sflag:s13], $0x3000  }
0x160: {  	s7 =	sadd.s32 @!p0 $0x14180, s21;
	v2 =	vand.u32 $0xFFFFFFFE, v2;
	v1 =	vbroadcast v1, $0x0;
	[sflag:s13] =	ssyncset.done $0x0  }
0x161: {  	s21 =	simm.s32 @!p0 $0x19500;
	s20 =	simm.s32 @!p0 $0x60;
	v2 =	vbroadcast v2, $0x0;
	[sflag:s13] =	ssyncadd.s32 $0xFFFFD000  }
0x162: {  	[tilespmem:s21], [sflag:$0x2] =	stream.indirect.gather @!p0 [hbm4b:s19+s20], $0x80, s7, s20, $0xb8;
	[tilespmem:$0x1F500] =	vst v63  }
0x163: {  	_ =	swait.ge [sflag:s14], $0x3000  }
0x164: {  	[sflag:s14] =	ssyncset.done $0x0  }
0x165: {  	[sflag:s14] =	ssyncadd.s32 $0xFFFFD000  }
0x166: {  	v1 =	vld.idx.msk [tilespmem:v1+s5+$0x0], $0xffff  }
0x167: {  	s28 =	sadd.s32 $0x1, s25;
	s20 =	simm.s32 $0x1C600;
	v2 =	vld.idx.msk [tilespmem:v2+s5+$0x0], $0xffff  }
0x168: {  	v3 =	vmov s28;
	v4 =	vld [tilespmem:s20+$0x70]  }
0x169: {  	v3 =	vand.u32 $0xFFFFFFFD, v3;
	v5 =	vld [tilespmem:s20+$0xFFFFFF00]  }
0x16a: {  	v3 =	vbroadcast v3, $0x0;
	v6 =	vld [tilespmem:s20+$0xFFFFFF10]  }
0x16b: {  	v7 =	vld [tilespmem:s20+$0xFFFFFF20]  }
0x16c: {  	v8 =	vld [tilespmem:s20+$0xFFFFFF30]  }
0x16d: {  	v9 =	vld [tilespmem:s20+$0xFFFFFF40]  }
0x16e: {  	v10 =	vld [tilespmem:s20+$0xFFFFFF50]  }
0x16f: {  	v11 =	vld [tilespmem:s20+$0xFFFFFF60];
	v5 =	vmul.f32 v5, v1  }
0x170: {  	v63 =	vld.idx.msk [tilespmem:v3+s5+$0x0], $0xffff;
	v3 =	vmul.f32 v4, v2  }
0x171: {  	v4 =	vmul.f32 v6, v1;
	v6 =	vld [tilespmem:s20+$0xFFFFFF80];
	[tilespmem:s20+$0xFFFFFF00] =	vst v5  }
0x172: {  	s4 =	sadd.s32 $0x3, s25;
	v5 =	vld [tilespmem:s20+$0xFFFFFF70];
	[tilespmem:s20+$0x70] =	vst v3;
	v3 =	vmul.f32 v7, v1  }
0x173: {  	[tilespmem:s20+$0xFFFFFF10] =	vst v4;
	v4 =	vmul.f32 v8, v1;
	v7 =	vld [tilespmem:s20+$0xFFFFFF90];
	v8 =	vmov s4  }
0x174: {  	[tilespmem:s20+$0xFFFFFF20] =	vst v3;
	v3 =	vmul.f32 v9, v1;
	v9 =	vld [tilespmem:s20+$0xFFFFFFA0]  }
0x175: {  	[tilespmem:s20+$0xFFFFFF30] =	vst v4;
	v4 =	vmul.f32 v10, v1;
	v10 =	vld [tilespmem:s20+$0xFFFFFFB0]  }
0x176: {  	[tilespmem:s20+$0xFFFFFF40] =	vst v3;
	v3 =	vmul.f32 v11, v1;
	v11 =	vld [tilespmem:s20+$0xFFFFFFC0]  }
0x177: {  	[tilespmem:s20+$0xFFFFFF50] =	vst v4;
	v4 =	vmul.f32 v6, v63;
	v6 =	vld [tilespmem:s20+$0xFFFFFFD0]  }
0x178: {  	v5 =	vmul.f32 v5, v1;
	v1 =	vld.idx.msk [tilespmem:v8+s5+$0x0], $0xffff;
	[tilespmem:s20+$0xFFFFFF60] =	vst v3  }
0x179: {  	v7 =	vmul.f32 v7, v63;
	v3 =	vld [tilespmem:s20+$0xFFFFFFE0];
	[tilespmem:s20+$0xFFFFFF80] =	vst v4  }
0x17a: {  	[tilespmem:s20+$0xFFFFFF70] =	vst v5;
	v4 =	vmul.f32 v9, v63;
	v5 =	vld [tilespmem:s20+$0xFFFFFFF0]  }
0x17b: {  	v8 =	vld [tilespmem:s20+$0x0];
	[tilespmem:s20+$0xFFFFFF90] =	vst v7;
	v7 =	vmul.f32 v10, v63  }
0x17c: {  	v10 =	vld [tilespmem:s20+$0x10];
	[tilespmem:s20+$0xFFFFFFA0] =	vst v4;
	v4 =	vmul.f32 v11, v63  }
0x17d: {  	[tilespmem:s20+$0xFFFFFFB0] =	vst v7;
	v6 =	vmul.f32 v6, v63;
	v7 =	vld [tilespmem:s20+$0x20]  }
0x17e: {  	[tilespmem:s20+$0xFFFFFFC0] =	vst v4;
	v9 =	vmul.f32 v3, v63;
	v3 =	vld [tilespmem:s20+$0x30]  }
0x17f: {  	[tilespmem:s20+$0xFFFFFFD0] =	vst v6;
	v4 =	vld [tilespmem:s20+$0x40];
	v6 =	vmul.f32 v5, v63  }
0x180: {  	v5 =	vld [tilespmem:s20+$0x50];
	[tilespmem:s20+$0xFFFFFFE0] =	vst v9;
	v9 =	vmul.f32 v8, v2  }
0x181: {  	s21 =	sadd.s32 $0x4, s18;
	s7 =	simm.s32 $0x8;
	s4 =	simm.s32 $0x1C600;
	v8 =	vmul.f32 v10, v2;
	[tilespmem:s20+$0xFFFFFFF0] =	vst v6;
	v6 =	vld [tilespmem:s20+$0x60]  }
.LBB2_9:
0x182: {  	p0 =	slt.u32 s7, $0x5C;
	v10 =	vmov s21;
	s23 =	sadd.s32 $0x1, s21;
	s24 =	sadd.s32 $0x2, s21;
	[tilespmem:s20+$0x0] =	vst v9;
	v7 =	vmul.f32 v7, v2;
	v9 =	vld [tilespmem:s20+$0x80]  }
0x183: {  	s21 =	sadd.s32 $0x3, s21;
	v10 =	vand.u32 $0xFFFFFFFC, v10;
	v11 =	vmov s23;
	v12 =	vmov s24;
	[tilespmem:s20+$0x10] =	vst v8;
	v8 =	vld [tilespmem:s20+$0x90]  }
0x184: {  	v10 =	vbroadcast v10, $0x0;
	v11 =	vand.u32 $0xFFFFFFFD, v11;
	v12 =	vand.u32 $0xFFFFFFFE, v12;
	[tilespmem:s20+$0x20] =	vst v7;
	v7 =	vld [tilespmem:s20+$0xA0]  }
0x185: {  	v13 =	vmov s21;
	v11 =	vbroadcast v11, $0x0;
	v12 =	vbroadcast v12, $0x0;
	v14 =	vld [tilespmem:s20+$0xB0]  }
0x186: {  	v3 =	vmul.f32 v3, v2;
	v4 =	vmul.f32 v4, v2;
	v15 =	vld [tilespmem:s20+$0xC0]  }
0x187: {  	v5 =	vmul.f32 v5, v2;
	v6 =	vmul.f32 v6, v2;
	v16 =	vld [tilespmem:s20+$0xD0]  }
0x188: {  	[tilespmem:s20+$0x30] =	vst v3;
	v3 =	vmul.f32 v9, v1;
	v8 =	vmul.f32 v8, v1;
	v9 =	vld [tilespmem:s20+$0xE0]  }
0x189: {  	[tilespmem:s20+$0x40] =	vst v4;
	v4 =	vmul.f32 v7, v1;
	v7 =	vld [tilespmem:s20+$0xF0]  }
0x18a: {  	v10 =	vld.idx.msk [tilespmem:v10+s5+$0x0], $0xffff;
	[tilespmem:s20+$0x50] =	vst v5;
	v5 =	vmul.f32 v14, v1  }
0x18b: {  	s20 =	sadd.s32 $0x200, s20;
	v2 =	vld.idx.msk [tilespmem:v12+s5+$0x0], $0xffff;
	[tilespmem:s4+$0x60] =	vst v6;
	v6 =	vmul.f32 v15, v1  }
0x18c: {  	v12 =	vld [tilespmem:s20+$0x70];
	[tilespmem:s4+$0x80] =	vst v3;
	v3 =	vmul.f32 v16, v1  }
0x18d: {  	v11 =	vld.idx.msk [tilespmem:v11+s5+$0x0], $0xffff;
	[tilespmem:s4+$0x90] =	vst v8;
	v8 =	vmul.f32 v9, v1  }
0x18e: {  	[tilespmem:s4+$0xA0] =	vst v4;
	v4 =	vmul.f32 v7, v1;
	v1 =	vld.idx.msk [tilespmem:v13+s5+$0x0], $0xffff  }
0x18f: {  	v7 =	vld [tilespmem:s20+$0xFFFFFF00];
	[tilespmem:s4+$0xB0] =	vst v5  }
0x190: {  	v5 =	vld [tilespmem:s20+$0xFFFFFF10];
	[tilespmem:s4+$0xC0] =	vst v6  }
0x191: {  	v6 =	vld [tilespmem:s20+$0xFFFFFF20];
	v9 =	vmul.f32 v12, v2;
	[tilespmem:s4+$0xD0] =	vst v3  }
0x192: {  	v3 =	vld [tilespmem:s20+$0xFFFFFF30];
	[tilespmem:s4+$0xE0] =	vst v8  }
0x193: {  	v8 =	vld [tilespmem:s20+$0xFFFFFF40];
	[tilespmem:s20+$0x70] =	vst v9  }
0x194: {  	v7 =	vmul.f32 v7, v10;
	v9 =	vld [tilespmem:s20+$0xFFFFFF50];
	[tilespmem:s4+$0xF0] =	vst v4;
	s4 =	smov.u32 s20  }
0x195: {  	v4 =	vmul.f32 v5, v10;
	v5 =	vld [tilespmem:s20+$0xFFFFFF60]  }
0x196: {  	[tilespmem:s20+$0xFFFFFF00] =	vst v7;
	v6 =	vmul.f32 v6, v10;
	v7 =	vld [tilespmem:s20+$0xFFFFFF70]  }
0x197: {  	[tilespmem:s20+$0xFFFFFF10] =	vst v4;
	v3 =	vmul.f32 v3, v10;
	v4 =	vld [tilespmem:s20+$0xFFFFFF80]  }
0x198: {  	[tilespmem:s20+$0xFFFFFF20] =	vst v6;
	v6 =	vmul.f32 v8, v10;
	v8 =	vld [tilespmem:s20+$0xFFFFFF90]  }
0x199: {  	[tilespmem:s20+$0xFFFFFF30] =	vst v3;
	v3 =	vmul.f32 v9, v10;
	v9 =	vld [tilespmem:s20+$0xFFFFFFA0]  }
0x19a: {  	[tilespmem:s20+$0xFFFFFF40] =	vst v6;
	v5 =	vmul.f32 v5, v10;
	v6 =	vld [tilespmem:s20+$0xFFFFFFB0]  }
0x19b: {  	[tilespmem:s20+$0xFFFFFF50] =	vst v3;
	v3 =	vmul.f32 v7, v10;
	v7 =	vld [tilespmem:s20+$0xFFFFFFC0]  }
0x19c: {  	[tilespmem:s20+$0xFFFFFF60] =	vst v5;
	v4 =	vmul.f32 v4, v11;
	v5 =	vld [tilespmem:s20+$0xFFFFFFD0]  }
0x19d: {  	[tilespmem:s20+$0xFFFFFF70] =	vst v3;
	v3 =	vmul.f32 v8, v11;
	v8 =	vld [tilespmem:s20+$0xFFFFFFE0]  }
0x19e: {  	[tilespmem:s20+$0xFFFFFF80] =	vst v4;
	v4 =	vmul.f32 v9, v11;
	v9 =	vld [tilespmem:s20+$0xFFFFFFF0]  }
0x19f: {  	[tilespmem:s20+$0xFFFFFF90] =	vst v3;
	v3 =	vmul.f32 v6, v11;
	v6 =	vld [tilespmem:s20+$0x0]  }
0x1a0: {  	[tilespmem:s20+$0xFFFFFFA0] =	vst v4;
	v4 =	vmul.f32 v7, v11;
	v10 =	vld [tilespmem:s20+$0x10]  }
.Ltmp3:
0x1a1: {  	[tilespmem:s20+$0xFFFFFFB0] =	vst v3;
	v5 =	vmul.f32 v5, v11;
	v7 =	vld [tilespmem:s20+$0x20];
	(pc) =	sbr.rel @p0 .LBB2_9-.Ltmp3, $4  }
0x1a2: {  	[tilespmem:s20+$0xFFFFFFC0] =	vst v4;
	v8 =	vmul.f32 v8, v11;
	v3 =	vld [tilespmem:s20+$0x30]  }
0x1a3: {  	[tilespmem:s20+$0xFFFFFFD0] =	vst v5;
	v11 =	vmul.f32 v9, v11;
	v4 =	vld [tilespmem:s20+$0x40]  }
0x1a4: {  	[tilespmem:s20+$0xFFFFFFE0] =	vst v8;
	v9 =	vmul.f32 v6, v2;
	v5 =	vld [tilespmem:s20+$0x50]  }
0x1a5: {  	s21 =	sadd.s32 s18, s7;
	s7 =	sadd.s32 $0x4, s7;
	[tilespmem:s20+$0xFFFFFFF0] =	vst v11;
	v8 =	vmul.f32 v10, v2;
	v6 =	vld [tilespmem:s20+$0x60]  }
0x1a6: {  	v11 =	vld [tilespmem:s20+$0x80]  }
0x1a7: {  	v13 =	vld [tilespmem:s20+$0x90]  }
0x1a8: {  	v14 =	vld [tilespmem:s20+$0xA0]  }
0x1a9: {  	s7 =	sadd.s32 $0x2, s21;
	v16 =	vld [tilespmem:s20+$0xB0]  }
0x1aa: {  	[tilespmem:s20+$0x0] =	vst v9;
	v7 =	vmul.f32 v7, v2;
	v25 =	vld [tilespmem:s20+$0xC0];
	v12 =	vmov s7  }
0x1ab: {  	v27 =	vld [tilespmem:s20+$0xD0];
	[tilespmem:s20+$0x10] =	vst v8;
	v3 =	vmul.f32 v3, v2;
	v12 =	vand.u32 $0xFFFFFFFE, v12  }
0x1ac: {  	v10 =	vmov s21;
	v28 =	vld [tilespmem:s20+$0xE0];
	s26 =	sadd.s32 $0x200, s20;
	[tilespmem:s20+$0x20] =	vst v7;
	v4 =	vmul.f32 v4, v2;
	v12 =	vbroadcast v12, $0x0  }
0x1ad: {  	s25 =	sadd.s32 $0x3, s21;
	v10 =	vand.u32 $0xFFFFFFFC, v10;
	v38 =	vld [tilespmem:s26+$0xFFFFFF00];
	v5 =	vmul.f32 v5, v2;
	[tilespmem:s20+$0x30] =	vst v3  }
0x1ae: {  	v17 =	vmov s25;
	v39 =	vld [tilespmem:s26+$0xFFFFFF10];
	v10 =	vbroadcast v10, $0x0;
	v2 =	vmul.f32 v6, v2;
	[tilespmem:s20+$0x40] =	vst v4  }
0x1af: {  	v57 =	vld [tilespmem:s26+$0x80];
	v30 =	vmul.f32 v11, v1;
	[tilespmem:s20+$0x50] =	vst v5  }
0x1b0: {  	v3 =	vld [tilespmem:s20+$0xF0];
	v32 =	vmul.f32 v13, v1;
	[tilespmem:s4+$0x60] =	vst v2  }
0x1b1: {  	v33 =	vmul.f32 v14, v1;
	v2 =	vld [tilespmem:s26+$0x70];
	[tilespmem:s4+$0x80] =	vst v30  }
0x1b2: {  	v35 =	vmul.f32 v16, v1;
	[tilespmem:s4+$0x90] =	vst v32;
	v31 =	vld.idx.msk [tilespmem:v12+s5+$0x0], $0xffff  }
0x1b3: {  	s24 =	sadd.s32 $0x1, s21;
	v37 =	vmul.f32 v25, v1;
	v36 =	vld.idx.msk [tilespmem:v17+s5+$0x0], $0xffff;
	[tilespmem:s4+$0xA0] =	vst v33  }
0x1b4: {  	v15 =	vmov s24;
	v9 =	vmul.f32 v27, v1;
	[tilespmem:s4+$0xB0] =	vst v35;
	v29 =	vld.idx.msk [tilespmem:v10+s5+$0x0], $0xffff  }
0x1b5: {  	v40 =	vld [tilespmem:s26+$0xFFFFFF20];
	v24 =	vand.u32 $0xFFFFFFFD, v15;
	v7 =	vmul.f32 v28, v1;
	[tilespmem:s4+$0xC0] =	vst v37  }
0x1b6: {  	v41 =	vld [tilespmem:s26+$0xFFFFFF30];
	v26 =	vbroadcast v24, $0x0;
	[tilespmem:s4+$0xD0] =	vst v9;
	v1 =	vmul.f32 v3, v1  }
0x1b7: {  	v42 =	vld [tilespmem:s26+$0xFFFFFF50];
	[tilespmem:s4+$0xE0] =	vst v7;
	v2 =	vmul.f32 v2, v31  }
0x1b8: {  	v3 =	vld [tilespmem:s26+$0xFFFFFF40];
	[tilespmem:s4+$0xF0] =	vst v1;
	v60 =	vmul.f32 v57, v36  }
0x1b9: {  	v43 =	vld [tilespmem:s26+$0xFFFFFF60];
	[tilespmem:s26+$0x70] =	vst v2;
	v2 =	vmul.f32 v38, v29  }
0x1ba: {  	v44 =	vld [tilespmem:s26+$0xFFFFFF70];
	v1 =	vmul.f32 v39, v29;
	[tilespmem:s26+$0x80] =	vst v60  }
0x1bb: {  	v45 =	vld [tilespmem:s26+$0xFFFFFF80];
	[tilespmem:s26+$0xFFFFFF00] =	vst v2;
	v2 =	vmul.f32 v40, v29  }
0x1bc: {  	v34 =	vld.idx.msk [tilespmem:v26+s5+$0x0], $0xffff;
	[tilespmem:s26+$0xFFFFFF10] =	vst v1;
	v1 =	vmul.f32 v41, v29  }
0x1bd: {  	[tilespmem:s26+$0xFFFFFF20] =	vst v2;
	v2 =	vmul.f32 v3, v29;
	v3 =	vld [tilespmem:s26+$0xFFFFFF90]  }
0x1be: {  	v46 =	vld [tilespmem:s26+$0xFFFFFFA0];
	[tilespmem:s26+$0xFFFFFF30] =	vst v1;
	v1 =	vmul.f32 v42, v29  }
0x1bf: {  	v47 =	vld [tilespmem:s26+$0xFFFFFFB0];
	[tilespmem:s26+$0xFFFFFF40] =	vst v2;
	v2 =	vmul.f32 v43, v29  }
0x1c0: {  	v48 =	vld [tilespmem:s26+$0xFFFFFFC0];
	[tilespmem:s26+$0xFFFFFF50] =	vst v1;
	v1 =	vmul.f32 v44, v29  }
0x1c1: {  	v49 =	vld [tilespmem:s26+$0xFFFFFFD0];
	[tilespmem:s26+$0xFFFFFF60] =	vst v2;
	v2 =	vmul.f32 v45, v34  }
0x1c2: {  	[tilespmem:s26+$0xFFFFFF70] =	vst v1;
	v1 =	vmul.f32 v3, v34;
	v3 =	vld [tilespmem:s26+$0xFFFFFFE0]  }
0x1c3: {  	v50 =	vld [tilespmem:s26+$0xFFFFFFF0];
	[tilespmem:s26+$0xFFFFFF80] =	vst v2;
	v2 =	vmul.f32 v46, v34  }
0x1c4: {  	v51 =	vld [tilespmem:s26+$0x0];
	[tilespmem:s26+$0xFFFFFF90] =	vst v1;
	v1 =	vmul.f32 v47, v34  }
0x1c5: {  	v52 =	vld [tilespmem:s26+$0x10];
	[tilespmem:s26+$0xFFFFFFA0] =	vst v2;
	v2 =	vmul.f32 v48, v34  }
0x1c6: {  	v53 =	vld [tilespmem:s26+$0x20];
	[tilespmem:s26+$0xFFFFFFB0] =	vst v1;
	v1 =	vmul.f32 v49, v34  }
0x1c7: {  	[tilespmem:s26+$0xFFFFFFC0] =	vst v2;
	v2 =	vmul.f32 v3, v34;
	v3 =	vld [tilespmem:s26+$0x30]  }
0x1c8: {  	v58 =	vld [tilespmem:s26+$0xB0];
	[tilespmem:s26+$0xFFFFFFD0] =	vst v1;
	v1 =	vmul.f32 v50, v34  }
0x1c9: {  	v54 =	vld [tilespmem:s26+$0x40];
	[tilespmem:s26+$0xFFFFFFE0] =	vst v2;
	v2 =	vmul.f32 v51, v31  }
0x1ca: {  	v55 =	vld [tilespmem:s26+$0x50];
	[tilespmem:s26+$0xFFFFFFF0] =	vst v1;
	v1 =	vmul.f32 v52, v31  }
0x1cb: {  	v56 =	vld [tilespmem:s26+$0x60];
	[tilespmem:s26+$0x0] =	vst v2;
	v2 =	vmul.f32 v53, v31  }
0x1cc: {  	[tilespmem:s26+$0x10] =	vst v1;
	v1 =	vld [tilespmem:s26+$0x90];
	v3 =	vmul.f32 v3, v31  }
0x1cd: {  	v63 =	vmul.f32 v58, v36;
	[tilespmem:s26+$0x20] =	vst v2;
	v2 =	vld [tilespmem:s26+$0xA0]  }
0x1ce: {  	v6 =	vmul.f32 v54, v31;
	[tilespmem:s26+$0x30] =	vst v3;
	v3 =	vld [tilespmem:s26+$0xC0]  }
0x1cf: {  	v61 =	vld [tilespmem:s26+$0xE0];
	[tilespmem:s26+$0xB0] =	vst v63;
	v7 =	vmul.f32 v55, v31  }
0x1d0: {  	v59 =	vld [tilespmem:s26+$0xD0];
	v4 =	vmul.f32 v56, v31;
	[tilespmem:s26+$0x40] =	vst v6  }
0x1d1: {  	v62 =	vld [tilespmem:s26+$0xF0];
	[tilespmem:s26+$0x50] =	vst v7;
	v1 =	vmul.f32 v1, v36  }
0x1d2: {  	[tilespmem:s26+$0x60] =	vst v4;
	v2 =	vmul.f32 v2, v36  }
0x1d3: {  	s16 =	sadd.s32 $0x1, s16;
	[tilespmem:s26+$0x90] =	vst v1;
	v1 =	vmul.f32 v3, v36  }
0x1d4: {  	p0 =	sne.s32 s16, $0x9;
	v3 =	vmul.f32 v61, v36;
	[tilespmem:s26+$0xA0] =	vst v2  }
.Ltmp4:
0x1d5: {  	v2 =	vmul.f32 v59, v36;
	[tilespmem:s26+$0xC0] =	vst v1;
	(pc) =	sbr.rel @p0 .LBB2_4-.Ltmp4, $4  }
0x1d6: {  	s28 =	sshll.u32 s17, $0x7;
	v1 =	vmul.f32 v62, v36;
	[tilespmem:s26+$0xE0] =	vst v3  }
0x1d7: {  	s4 =	sand.u32 $0x3FFFFF80, s28;
	[tilespmem:s26+$0xD0] =	vst v2  }
0x1d8: {  	s4 =	sadd.s32 $0x14A80, s4;
	[tilespmem:s26+$0xF0] =	vst v1  }
0x1d9: {  	[spmem:s22] =	stream.indirect.scatter.add.f32 [tilespmem:s9], [sflag:$0x6], $0x80, s4, s6, $0xb8;
	[tilespmem:$0x1F500] =	vst v63  }
0x1da: {  	_ =	swait.ge [sflag:s15], $0x3000  }
0x1db: {  	[sflag:s15] =	ssyncset.done $0x0  }
0x1dc: {  	s16 =	simm.s32 $0x0;
	s4 =	rddreg [dreg:$0x8];
	[sflag:s15] =	ssyncadd.s32 $0xFFFFD000  }
0x1dd: {  	[tilespmem:s3], [sflag:$0x7] =	stream.linear.gather [hbm4b:s4+s16], $0xA20, $0x38;
	[tilespmem:$0x1F500] =	vst v63  }
0x1de: {  	_ =	swait.ge [sflag:s2], $0xA20  }
0x1df: {  	[sflag:s2] =	ssyncset.done $0x0  }
0x1e0: {  	s7 =	simm.s32 $0x14A80;
	s25 =	rddreg [dreg:$0x9];
	[sflag:s2] =	ssyncadd.s32 $0xFFFFF5E0  }
0x1e1: {  	[tilespmem:s7], [sflag:$0x7] =	stream.linear.gather [hbm4b:s25+s16], $0xD80, $0x38;
	[tilespmem:$0x1F500] =	vst v63  }
0x1e2: {  	_ =	swait.ge [sflag:s2], $0xD80  }
0x1e3: {  	[sflag:s2] =	ssyncset.done $0x0  }
0x1e4: {  	s26 =	rddreg [dreg:$0xa];
	[sflag:s2] =	ssyncadd.s32 $0xFFFFF280  }
0x1e5: {  	[tilespmem:s5], [sflag:$0x7] =	stream.linear.gather [hbm4b:s26+s16], $0xA20, $0x38;
	[tilespmem:$0x1F500] =	vst v63  }
0x1e6: {  	_ =	swait.ge [sflag:s2], $0xA20  }
0x1e7: {  	[sflag:s2] =	ssyncset.done $0x0  }
0x1e8: {  	[sflag:s2] =	ssyncadd.s32 $0xFFFFF5E0  }
0x1e9: {  	[tilespmem:s1], [sflag:$0x1] =	stream.indirect.gather [hbm4b:s19+s6], $0x80, s3, s6, $0xb8;
	[tilespmem:$0x1F500] =	vst v63  }
0x1ea: {  	s28 =	simm.s32 $0x14060  }
0x1eb: {  	[tilespmem:s8], [sflag:$0x2] =	stream.indirect.gather [hbm4b:s19+s6], $0x80, s28, s6, $0xb8;
	[tilespmem:$0x1F500] =	vst v63  }
.LBB2_12:
0x1ec: {  	s21 =	smul.u32 $0x3, s16  }
0x1ed: {  	p0 =	seq.s32 s16, $0x0  }
0x1ee: {  	s4 =	smul.u32 $0x120, s16;
	s20 =	simm.s32 @!p0 $0x6;
	s17 =	sadd.s32 $0x2, s21  }
0x1ef: {  	_ =	swait.ge @!p0 [sflag:s20], $0x3000;
	s18 =	smul.u32 $0x60, s17  }
0x1f0: {  	s7 =	sadd.s32 $0x0, s4;
	[sflag:s20] =	ssyncset.done @!p0 $0x0  }
0x1f1: {  	s23 =	sadd.s32 $0x2, s7;
	[sflag:s20] =	ssyncadd.s32 @!p0 $0xFFFFD000;
	s26 =	sadd.s32 $0x14000, s18  }
0x1f2: {  	v1 =	vmov s7;
	[tilespmem:s9], [sflag:$0x3] =	stream.indirect.gather [hbm4b:s19+s6], $0x80, s26, s6, $0xb8;
	[tilespmem:$0x1F500] =	vst v63  }
0x1f3: {  	v1 =	vand.u32 $0xFFFFFFFC, v1;
	v2 =	vmov s23;
	_ =	swait.ge [sflag:s10], $0x3000  }
0x1f4: {  	v1 =	vbroadcast v1, $0x0;
	v2 =	vand.u32 $0xFFFFFFFE, v2;
	[sflag:s10] =	ssyncset.done $0x0  }
0x1f5: {  	s20 =	simm.s32 $0x16600;
	v2 =	vbroadcast v2, $0x0;
	[sflag:s10] =	ssyncadd.s32 $0xFFFFD000  }
0x1f6: {  	v4 =	vld [tilespmem:s20+$0x70]  }
0x1f7: {  	s28 =	sadd.s32 $0x1, s7;
	v5 =	vld [tilespmem:s20+$0xFFFFFF00]  }
0x1f8: {  	v3 =	vmov s28;
	v6 =	vld [tilespmem:s20+$0xFFFFFF10]  }
0x1f9: {  	v3 =	vand.u32 $0xFFFFFFFD, v3;
	v7 =	vld [tilespmem:s20+$0xFFFFFF20]  }
0x1fa: {  	v3 =	vbroadcast v3, $0x0;
	v1 =	vld.idx.msk [tilespmem:v1+s5+$0x0], $0xffff  }
0x1fb: {  	v2 =	vld.idx.msk [tilespmem:v2+s5+$0x0], $0xffff  }
0x1fc: {  	v8 =	vld [tilespmem:s20+$0xFFFFFF30]  }
0x1fd: {  	v9 =	vld [tilespmem:s20+$0xFFFFFF40]  }
0x1fe: {  	v10 =	vld [tilespmem:s20+$0xFFFFFF50]  }
0x1ff: {  	v11 =	vld [tilespmem:s20+$0xFFFFFF60];
	v5 =	vmul.f32 v5, v1  }
0x200: {  	v12 =	vld.idx.msk [tilespmem:v3+s5+$0x0], $0xffff;
	v3 =	vmul.f32 v4, v2  }
0x201: {  	v4 =	vmul.f32 v6, v1;
	v6 =	vld [tilespmem:s20+$0xFFFFFF80];
	[tilespmem:s20+$0xFFFFFF00] =	vst v5  }
0x202: {  	s7 =	sadd.s32 $0x3, s7;
	v5 =	vld [tilespmem:s20+$0xFFFFFF70];
	[tilespmem:s20+$0x70] =	vst v3;
	v3 =	vmul.f32 v7, v1  }
0x203: {  	[tilespmem:s20+$0xFFFFFF10] =	vst v4;
	v4 =	vmul.f32 v8, v1;
	v7 =	vld [tilespmem:s20+$0xFFFFFF90];
	v8 =	vmov s7  }
0x204: {  	[tilespmem:s20+$0xFFFFFF20] =	vst v3;
	v3 =	vmul.f32 v9, v1;
	v9 =	vld [tilespmem:s20+$0xFFFFFFA0]  }
0x205: {  	[tilespmem:s20+$0xFFFFFF30] =	vst v4;
	v4 =	vmul.f32 v10, v1;
	v10 =	vld [tilespmem:s20+$0xFFFFFFB0]  }
0x206: {  	[tilespmem:s20+$0xFFFFFF40] =	vst v3;
	v3 =	vmul.f32 v11, v1;
	v11 =	vld [tilespmem:s20+$0xFFFFFFC0]  }
0x207: {  	[tilespmem:s20+$0xFFFFFF50] =	vst v4;
	v4 =	vmul.f32 v6, v12;
	v6 =	vld [tilespmem:s20+$0xFFFFFFD0]  }
0x208: {  	v5 =	vmul.f32 v5, v1;
	v1 =	vld.idx.msk [tilespmem:v8+s5+$0x0], $0xffff;
	[tilespmem:s20+$0xFFFFFF60] =	vst v3  }
0x209: {  	v7 =	vmul.f32 v7, v12;
	v3 =	vld [tilespmem:s20+$0xFFFFFFE0];
	[tilespmem:s20+$0xFFFFFF80] =	vst v4  }
0x20a: {  	[tilespmem:s20+$0xFFFFFF70] =	vst v5;
	v5 =	vld [tilespmem:s20+$0xFFFFFFF0];
	v4 =	vmul.f32 v9, v12  }
0x20b: {  	v8 =	vld [tilespmem:s20+$0x0];
	[tilespmem:s20+$0xFFFFFF90] =	vst v7;
	v7 =	vmul.f32 v10, v12  }
0x20c: {  	v10 =	vld [tilespmem:s20+$0x10];
	[tilespmem:s20+$0xFFFFFFA0] =	vst v4;
	v4 =	vmul.f32 v11, v12  }
0x20d: {  	[tilespmem:s20+$0xFFFFFFB0] =	vst v7;
	v6 =	vmul.f32 v6, v12;
	v7 =	vld [tilespmem:s20+$0x20]  }
0x20e: {  	[tilespmem:s20+$0xFFFFFFC0] =	vst v4;
	v9 =	vmul.f32 v3, v12;
	v3 =	vld [tilespmem:s20+$0x30]  }
0x20f: {  	[tilespmem:s20+$0xFFFFFFD0] =	vst v6;
	v6 =	vmul.f32 v5, v12;
	v4 =	vld [tilespmem:s20+$0x40]  }
0x210: {  	v5 =	vld [tilespmem:s20+$0x50];
	[tilespmem:s20+$0xFFFFFFE0] =	vst v9;
	v9 =	vmul.f32 v8, v2  }
0x211: {  	s24 =	sadd.s32 $0x4, s4;
	s23 =	simm.s32 $0x8;
	s7 =	simm.s32 $0x16600;
	[tilespmem:s20+$0xFFFFFFF0] =	vst v6;
	v8 =	vmul.f32 v10, v2;
	v6 =	vld [tilespmem:s20+$0x60]  }
.LBB2_13:
0x212: {  	p0 =	slt.u32 s23, $0x5C;
	v10 =	vmov s24;
	s25 =	sadd.s32 $0x1, s24;
	s26 =	sadd.s32 $0x2, s24;
	[tilespmem:s20+$0x0] =	vst v9;
	v7 =	vmul.f32 v7, v2;
	v9 =	vld [tilespmem:s20+$0x80]  }
0x213: {  	s24 =	sadd.s32 $0x3, s24;
	v10 =	vand.u32 $0xFFFFFFFC, v10;
	v11 =	vmov s25;
	v12 =	vmov s26;
	[tilespmem:s20+$0x10] =	vst v8;
	v8 =	vld [tilespmem:s20+$0x90]  }
0x214: {  	v10 =	vbroadcast v10, $0x0;
	v11 =	vand.u32 $0xFFFFFFFD, v11;
	v12 =	vand.u32 $0xFFFFFFFE, v12;
	[tilespmem:s20+$0x20] =	vst v7;
	v7 =	vld [tilespmem:s20+$0xA0]  }
0x215: {  	v13 =	vmov s24;
	v11 =	vbroadcast v11, $0x0;
	v12 =	vbroadcast v12, $0x0;
	v14 =	vld [tilespmem:s20+$0xB0]  }
0x216: {  	v3 =	vmul.f32 v3, v2;
	v4 =	vmul.f32 v4, v2;
	v15 =	vld [tilespmem:s20+$0xC0]  }
0x217: {  	v5 =	vmul.f32 v5, v2;
	v6 =	vmul.f32 v6, v2;
	v16 =	vld [tilespmem:s20+$0xD0]  }
0x218: {  	[tilespmem:s20+$0x30] =	vst v3;
	v3 =	vmul.f32 v9, v1;
	v8 =	vmul.f32 v8, v1;
	v9 =	vld [tilespmem:s20+$0xE0]  }
0x219: {  	[tilespmem:s20+$0x40] =	vst v4;
	v4 =	vmul.f32 v7, v1;
	v7 =	vld [tilespmem:s20+$0xF0]  }
0x21a: {  	v10 =	vld.idx.msk [tilespmem:v10+s5+$0x0], $0xffff;
	[tilespmem:s20+$0x50] =	vst v5;
	v5 =	vmul.f32 v14, v1  }
0x21b: {  	s20 =	sadd.s32 $0x200, s20;
	v2 =	vld.idx.msk [tilespmem:v12+s5+$0x0], $0xffff;
	[tilespmem:s7+$0x60] =	vst v6;
	v6 =	vmul.f32 v15, v1  }
0x21c: {  	v12 =	vld [tilespmem:s20+$0x70];
	[tilespmem:s7+$0x80] =	vst v3;
	v3 =	vmul.f32 v16, v1  }
0x21d: {  	v11 =	vld.idx.msk [tilespmem:v11+s5+$0x0], $0xffff;
	[tilespmem:s7+$0x90] =	vst v8;
	v8 =	vmul.f32 v9, v1  }
0x21e: {  	[tilespmem:s7+$0xA0] =	vst v4;
	v4 =	vmul.f32 v7, v1;
	v1 =	vld.idx.msk [tilespmem:v13+s5+$0x0], $0xffff  }
0x21f: {  	v7 =	vld [tilespmem:s20+$0xFFFFFF00];
	[tilespmem:s7+$0xB0] =	vst v5  }
0x220: {  	v5 =	vld [tilespmem:s20+$0xFFFFFF10];
	[tilespmem:s7+$0xC0] =	vst v6  }
0x221: {  	v6 =	vld [tilespmem:s20+$0xFFFFFF20];
	v9 =	vmul.f32 v12, v2;
	[tilespmem:s7+$0xD0] =	vst v3  }
0x222: {  	v3 =	vld [tilespmem:s20+$0xFFFFFF30];
	[tilespmem:s7+$0xE0] =	vst v8  }
0x223: {  	v8 =	vld [tilespmem:s20+$0xFFFFFF40];
	[tilespmem:s20+$0x70] =	vst v9  }
0x224: {  	v7 =	vmul.f32 v7, v10;
	v9 =	vld [tilespmem:s20+$0xFFFFFF50];
	[tilespmem:s7+$0xF0] =	vst v4;
	s7 =	smov.u32 s20  }
0x225: {  	v4 =	vmul.f32 v5, v10;
	v5 =	vld [tilespmem:s20+$0xFFFFFF60]  }
0x226: {  	[tilespmem:s20+$0xFFFFFF00] =	vst v7;
	v6 =	vmul.f32 v6, v10;
	v7 =	vld [tilespmem:s20+$0xFFFFFF70]  }
0x227: {  	[tilespmem:s20+$0xFFFFFF10] =	vst v4;
	v3 =	vmul.f32 v3, v10;
	v4 =	vld [tilespmem:s20+$0xFFFFFF80]  }
0x228: {  	[tilespmem:s20+$0xFFFFFF20] =	vst v6;
	v6 =	vmul.f32 v8, v10;
	v8 =	vld [tilespmem:s20+$0xFFFFFF90]  }
0x229: {  	[tilespmem:s20+$0xFFFFFF30] =	vst v3;
	v3 =	vmul.f32 v9, v10;
	v9 =	vld [tilespmem:s20+$0xFFFFFFA0]  }
0x22a: {  	[tilespmem:s20+$0xFFFFFF40] =	vst v6;
	v5 =	vmul.f32 v5, v10;
	v6 =	vld [tilespmem:s20+$0xFFFFFFB0]  }
0x22b: {  	[tilespmem:s20+$0xFFFFFF50] =	vst v3;
	v3 =	vmul.f32 v7, v10;
	v7 =	vld [tilespmem:s20+$0xFFFFFFC0]  }
0x22c: {  	[tilespmem:s20+$0xFFFFFF60] =	vst v5;
	v4 =	vmul.f32 v4, v11;
	v5 =	vld [tilespmem:s20+$0xFFFFFFD0]  }
0x22d: {  	[tilespmem:s20+$0xFFFFFF70] =	vst v3;
	v3 =	vmul.f32 v8, v11;
	v8 =	vld [tilespmem:s20+$0xFFFFFFE0]  }
0x22e: {  	[tilespmem:s20+$0xFFFFFF80] =	vst v4;
	v4 =	vmul.f32 v9, v11;
	v9 =	vld [tilespmem:s20+$0xFFFFFFF0]  }
0x22f: {  	[tilespmem:s20+$0xFFFFFF90] =	vst v3;
	v3 =	vmul.f32 v6, v11;
	v6 =	vld [tilespmem:s20+$0x0]  }
0x230: {  	[tilespmem:s20+$0xFFFFFFA0] =	vst v4;
	v4 =	vmul.f32 v7, v11;
	v10 =	vld [tilespmem:s20+$0x10]  }
.Ltmp5:
0x231: {  	[tilespmem:s20+$0xFFFFFFB0] =	vst v3;
	v5 =	vmul.f32 v5, v11;
	v7 =	vld [tilespmem:s20+$0x20];
	(pc) =	sbr.rel @p0 .LBB2_13-.Ltmp5, $4  }
0x232: {  	[tilespmem:s20+$0xFFFFFFC0] =	vst v4;
	v8 =	vmul.f32 v8, v11;
	v3 =	vld [tilespmem:s20+$0x30]  }
0x233: {  	[tilespmem:s20+$0xFFFFFFD0] =	vst v5;
	v11 =	vmul.f32 v9, v11;
	v4 =	vld [tilespmem:s20+$0x40]  }
0x234: {  	[tilespmem:s20+$0xFFFFFFE0] =	vst v8;
	v9 =	vmul.f32 v6, v2;
	v5 =	vld [tilespmem:s20+$0x50]  }
0x235: {  	s24 =	sadd.s32 s4, s23;
	s23 =	sadd.s32 $0x4, s23;
	[tilespmem:s20+$0xFFFFFFF0] =	vst v11;
	v8 =	vmul.f32 v10, v2;
	v6 =	vld [tilespmem:s20+$0x60]  }
0x236: {  	v11 =	vld [tilespmem:s20+$0x80]  }
0x237: {  	v13 =	vld [tilespmem:s20+$0x90]  }
0x238: {  	s4 =	sadd.s32 $0x2, s24;
	v14 =	vld [tilespmem:s20+$0xA0]  }
0x239: {  	v10 =	vmov s24;
	s28 =	sadd.s32 $0x1, s24;
	v16 =	vld [tilespmem:s20+$0xB0];
	[tilespmem:s20+$0x0] =	vst v9;
	v7 =	vmul.f32 v7, v2;
	v12 =	vmov s4  }
0x23a: {  	v60 =	vld [tilespmem:s20+$0xC0];
	s23 =	sadd.s32 $0x3, s24;
	s24 =	sadd.s32 $0x200, s20;
	v15 =	vmov s28;
	[tilespmem:s20+$0x10] =	vst v8;
	v3 =	vmul.f32 v3, v2;
	v12 =	vand.u32 $0xFFFFFFFE, v12  }
0x23b: {  	v62 =	vld [tilespmem:s24+$0xFFFFFF20];
	v9 =	vand.u32 $0xFFFFFFFD, v15;
	[tilespmem:s20+$0x20] =	vst v7;
	v4 =	vmul.f32 v4, v2;
	v12 =	vbroadcast v12, $0x0  }
0x23c: {  	v10 =	vand.u32 $0xFFFFFFFC, v10;
	v7 =	vld [tilespmem:s20+$0xE0];
	v8 =	vbroadcast v9, $0x0;
	v5 =	vmul.f32 v5, v2;
	[tilespmem:s20+$0x30] =	vst v3  }
0x23d: {  	v10 =	vbroadcast v10, $0x0;
	v9 =	vld [tilespmem:s20+$0xD0];
	v2 =	vmul.f32 v6, v2;
	[tilespmem:s20+$0x40] =	vst v4  }
0x23e: {  	v3 =	vld [tilespmem:s20+$0xF0];
	v6 =	vmul.f32 v11, v1;
	[tilespmem:s20+$0x50] =	vst v5;
	v11 =	vmul.f32 v14, v1  }
0x23f: {  	[tilespmem:s7+$0x60] =	vst v2;
	v2 =	vld [tilespmem:s24+$0x70]  }
0x240: {  	[tilespmem:s7+$0xA0] =	vst v11;
	v11 =	vld [tilespmem:s24+$0xFFFFFF00]  }
0x241: {  	v61 =	vmul.f32 v60, v1;
	v5 =	vld.idx.msk [tilespmem:v12+s5+$0x0], $0xffff  }
0x242: {  	[tilespmem:s7+$0x80] =	vst v6;
	v6 =	vld.idx.msk [tilespmem:v8+s5+$0x0], $0xffff;
	v8 =	vmul.f32 v16, v1  }
0x243: {  	v17 =	vmov s23;
	v7 =	vmul.f32 v7, v1;
	[tilespmem:s7+$0xC0] =	vst v61;
	v4 =	vld.idx.msk [tilespmem:v10+s5+$0x0], $0xffff  }
0x244: {  	v9 =	vmul.f32 v9, v1;
	[tilespmem:s7+$0xB0] =	vst v8;
	v8 =	vld [tilespmem:s24+$0xFFFFFF10]  }
0x245: {  	v10 =	vmul.f32 v13, v1;
	v1 =	vmul.f32 v3, v1;
	[tilespmem:s7+$0xE0] =	vst v7;
	v3 =	vld [tilespmem:s24+$0xFFFFFF40]  }
0x246: {  	[tilespmem:s7+$0xD0] =	vst v9;
	v9 =	vld [tilespmem:s24+$0xFFFFFF30];
	v2 =	vmul.f32 v2, v5  }
0x247: {  	v7 =	vld [tilespmem:s24+$0xFFFFFF50];
	[tilespmem:s7+$0x90] =	vst v10  }
0x248: {  	v10 =	vld.idx.msk [tilespmem:v17+s5+$0x0], $0xffff;
	[tilespmem:s24+$0x70] =	vst v2;
	v2 =	vmul.f32 v11, v4  }
0x249: {  	[tilespmem:s7+$0xF0] =	vst v1;
	v1 =	vmul.f32 v8, v4;
	v8 =	vld [tilespmem:s24+$0xFFFFFF60]  }
0x24a: {  	v11 =	vld [tilespmem:s24+$0xFFFFFF70];
	[tilespmem:s24+$0xFFFFFF00] =	vst v2;
	v2 =	vmul.f32 v62, v4  }
0x24b: {  	[tilespmem:s24+$0xFFFFFF10] =	vst v1;
	v1 =	vmul.f32 v9, v4;
	v9 =	vld [tilespmem:s24+$0xFFFFFF80]  }
0x24c: {  	[tilespmem:s24+$0xFFFFFF20] =	vst v2;
	v2 =	vmul.f32 v3, v4;
	v3 =	vld [tilespmem:s24+$0xFFFFFF90]  }
0x24d: {  	[tilespmem:s24+$0xFFFFFF30] =	vst v1;
	v1 =	vmul.f32 v7, v4;
	v7 =	vld [tilespmem:s24+$0xFFFFFFA0]  }
0x24e: {  	[tilespmem:s24+$0xFFFFFF40] =	vst v2;
	v2 =	vmul.f32 v8, v4;
	v8 =	vld [tilespmem:s24+$0xFFFFFFB0]  }
0x24f: {  	[tilespmem:s24+$0xFFFFFF50] =	vst v1;
	v1 =	vmul.f32 v11, v4;
	v4 =	vld [tilespmem:s24+$0xFFFFFFC0]  }
0x250: {  	[tilespmem:s24+$0xFFFFFF60] =	vst v2;
	v2 =	vmul.f32 v9, v6;
	v9 =	vld [tilespmem:s24+$0xFFFFFFD0]  }
0x251: {  	[tilespmem:s24+$0xFFFFFF70] =	vst v1;
	v1 =	vmul.f32 v3, v6;
	v3 =	vld [tilespmem:s24+$0xFFFFFFE0]  }
0x252: {  	[tilespmem:s24+$0xFFFFFF80] =	vst v2;
	v2 =	vmul.f32 v7, v6;
	v7 =	vld [tilespmem:s24+$0xFFFFFFF0]  }
0x253: {  	[tilespmem:s24+$0xFFFFFF90] =	vst v1;
	v1 =	vmul.f32 v8, v6;
	v8 =	vld [tilespmem:s24+$0x0]  }
0x254: {  	[tilespmem:s24+$0xFFFFFFA0] =	vst v2;
	v2 =	vmul.f32 v4, v6;
	v4 =	vld [tilespmem:s24+$0x10]  }
0x255: {  	[tilespmem:s24+$0xFFFFFFB0] =	vst v1;
	v1 =	vmul.f32 v9, v6;
	v9 =	vld [tilespmem:s24+$0x20]  }
0x256: {  	[tilespmem:s24+$0xFFFFFFC0] =	vst v2;
	v2 =	vmul.f32 v3, v6;
	v3 =	vld [tilespmem:s24+$0x30]  }
0x257: {  	[tilespmem:s24+$0xFFFFFFD0] =	vst v1;
	v1 =	vmul.f32 v7, v6;
	v6 =	vld [tilespmem:s24+$0x40]  }
0x258: {  	v7 =	vld [tilespmem:s24+$0x50];
	[tilespmem:s24+$0xFFFFFFE0] =	vst v2;
	v2 =	vmul.f32 v8, v5  }
0x259: {  	[tilespmem:s24+$0xFFFFFFF0] =	vst v1;
	v1 =	vmul.f32 v4, v5;
	v4 =	vld [tilespmem:s24+$0x60]  }
0x25a: {  	v8 =	vld [tilespmem:s24+$0x80];
	[tilespmem:s24+$0x0] =	vst v2;
	v2 =	vmul.f32 v9, v5  }
0x25b: {  	[tilespmem:s24+$0x10] =	vst v1;
	v1 =	vld [tilespmem:s24+$0x90];
	v3 =	vmul.f32 v3, v5  }
0x25c: {  	v9 =	vld [tilespmem:s24+$0xB0];
	[tilespmem:s24+$0x20] =	vst v2;
	v6 =	vmul.f32 v6, v5  }
0x25d: {  	v2 =	vld [tilespmem:s24+$0xA0];
	v7 =	vmul.f32 v7, v5;
	[tilespmem:s24+$0x30] =	vst v3  }
0x25e: {  	v3 =	vld [tilespmem:s24+$0xC0];
	v4 =	vmul.f32 v4, v5;
	[tilespmem:s24+$0x40] =	vst v6  }
0x25f: {  	v5 =	vld [tilespmem:s24+$0xD0];
	v6 =	vmul.f32 v8, v10;
	[tilespmem:s24+$0x50] =	vst v7  }
0x260: {  	v7 =	vld [tilespmem:s24+$0xE0];
	v1 =	vmul.f32 v1, v10;
	[tilespmem:s24+$0x60] =	vst v4  }
0x261: {  	v4 =	vld [tilespmem:s24+$0xF0];
	[tilespmem:s24+$0x80] =	vst v6;
	v6 =	vmul.f32 v9, v10  }
0x262: {  	v2 =	vmul.f32 v2, v10;
	[tilespmem:s24+$0x90] =	vst v1  }
0x263: {  	v1 =	vmul.f32 v3, v10;
	[tilespmem:s24+$0xB0] =	vst v6  }
0x264: {  	[tilespmem:s24+$0xA0] =	vst v2;
	v2 =	vmul.f32 v5, v10  }
0x265: {  	s25 =	smul.u32 $0x600, s16;
	p0 =	seq.s32 s16, $0x8;
	v3 =	vmul.f32 v7, v10;
	[tilespmem:s24+$0xC0] =	vst v1  }
0x266: {  	s20 =	smul.u32 @!p0 $0x480, s16;
	v1 =	vmul.f32 v4, v10;
	[tilespmem:s24+$0xD0] =	vst v2  }
0x267: {  	s23 =	sadd.s32 $0x1, s21;
	s7 =	sshra.s32 s25, $0x2;
	[tilespmem:s24+$0xE0] =	vst v3  }
0x268: {  	s4 =	smul.u32 $0x60, s23;
	s21 =	sshra.s32 @!p0 s20, $0x2;
	s7 =	sadd.s32 $0x14A80, s7;
	[tilespmem:s24+$0xF0] =	vst v1  }
0x269: {  	[spmem:s22] =	stream.indirect.scatter.add.f32 [tilespmem:s1], [sflag:$0x4], $0x80, s7, s6, $0xb8;
	[tilespmem:$0x1F500] =	vst v63  }
0x26a: {  	s20 =	sadd.s32 @!p0 $0x14120, s21;
	_ =	swait.ge [sflag:s11], $0x3000  }
0x26b: {  	s25 =	simm.s32 @!p0 $0x16500;
	s7 =	sadd.s32 $0x0, s4;
	[sflag:s11] =	ssyncset.done $0x0  }
0x26c: {  	s24 =	simm.s32 @!p0 $0x60;
	s26 =	sadd.s32 $0x2, s7;
	[sflag:s11] =	ssyncadd.s32 $0xFFFFD000  }
0x26d: {  	v1 =	vmov s7;
	[tilespmem:s25], [sflag:$0x1] =	stream.indirect.gather @!p0 [hbm4b:s19+s24], $0x80, s20, s24, $0xb8;
	[tilespmem:$0x1F500] =	vst v63  }
0x26e: {  	v1 =	vand.u32 $0xFFFFFFFC, v1;
	v2 =	vmov s26;
	_ =	swait.ge [sflag:s12], $0x3000  }
0x26f: {  	v1 =	vbroadcast v1, $0x0;
	v2 =	vand.u32 $0xFFFFFFFE, v2;
	[sflag:s12] =	ssyncset.done $0x0  }
0x270: {  	v2 =	vbroadcast v2, $0x0;
	s20 =	simm.s32 $0x19600;
	[sflag:s12] =	ssyncadd.s32 $0xFFFFD000  }
0x271: {  	v4 =	vld [tilespmem:s20+$0x70]  }
0x272: {  	s28 =	sadd.s32 $0x1, s7;
	v5 =	vld [tilespmem:s20+$0xFFFFFF00]  }
0x273: {  	v3 =	vmov s28;
	v6 =	vld [tilespmem:s20+$0xFFFFFF10]  }
0x274: {  	v3 =	vand.u32 $0xFFFFFFFD, v3;
	v7 =	vld [tilespmem:s20+$0xFFFFFF20]  }
0x275: {  	v3 =	vbroadcast v3, $0x0;
	v1 =	vld.idx.msk [tilespmem:v1+s5+$0x0], $0xffff  }
0x276: {  	v2 =	vld.idx.msk [tilespmem:v2+s5+$0x0], $0xffff  }
0x277: {  	v8 =	vld [tilespmem:s20+$0xFFFFFF30]  }
0x278: {  	v9 =	vld [tilespmem:s20+$0xFFFFFF40]  }
0x279: {  	v10 =	vld [tilespmem:s20+$0xFFFFFF50]  }
0x27a: {  	v11 =	vld [tilespmem:s20+$0xFFFFFF60];
	v5 =	vmul.f32 v5, v1  }
0x27b: {  	v63 =	vld.idx.msk [tilespmem:v3+s5+$0x0], $0xffff;
	v3 =	vmul.f32 v4, v2  }
0x27c: {  	v4 =	vmul.f32 v6, v1;
	v6 =	vld [tilespmem:s20+$0xFFFFFF80];
	[tilespmem:s20+$0xFFFFFF00] =	vst v5  }
0x27d: {  	s7 =	sadd.s32 $0x3, s7;
	v5 =	vld [tilespmem:s20+$0xFFFFFF70];
	[tilespmem:s20+$0x70] =	vst v3;
	v3 =	vmul.f32 v7, v1  }
0x27e: {  	[tilespmem:s20+$0xFFFFFF10] =	vst v4;
	v4 =	vmul.f32 v8, v1;
	v7 =	vld [tilespmem:s20+$0xFFFFFF90];
	v8 =	vmov s7  }
0x27f: {  	[tilespmem:s20+$0xFFFFFF20] =	vst v3;
	v3 =	vmul.f32 v9, v1;
	v9 =	vld [tilespmem:s20+$0xFFFFFFA0]  }
0x280: {  	[tilespmem:s20+$0xFFFFFF30] =	vst v4;
	v4 =	vmul.f32 v10, v1;
	v10 =	vld [tilespmem:s20+$0xFFFFFFB0]  }
0x281: {  	[tilespmem:s20+$0xFFFFFF40] =	vst v3;
	v3 =	vmul.f32 v11, v1;
	v11 =	vld [tilespmem:s20+$0xFFFFFFC0]  }
0x282: {  	[tilespmem:s20+$0xFFFFFF50] =	vst v4;
	v4 =	vmul.f32 v6, v63;
	v6 =	vld [tilespmem:s20+$0xFFFFFFD0]  }
0x283: {  	v5 =	vmul.f32 v5, v1;
	v1 =	vld.idx.msk [tilespmem:v8+s5+$0x0], $0xffff;
	[tilespmem:s20+$0xFFFFFF60] =	vst v3  }
0x284: {  	v7 =	vmul.f32 v7, v63;
	v3 =	vld [tilespmem:s20+$0xFFFFFFE0];
	[tilespmem:s20+$0xFFFFFF80] =	vst v4  }
0x285: {  	[tilespmem:s20+$0xFFFFFF70] =	vst v5;
	v5 =	vld [tilespmem:s20+$0xFFFFFFF0];
	v4 =	vmul.f32 v9, v63  }
0x286: {  	v8 =	vld [tilespmem:s20+$0x0];
	[tilespmem:s20+$0xFFFFFF90] =	vst v7;
	v7 =	vmul.f32 v10, v63  }
0x287: {  	v10 =	vld [tilespmem:s20+$0x10];
	[tilespmem:s20+$0xFFFFFFA0] =	vst v4;
	v4 =	vmul.f32 v11, v63  }
0x288: {  	[tilespmem:s20+$0xFFFFFFB0] =	vst v7;
	v6 =	vmul.f32 v6, v63;
	v7 =	vld [tilespmem:s20+$0x20]  }
0x289: {  	[tilespmem:s20+$0xFFFFFFC0] =	vst v4;
	v9 =	vmul.f32 v3, v63;
	v3 =	vld [tilespmem:s20+$0x30]  }
0x28a: {  	[tilespmem:s20+$0xFFFFFFD0] =	vst v6;
	v6 =	vmul.f32 v5, v63;
	v4 =	vld [tilespmem:s20+$0x40]  }
0x28b: {  	v5 =	vld [tilespmem:s20+$0x50];
	[tilespmem:s20+$0xFFFFFFE0] =	vst v9;
	v9 =	vmul.f32 v8, v2  }
0x28c: {  	s25 =	sadd.s32 $0x4, s4;
	s24 =	simm.s32 $0x8;
	s7 =	simm.s32 $0x19600;
	[tilespmem:s20+$0xFFFFFFF0] =	vst v6;
	v8 =	vmul.f32 v10, v2;
	v6 =	vld [tilespmem:s20+$0x60]  }
.LBB2_15:
0x28d: {  	p1 =	slt.u32 s24, $0x5C;
	v10 =	vmov s25;
	s26 =	sadd.s32 $0x1, s25;
	s28 =	sadd.s32 $0x2, s25;
	[tilespmem:s20+$0x0] =	vst v9;
	v7 =	vmul.f32 v7, v2;
	v9 =	vld [tilespmem:s20+$0x80]  }
0x28e: {  	s25 =	sadd.s32 $0x3, s25;
	v10 =	vand.u32 $0xFFFFFFFC, v10;
	v11 =	vmov s26;
	v12 =	vmov s28;
	[tilespmem:s20+$0x10] =	vst v8;
	v8 =	vld [tilespmem:s20+$0x90]  }
0x28f: {  	v10 =	vbroadcast v10, $0x0;
	v11 =	vand.u32 $0xFFFFFFFD, v11;
	v12 =	vand.u32 $0xFFFFFFFE, v12;
	[tilespmem:s20+$0x20] =	vst v7;
	v7 =	vld [tilespmem:s20+$0xA0]  }
0x290: {  	v13 =	vmov s25;
	v11 =	vbroadcast v11, $0x0;
	v12 =	vbroadcast v12, $0x0;
	v14 =	vld [tilespmem:s20+$0xB0]  }
0x291: {  	v3 =	vmul.f32 v3, v2;
	v4 =	vmul.f32 v4, v2;
	v15 =	vld [tilespmem:s20+$0xC0]  }
0x292: {  	v5 =	vmul.f32 v5, v2;
	v6 =	vmul.f32 v6, v2;
	v16 =	vld [tilespmem:s20+$0xD0]  }
0x293: {  	[tilespmem:s20+$0x30] =	vst v3;
	v3 =	vmul.f32 v9, v1;
	v8 =	vmul.f32 v8, v1;
	v9 =	vld [tilespmem:s20+$0xE0]  }
0x294: {  	[tilespmem:s20+$0x40] =	vst v4;
	v4 =	vmul.f32 v7, v1;
	v7 =	vld [tilespmem:s20+$0xF0]  }
0x295: {  	v10 =	vld.idx.msk [tilespmem:v10+s5+$0x0], $0xffff;
	[tilespmem:s20+$0x50] =	vst v5;
	v5 =	vmul.f32 v14, v1  }
0x296: {  	s20 =	sadd.s32 $0x200, s20;
	v2 =	vld.idx.msk [tilespmem:v12+s5+$0x0], $0xffff;
	[tilespmem:s7+$0x60] =	vst v6;
	v6 =	vmul.f32 v15, v1  }
0x297: {  	v12 =	vld [tilespmem:s20+$0x70];
	[tilespmem:s7+$0x80] =	vst v3;
	v3 =	vmul.f32 v16, v1  }
0x298: {  	v11 =	vld.idx.msk [tilespmem:v11+s5+$0x0], $0xffff;
	[tilespmem:s7+$0x90] =	vst v8;
	v8 =	vmul.f32 v9, v1  }
0x299: {  	[tilespmem:s7+$0xA0] =	vst v4;
	v4 =	vmul.f32 v7, v1;
	v1 =	vld.idx.msk [tilespmem:v13+s5+$0x0], $0xffff  }
0x29a: {  	v7 =	vld [tilespmem:s20+$0xFFFFFF00];
	[tilespmem:s7+$0xB0] =	vst v5  }
0x29b: {  	v5 =	vld [tilespmem:s20+$0xFFFFFF10];
	[tilespmem:s7+$0xC0] =	vst v6  }
0x29c: {  	v6 =	vld [tilespmem:s20+$0xFFFFFF20];
	v9 =	vmul.f32 v12, v2;
	[tilespmem:s7+$0xD0] =	vst v3  }
0x29d: {  	v3 =	vld [tilespmem:s20+$0xFFFFFF30];
	[tilespmem:s7+$0xE0] =	vst v8  }
0x29e: {  	v8 =	vld [tilespmem:s20+$0xFFFFFF40];
	[tilespmem:s20+$0x70] =	vst v9  }
0x29f: {  	v7 =	vmul.f32 v7, v10;
	v9 =	vld [tilespmem:s20+$0xFFFFFF50];
	[tilespmem:s7+$0xF0] =	vst v4;
	s7 =	smov.u32 s20  }
0x2a0: {  	v4 =	vmul.f32 v5, v10;
	v5 =	vld [tilespmem:s20+$0xFFFFFF60]  }
0x2a1: {  	[tilespmem:s20+$0xFFFFFF00] =	vst v7;
	v6 =	vmul.f32 v6, v10;
	v7 =	vld [tilespmem:s20+$0xFFFFFF70]  }
0x2a2: {  	[tilespmem:s20+$0xFFFFFF10] =	vst v4;
	v3 =	vmul.f32 v3, v10;
	v4 =	vld [tilespmem:s20+$0xFFFFFF80]  }
0x2a3: {  	[tilespmem:s20+$0xFFFFFF20] =	vst v6;
	v6 =	vmul.f32 v8, v10;
	v8 =	vld [tilespmem:s20+$0xFFFFFF90]  }
0x2a4: {  	[tilespmem:s20+$0xFFFFFF30] =	vst v3;
	v3 =	vmul.f32 v9, v10;
	v9 =	vld [tilespmem:s20+$0xFFFFFFA0]  }
0x2a5: {  	[tilespmem:s20+$0xFFFFFF40] =	vst v6;
	v5 =	vmul.f32 v5, v10;
	v6 =	vld [tilespmem:s20+$0xFFFFFFB0]  }
0x2a6: {  	[tilespmem:s20+$0xFFFFFF50] =	vst v3;
	v3 =	vmul.f32 v7, v10;
	v7 =	vld [tilespmem:s20+$0xFFFFFFC0]  }
0x2a7: {  	[tilespmem:s20+$0xFFFFFF60] =	vst v5;
	v4 =	vmul.f32 v4, v11;
	v5 =	vld [tilespmem:s20+$0xFFFFFFD0]  }
0x2a8: {  	[tilespmem:s20+$0xFFFFFF70] =	vst v3;
	v3 =	vmul.f32 v8, v11;
	v8 =	vld [tilespmem:s20+$0xFFFFFFE0]  }
0x2a9: {  	[tilespmem:s20+$0xFFFFFF80] =	vst v4;
	v4 =	vmul.f32 v9, v11;
	v9 =	vld [tilespmem:s20+$0xFFFFFFF0]  }
0x2aa: {  	[tilespmem:s20+$0xFFFFFF90] =	vst v3;
	v3 =	vmul.f32 v6, v11;
	v6 =	vld [tilespmem:s20+$0x0]  }
0x2ab: {  	[tilespmem:s20+$0xFFFFFFA0] =	vst v4;
	v4 =	vmul.f32 v7, v11;
	v10 =	vld [tilespmem:s20+$0x10]  }
.Ltmp6:
0x2ac: {  	[tilespmem:s20+$0xFFFFFFB0] =	vst v3;
	v5 =	vmul.f32 v5, v11;
	v7 =	vld [tilespmem:s20+$0x20];
	(pc) =	sbr.rel @p1 .LBB2_15-.Ltmp6, $4  }
0x2ad: {  	[tilespmem:s20+$0xFFFFFFC0] =	vst v4;
	v8 =	vmul.f32 v8, v11;
	v3 =	vld [tilespmem:s20+$0x30]  }
0x2ae: {  	[tilespmem:s20+$0xFFFFFFD0] =	vst v5;
	v11 =	vmul.f32 v9, v11;
	v4 =	vld [tilespmem:s20+$0x40]  }
0x2af: {  	[tilespmem:s20+$0xFFFFFFE0] =	vst v8;
	v9 =	vmul.f32 v6, v2;
	v5 =	vld [tilespmem:s20+$0x50]  }
0x2b0: {  	s25 =	sadd.s32 s4, s24;
	s24 =	sadd.s32 $0x4, s24;
	[tilespmem:s20+$0xFFFFFFF0] =	vst v11;
	v8 =	vmul.f32 v10, v2;
	v6 =	vld [tilespmem:s20+$0x60]  }
0x2b1: {  	v11 =	vld [tilespmem:s20+$0x80]  }
0x2b2: {  	v13 =	vld [tilespmem:s20+$0x90]  }
0x2b3: {  	s4 =	sadd.s32 $0x2, s25;
	v14 =	vld [tilespmem:s20+$0xA0];
	[tilespmem:s20+$0x0] =	vst v9;
	v7 =	vmul.f32 v7, v2  }
0x2b4: {  	v10 =	vmov s25;
	s26 =	sadd.s32 $0x1, s25;
	v16 =	vld [tilespmem:s20+$0xB0];
	v12 =	vmov s4;
	[tilespmem:s20+$0x10] =	vst v8;
	v3 =	vmul.f32 v3, v2  }
0x2b5: {  	v60 =	vld [tilespmem:s20+$0xC0];
	v15 =	vmov s26;
	v12 =	vand.u32 $0xFFFFFFFE, v12;
	[tilespmem:s20+$0x20] =	vst v7;
	v4 =	vmul.f32 v4, v2  }
0x2b6: {  	v9 =	vand.u32 $0xFFFFFFFD, v15;
	v7 =	vld [tilespmem:s20+$0xE0];
	v12 =	vbroadcast v12, $0x0;
	v5 =	vmul.f32 v5, v2;
	[tilespmem:s20+$0x30] =	vst v3  }
0x2b7: {  	v10 =	vand.u32 $0xFFFFFFFC, v10;
	v8 =	vbroadcast v9, $0x0;
	v9 =	vld [tilespmem:s20+$0xD0];
	v2 =	vmul.f32 v6, v2;
	[tilespmem:s20+$0x40] =	vst v4  }
0x2b8: {  	v10 =	vbroadcast v10, $0x0;
	v3 =	vld [tilespmem:s20+$0xF0];
	[tilespmem:s20+$0x50] =	vst v5;
	s20 =	sadd.s32 $0x200, s20  }
0x2b9: {  	v6 =	vmul.f32 v11, v1;
	v11 =	vmul.f32 v14, v1;
	[tilespmem:s7+$0x60] =	vst v2;
	v2 =	vld [tilespmem:s20+$0x70]  }
0x2ba: {  	v62 =	vld [tilespmem:s20+$0xFFFFFF20]  }
0x2bb: {  	[tilespmem:s7+$0xA0] =	vst v11;
	v11 =	vld [tilespmem:s20+$0xFFFFFF00]  }
0x2bc: {  	v61 =	vmul.f32 v60, v1;
	v5 =	vld.idx.msk [tilespmem:v12+s5+$0x0], $0xffff  }
0x2bd: {  	s28 =	sadd.s32 $0x3, s25;
	[tilespmem:s7+$0x80] =	vst v6;
	v6 =	vld.idx.msk [tilespmem:v8+s5+$0x0], $0xffff;
	v8 =	vmul.f32 v16, v1  }
0x2be: {  	v17 =	vmov s28;
	v7 =	vmul.f32 v7, v1;
	[tilespmem:s7+$0xC0] =	vst v61;
	v4 =	vld.idx.msk [tilespmem:v10+s5+$0x0], $0xffff  }
0x2bf: {  	v9 =	vmul.f32 v9, v1;
	[tilespmem:s7+$0xB0] =	vst v8;
	v8 =	vld [tilespmem:s20+$0xFFFFFF10]  }
0x2c0: {  	v10 =	vmul.f32 v13, v1;
	v1 =	vmul.f32 v3, v1;
	[tilespmem:s7+$0xE0] =	vst v7;
	v3 =	vld [tilespmem:s20+$0xFFFFFF40]  }
0x2c1: {  	[tilespmem:s7+$0xD0] =	vst v9;
	v9 =	vld [tilespmem:s20+$0xFFFFFF30];
	v2 =	vmul.f32 v2, v5  }
0x2c2: {  	v7 =	vld [tilespmem:s20+$0xFFFFFF50];
	[tilespmem:s7+$0x90] =	vst v10  }
0x2c3: {  	v10 =	vld.idx.msk [tilespmem:v17+s5+$0x0], $0xffff;
	[tilespmem:s20+$0x70] =	vst v2;
	v2 =	vmul.f32 v11, v4  }
0x2c4: {  	[tilespmem:s7+$0xF0] =	vst v1;
	v1 =	vmul.f32 v8, v4;
	v8 =	vld [tilespmem:s20+$0xFFFFFF60]  }
0x2c5: {  	v11 =	vld [tilespmem:s20+$0xFFFFFF70];
	[tilespmem:s20+$0xFFFFFF00] =	vst v2;
	v2 =	vmul.f32 v62, v4  }
0x2c6: {  	[tilespmem:s20+$0xFFFFFF10] =	vst v1;
	v1 =	vmul.f32 v9, v4;
	v9 =	vld [tilespmem:s20+$0xFFFFFF80]  }
0x2c7: {  	[tilespmem:s20+$0xFFFFFF20] =	vst v2;
	v2 =	vmul.f32 v3, v4;
	v3 =	vld [tilespmem:s20+$0xFFFFFF90]  }
0x2c8: {  	[tilespmem:s20+$0xFFFFFF30] =	vst v1;
	v1 =	vmul.f32 v7, v4;
	v7 =	vld [tilespmem:s20+$0xFFFFFFA0]  }
0x2c9: {  	[tilespmem:s20+$0xFFFFFF40] =	vst v2;
	v2 =	vmul.f32 v8, v4;
	v8 =	vld [tilespmem:s20+$0xFFFFFFB0]  }
0x2ca: {  	[tilespmem:s20+$0xFFFFFF50] =	vst v1;
	v1 =	vmul.f32 v11, v4;
	v4 =	vld [tilespmem:s20+$0xFFFFFFC0]  }
0x2cb: {  	[tilespmem:s20+$0xFFFFFF60] =	vst v2;
	v2 =	vmul.f32 v9, v6;
	v9 =	vld [tilespmem:s20+$0xFFFFFFD0]  }
0x2cc: {  	[tilespmem:s20+$0xFFFFFF70] =	vst v1;
	v1 =	vmul.f32 v3, v6;
	v3 =	vld [tilespmem:s20+$0xFFFFFFE0]  }
0x2cd: {  	[tilespmem:s20+$0xFFFFFF80] =	vst v2;
	v2 =	vmul.f32 v7, v6;
	v7 =	vld [tilespmem:s20+$0xFFFFFFF0]  }
0x2ce: {  	[tilespmem:s20+$0xFFFFFF90] =	vst v1;
	v1 =	vmul.f32 v8, v6;
	v8 =	vld [tilespmem:s20+$0x0]  }
0x2cf: {  	[tilespmem:s20+$0xFFFFFFA0] =	vst v2;
	v2 =	vmul.f32 v4, v6;
	v4 =	vld [tilespmem:s20+$0x10]  }
0x2d0: {  	[tilespmem:s20+$0xFFFFFFB0] =	vst v1;
	v1 =	vmul.f32 v9, v6;
	v9 =	vld [tilespmem:s20+$0x20]  }
0x2d1: {  	[tilespmem:s20+$0xFFFFFFC0] =	vst v2;
	v2 =	vmul.f32 v3, v6;
	v3 =	vld [tilespmem:s20+$0x30]  }
0x2d2: {  	[tilespmem:s20+$0xFFFFFFD0] =	vst v1;
	v1 =	vmul.f32 v7, v6;
	v6 =	vld [tilespmem:s20+$0x40]  }
0x2d3: {  	v7 =	vld [tilespmem:s20+$0x50];
	[tilespmem:s20+$0xFFFFFFE0] =	vst v2;
	v2 =	vmul.f32 v8, v5  }
0x2d4: {  	[tilespmem:s20+$0xFFFFFFF0] =	vst v1;
	v1 =	vmul.f32 v4, v5;
	v4 =	vld [tilespmem:s20+$0x60]  }
0x2d5: {  	v8 =	vld [tilespmem:s20+$0x80];
	[tilespmem:s20+$0x0] =	vst v2;
	v2 =	vmul.f32 v9, v5  }
0x2d6: {  	[tilespmem:s20+$0x10] =	vst v1;
	v1 =	vld [tilespmem:s20+$0x90];
	v3 =	vmul.f32 v3, v5  }
0x2d7: {  	v9 =	vld [tilespmem:s20+$0xB0];
	[tilespmem:s20+$0x20] =	vst v2;
	v6 =	vmul.f32 v6, v5  }
0x2d8: {  	v2 =	vld [tilespmem:s20+$0xA0];
	v7 =	vmul.f32 v7, v5;
	[tilespmem:s20+$0x30] =	vst v3  }
0x2d9: {  	v3 =	vld [tilespmem:s20+$0xC0];
	v4 =	vmul.f32 v4, v5;
	[tilespmem:s20+$0x40] =	vst v6  }
0x2da: {  	v5 =	vld [tilespmem:s20+$0xD0];
	v6 =	vmul.f32 v8, v10;
	[tilespmem:s20+$0x50] =	vst v7  }
0x2db: {  	v7 =	vld [tilespmem:s20+$0xE0];
	v1 =	vmul.f32 v1, v10;
	[tilespmem:s20+$0x60] =	vst v4  }
0x2dc: {  	v4 =	vld [tilespmem:s20+$0xF0];
	[tilespmem:s20+$0x80] =	vst v6;
	v6 =	vmul.f32 v9, v10  }
0x2dd: {  	v2 =	vmul.f32 v2, v10;
	[tilespmem:s20+$0x90] =	vst v1  }
0x2de: {  	v1 =	vmul.f32 v3, v10;
	[tilespmem:s20+$0xB0] =	vst v6  }
0x2df: {  	[tilespmem:s20+$0xA0] =	vst v2;
	v2 =	vmul.f32 v5, v10  }
0x2e0: {  	v3 =	vmul.f32 v7, v10;
	[tilespmem:s20+$0xC0] =	vst v1  }
0x2e1: {  	s23 =	sshll.u32 s23, $0x7;
	v1 =	vmul.f32 v4, v10;
	[tilespmem:s20+$0xD0] =	vst v2  }
0x2e2: {  	s25 =	sadd.s32 $0x0, s18;
	s7 =	sand.u32 $0x3FFFFF80, s23;
	[tilespmem:s20+$0xE0] =	vst v3  }
0x2e3: {  	s26 =	sadd.s32 $0x2, s25;
	s24 =	sadd.s32 $0x14A80, s7;
	[tilespmem:s20+$0xF0] =	vst v1  }
0x2e4: {  	v1 =	vmov s25;
	[spmem:s22] =	stream.indirect.scatter.add.f32 [tilespmem:s8], [sflag:$0x5], $0x80, s24, s6, $0xb8;
	[tilespmem:$0x1F500] =	vst v63  }
0x2e5: {  	v2 =	vmov s26;
	v1 =	vand.u32 $0xFFFFFFFC, v1;
	_ =	swait.ge [sflag:s13], $0x3000  }
0x2e6: {  	s7 =	sadd.s32 @!p0 $0x14180, s21;
	v2 =	vand.u32 $0xFFFFFFFE, v2;
	v1 =	vbroadcast v1, $0x0;
	[sflag:s13] =	ssyncset.done $0x0  }
0x2e7: {  	s21 =	simm.s32 @!p0 $0x19500;
	s20 =	simm.s32 @!p0 $0x60;
	v2 =	vbroadcast v2, $0x0;
	[sflag:s13] =	ssyncadd.s32 $0xFFFFD000  }
0x2e8: {  	[tilespmem:s21], [sflag:$0x2] =	stream.indirect.gather @!p0 [hbm4b:s19+s20], $0x80, s7, s20, $0xb8;
	[tilespmem:$0x1F500] =	vst v63  }
0x2e9: {  	_ =	swait.ge [sflag:s14], $0x3000  }
0x2ea: {  	[sflag:s14] =	ssyncset.done $0x0  }
0x2eb: {  	[sflag:s14] =	ssyncadd.s32 $0xFFFFD000  }
0x2ec: {  	v1 =	vld.idx.msk [tilespmem:v1+s5+$0x0], $0xffff  }
0x2ed: {  	s28 =	sadd.s32 $0x1, s25;
	s20 =	simm.s32 $0x1C600;
	v2 =	vld.idx.msk [tilespmem:v2+s5+$0x0], $0xffff  }
0x2ee: {  	v3 =	vmov s28;
	v4 =	vld [tilespmem:s20+$0x70]  }
0x2ef: {  	v3 =	vand.u32 $0xFFFFFFFD, v3;
	v5 =	vld [tilespmem:s20+$0xFFFFFF00]  }
0x2f0: {  	v3 =	vbroadcast v3, $0x0;
	v6 =	vld [tilespmem:s20+$0xFFFFFF10]  }
0x2f1: {  	v7 =	vld [tilespmem:s20+$0xFFFFFF20]  }
0x2f2: {  	v8 =	vld [tilespmem:s20+$0xFFFFFF30]  }
0x2f3: {  	v9 =	vld [tilespmem:s20+$0xFFFFFF40]  }
0x2f4: {  	v10 =	vld [tilespmem:s20+$0xFFFFFF50]  }
0x2f5: {  	v11 =	vld [tilespmem:s20+$0xFFFFFF60];
	v5 =	vmul.f32 v5, v1  }
0x2f6: {  	v63 =	vld.idx.msk [tilespmem:v3+s5+$0x0], $0xffff;
	v3 =	vmul.f32 v4, v2  }
0x2f7: {  	v4 =	vmul.f32 v6, v1;
	v6 =	vld [tilespmem:s20+$0xFFFFFF80];
	[tilespmem:s20+$0xFFFFFF00] =	vst v5  }
0x2f8: {  	s4 =	sadd.s32 $0x3, s25;
	v5 =	vld [tilespmem:s20+$0xFFFFFF70];
	[tilespmem:s20+$0x70] =	vst v3;
	v3 =	vmul.f32 v7, v1  }
0x2f9: {  	[tilespmem:s20+$0xFFFFFF10] =	vst v4;
	v4 =	vmul.f32 v8, v1;
	v7 =	vld [tilespmem:s20+$0xFFFFFF90];
	v8 =	vmov s4  }
0x2fa: {  	[tilespmem:s20+$0xFFFFFF20] =	vst v3;
	v3 =	vmul.f32 v9, v1;
	v9 =	vld [tilespmem:s20+$0xFFFFFFA0]  }
0x2fb: {  	[tilespmem:s20+$0xFFFFFF30] =	vst v4;
	v4 =	vmul.f32 v10, v1;
	v10 =	vld [tilespmem:s20+$0xFFFFFFB0]  }
0x2fc: {  	[tilespmem:s20+$0xFFFFFF40] =	vst v3;
	v3 =	vmul.f32 v11, v1;
	v11 =	vld [tilespmem:s20+$0xFFFFFFC0]  }
0x2fd: {  	[tilespmem:s20+$0xFFFFFF50] =	vst v4;
	v4 =	vmul.f32 v6, v63;
	v6 =	vld [tilespmem:s20+$0xFFFFFFD0]  }
0x2fe: {  	v5 =	vmul.f32 v5, v1;
	v1 =	vld.idx.msk [tilespmem:v8+s5+$0x0], $0xffff;
	[tilespmem:s20+$0xFFFFFF60] =	vst v3  }
0x2ff: {  	v7 =	vmul.f32 v7, v63;
	v3 =	vld [tilespmem:s20+$0xFFFFFFE0];
	[tilespmem:s20+$0xFFFFFF80] =	vst v4  }
0x300: {  	[tilespmem:s20+$0xFFFFFF70] =	vst v5;
	v4 =	vmul.f32 v9, v63;
	v5 =	vld [tilespmem:s20+$0xFFFFFFF0]  }
0x301: {  	v8 =	vld [tilespmem:s20+$0x0];
	[tilespmem:s20+$0xFFFFFF90] =	vst v7;
	v7 =	vmul.f32 v10, v63  }
0x302: {  	v10 =	vld [tilespmem:s20+$0x10];
	[tilespmem:s20+$0xFFFFFFA0] =	vst v4;
	v4 =	vmul.f32 v11, v63  }
0x303: {  	[tilespmem:s20+$0xFFFFFFB0] =	vst v7;
	v6 =	vmul.f32 v6, v63;
	v7 =	vld [tilespmem:s20+$0x20]  }
0x304: {  	[tilespmem:s20+$0xFFFFFFC0] =	vst v4;
	v9 =	vmul.f32 v3, v63;
	v3 =	vld [tilespmem:s20+$0x30]  }
0x305: {  	[tilespmem:s20+$0xFFFFFFD0] =	vst v6;
	v4 =	vld [tilespmem:s20+$0x40];
	v6 =	vmul.f32 v5, v63  }
0x306: {  	v5 =	vld [tilespmem:s20+$0x50];
	[tilespmem:s20+$0xFFFFFFE0] =	vst v9;
	v9 =	vmul.f32 v8, v2  }
0x307: {  	s21 =	sadd.s32 $0x4, s18;
	s7 =	simm.s32 $0x8;
	s4 =	simm.s32 $0x1C600;
	v8 =	vmul.f32 v10, v2;
	[tilespmem:s20+$0xFFFFFFF0] =	vst v6;
	v6 =	vld [tilespmem:s20+$0x60]  }
.LBB2_17:
0x308: {  	p0 =	slt.u32 s7, $0x5C;
	v10 =	vmov s21;
	s23 =	sadd.s32 $0x1, s21;
	s24 =	sadd.s32 $0x2, s21;
	[tilespmem:s20+$0x0] =	vst v9;
	v7 =	vmul.f32 v7, v2;
	v9 =	vld [tilespmem:s20+$0x80]  }
0x309: {  	s21 =	sadd.s32 $0x3, s21;
	v10 =	vand.u32 $0xFFFFFFFC, v10;
	v11 =	vmov s23;
	v12 =	vmov s24;
	[tilespmem:s20+$0x10] =	vst v8;
	v8 =	vld [tilespmem:s20+$0x90]  }
0x30a: {  	v10 =	vbroadcast v10, $0x0;
	v11 =	vand.u32 $0xFFFFFFFD, v11;
	v12 =	vand.u32 $0xFFFFFFFE, v12;
	[tilespmem:s20+$0x20] =	vst v7;
	v7 =	vld [tilespmem:s20+$0xA0]  }
0x30b: {  	v13 =	vmov s21;
	v11 =	vbroadcast v11, $0x0;
	v12 =	vbroadcast v12, $0x0;
	v14 =	vld [tilespmem:s20+$0xB0]  }
0x30c: {  	v3 =	vmul.f32 v3, v2;
	v4 =	vmul.f32 v4, v2;
	v15 =	vld [tilespmem:s20+$0xC0]  }
0x30d: {  	v5 =	vmul.f32 v5, v2;
	v6 =	vmul.f32 v6, v2;
	v16 =	vld [tilespmem:s20+$0xD0]  }
0x30e: {  	[tilespmem:s20+$0x30] =	vst v3;
	v3 =	vmul.f32 v9, v1;
	v8 =	vmul.f32 v8, v1;
	v9 =	vld [tilespmem:s20+$0xE0]  }
0x30f: {  	[tilespmem:s20+$0x40] =	vst v4;
	v4 =	vmul.f32 v7, v1;
	v7 =	vld [tilespmem:s20+$0xF0]  }
0x310: {  	v10 =	vld.idx.msk [tilespmem:v10+s5+$0x0], $0xffff;
	[tilespmem:s20+$0x50] =	vst v5;
	v5 =	vmul.f32 v14, v1  }
0x311: {  	s20 =	sadd.s32 $0x200, s20;
	v2 =	vld.idx.msk [tilespmem:v12+s5+$0x0], $0xffff;
	[tilespmem:s4+$0x60] =	vst v6;
	v6 =	vmul.f32 v15, v1  }
0x312: {  	v12 =	vld [tilespmem:s20+$0x70];
	[tilespmem:s4+$0x80] =	vst v3;
	v3 =	vmul.f32 v16, v1  }
0x313: {  	v11 =	vld.idx.msk [tilespmem:v11+s5+$0x0], $0xffff;
	[tilespmem:s4+$0x90] =	vst v8;
	v8 =	vmul.f32 v9, v1  }
0x314: {  	[tilespmem:s4+$0xA0] =	vst v4;
	v4 =	vmul.f32 v7, v1;
	v1 =	vld.idx.msk [tilespmem:v13+s5+$0x0], $0xffff  }
0x315: {  	v7 =	vld [tilespmem:s20+$0xFFFFFF00];
	[tilespmem:s4+$0xB0] =	vst v5  }
0x316: {  	v5 =	vld [tilespmem:s20+$0xFFFFFF10];
	[tilespmem:s4+$0xC0] =	vst v6  }
0x317: {  	v6 =	vld [tilespmem:s20+$0xFFFFFF20];
	v9 =	vmul.f32 v12, v2;
	[tilespmem:s4+$0xD0] =	vst v3  }
0x318: {  	v3 =	vld [tilespmem:s20+$0xFFFFFF30];
	[tilespmem:s4+$0xE0] =	vst v8  }
0x319: {  	v8 =	vld [tilespmem:s20+$0xFFFFFF40];
	[tilespmem:s20+$0x70] =	vst v9  }
0x31a: {  	v7 =	vmul.f32 v7, v10;
	v9 =	vld [tilespmem:s20+$0xFFFFFF50];
	[tilespmem:s4+$0xF0] =	vst v4;
	s4 =	smov.u32 s20  }
0x31b: {  	v4 =	vmul.f32 v5, v10;
	v5 =	vld [tilespmem:s20+$0xFFFFFF60]  }
0x31c: {  	[tilespmem:s20+$0xFFFFFF00] =	vst v7;
	v6 =	vmul.f32 v6, v10;
	v7 =	vld [tilespmem:s20+$0xFFFFFF70]  }
0x31d: {  	[tilespmem:s20+$0xFFFFFF10] =	vst v4;
	v3 =	vmul.f32 v3, v10;
	v4 =	vld [tilespmem:s20+$0xFFFFFF80]  }
0x31e: {  	[tilespmem:s20+$0xFFFFFF20] =	vst v6;
	v6 =	vmul.f32 v8, v10;
	v8 =	vld [tilespmem:s20+$0xFFFFFF90]  }
0x31f: {  	[tilespmem:s20+$0xFFFFFF30] =	vst v3;
	v3 =	vmul.f32 v9, v10;
	v9 =	vld [tilespmem:s20+$0xFFFFFFA0]  }
0x320: {  	[tilespmem:s20+$0xFFFFFF40] =	vst v6;
	v5 =	vmul.f32 v5, v10;
	v6 =	vld [tilespmem:s20+$0xFFFFFFB0]  }
0x321: {  	[tilespmem:s20+$0xFFFFFF50] =	vst v3;
	v3 =	vmul.f32 v7, v10;
	v7 =	vld [tilespmem:s20+$0xFFFFFFC0]  }
0x322: {  	[tilespmem:s20+$0xFFFFFF60] =	vst v5;
	v4 =	vmul.f32 v4, v11;
	v5 =	vld [tilespmem:s20+$0xFFFFFFD0]  }
0x323: {  	[tilespmem:s20+$0xFFFFFF70] =	vst v3;
	v3 =	vmul.f32 v8, v11;
	v8 =	vld [tilespmem:s20+$0xFFFFFFE0]  }
0x324: {  	[tilespmem:s20+$0xFFFFFF80] =	vst v4;
	v4 =	vmul.f32 v9, v11;
	v9 =	vld [tilespmem:s20+$0xFFFFFFF0]  }
0x325: {  	[tilespmem:s20+$0xFFFFFF90] =	vst v3;
	v3 =	vmul.f32 v6, v11;
	v6 =	vld [tilespmem:s20+$0x0]  }
0x326: {  	[tilespmem:s20+$0xFFFFFFA0] =	vst v4;
	v4 =	vmul.f32 v7, v11;
	v10 =	vld [tilespmem:s20+$0x10]  }
.Ltmp7:
0x327: {  	[tilespmem:s20+$0xFFFFFFB0] =	vst v3;
	v5 =	vmul.f32 v5, v11;
	v7 =	vld [tilespmem:s20+$0x20];
	(pc) =	sbr.rel @p0 .LBB2_17-.Ltmp7, $4  }
0x328: {  	[tilespmem:s20+$0xFFFFFFC0] =	vst v4;
	v8 =	vmul.f32 v8, v11;
	v3 =	vld [tilespmem:s20+$0x30]  }
0x329: {  	[tilespmem:s20+$0xFFFFFFD0] =	vst v5;
	v11 =	vmul.f32 v9, v11;
	v4 =	vld [tilespmem:s20+$0x40]  }
0x32a: {  	[tilespmem:s20+$0xFFFFFFE0] =	vst v8;
	v9 =	vmul.f32 v6, v2;
	v5 =	vld [tilespmem:s20+$0x50]  }
0x32b: {  	s21 =	sadd.s32 s18, s7;
	s7 =	sadd.s32 $0x4, s7;
	[tilespmem:s20+$0xFFFFFFF0] =	vst v11;
	v8 =	vmul.f32 v10, v2;
	v6 =	vld [tilespmem:s20+$0x60]  }
0x32c: {  	v11 =	vld [tilespmem:s20+$0x80]  }
0x32d: {  	v13 =	vld [tilespmem:s20+$0x90]  }
0x32e: {  	v14 =	vld [tilespmem:s20+$0xA0]  }
0x32f: {  	s7 =	sadd.s32 $0x2, s21;
	v16 =	vld [tilespmem:s20+$0xB0]  }
0x330: {  	[tilespmem:s20+$0x0] =	vst v9;
	v7 =	vmul.f32 v7, v2;
	v25 =	vld [tilespmem:s20+$0xC0];
	v12 =	vmov s7  }
0x331: {  	v27 =	vld [tilespmem:s20+$0xD0];
	[tilespmem:s20+$0x10] =	vst v8;
	v3 =	vmul.f32 v3, v2;
	v12 =	vand.u32 $0xFFFFFFFE, v12  }
0x332: {  	v10 =	vmov s21;
	v28 =	vld [tilespmem:s20+$0xE0];
	s26 =	sadd.s32 $0x200, s20;
	[tilespmem:s20+$0x20] =	vst v7;
	v4 =	vmul.f32 v4, v2;
	v12 =	vbroadcast v12, $0x0  }
0x333: {  	s25 =	sadd.s32 $0x3, s21;
	v10 =	vand.u32 $0xFFFFFFFC, v10;
	v38 =	vld [tilespmem:s26+$0xFFFFFF00];
	v5 =	vmul.f32 v5, v2;
	[tilespmem:s20+$0x30] =	vst v3  }
0x334: {  	v17 =	vmov s25;
	v39 =	vld [tilespmem:s26+$0xFFFFFF10];
	v10 =	vbroadcast v10, $0x0;
	v2 =	vmul.f32 v6, v2;
	[tilespmem:s20+$0x40] =	vst v4  }
0x335: {  	v57 =	vld [tilespmem:s26+$0x80];
	v30 =	vmul.f32 v11, v1;
	[tilespmem:s20+$0x50] =	vst v5  }
0x336: {  	v3 =	vld [tilespmem:s20+$0xF0];
	v32 =	vmul.f32 v13, v1;
	[tilespmem:s4+$0x60] =	vst v2  }
0x337: {  	v33 =	vmul.f32 v14, v1;
	v2 =	vld [tilespmem:s26+$0x70];
	[tilespmem:s4+$0x80] =	vst v30  }
0x338: {  	v35 =	vmul.f32 v16, v1;
	[tilespmem:s4+$0x90] =	vst v32;
	v31 =	vld.idx.msk [tilespmem:v12+s5+$0x0], $0xffff  }
0x339: {  	s24 =	sadd.s32 $0x1, s21;
	v37 =	vmul.f32 v25, v1;
	v36 =	vld.idx.msk [tilespmem:v17+s5+$0x0], $0xffff;
	[tilespmem:s4+$0xA0] =	vst v33  }
0x33a: {  	v15 =	vmov s24;
	v9 =	vmul.f32 v27, v1;
	[tilespmem:s4+$0xB0] =	vst v35;
	v29 =	vld.idx.msk [tilespmem:v10+s5+$0x0], $0xffff  }
0x33b: {  	v40 =	vld [tilespmem:s26+$0xFFFFFF20];
	v24 =	vand.u32 $0xFFFFFFFD, v15;
	v7 =	vmul.f32 v28, v1;
	[tilespmem:s4+$0xC0] =	vst v37  }
0x33c: {  	v41 =	vld [tilespmem:s26+$0xFFFFFF30];
	v26 =	vbroadcast v24, $0x0;
	[tilespmem:s4+$0xD0] =	vst v9;
	v1 =	vmul.f32 v3, v1  }
0x33d: {  	v42 =	vld [tilespmem:s26+$0xFFFFFF50];
	[tilespmem:s4+$0xE0] =	vst v7;
	v2 =	vmul.f32 v2, v31  }
0x33e: {  	v3 =	vld [tilespmem:s26+$0xFFFFFF40];
	[tilespmem:s4+$0xF0] =	vst v1;
	v60 =	vmul.f32 v57, v36  }
0x33f: {  	v43 =	vld [tilespmem:s26+$0xFFFFFF60];
	[tilespmem:s26+$0x70] =	vst v2;
	v2 =	vmul.f32 v38, v29  }
0x340: {  	v44 =	vld [tilespmem:s26+$0xFFFFFF70];
	v1 =	vmul.f32 v39, v29;
	[tilespmem:s26+$0x80] =	vst v60  }
0x341: {  	v45 =	vld [tilespmem:s26+$0xFFFFFF80];
	[tilespmem:s26+$0xFFFFFF00] =	vst v2;
	v2 =	vmul.f32 v40, v29  }
0x342: {  	v34 =	vld.idx.msk [tilespmem:v26+s5+$0x0], $0xffff;
	[tilespmem:s26+$0xFFFFFF10] =	vst v1;
	v1 =	vmul.f32 v41, v29  }
0x343: {  	[tilespmem:s26+$0xFFFFFF20] =	vst v2;
	v2 =	vmul.f32 v3, v29;
	v3 =	vld [tilespmem:s26+$0xFFFFFF90]  }
0x344: {  	v46 =	vld [tilespmem:s26+$0xFFFFFFA0];
	[tilespmem:s26+$0xFFFFFF30] =	vst v1;
	v1 =	vmul.f32 v42, v29  }
0x345: {  	v47 =	vld [tilespmem:s26+$0xFFFFFFB0];
	[tilespmem:s26+$0xFFFFFF40] =	vst v2;
	v2 =	vmul.f32 v43, v29  }
0x346: {  	v48 =	vld [tilespmem:s26+$0xFFFFFFC0];
	[tilespmem:s26+$0xFFFFFF50] =	vst v1;
	v1 =	vmul.f32 v44, v29  }
0x347: {  	v49 =	vld [tilespmem:s26+$0xFFFFFFD0];
	[tilespmem:s26+$0xFFFFFF60] =	vst v2;
	v2 =	vmul.f32 v45, v34  }
0x348: {  	[tilespmem:s26+$0xFFFFFF70] =	vst v1;
	v1 =	vmul.f32 v3, v34;
	v3 =	vld [tilespmem:s26+$0xFFFFFFE0]  }
0x349: {  	v50 =	vld [tilespmem:s26+$0xFFFFFFF0];
	[tilespmem:s26+$0xFFFFFF80] =	vst v2;
	v2 =	vmul.f32 v46, v34  }
0x34a: {  	v51 =	vld [tilespmem:s26+$0x0];
	[tilespmem:s26+$0xFFFFFF90] =	vst v1;
	v1 =	vmul.f32 v47, v34  }
0x34b: {  	v52 =	vld [tilespmem:s26+$0x10];
	[tilespmem:s26+$0xFFFFFFA0] =	vst v2;
	v2 =	vmul.f32 v48, v34  }
0x34c: {  	v53 =	vld [tilespmem:s26+$0x20];
	[tilespmem:s26+$0xFFFFFFB0] =	vst v1;
	v1 =	vmul.f32 v49, v34  }
0x34d: {  	[tilespmem:s26+$0xFFFFFFC0] =	vst v2;
	v2 =	vmul.f32 v3, v34;
	v3 =	vld [tilespmem:s26+$0x30]  }
0x34e: {  	v58 =	vld [tilespmem:s26+$0xB0];
	[tilespmem:s26+$0xFFFFFFD0] =	vst v1;
	v1 =	vmul.f32 v50, v34  }
0x34f: {  	v54 =	vld [tilespmem:s26+$0x40];
	[tilespmem:s26+$0xFFFFFFE0] =	vst v2;
	v2 =	vmul.f32 v51, v31  }
0x350: {  	v55 =	vld [tilespmem:s26+$0x50];
	[tilespmem:s26+$0xFFFFFFF0] =	vst v1;
	v1 =	vmul.f32 v52, v31  }
0x351: {  	v56 =	vld [tilespmem:s26+$0x60];
	[tilespmem:s26+$0x0] =	vst v2;
	v2 =	vmul.f32 v53, v31  }
0x352: {  	[tilespmem:s26+$0x10] =	vst v1;
	v1 =	vld [tilespmem:s26+$0x90];
	v3 =	vmul.f32 v3, v31  }
0x353: {  	v63 =	vmul.f32 v58, v36;
	[tilespmem:s26+$0x20] =	vst v2;
	v2 =	vld [tilespmem:s26+$0xA0]  }
0x354: {  	v6 =	vmul.f32 v54, v31;
	[tilespmem:s26+$0x30] =	vst v3;
	v3 =	vld [tilespmem:s26+$0xC0]  }
0x355: {  	v61 =	vld [tilespmem:s26+$0xE0];
	[tilespmem:s26+$0xB0] =	vst v63;
	v7 =	vmul.f32 v55, v31  }
0x356: {  	v59 =	vld [tilespmem:s26+$0xD0];
	v4 =	vmul.f32 v56, v31;
	[tilespmem:s26+$0x40] =	vst v6  }
0x357: {  	v62 =	vld [tilespmem:s26+$0xF0];
	[tilespmem:s26+$0x50] =	vst v7;
	v1 =	vmul.f32 v1, v36  }
0x358: {  	[tilespmem:s26+$0x60] =	vst v4;
	v2 =	vmul.f32 v2, v36  }
0x359: {  	s16 =	sadd.s32 $0x1, s16;
	[tilespmem:s26+$0x90] =	vst v1;
	v1 =	vmul.f32 v3, v36  }
0x35a: {  	p0 =	sne.s32 s16, $0x9;
	v3 =	vmul.f32 v61, v36;
	[tilespmem:s26+$0xA0] =	vst v2  }
.Ltmp8:
0x35b: {  	v2 =	vmul.f32 v59, v36;
	[tilespmem:s26+$0xC0] =	vst v1;
	(pc) =	sbr.rel @p0 .LBB2_12-.Ltmp8, $4  }
0x35c: {  	s28 =	sshll.u32 s17, $0x7;
	v1 =	vmul.f32 v62, v36;
	[tilespmem:s26+$0xE0] =	vst v3  }
0x35d: {  	s4 =	sand.u32 $0x3FFFFF80, s28;
	[tilespmem:s26+$0xD0] =	vst v2  }
0x35e: {  	s4 =	sadd.s32 $0x14A80, s4;
	[tilespmem:s26+$0xF0] =	vst v1  }
0x35f: {  	[spmem:s22] =	stream.indirect.scatter.add.f32 [tilespmem:s9], [sflag:$0x6], $0x80, s4, s6, $0xb8;
	[tilespmem:$0x1F500] =	vst v63  }
0x360: {  	_ =	swait.ge [sflag:s15], $0x3000  }
0x361: {  	[sflag:s15] =	ssyncset.done $0x0  }
0x362: {  	s16 =	simm.s32 $0x0;
	s4 =	rddreg [dreg:$0xb];
	[sflag:s15] =	ssyncadd.s32 $0xFFFFD000  }
0x363: {  	[tilespmem:s3], [sflag:$0x7] =	stream.linear.gather [hbm4b:s4+s16], $0xA20, $0x38;
	[tilespmem:$0x1F500] =	vst v63  }
0x364: {  	_ =	swait.ge [sflag:s2], $0xA20  }
0x365: {  	[sflag:s2] =	ssyncset.done $0x0  }
0x366: {  	s7 =	simm.s32 $0x14A80;
	s25 =	rddreg [dreg:$0xc];
	[sflag:s2] =	ssyncadd.s32 $0xFFFFF5E0  }
0x367: {  	[tilespmem:s7], [sflag:$0x7] =	stream.linear.gather [hbm4b:s25+s16], $0xD80, $0x38;
	[tilespmem:$0x1F500] =	vst v63  }
0x368: {  	_ =	swait.ge [sflag:s2], $0xD80  }
0x369: {  	[sflag:s2] =	ssyncset.done $0x0  }
0x36a: {  	s26 =	rddreg [dreg:$0xd];
	[sflag:s2] =	ssyncadd.s32 $0xFFFFF280  }
0x36b: {  	[tilespmem:s5], [sflag:$0x7] =	stream.linear.gather [hbm4b:s26+s16], $0xA20, $0x38;
	[tilespmem:$0x1F500] =	vst v63  }
0x36c: {  	_ =	swait.ge [sflag:s2], $0xA20  }
0x36d: {  	[sflag:s2] =	ssyncset.done $0x0  }
0x36e: {  	[sflag:s2] =	ssyncadd.s32 $0xFFFFF5E0  }
0x36f: {  	[tilespmem:s1], [sflag:$0x1] =	stream.indirect.gather [hbm4b:s19+s6], $0x80, s3, s6, $0xb8;
	[tilespmem:$0x1F500] =	vst v63  }
0x370: {  	s28 =	simm.s32 $0x14060  }
0x371: {  	[tilespmem:s8], [sflag:$0x2] =	stream.indirect.gather [hbm4b:s19+s6], $0x80, s28, s6, $0xb8;
	[tilespmem:$0x1F500] =	vst v63  }
.LBB2_20:
0x372: {  	s21 =	smul.u32 $0x3, s16  }
0x373: {  	p0 =	seq.s32 s16, $0x0  }
0x374: {  	s4 =	smul.u32 $0x120, s16;
	s20 =	simm.s32 @!p0 $0x6;
	s17 =	sadd.s32 $0x2, s21  }
0x375: {  	_ =	swait.ge @!p0 [sflag:s20], $0x3000;
	s18 =	smul.u32 $0x60, s17  }
0x376: {  	s7 =	sadd.s32 $0x0, s4;
	[sflag:s20] =	ssyncset.done @!p0 $0x0  }
0x377: {  	s23 =	sadd.s32 $0x2, s7;
	[sflag:s20] =	ssyncadd.s32 @!p0 $0xFFFFD000;
	s26 =	sadd.s32 $0x14000, s18  }
0x378: {  	v1 =	vmov s7;
	[tilespmem:s9], [sflag:$0x3] =	stream.indirect.gather [hbm4b:s19+s6], $0x80, s26, s6, $0xb8;
	[tilespmem:$0x1F500] =	vst v63  }
0x379: {  	v1 =	vand.u32 $0xFFFFFFFC, v1;
	v2 =	vmov s23;
	_ =	swait.ge [sflag:s10], $0x3000  }
0x37a: {  	v1 =	vbroadcast v1, $0x0;
	v2 =	vand.u32 $0xFFFFFFFE, v2;
	[sflag:s10] =	ssyncset.done $0x0  }
0x37b: {  	s20 =	simm.s32 $0x16600;
	v2 =	vbroadcast v2, $0x0;
	[sflag:s10] =	ssyncadd.s32 $0xFFFFD000  }
0x37c: {  	v4 =	vld [tilespmem:s20+$0x70]  }
0x37d: {  	s28 =	sadd.s32 $0x1, s7;
	v5 =	vld [tilespmem:s20+$0xFFFFFF00]  }
0x37e: {  	v3 =	vmov s28;
	v6 =	vld [tilespmem:s20+$0xFFFFFF10]  }
0x37f: {  	v3 =	vand.u32 $0xFFFFFFFD, v3;
	v7 =	vld [tilespmem:s20+$0xFFFFFF20]  }
0x380: {  	v3 =	vbroadcast v3, $0x0;
	v1 =	vld.idx.msk [tilespmem:v1+s5+$0x0], $0xffff  }
0x381: {  	v2 =	vld.idx.msk [tilespmem:v2+s5+$0x0], $0xffff  }
0x382: {  	v8 =	vld [tilespmem:s20+$0xFFFFFF30]  }
0x383: {  	v9 =	vld [tilespmem:s20+$0xFFFFFF40]  }
0x384: {  	v10 =	vld [tilespmem:s20+$0xFFFFFF50]  }
0x385: {  	v11 =	vld [tilespmem:s20+$0xFFFFFF60];
	v5 =	vmul.f32 v5, v1  }
0x386: {  	v12 =	vld.idx.msk [tilespmem:v3+s5+$0x0], $0xffff;
	v3 =	vmul.f32 v4, v2  }
0x387: {  	v4 =	vmul.f32 v6, v1;
	v6 =	vld [tilespmem:s20+$0xFFFFFF80];
	[tilespmem:s20+$0xFFFFFF00] =	vst v5  }
0x388: {  	s7 =	sadd.s32 $0x3, s7;
	v5 =	vld [tilespmem:s20+$0xFFFFFF70];
	[tilespmem:s20+$0x70] =	vst v3;
	v3 =	vmul.f32 v7, v1  }
0x389: {  	[tilespmem:s20+$0xFFFFFF10] =	vst v4;
	v4 =	vmul.f32 v8, v1;
	v7 =	vld [tilespmem:s20+$0xFFFFFF90];
	v8 =	vmov s7  }
0x38a: {  	[tilespmem:s20+$0xFFFFFF20] =	vst v3;
	v3 =	vmul.f32 v9, v1;
	v9 =	vld [tilespmem:s20+$0xFFFFFFA0]  }
0x38b: {  	[tilespmem:s20+$0xFFFFFF30] =	vst v4;
	v4 =	vmul.f32 v10, v1;
	v10 =	vld [tilespmem:s20+$0xFFFFFFB0]  }
0x38c: {  	[tilespmem:s20+$0xFFFFFF40] =	vst v3;
	v3 =	vmul.f32 v11, v1;
	v11 =	vld [tilespmem:s20+$0xFFFFFFC0]  }
0x38d: {  	[tilespmem:s20+$0xFFFFFF50] =	vst v4;
	v4 =	vmul.f32 v6, v12;
	v6 =	vld [tilespmem:s20+$0xFFFFFFD0]  }
0x38e: {  	v5 =	vmul.f32 v5, v1;
	v1 =	vld.idx.msk [tilespmem:v8+s5+$0x0], $0xffff;
	[tilespmem:s20+$0xFFFFFF60] =	vst v3  }
0x38f: {  	v7 =	vmul.f32 v7, v12;
	v3 =	vld [tilespmem:s20+$0xFFFFFFE0];
	[tilespmem:s20+$0xFFFFFF80] =	vst v4  }
0x390: {  	[tilespmem:s20+$0xFFFFFF70] =	vst v5;
	v5 =	vld [tilespmem:s20+$0xFFFFFFF0];
	v4 =	vmul.f32 v9, v12  }
0x391: {  	v8 =	vld [tilespmem:s20+$0x0];
	[tilespmem:s20+$0xFFFFFF90] =	vst v7;
	v7 =	vmul.f32 v10, v12  }
0x392: {  	v10 =	vld [tilespmem:s20+$0x10];
	[tilespmem:s20+$0xFFFFFFA0] =	vst v4;
	v4 =	vmul.f32 v11, v12  }
0x393: {  	[tilespmem:s20+$0xFFFFFFB0] =	vst v7;
	v6 =	vmul.f32 v6, v12;
	v7 =	vld [tilespmem:s20+$0x20]  }
0x394: {  	[tilespmem:s20+$0xFFFFFFC0] =	vst v4;
	v9 =	vmul.f32 v3, v12;
	v3 =	vld [tilespmem:s20+$0x30]  }
0x395: {  	[tilespmem:s20+$0xFFFFFFD0] =	vst v6;
	v6 =	vmul.f32 v5, v12;
	v4 =	vld [tilespmem:s20+$0x40]  }
0x396: {  	v5 =	vld [tilespmem:s20+$0x50];
	[tilespmem:s20+$0xFFFFFFE0] =	vst v9;
	v9 =	vmul.f32 v8, v2  }
0x397: {  	s24 =	sadd.s32 $0x4, s4;
	s23 =	simm.s32 $0x8;
	s7 =	simm.s32 $0x16600;
	[tilespmem:s20+$0xFFFFFFF0] =	vst v6;
	v8 =	vmul.f32 v10, v2;
	v6 =	vld [tilespmem:s20+$0x60]  }
.LBB2_21:
0x398: {  	p0 =	slt.u32 s23, $0x5C;
	v10 =	vmov s24;
	s25 =	sadd.s32 $0x1, s24;
	s26 =	sadd.s32 $0x2, s24;
	[tilespmem:s20+$0x0] =	vst v9;
	v7 =	vmul.f32 v7, v2;
	v9 =	vld [tilespmem:s20+$0x80]  }
0x399: {  	s24 =	sadd.s32 $0x3, s24;
	v10 =	vand.u32 $0xFFFFFFFC, v10;
	v11 =	vmov s25;
	v12 =	vmov s26;
	[tilespmem:s20+$0x10] =	vst v8;
	v8 =	vld [tilespmem:s20+$0x90]  }
0x39a: {  	v10 =	vbroadcast v10, $0x0;
	v11 =	vand.u32 $0xFFFFFFFD, v11;
	v12 =	vand.u32 $0xFFFFFFFE, v12;
	[tilespmem:s20+$0x20] =	vst v7;
	v7 =	vld [tilespmem:s20+$0xA0]  }
0x39b: {  	v13 =	vmov s24;
	v11 =	vbroadcast v11, $0x0;
	v12 =	vbroadcast v12, $0x0;
	v14 =	vld [tilespmem:s20+$0xB0]  }
0x39c: {  	v3 =	vmul.f32 v3, v2;
	v4 =	vmul.f32 v4, v2;
	v15 =	vld [tilespmem:s20+$0xC0]  }
0x39d: {  	v5 =	vmul.f32 v5, v2;
	v6 =	vmul.f32 v6, v2;
	v16 =	vld [tilespmem:s20+$0xD0]  }
0x39e: {  	[tilespmem:s20+$0x30] =	vst v3;
	v3 =	vmul.f32 v9, v1;
	v8 =	vmul.f32 v8, v1;
	v9 =	vld [tilespmem:s20+$0xE0]  }
0x39f: {  	[tilespmem:s20+$0x40] =	vst v4;
	v4 =	vmul.f32 v7, v1;
	v7 =	vld [tilespmem:s20+$0xF0]  }
0x3a0: {  	v10 =	vld.idx.msk [tilespmem:v10+s5+$0x0], $0xffff;
	[tilespmem:s20+$0x50] =	vst v5;
	v5 =	vmul.f32 v14, v1  }
0x3a1: {  	s20 =	sadd.s32 $0x200, s20;
	v2 =	vld.idx.msk [tilespmem:v12+s5+$0x0], $0xffff;
	[tilespmem:s7+$0x60] =	vst v6;
	v6 =	vmul.f32 v15, v1  }
0x3a2: {  	v12 =	vld [tilespmem:s20+$0x70];
	[tilespmem:s7+$0x80] =	vst v3;
	v3 =	vmul.f32 v16, v1  }
0x3a3: {  	v11 =	vld.idx.msk [tilespmem:v11+s5+$0x0], $0xffff;
	[tilespmem:s7+$0x90] =	vst v8;
	v8 =	vmul.f32 v9, v1  }
0x3a4: {  	[tilespmem:s7+$0xA0] =	vst v4;
	v4 =	vmul.f32 v7, v1;
	v1 =	vld.idx.msk [tilespmem:v13+s5+$0x0], $0xffff  }
0x3a5: {  	v7 =	vld [tilespmem:s20+$0xFFFFFF00];
	[tilespmem:s7+$0xB0] =	vst v5  }
0x3a6: {  	v5 =	vld [tilespmem:s20+$0xFFFFFF10];
	[tilespmem:s7+$0xC0] =	vst v6  }
0x3a7: {  	v6 =	vld [tilespmem:s20+$0xFFFFFF20];
	v9 =	vmul.f32 v12, v2;
	[tilespmem:s7+$0xD0] =	vst v3  }
0x3a8: {  	v3 =	vld [tilespmem:s20+$0xFFFFFF30];
	[tilespmem:s7+$0xE0] =	vst v8  }
0x3a9: {  	v8 =	vld [tilespmem:s20+$0xFFFFFF40];
	[tilespmem:s20+$0x70] =	vst v9  }
0x3aa: {  	v7 =	vmul.f32 v7, v10;
	v9 =	vld [tilespmem:s20+$0xFFFFFF50];
	[tilespmem:s7+$0xF0] =	vst v4;
	s7 =	smov.u32 s20  }
0x3ab: {  	v4 =	vmul.f32 v5, v10;
	v5 =	vld [tilespmem:s20+$0xFFFFFF60]  }
0x3ac: {  	[tilespmem:s20+$0xFFFFFF00] =	vst v7;
	v6 =	vmul.f32 v6, v10;
	v7 =	vld [tilespmem:s20+$0xFFFFFF70]  }
0x3ad: {  	[tilespmem:s20+$0xFFFFFF10] =	vst v4;
	v3 =	vmul.f32 v3, v10;
	v4 =	vld [tilespmem:s20+$0xFFFFFF80]  }
0x3ae: {  	[tilespmem:s20+$0xFFFFFF20] =	vst v6;
	v6 =	vmul.f32 v8, v10;
	v8 =	vld [tilespmem:s20+$0xFFFFFF90]  }
0x3af: {  	[tilespmem:s20+$0xFFFFFF30] =	vst v3;
	v3 =	vmul.f32 v9, v10;
	v9 =	vld [tilespmem:s20+$0xFFFFFFA0]  }
0x3b0: {  	[tilespmem:s20+$0xFFFFFF40] =	vst v6;
	v5 =	vmul.f32 v5, v10;
	v6 =	vld [tilespmem:s20+$0xFFFFFFB0]  }
0x3b1: {  	[tilespmem:s20+$0xFFFFFF50] =	vst v3;
	v3 =	vmul.f32 v7, v10;
	v7 =	vld [tilespmem:s20+$0xFFFFFFC0]  }
0x3b2: {  	[tilespmem:s20+$0xFFFFFF60] =	vst v5;
	v4 =	vmul.f32 v4, v11;
	v5 =	vld [tilespmem:s20+$0xFFFFFFD0]  }
0x3b3: {  	[tilespmem:s20+$0xFFFFFF70] =	vst v3;
	v3 =	vmul.f32 v8, v11;
	v8 =	vld [tilespmem:s20+$0xFFFFFFE0]  }
0x3b4: {  	[tilespmem:s20+$0xFFFFFF80] =	vst v4;
	v4 =	vmul.f32 v9, v11;
	v9 =	vld [tilespmem:s20+$0xFFFFFFF0]  }
0x3b5: {  	[tilespmem:s20+$0xFFFFFF90] =	vst v3;
	v3 =	vmul.f32 v6, v11;
	v6 =	vld [tilespmem:s20+$0x0]  }
0x3b6: {  	[tilespmem:s20+$0xFFFFFFA0] =	vst v4;
	v4 =	vmul.f32 v7, v11;
	v10 =	vld [tilespmem:s20+$0x10]  }
.Ltmp9:
0x3b7: {  	[tilespmem:s20+$0xFFFFFFB0] =	vst v3;
	v5 =	vmul.f32 v5, v11;
	v7 =	vld [tilespmem:s20+$0x20];
	(pc) =	sbr.rel @p0 .LBB2_21-.Ltmp9, $4  }
0x3b8: {  	[tilespmem:s20+$0xFFFFFFC0] =	vst v4;
	v8 =	vmul.f32 v8, v11;
	v3 =	vld [tilespmem:s20+$0x30]  }
0x3b9: {  	[tilespmem:s20+$0xFFFFFFD0] =	vst v5;
	v11 =	vmul.f32 v9, v11;
	v4 =	vld [tilespmem:s20+$0x40]  }
0x3ba: {  	[tilespmem:s20+$0xFFFFFFE0] =	vst v8;
	v9 =	vmul.f32 v6, v2;
	v5 =	vld [tilespmem:s20+$0x50]  }
0x3bb: {  	s24 =	sadd.s32 s4, s23;
	s23 =	sadd.s32 $0x4, s23;
	[tilespmem:s20+$0xFFFFFFF0] =	vst v11;
	v8 =	vmul.f32 v10, v2;
	v6 =	vld [tilespmem:s20+$0x60]  }
0x3bc: {  	v11 =	vld [tilespmem:s20+$0x80]  }
0x3bd: {  	v13 =	vld [tilespmem:s20+$0x90]  }
0x3be: {  	s4 =	sadd.s32 $0x2, s24;
	v14 =	vld [tilespmem:s20+$0xA0]  }
0x3bf: {  	v10 =	vmov s24;
	s28 =	sadd.s32 $0x1, s24;
	v16 =	vld [tilespmem:s20+$0xB0];
	[tilespmem:s20+$0x0] =	vst v9;
	v7 =	vmul.f32 v7, v2;
	v12 =	vmov s4  }
0x3c0: {  	v60 =	vld [tilespmem:s20+$0xC0];
	s23 =	sadd.s32 $0x3, s24;
	s24 =	sadd.s32 $0x200, s20;
	v15 =	vmov s28;
	[tilespmem:s20+$0x10] =	vst v8;
	v3 =	vmul.f32 v3, v2;
	v12 =	vand.u32 $0xFFFFFFFE, v12  }
0x3c1: {  	v62 =	vld [tilespmem:s24+$0xFFFFFF20];
	v9 =	vand.u32 $0xFFFFFFFD, v15;
	[tilespmem:s20+$0x20] =	vst v7;
	v4 =	vmul.f32 v4, v2;
	v12 =	vbroadcast v12, $0x0  }
0x3c2: {  	v10 =	vand.u32 $0xFFFFFFFC, v10;
	v7 =	vld [tilespmem:s20+$0xE0];
	v8 =	vbroadcast v9, $0x0;
	v5 =	vmul.f32 v5, v2;
	[tilespmem:s20+$0x30] =	vst v3  }
0x3c3: {  	v10 =	vbroadcast v10, $0x0;
	v9 =	vld [tilespmem:s20+$0xD0];
	v2 =	vmul.f32 v6, v2;
	[tilespmem:s20+$0x40] =	vst v4  }
0x3c4: {  	v3 =	vld [tilespmem:s20+$0xF0];
	v6 =	vmul.f32 v11, v1;
	[tilespmem:s20+$0x50] =	vst v5;
	v11 =	vmul.f32 v14, v1  }
0x3c5: {  	[tilespmem:s7+$0x60] =	vst v2;
	v2 =	vld [tilespmem:s24+$0x70]  }
0x3c6: {  	[tilespmem:s7+$0xA0] =	vst v11;
	v11 =	vld [tilespmem:s24+$0xFFFFFF00]  }
0x3c7: {  	v61 =	vmul.f32 v60, v1;
	v5 =	vld.idx.msk [tilespmem:v12+s5+$0x0], $0xffff  }
0x3c8: {  	[tilespmem:s7+$0x80] =	vst v6;
	v6 =	vld.idx.msk [tilespmem:v8+s5+$0x0], $0xffff;
	v8 =	vmul.f32 v16, v1  }
0x3c9: {  	v17 =	vmov s23;
	v7 =	vmul.f32 v7, v1;
	[tilespmem:s7+$0xC0] =	vst v61;
	v4 =	vld.idx.msk [tilespmem:v10+s5+$0x0], $0xffff  }
0x3ca: {  	v9 =	vmul.f32 v9, v1;
	[tilespmem:s7+$0xB0] =	vst v8;
	v8 =	vld [tilespmem:s24+$0xFFFFFF10]  }
0x3cb: {  	v10 =	vmul.f32 v13, v1;
	v1 =	vmul.f32 v3, v1;
	[tilespmem:s7+$0xE0] =	vst v7;
	v3 =	vld [tilespmem:s24+$0xFFFFFF40]  }
0x3cc: {  	[tilespmem:s7+$0xD0] =	vst v9;
	v9 =	vld [tilespmem:s24+$0xFFFFFF30];
	v2 =	vmul.f32 v2, v5  }
0x3cd: {  	v7 =	vld [tilespmem:s24+$0xFFFFFF50];
	[tilespmem:s7+$0x90] =	vst v10  }
0x3ce: {  	v10 =	vld.idx.msk [tilespmem:v17+s5+$0x0], $0xffff;
	[tilespmem:s24+$0x70] =	vst v2;
	v2 =	vmul.f32 v11, v4  }
0x3cf: {  	[tilespmem:s7+$0xF0] =	vst v1;
	v1 =	vmul.f32 v8, v4;
	v8 =	vld [tilespmem:s24+$0xFFFFFF60]  }
0x3d0: {  	v11 =	vld [tilespmem:s24+$0xFFFFFF70];
	[tilespmem:s24+$0xFFFFFF00] =	vst v2;
	v2 =	vmul.f32 v62, v4  }
0x3d1: {  	[tilespmem:s24+$0xFFFFFF10] =	vst v1;
	v1 =	vmul.f32 v9, v4;
	v9 =	vld [tilespmem:s24+$0xFFFFFF80]  }
0x3d2: {  	[tilespmem:s24+$0xFFFFFF20] =	vst v2;
	v2 =	vmul.f32 v3, v4;
	v3 =	vld [tilespmem:s24+$0xFFFFFF90]  }
0x3d3: {  	[tilespmem:s24+$0xFFFFFF30] =	vst v1;
	v1 =	vmul.f32 v7, v4;
	v7 =	vld [tilespmem:s24+$0xFFFFFFA0]  }
0x3d4: {  	[tilespmem:s24+$0xFFFFFF40] =	vst v2;
	v2 =	vmul.f32 v8, v4;
	v8 =	vld [tilespmem:s24+$0xFFFFFFB0]  }
0x3d5: {  	[tilespmem:s24+$0xFFFFFF50] =	vst v1;
	v1 =	vmul.f32 v11, v4;
	v4 =	vld [tilespmem:s24+$0xFFFFFFC0]  }
0x3d6: {  	[tilespmem:s24+$0xFFFFFF60] =	vst v2;
	v2 =	vmul.f32 v9, v6;
	v9 =	vld [tilespmem:s24+$0xFFFFFFD0]  }
0x3d7: {  	[tilespmem:s24+$0xFFFFFF70] =	vst v1;
	v1 =	vmul.f32 v3, v6;
	v3 =	vld [tilespmem:s24+$0xFFFFFFE0]  }
0x3d8: {  	[tilespmem:s24+$0xFFFFFF80] =	vst v2;
	v2 =	vmul.f32 v7, v6;
	v7 =	vld [tilespmem:s24+$0xFFFFFFF0]  }
0x3d9: {  	[tilespmem:s24+$0xFFFFFF90] =	vst v1;
	v1 =	vmul.f32 v8, v6;
	v8 =	vld [tilespmem:s24+$0x0]  }
0x3da: {  	[tilespmem:s24+$0xFFFFFFA0] =	vst v2;
	v2 =	vmul.f32 v4, v6;
	v4 =	vld [tilespmem:s24+$0x10]  }
0x3db: {  	[tilespmem:s24+$0xFFFFFFB0] =	vst v1;
	v1 =	vmul.f32 v9, v6;
	v9 =	vld [tilespmem:s24+$0x20]  }
0x3dc: {  	[tilespmem:s24+$0xFFFFFFC0] =	vst v2;
	v2 =	vmul.f32 v3, v6;
	v3 =	vld [tilespmem:s24+$0x30]  }
0x3dd: {  	[tilespmem:s24+$0xFFFFFFD0] =	vst v1;
	v1 =	vmul.f32 v7, v6;
	v6 =	vld [tilespmem:s24+$0x40]  }
0x3de: {  	v7 =	vld [tilespmem:s24+$0x50];
	[tilespmem:s24+$0xFFFFFFE0] =	vst v2;
	v2 =	vmul.f32 v8, v5  }
0x3df: {  	[tilespmem:s24+$0xFFFFFFF0] =	vst v1;
	v1 =	vmul.f32 v4, v5;
	v4 =	vld [tilespmem:s24+$0x60]  }
0x3e0: {  	v8 =	vld [tilespmem:s24+$0x80];
	[tilespmem:s24+$0x0] =	vst v2;
	v2 =	vmul.f32 v9, v5  }
0x3e1: {  	[tilespmem:s24+$0x10] =	vst v1;
	v1 =	vld [tilespmem:s24+$0x90];
	v3 =	vmul.f32 v3, v5  }
0x3e2: {  	v9 =	vld [tilespmem:s24+$0xB0];
	[tilespmem:s24+$0x20] =	vst v2;
	v6 =	vmul.f32 v6, v5  }
0x3e3: {  	v2 =	vld [tilespmem:s24+$0xA0];
	v7 =	vmul.f32 v7, v5;
	[tilespmem:s24+$0x30] =	vst v3  }
0x3e4: {  	v3 =	vld [tilespmem:s24+$0xC0];
	v4 =	vmul.f32 v4, v5;
	[tilespmem:s24+$0x40] =	vst v6  }
0x3e5: {  	v5 =	vld [tilespmem:s24+$0xD0];
	v6 =	vmul.f32 v8, v10;
	[tilespmem:s24+$0x50] =	vst v7  }
0x3e6: {  	v7 =	vld [tilespmem:s24+$0xE0];
	v1 =	vmul.f32 v1, v10;
	[tilespmem:s24+$0x60] =	vst v4  }
0x3e7: {  	v4 =	vld [tilespmem:s24+$0xF0];
	[tilespmem:s24+$0x80] =	vst v6;
	v6 =	vmul.f32 v9, v10  }
0x3e8: {  	v2 =	vmul.f32 v2, v10;
	[tilespmem:s24+$0x90] =	vst v1  }
0x3e9: {  	v1 =	vmul.f32 v3, v10;
	[tilespmem:s24+$0xB0] =	vst v6  }
0x3ea: {  	[tilespmem:s24+$0xA0] =	vst v2;
	v2 =	vmul.f32 v5, v10  }
0x3eb: {  	s25 =	smul.u32 $0x600, s16;
	p0 =	seq.s32 s16, $0x8;
	v3 =	vmul.f32 v7, v10;
	[tilespmem:s24+$0xC0] =	vst v1  }
0x3ec: {  	s20 =	smul.u32 @!p0 $0x480, s16;
	v1 =	vmul.f32 v4, v10;
	[tilespmem:s24+$0xD0] =	vst v2  }
0x3ed: {  	s23 =	sadd.s32 $0x1, s21;
	s7 =	sshra.s32 s25, $0x2;
	[tilespmem:s24+$0xE0] =	vst v3  }
0x3ee: {  	s4 =	smul.u32 $0x60, s23;
	s21 =	sshra.s32 @!p0 s20, $0x2;
	s7 =	sadd.s32 $0x14A80, s7;
	[tilespmem:s24+$0xF0] =	vst v1  }
0x3ef: {  	[spmem:s22] =	stream.indirect.scatter.add.f32 [tilespmem:s1], [sflag:$0x4], $0x80, s7, s6, $0xb8;
	[tilespmem:$0x1F500] =	vst v63  }
0x3f0: {  	s20 =	sadd.s32 @!p0 $0x14120, s21;
	_ =	swait.ge [sflag:s11], $0x3000  }
0x3f1: {  	s25 =	simm.s32 @!p0 $0x16500;
	s7 =	sadd.s32 $0x0, s4;
	[sflag:s11] =	ssyncset.done $0x0  }
0x3f2: {  	s24 =	simm.s32 @!p0 $0x60;
	s26 =	sadd.s32 $0x2, s7;
	[sflag:s11] =	ssyncadd.s32 $0xFFFFD000  }
0x3f3: {  	v1 =	vmov s7;
	[tilespmem:s25], [sflag:$0x1] =	stream.indirect.gather @!p0 [hbm4b:s19+s24], $0x80, s20, s24, $0xb8;
	[tilespmem:$0x1F500] =	vst v63  }
0x3f4: {  	v1 =	vand.u32 $0xFFFFFFFC, v1;
	v2 =	vmov s26;
	_ =	swait.ge [sflag:s12], $0x3000  }
0x3f5: {  	v1 =	vbroadcast v1, $0x0;
	v2 =	vand.u32 $0xFFFFFFFE, v2;
	[sflag:s12] =	ssyncset.done $0x0  }
0x3f6: {  	v2 =	vbroadcast v2, $0x0;
	s20 =	simm.s32 $0x19600;
	[sflag:s12] =	ssyncadd.s32 $0xFFFFD000  }
0x3f7: {  	v4 =	vld [tilespmem:s20+$0x70]  }
0x3f8: {  	s28 =	sadd.s32 $0x1, s7;
	v5 =	vld [tilespmem:s20+$0xFFFFFF00]  }
0x3f9: {  	v3 =	vmov s28;
	v6 =	vld [tilespmem:s20+$0xFFFFFF10]  }
0x3fa: {  	v3 =	vand.u32 $0xFFFFFFFD, v3;
	v7 =	vld [tilespmem:s20+$0xFFFFFF20]  }
0x3fb: {  	v3 =	vbroadcast v3, $0x0;
	v1 =	vld.idx.msk [tilespmem:v1+s5+$0x0], $0xffff  }
0x3fc: {  	v2 =	vld.idx.msk [tilespmem:v2+s5+$0x0], $0xffff  }
0x3fd: {  	v8 =	vld [tilespmem:s20+$0xFFFFFF30]  }
0x3fe: {  	v9 =	vld [tilespmem:s20+$0xFFFFFF40]  }
0x3ff: {  	v10 =	vld [tilespmem:s20+$0xFFFFFF50]  }
0x400: {  	v11 =	vld [tilespmem:s20+$0xFFFFFF60];
	v5 =	vmul.f32 v5, v1  }
0x401: {  	v63 =	vld.idx.msk [tilespmem:v3+s5+$0x0], $0xffff;
	v3 =	vmul.f32 v4, v2  }
0x402: {  	v4 =	vmul.f32 v6, v1;
	v6 =	vld [tilespmem:s20+$0xFFFFFF80];
	[tilespmem:s20+$0xFFFFFF00] =	vst v5  }
0x403: {  	s7 =	sadd.s32 $0x3, s7;
	v5 =	vld [tilespmem:s20+$0xFFFFFF70];
	[tilespmem:s20+$0x70] =	vst v3;
	v3 =	vmul.f32 v7, v1  }
0x404: {  	[tilespmem:s20+$0xFFFFFF10] =	vst v4;
	v4 =	vmul.f32 v8, v1;
	v7 =	vld [tilespmem:s20+$0xFFFFFF90];
	v8 =	vmov s7  }
0x405: {  	[tilespmem:s20+$0xFFFFFF20] =	vst v3;
	v3 =	vmul.f32 v9, v1;
	v9 =	vld [tilespmem:s20+$0xFFFFFFA0]  }
0x406: {  	[tilespmem:s20+$0xFFFFFF30] =	vst v4;
	v4 =	vmul.f32 v10, v1;
	v10 =	vld [tilespmem:s20+$0xFFFFFFB0]  }
0x407: {  	[tilespmem:s20+$0xFFFFFF40] =	vst v3;
	v3 =	vmul.f32 v11, v1;
	v11 =	vld [tilespmem:s20+$0xFFFFFFC0]  }
0x408: {  	[tilespmem:s20+$0xFFFFFF50] =	vst v4;
	v4 =	vmul.f32 v6, v63;
	v6 =	vld [tilespmem:s20+$0xFFFFFFD0]  }
0x409: {  	v5 =	vmul.f32 v5, v1;
	v1 =	vld.idx.msk [tilespmem:v8+s5+$0x0], $0xffff;
	[tilespmem:s20+$0xFFFFFF60] =	vst v3  }
0x40a: {  	v7 =	vmul.f32 v7, v63;
	v3 =	vld [tilespmem:s20+$0xFFFFFFE0];
	[tilespmem:s20+$0xFFFFFF80] =	vst v4  }
0x40b: {  	[tilespmem:s20+$0xFFFFFF70] =	vst v5;
	v5 =	vld [tilespmem:s20+$0xFFFFFFF0];
	v4 =	vmul.f32 v9, v63  }
0x40c: {  	v8 =	vld [tilespmem:s20+$0x0];
	[tilespmem:s20+$0xFFFFFF90] =	vst v7;
	v7 =	vmul.f32 v10, v63  }
0x40d: {  	v10 =	vld [tilespmem:s20+$0x10];
	[tilespmem:s20+$0xFFFFFFA0] =	vst v4;
	v4 =	vmul.f32 v11, v63  }
0x40e: {  	[tilespmem:s20+$0xFFFFFFB0] =	vst v7;
	v6 =	vmul.f32 v6, v63;
	v7 =	vld [tilespmem:s20+$0x20]  }
0x40f: {  	[tilespmem:s20+$0xFFFFFFC0] =	vst v4;
	v9 =	vmul.f32 v3, v63;
	v3 =	vld [tilespmem:s20+$0x30]  }
0x410: {  	[tilespmem:s20+$0xFFFFFFD0] =	vst v6;
	v6 =	vmul.f32 v5, v63;
	v4 =	vld [tilespmem:s20+$0x40]  }
0x411: {  	v5 =	vld [tilespmem:s20+$0x50];
	[tilespmem:s20+$0xFFFFFFE0] =	vst v9;
	v9 =	vmul.f32 v8, v2  }
0x412: {  	s25 =	sadd.s32 $0x4, s4;
	s24 =	simm.s32 $0x8;
	s7 =	simm.s32 $0x19600;
	[tilespmem:s20+$0xFFFFFFF0] =	vst v6;
	v8 =	vmul.f32 v10, v2;
	v6 =	vld [tilespmem:s20+$0x60]  }
.LBB2_23:
0x413: {  	p1 =	slt.u32 s24, $0x5C;
	v10 =	vmov s25;
	s26 =	sadd.s32 $0x1, s25;
	s28 =	sadd.s32 $0x2, s25;
	[tilespmem:s20+$0x0] =	vst v9;
	v7 =	vmul.f32 v7, v2;
	v9 =	vld [tilespmem:s20+$0x80]  }
0x414: {  	s25 =	sadd.s32 $0x3, s25;
	v10 =	vand.u32 $0xFFFFFFFC, v10;
	v11 =	vmov s26;
	v12 =	vmov s28;
	[tilespmem:s20+$0x10] =	vst v8;
	v8 =	vld [tilespmem:s20+$0x90]  }
0x415: {  	v10 =	vbroadcast v10, $0x0;
	v11 =	vand.u32 $0xFFFFFFFD, v11;
	v12 =	vand.u32 $0xFFFFFFFE, v12;
	[tilespmem:s20+$0x20] =	vst v7;
	v7 =	vld [tilespmem:s20+$0xA0]  }
0x416: {  	v13 =	vmov s25;
	v11 =	vbroadcast v11, $0x0;
	v12 =	vbroadcast v12, $0x0;
	v14 =	vld [tilespmem:s20+$0xB0]  }
0x417: {  	v3 =	vmul.f32 v3, v2;
	v4 =	vmul.f32 v4, v2;
	v15 =	vld [tilespmem:s20+$0xC0]  }
0x418: {  	v5 =	vmul.f32 v5, v2;
	v6 =	vmul.f32 v6, v2;
	v16 =	vld [tilespmem:s20+$0xD0]  }
0x419: {  	[tilespmem:s20+$0x30] =	vst v3;
	v3 =	vmul.f32 v9, v1;
	v8 =	vmul.f32 v8, v1;
	v9 =	vld [tilespmem:s20+$0xE0]  }
0x41a: {  	[tilespmem:s20+$0x40] =	vst v4;
	v4 =	vmul.f32 v7, v1;
	v7 =	vld [tilespmem:s20+$0xF0]  }
0x41b: {  	v10 =	vld.idx.msk [tilespmem:v10+s5+$0x0], $0xffff;
	[tilespmem:s20+$0x50] =	vst v5;
	v5 =	vmul.f32 v14, v1  }
0x41c: {  	s20 =	sadd.s32 $0x200, s20;
	v2 =	vld.idx.msk [tilespmem:v12+s5+$0x0], $0xffff;
	[tilespmem:s7+$0x60] =	vst v6;
	v6 =	vmul.f32 v15, v1  }
0x41d: {  	v12 =	vld [tilespmem:s20+$0x70];
	[tilespmem:s7+$0x80] =	vst v3;
	v3 =	vmul.f32 v16, v1  }
0x41e: {  	v11 =	vld.idx.msk [tilespmem:v11+s5+$0x0], $0xffff;
	[tilespmem:s7+$0x90] =	vst v8;
	v8 =	vmul.f32 v9, v1  }
0x41f: {  	[tilespmem:s7+$0xA0] =	vst v4;
	v4 =	vmul.f32 v7, v1;
	v1 =	vld.idx.msk [tilespmem:v13+s5+$0x0], $0xffff  }
0x420: {  	v7 =	vld [tilespmem:s20+$0xFFFFFF00];
	[tilespmem:s7+$0xB0] =	vst v5  }
0x421: {  	v5 =	vld [tilespmem:s20+$0xFFFFFF10];
	[tilespmem:s7+$0xC0] =	vst v6  }
0x422: {  	v6 =	vld [tilespmem:s20+$0xFFFFFF20];
	v9 =	vmul.f32 v12, v2;
	[tilespmem:s7+$0xD0] =	vst v3  }
0x423: {  	v3 =	vld [tilespmem:s20+$0xFFFFFF30];
	[tilespmem:s7+$0xE0] =	vst v8  }
0x424: {  	v8 =	vld [tilespmem:s20+$0xFFFFFF40];
	[tilespmem:s20+$0x70] =	vst v9  }
0x425: {  	v7 =	vmul.f32 v7, v10;
	v9 =	vld [tilespmem:s20+$0xFFFFFF50];
	[tilespmem:s7+$0xF0] =	vst v4;
	s7 =	smov.u32 s20  }
0x426: {  	v4 =	vmul.f32 v5, v10;
	v5 =	vld [tilespmem:s20+$0xFFFFFF60]  }
0x427: {  	[tilespmem:s20+$0xFFFFFF00] =	vst v7;
	v6 =	vmul.f32 v6, v10;
	v7 =	vld [tilespmem:s20+$0xFFFFFF70]  }
0x428: {  	[tilespmem:s20+$0xFFFFFF10] =	vst v4;
	v3 =	vmul.f32 v3, v10;
	v4 =	vld [tilespmem:s20+$0xFFFFFF80]  }
0x429: {  	[tilespmem:s20+$0xFFFFFF20] =	vst v6;
	v6 =	vmul.f32 v8, v10;
	v8 =	vld [tilespmem:s20+$0xFFFFFF90]  }
0x42a: {  	[tilespmem:s20+$0xFFFFFF30] =	vst v3;
	v3 =	vmul.f32 v9, v10;
	v9 =	vld [tilespmem:s20+$0xFFFFFFA0]  }
0x42b: {  	[tilespmem:s20+$0xFFFFFF40] =	vst v6;
	v5 =	vmul.f32 v5, v10;
	v6 =	vld [tilespmem:s20+$0xFFFFFFB0]  }
0x42c: {  	[tilespmem:s20+$0xFFFFFF50] =	vst v3;
	v3 =	vmul.f32 v7, v10;
	v7 =	vld [tilespmem:s20+$0xFFFFFFC0]  }
0x42d: {  	[tilespmem:s20+$0xFFFFFF60] =	vst v5;
	v4 =	vmul.f32 v4, v11;
	v5 =	vld [tilespmem:s20+$0xFFFFFFD0]  }
0x42e: {  	[tilespmem:s20+$0xFFFFFF70] =	vst v3;
	v3 =	vmul.f32 v8, v11;
	v8 =	vld [tilespmem:s20+$0xFFFFFFE0]  }
0x42f: {  	[tilespmem:s20+$0xFFFFFF80] =	vst v4;
	v4 =	vmul.f32 v9, v11;
	v9 =	vld [tilespmem:s20+$0xFFFFFFF0]  }
0x430: {  	[tilespmem:s20+$0xFFFFFF90] =	vst v3;
	v3 =	vmul.f32 v6, v11;
	v6 =	vld [tilespmem:s20+$0x0]  }
0x431: {  	[tilespmem:s20+$0xFFFFFFA0] =	vst v4;
	v4 =	vmul.f32 v7, v11;
	v10 =	vld [tilespmem:s20+$0x10]  }
.Ltmp10:
0x432: {  	[tilespmem:s20+$0xFFFFFFB0] =	vst v3;
	v5 =	vmul.f32 v5, v11;
	v7 =	vld [tilespmem:s20+$0x20];
	(pc) =	sbr.rel @p1 .LBB2_23-.Ltmp10, $4  }
0x433: {  	[tilespmem:s20+$0xFFFFFFC0] =	vst v4;
	v8 =	vmul.f32 v8, v11;
	v3 =	vld [tilespmem:s20+$0x30]  }
0x434: {  	[tilespmem:s20+$0xFFFFFFD0] =	vst v5;
	v11 =	vmul.f32 v9, v11;
	v4 =	vld [tilespmem:s20+$0x40]  }
0x435: {  	[tilespmem:s20+$0xFFFFFFE0] =	vst v8;
	v9 =	vmul.f32 v6, v2;
	v5 =	vld [tilespmem:s20+$0x50]  }
0x436: {  	s25 =	sadd.s32 s4, s24;
	s24 =	sadd.s32 $0x4, s24;
	[tilespmem:s20+$0xFFFFFFF0] =	vst v11;
	v8 =	vmul.f32 v10, v2;
	v6 =	vld [tilespmem:s20+$0x60]  }
0x437: {  	v11 =	vld [tilespmem:s20+$0x80]  }
0x438: {  	v13 =	vld [tilespmem:s20+$0x90]  }
0x439: {  	s4 =	sadd.s32 $0x2, s25;
	v14 =	vld [tilespmem:s20+$0xA0];
	[tilespmem:s20+$0x0] =	vst v9;
	v7 =	vmul.f32 v7, v2  }
0x43a: {  	v10 =	vmov s25;
	s26 =	sadd.s32 $0x1, s25;
	v16 =	vld [tilespmem:s20+$0xB0];
	v12 =	vmov s4;
	[tilespmem:s20+$0x10] =	vst v8;
	v3 =	vmul.f32 v3, v2  }
0x43b: {  	v60 =	vld [tilespmem:s20+$0xC0];
	v15 =	vmov s26;
	v12 =	vand.u32 $0xFFFFFFFE, v12;
	[tilespmem:s20+$0x20] =	vst v7;
	v4 =	vmul.f32 v4, v2  }
0x43c: {  	v9 =	vand.u32 $0xFFFFFFFD, v15;
	v7 =	vld [tilespmem:s20+$0xE0];
	v12 =	vbroadcast v12, $0x0;
	v5 =	vmul.f32 v5, v2;
	[tilespmem:s20+$0x30] =	vst v3  }
0x43d: {  	v10 =	vand.u32 $0xFFFFFFFC, v10;
	v8 =	vbroadcast v9, $0x0;
	v9 =	vld [tilespmem:s20+$0xD0];
	v2 =	vmul.f32 v6, v2;
	[tilespmem:s20+$0x40] =	vst v4  }
0x43e: {  	v10 =	vbroadcast v10, $0x0;
	v3 =	vld [tilespmem:s20+$0xF0];
	[tilespmem:s20+$0x50] =	vst v5;
	s20 =	sadd.s32 $0x200, s20  }
0x43f: {  	v6 =	vmul.f32 v11, v1;
	v11 =	vmul.f32 v14, v1;
	[tilespmem:s7+$0x60] =	vst v2;
	v2 =	vld [tilespmem:s20+$0x70]  }
0x440: {  	v62 =	vld [tilespmem:s20+$0xFFFFFF20]  }
0x441: {  	[tilespmem:s7+$0xA0] =	vst v11;
	v11 =	vld [tilespmem:s20+$0xFFFFFF00]  }
0x442: {  	v61 =	vmul.f32 v60, v1;
	v5 =	vld.idx.msk [tilespmem:v12+s5+$0x0], $0xffff  }
0x443: {  	s28 =	sadd.s32 $0x3, s25;
	[tilespmem:s7+$0x80] =	vst v6;
	v6 =	vld.idx.msk [tilespmem:v8+s5+$0x0], $0xffff;
	v8 =	vmul.f32 v16, v1  }
0x444: {  	v17 =	vmov s28;
	v7 =	vmul.f32 v7, v1;
	[tilespmem:s7+$0xC0] =	vst v61;
	v4 =	vld.idx.msk [tilespmem:v10+s5+$0x0], $0xffff  }
0x445: {  	v9 =	vmul.f32 v9, v1;
	[tilespmem:s7+$0xB0] =	vst v8;
	v8 =	vld [tilespmem:s20+$0xFFFFFF10]  }
0x446: {  	v10 =	vmul.f32 v13, v1;
	v1 =	vmul.f32 v3, v1;
	[tilespmem:s7+$0xE0] =	vst v7;
	v3 =	vld [tilespmem:s20+$0xFFFFFF40]  }
0x447: {  	[tilespmem:s7+$0xD0] =	vst v9;
	v9 =	vld [tilespmem:s20+$0xFFFFFF30];
	v2 =	vmul.f32 v2, v5  }
0x448: {  	v7 =	vld [tilespmem:s20+$0xFFFFFF50];
	[tilespmem:s7+$0x90] =	vst v10  }
0x449: {  	v10 =	vld.idx.msk [tilespmem:v17+s5+$0x0], $0xffff;
	[tilespmem:s20+$0x70] =	vst v2;
	v2 =	vmul.f32 v11, v4  }
0x44a: {  	[tilespmem:s7+$0xF0] =	vst v1;
	v1 =	vmul.f32 v8, v4;
	v8 =	vld [tilespmem:s20+$0xFFFFFF60]  }
0x44b: {  	v11 =	vld [tilespmem:s20+$0xFFFFFF70];
	[tilespmem:s20+$0xFFFFFF00] =	vst v2;
	v2 =	vmul.f32 v62, v4  }
0x44c: {  	[tilespmem:s20+$0xFFFFFF10] =	vst v1;
	v1 =	vmul.f32 v9, v4;
	v9 =	vld [tilespmem:s20+$0xFFFFFF80]  }
0x44d: {  	[tilespmem:s20+$0xFFFFFF20] =	vst v2;
	v2 =	vmul.f32 v3, v4;
	v3 =	vld [tilespmem:s20+$0xFFFFFF90]  }
0x44e: {  	[tilespmem:s20+$0xFFFFFF30] =	vst v1;
	v1 =	vmul.f32 v7, v4;
	v7 =	vld [tilespmem:s20+$0xFFFFFFA0]  }
0x44f: {  	[tilespmem:s20+$0xFFFFFF40] =	vst v2;
	v2 =	vmul.f32 v8, v4;
	v8 =	vld [tilespmem:s20+$0xFFFFFFB0]  }
0x450: {  	[tilespmem:s20+$0xFFFFFF50] =	vst v1;
	v1 =	vmul.f32 v11, v4;
	v4 =	vld [tilespmem:s20+$0xFFFFFFC0]  }
0x451: {  	[tilespmem:s20+$0xFFFFFF60] =	vst v2;
	v2 =	vmul.f32 v9, v6;
	v9 =	vld [tilespmem:s20+$0xFFFFFFD0]  }
0x452: {  	[tilespmem:s20+$0xFFFFFF70] =	vst v1;
	v1 =	vmul.f32 v3, v6;
	v3 =	vld [tilespmem:s20+$0xFFFFFFE0]  }
0x453: {  	[tilespmem:s20+$0xFFFFFF80] =	vst v2;
	v2 =	vmul.f32 v7, v6;
	v7 =	vld [tilespmem:s20+$0xFFFFFFF0]  }
0x454: {  	[tilespmem:s20+$0xFFFFFF90] =	vst v1;
	v1 =	vmul.f32 v8, v6;
	v8 =	vld [tilespmem:s20+$0x0]  }
0x455: {  	[tilespmem:s20+$0xFFFFFFA0] =	vst v2;
	v2 =	vmul.f32 v4, v6;
	v4 =	vld [tilespmem:s20+$0x10]  }
0x456: {  	[tilespmem:s20+$0xFFFFFFB0] =	vst v1;
	v1 =	vmul.f32 v9, v6;
	v9 =	vld [tilespmem:s20+$0x20]  }
0x457: {  	[tilespmem:s20+$0xFFFFFFC0] =	vst v2;
	v2 =	vmul.f32 v3, v6;
	v3 =	vld [tilespmem:s20+$0x30]  }
0x458: {  	[tilespmem:s20+$0xFFFFFFD0] =	vst v1;
	v1 =	vmul.f32 v7, v6;
	v6 =	vld [tilespmem:s20+$0x40]  }
0x459: {  	v7 =	vld [tilespmem:s20+$0x50];
	[tilespmem:s20+$0xFFFFFFE0] =	vst v2;
	v2 =	vmul.f32 v8, v5  }
0x45a: {  	[tilespmem:s20+$0xFFFFFFF0] =	vst v1;
	v1 =	vmul.f32 v4, v5;
	v4 =	vld [tilespmem:s20+$0x60]  }
0x45b: {  	v8 =	vld [tilespmem:s20+$0x80];
	[tilespmem:s20+$0x0] =	vst v2;
	v2 =	vmul.f32 v9, v5  }
0x45c: {  	[tilespmem:s20+$0x10] =	vst v1;
	v1 =	vld [tilespmem:s20+$0x90];
	v3 =	vmul.f32 v3, v5  }
0x45d: {  	v9 =	vld [tilespmem:s20+$0xB0];
	[tilespmem:s20+$0x20] =	vst v2;
	v6 =	vmul.f32 v6, v5  }
0x45e: {  	v2 =	vld [tilespmem:s20+$0xA0];
	v7 =	vmul.f32 v7, v5;
	[tilespmem:s20+$0x30] =	vst v3  }
0x45f: {  	v3 =	vld [tilespmem:s20+$0xC0];
	v4 =	vmul.f32 v4, v5;
	[tilespmem:s20+$0x40] =	vst v6  }
0x460: {  	v5 =	vld [tilespmem:s20+$0xD0];
	v6 =	vmul.f32 v8, v10;
	[tilespmem:s20+$0x50] =	vst v7  }
0x461: {  	v7 =	vld [tilespmem:s20+$0xE0];
	v1 =	vmul.f32 v1, v10;
	[tilespmem:s20+$0x60] =	vst v4  }
0x462: {  	v4 =	vld [tilespmem:s20+$0xF0];
	[tilespmem:s20+$0x80] =	vst v6;
	v6 =	vmul.f32 v9, v10  }
0x463: {  	v2 =	vmul.f32 v2, v10;
	[tilespmem:s20+$0x90] =	vst v1  }
0x464: {  	v1 =	vmul.f32 v3, v10;
	[tilespmem:s20+$0xB0] =	vst v6  }
0x465: {  	[tilespmem:s20+$0xA0] =	vst v2;
	v2 =	vmul.f32 v5, v10  }
0x466: {  	v3 =	vmul.f32 v7, v10;
	[tilespmem:s20+$0xC0] =	vst v1  }
0x467: {  	s23 =	sshll.u32 s23, $0x7;
	v1 =	vmul.f32 v4, v10;
	[tilespmem:s20+$0xD0] =	vst v2  }
0x468: {  	s25 =	sadd.s32 $0x0, s18;
	s7 =	sand.u32 $0x3FFFFF80, s23;
	[tilespmem:s20+$0xE0] =	vst v3  }
0x469: {  	s26 =	sadd.s32 $0x2, s25;
	s24 =	sadd.s32 $0x14A80, s7;
	[tilespmem:s20+$0xF0] =	vst v1  }
0x46a: {  	v1 =	vmov s25;
	[spmem:s22] =	stream.indirect.scatter.add.f32 [tilespmem:s8], [sflag:$0x5], $0x80, s24, s6, $0xb8;
	[tilespmem:$0x1F500] =	vst v63  }
0x46b: {  	v2 =	vmov s26;
	v1 =	vand.u32 $0xFFFFFFFC, v1;
	_ =	swait.ge [sflag:s13], $0x3000  }
0x46c: {  	s7 =	sadd.s32 @!p0 $0x14180, s21;
	v2 =	vand.u32 $0xFFFFFFFE, v2;
	v1 =	vbroadcast v1, $0x0;
	[sflag:s13] =	ssyncset.done $0x0  }
0x46d: {  	s21 =	simm.s32 @!p0 $0x19500;
	s20 =	simm.s32 @!p0 $0x60;
	v2 =	vbroadcast v2, $0x0;
	[sflag:s13] =	ssyncadd.s32 $0xFFFFD000  }
0x46e: {  	[tilespmem:s21], [sflag:$0x2] =	stream.indirect.gather @!p0 [hbm4b:s19+s20], $0x80, s7, s20, $0xb8;
	[tilespmem:$0x1F500] =	vst v63  }
0x46f: {  	_ =	swait.ge [sflag:s14], $0x3000  }
0x470: {  	[sflag:s14] =	ssyncset.done $0x0  }
0x471: {  	[sflag:s14] =	ssyncadd.s32 $0xFFFFD000  }
0x472: {  	v1 =	vld.idx.msk [tilespmem:v1+s5+$0x0], $0xffff  }
0x473: {  	s28 =	sadd.s32 $0x1, s25;
	s20 =	simm.s32 $0x1C600;
	v2 =	vld.idx.msk [tilespmem:v2+s5+$0x0], $0xffff  }
0x474: {  	v3 =	vmov s28;
	v4 =	vld [tilespmem:s20+$0x70]  }
0x475: {  	v3 =	vand.u32 $0xFFFFFFFD, v3;
	v5 =	vld [tilespmem:s20+$0xFFFFFF00]  }
0x476: {  	v3 =	vbroadcast v3, $0x0;
	v6 =	vld [tilespmem:s20+$0xFFFFFF10]  }
0x477: {  	v7 =	vld [tilespmem:s20+$0xFFFFFF20]  }
0x478: {  	v8 =	vld [tilespmem:s20+$0xFFFFFF30]  }
0x479: {  	v9 =	vld [tilespmem:s20+$0xFFFFFF40]  }
0x47a: {  	v10 =	vld [tilespmem:s20+$0xFFFFFF50]  }
0x47b: {  	v11 =	vld [tilespmem:s20+$0xFFFFFF60];
	v5 =	vmul.f32 v5, v1  }
0x47c: {  	v63 =	vld.idx.msk [tilespmem:v3+s5+$0x0], $0xffff;
	v3 =	vmul.f32 v4, v2  }
0x47d: {  	v4 =	vmul.f32 v6, v1;
	v6 =	vld [tilespmem:s20+$0xFFFFFF80];
	[tilespmem:s20+$0xFFFFFF00] =	vst v5  }
0x47e: {  	s4 =	sadd.s32 $0x3, s25;
	v5 =	vld [tilespmem:s20+$0xFFFFFF70];
	[tilespmem:s20+$0x70] =	vst v3;
	v3 =	vmul.f32 v7, v1  }
0x47f: {  	[tilespmem:s20+$0xFFFFFF10] =	vst v4;
	v4 =	vmul.f32 v8, v1;
	v7 =	vld [tilespmem:s20+$0xFFFFFF90];
	v8 =	vmov s4  }
0x480: {  	[tilespmem:s20+$0xFFFFFF20] =	vst v3;
	v3 =	vmul.f32 v9, v1;
	v9 =	vld [tilespmem:s20+$0xFFFFFFA0]  }
0x481: {  	[tilespmem:s20+$0xFFFFFF30] =	vst v4;
	v4 =	vmul.f32 v10, v1;
	v10 =	vld [tilespmem:s20+$0xFFFFFFB0]  }
0x482: {  	[tilespmem:s20+$0xFFFFFF40] =	vst v3;
	v3 =	vmul.f32 v11, v1;
	v11 =	vld [tilespmem:s20+$0xFFFFFFC0]  }
0x483: {  	[tilespmem:s20+$0xFFFFFF50] =	vst v4;
	v4 =	vmul.f32 v6, v63;
	v6 =	vld [tilespmem:s20+$0xFFFFFFD0]  }
0x484: {  	v5 =	vmul.f32 v5, v1;
	v1 =	vld.idx.msk [tilespmem:v8+s5+$0x0], $0xffff;
	[tilespmem:s20+$0xFFFFFF60] =	vst v3  }
0x485: {  	v7 =	vmul.f32 v7, v63;
	v3 =	vld [tilespmem:s20+$0xFFFFFFE0];
	[tilespmem:s20+$0xFFFFFF80] =	vst v4  }
0x486: {  	[tilespmem:s20+$0xFFFFFF70] =	vst v5;
	v4 =	vmul.f32 v9, v63;
	v5 =	vld [tilespmem:s20+$0xFFFFFFF0]  }
0x487: {  	v8 =	vld [tilespmem:s20+$0x0];
	[tilespmem:s20+$0xFFFFFF90] =	vst v7;
	v7 =	vmul.f32 v10, v63  }
0x488: {  	v10 =	vld [tilespmem:s20+$0x10];
	[tilespmem:s20+$0xFFFFFFA0] =	vst v4;
	v4 =	vmul.f32 v11, v63  }
0x489: {  	[tilespmem:s20+$0xFFFFFFB0] =	vst v7;
	v6 =	vmul.f32 v6, v63;
	v7 =	vld [tilespmem:s20+$0x20]  }
0x48a: {  	[tilespmem:s20+$0xFFFFFFC0] =	vst v4;
	v9 =	vmul.f32 v3, v63;
	v3 =	vld [tilespmem:s20+$0x30]  }
0x48b: {  	[tilespmem:s20+$0xFFFFFFD0] =	vst v6;
	v4 =	vld [tilespmem:s20+$0x40];
	v6 =	vmul.f32 v5, v63  }
0x48c: {  	v5 =	vld [tilespmem:s20+$0x50];
	[tilespmem:s20+$0xFFFFFFE0] =	vst v9;
	v9 =	vmul.f32 v8, v2  }
0x48d: {  	s21 =	sadd.s32 $0x4, s18;
	s7 =	simm.s32 $0x8;
	s4 =	simm.s32 $0x1C600;
	v8 =	vmul.f32 v10, v2;
	[tilespmem:s20+$0xFFFFFFF0] =	vst v6;
	v6 =	vld [tilespmem:s20+$0x60]  }
.LBB2_25:
0x48e: {  	p0 =	slt.u32 s7, $0x5C;
	v10 =	vmov s21;
	s23 =	sadd.s32 $0x1, s21;
	s24 =	sadd.s32 $0x2, s21;
	[tilespmem:s20+$0x0] =	vst v9;
	v7 =	vmul.f32 v7, v2;
	v9 =	vld [tilespmem:s20+$0x80]  }
0x48f: {  	s21 =	sadd.s32 $0x3, s21;
	v10 =	vand.u32 $0xFFFFFFFC, v10;
	v11 =	vmov s23;
	v12 =	vmov s24;
	[tilespmem:s20+$0x10] =	vst v8;
	v8 =	vld [tilespmem:s20+$0x90]  }
0x490: {  	v10 =	vbroadcast v10, $0x0;
	v11 =	vand.u32 $0xFFFFFFFD, v11;
	v12 =	vand.u32 $0xFFFFFFFE, v12;
	[tilespmem:s20+$0x20] =	vst v7;
	v7 =	vld [tilespmem:s20+$0xA0]  }
0x491: {  	v13 =	vmov s21;
	v11 =	vbroadcast v11, $0x0;
	v12 =	vbroadcast v12, $0x0;
	v14 =	vld [tilespmem:s20+$0xB0]  }
0x492: {  	v3 =	vmul.f32 v3, v2;
	v4 =	vmul.f32 v4, v2;
	v15 =	vld [tilespmem:s20+$0xC0]  }
0x493: {  	v5 =	vmul.f32 v5, v2;
	v6 =	vmul.f32 v6, v2;
	v16 =	vld [tilespmem:s20+$0xD0]  }
0x494: {  	[tilespmem:s20+$0x30] =	vst v3;
	v3 =	vmul.f32 v9, v1;
	v8 =	vmul.f32 v8, v1;
	v9 =	vld [tilespmem:s20+$0xE0]  }
0x495: {  	[tilespmem:s20+$0x40] =	vst v4;
	v4 =	vmul.f32 v7, v1;
	v7 =	vld [tilespmem:s20+$0xF0]  }
0x496: {  	v10 =	vld.idx.msk [tilespmem:v10+s5+$0x0], $0xffff;
	[tilespmem:s20+$0x50] =	vst v5;
	v5 =	vmul.f32 v14, v1  }
0x497: {  	s20 =	sadd.s32 $0x200, s20;
	v2 =	vld.idx.msk [tilespmem:v12+s5+$0x0], $0xffff;
	[tilespmem:s4+$0x60] =	vst v6;
	v6 =	vmul.f32 v15, v1  }
0x498: {  	v12 =	vld [tilespmem:s20+$0x70];
	[tilespmem:s4+$0x80] =	vst v3;
	v3 =	vmul.f32 v16, v1  }
0x499: {  	v11 =	vld.idx.msk [tilespmem:v11+s5+$0x0], $0xffff;
	[tilespmem:s4+$0x90] =	vst v8;
	v8 =	vmul.f32 v9, v1  }
0x49a: {  	[tilespmem:s4+$0xA0] =	vst v4;
	v4 =	vmul.f32 v7, v1;
	v1 =	vld.idx.msk [tilespmem:v13+s5+$0x0], $0xffff  }
0x49b: {  	v7 =	vld [tilespmem:s20+$0xFFFFFF00];
	[tilespmem:s4+$0xB0] =	vst v5  }
0x49c: {  	v5 =	vld [tilespmem:s20+$0xFFFFFF10];
	[tilespmem:s4+$0xC0] =	vst v6  }
0x49d: {  	v6 =	vld [tilespmem:s20+$0xFFFFFF20];
	v9 =	vmul.f32 v12, v2;
	[tilespmem:s4+$0xD0] =	vst v3  }
0x49e: {  	v3 =	vld [tilespmem:s20+$0xFFFFFF30];
	[tilespmem:s4+$0xE0] =	vst v8  }
0x49f: {  	v8 =	vld [tilespmem:s20+$0xFFFFFF40];
	[tilespmem:s20+$0x70] =	vst v9  }
0x4a0: {  	v7 =	vmul.f32 v7, v10;
	v9 =	vld [tilespmem:s20+$0xFFFFFF50];
	[tilespmem:s4+$0xF0] =	vst v4;
	s4 =	smov.u32 s20  }
0x4a1: {  	v4 =	vmul.f32 v5, v10;
	v5 =	vld [tilespmem:s20+$0xFFFFFF60]  }
0x4a2: {  	[tilespmem:s20+$0xFFFFFF00] =	vst v7;
	v6 =	vmul.f32 v6, v10;
	v7 =	vld [tilespmem:s20+$0xFFFFFF70]  }
0x4a3: {  	[tilespmem:s20+$0xFFFFFF10] =	vst v4;
	v3 =	vmul.f32 v3, v10;
	v4 =	vld [tilespmem:s20+$0xFFFFFF80]  }
0x4a4: {  	[tilespmem:s20+$0xFFFFFF20] =	vst v6;
	v6 =	vmul.f32 v8, v10;
	v8 =	vld [tilespmem:s20+$0xFFFFFF90]  }
0x4a5: {  	[tilespmem:s20+$0xFFFFFF30] =	vst v3;
	v3 =	vmul.f32 v9, v10;
	v9 =	vld [tilespmem:s20+$0xFFFFFFA0]  }
0x4a6: {  	[tilespmem:s20+$0xFFFFFF40] =	vst v6;
	v5 =	vmul.f32 v5, v10;
	v6 =	vld [tilespmem:s20+$0xFFFFFFB0]  }
0x4a7: {  	[tilespmem:s20+$0xFFFFFF50] =	vst v3;
	v3 =	vmul.f32 v7, v10;
	v7 =	vld [tilespmem:s20+$0xFFFFFFC0]  }
0x4a8: {  	[tilespmem:s20+$0xFFFFFF60] =	vst v5;
	v4 =	vmul.f32 v4, v11;
	v5 =	vld [tilespmem:s20+$0xFFFFFFD0]  }
0x4a9: {  	[tilespmem:s20+$0xFFFFFF70] =	vst v3;
	v3 =	vmul.f32 v8, v11;
	v8 =	vld [tilespmem:s20+$0xFFFFFFE0]  }
0x4aa: {  	[tilespmem:s20+$0xFFFFFF80] =	vst v4;
	v4 =	vmul.f32 v9, v11;
	v9 =	vld [tilespmem:s20+$0xFFFFFFF0]  }
0x4ab: {  	[tilespmem:s20+$0xFFFFFF90] =	vst v3;
	v3 =	vmul.f32 v6, v11;
	v6 =	vld [tilespmem:s20+$0x0]  }
0x4ac: {  	[tilespmem:s20+$0xFFFFFFA0] =	vst v4;
	v4 =	vmul.f32 v7, v11;
	v10 =	vld [tilespmem:s20+$0x10]  }
.Ltmp11:
0x4ad: {  	[tilespmem:s20+$0xFFFFFFB0] =	vst v3;
	v5 =	vmul.f32 v5, v11;
	v7 =	vld [tilespmem:s20+$0x20];
	(pc) =	sbr.rel @p0 .LBB2_25-.Ltmp11, $4  }
0x4ae: {  	[tilespmem:s20+$0xFFFFFFC0] =	vst v4;
	v8 =	vmul.f32 v8, v11;
	v3 =	vld [tilespmem:s20+$0x30]  }
0x4af: {  	[tilespmem:s20+$0xFFFFFFD0] =	vst v5;
	v11 =	vmul.f32 v9, v11;
	v4 =	vld [tilespmem:s20+$0x40]  }
0x4b0: {  	[tilespmem:s20+$0xFFFFFFE0] =	vst v8;
	v9 =	vmul.f32 v6, v2;
	v5 =	vld [tilespmem:s20+$0x50]  }
0x4b1: {  	s21 =	sadd.s32 s18, s7;
	s7 =	sadd.s32 $0x4, s7;
	[tilespmem:s20+$0xFFFFFFF0] =	vst v11;
	v8 =	vmul.f32 v10, v2;
	v6 =	vld [tilespmem:s20+$0x60]  }
0x4b2: {  	v11 =	vld [tilespmem:s20+$0x80]  }
0x4b3: {  	v13 =	vld [tilespmem:s20+$0x90]  }
0x4b4: {  	v14 =	vld [tilespmem:s20+$0xA0]  }
0x4b5: {  	s7 =	sadd.s32 $0x2, s21;
	v16 =	vld [tilespmem:s20+$0xB0]  }
0x4b6: {  	[tilespmem:s20+$0x0] =	vst v9;
	v7 =	vmul.f32 v7, v2;
	v25 =	vld [tilespmem:s20+$0xC0];
	v12 =	vmov s7  }
0x4b7: {  	v27 =	vld [tilespmem:s20+$0xD0];
	[tilespmem:s20+$0x10] =	vst v8;
	v3 =	vmul.f32 v3, v2;
	v12 =	vand.u32 $0xFFFFFFFE, v12  }
0x4b8: {  	v10 =	vmov s21;
	v28 =	vld [tilespmem:s20+$0xE0];
	s26 =	sadd.s32 $0x200, s20;
	[tilespmem:s20+$0x20] =	vst v7;
	v4 =	vmul.f32 v4, v2;
	v12 =	vbroadcast v12, $0x0  }
0x4b9: {  	s25 =	sadd.s32 $0x3, s21;
	v10 =	vand.u32 $0xFFFFFFFC, v10;
	v38 =	vld [tilespmem:s26+$0xFFFFFF00];
	v5 =	vmul.f32 v5, v2;
	[tilespmem:s20+$0x30] =	vst v3  }
0x4ba: {  	v17 =	vmov s25;
	v39 =	vld [tilespmem:s26+$0xFFFFFF10];
	v10 =	vbroadcast v10, $0x0;
	v2 =	vmul.f32 v6, v2;
	[tilespmem:s20+$0x40] =	vst v4  }
0x4bb: {  	v57 =	vld [tilespmem:s26+$0x80];
	v30 =	vmul.f32 v11, v1;
	[tilespmem:s20+$0x50] =	vst v5  }
0x4bc: {  	v3 =	vld [tilespmem:s20+$0xF0];
	v32 =	vmul.f32 v13, v1;
	[tilespmem:s4+$0x60] =	vst v2  }
0x4bd: {  	v33 =	vmul.f32 v14, v1;
	v2 =	vld [tilespmem:s26+$0x70];
	[tilespmem:s4+$0x80] =	vst v30  }
0x4be: {  	v35 =	vmul.f32 v16, v1;
	[tilespmem:s4+$0x90] =	vst v32;
	v31 =	vld.idx.msk [tilespmem:v12+s5+$0x0], $0xffff  }
0x4bf: {  	s24 =	sadd.s32 $0x1, s21;
	v37 =	vmul.f32 v25, v1;
	v36 =	vld.idx.msk [tilespmem:v17+s5+$0x0], $0xffff;
	[tilespmem:s4+$0xA0] =	vst v33  }
0x4c0: {  	v15 =	vmov s24;
	v9 =	vmul.f32 v27, v1;
	[tilespmem:s4+$0xB0] =	vst v35;
	v29 =	vld.idx.msk [tilespmem:v10+s5+$0x0], $0xffff  }
0x4c1: {  	v40 =	vld [tilespmem:s26+$0xFFFFFF20];
	v24 =	vand.u32 $0xFFFFFFFD, v15;
	v7 =	vmul.f32 v28, v1;
	[tilespmem:s4+$0xC0] =	vst v37  }
0x4c2: {  	v41 =	vld [tilespmem:s26+$0xFFFFFF30];
	v26 =	vbroadcast v24, $0x0;
	[tilespmem:s4+$0xD0] =	vst v9;
	v1 =	vmul.f32 v3, v1  }
0x4c3: {  	v42 =	vld [tilespmem:s26+$0xFFFFFF50];
	[tilespmem:s4+$0xE0] =	vst v7;
	v2 =	vmul.f32 v2, v31  }
0x4c4: {  	v3 =	vld [tilespmem:s26+$0xFFFFFF40];
	[tilespmem:s4+$0xF0] =	vst v1;
	v60 =	vmul.f32 v57, v36  }
0x4c5: {  	v43 =	vld [tilespmem:s26+$0xFFFFFF60];
	[tilespmem:s26+$0x70] =	vst v2;
	v2 =	vmul.f32 v38, v29  }
0x4c6: {  	v44 =	vld [tilespmem:s26+$0xFFFFFF70];
	v1 =	vmul.f32 v39, v29;
	[tilespmem:s26+$0x80] =	vst v60  }
0x4c7: {  	v45 =	vld [tilespmem:s26+$0xFFFFFF80];
	[tilespmem:s26+$0xFFFFFF00] =	vst v2;
	v2 =	vmul.f32 v40, v29  }
0x4c8: {  	v34 =	vld.idx.msk [tilespmem:v26+s5+$0x0], $0xffff;
	[tilespmem:s26+$0xFFFFFF10] =	vst v1;
	v1 =	vmul.f32 v41, v29  }
0x4c9: {  	[tilespmem:s26+$0xFFFFFF20] =	vst v2;
	v2 =	vmul.f32 v3, v29;
	v3 =	vld [tilespmem:s26+$0xFFFFFF90]  }
0x4ca: {  	v46 =	vld [tilespmem:s26+$0xFFFFFFA0];
	[tilespmem:s26+$0xFFFFFF30] =	vst v1;
	v1 =	vmul.f32 v42, v29  }
0x4cb: {  	v47 =	vld [tilespmem:s26+$0xFFFFFFB0];
	[tilespmem:s26+$0xFFFFFF40] =	vst v2;
	v2 =	vmul.f32 v43, v29  }
0x4cc: {  	v48 =	vld [tilespmem:s26+$0xFFFFFFC0];
	[tilespmem:s26+$0xFFFFFF50] =	vst v1;
	v1 =	vmul.f32 v44, v29  }
0x4cd: {  	v49 =	vld [tilespmem:s26+$0xFFFFFFD0];
	[tilespmem:s26+$0xFFFFFF60] =	vst v2;
	v2 =	vmul.f32 v45, v34  }
0x4ce: {  	[tilespmem:s26+$0xFFFFFF70] =	vst v1;
	v1 =	vmul.f32 v3, v34;
	v3 =	vld [tilespmem:s26+$0xFFFFFFE0]  }
0x4cf: {  	v50 =	vld [tilespmem:s26+$0xFFFFFFF0];
	[tilespmem:s26+$0xFFFFFF80] =	vst v2;
	v2 =	vmul.f32 v46, v34  }
0x4d0: {  	v51 =	vld [tilespmem:s26+$0x0];
	[tilespmem:s26+$0xFFFFFF90] =	vst v1;
	v1 =	vmul.f32 v47, v34  }
0x4d1: {  	v52 =	vld [tilespmem:s26+$0x10];
	[tilespmem:s26+$0xFFFFFFA0] =	vst v2;
	v2 =	vmul.f32 v48, v34  }
0x4d2: {  	v53 =	vld [tilespmem:s26+$0x20];
	[tilespmem:s26+$0xFFFFFFB0] =	vst v1;
	v1 =	vmul.f32 v49, v34  }
0x4d3: {  	[tilespmem:s26+$0xFFFFFFC0] =	vst v2;
	v2 =	vmul.f32 v3, v34;
	v3 =	vld [tilespmem:s26+$0x30]  }
0x4d4: {  	v58 =	vld [tilespmem:s26+$0xB0];
	[tilespmem:s26+$0xFFFFFFD0] =	vst v1;
	v1 =	vmul.f32 v50, v34  }
0x4d5: {  	v54 =	vld [tilespmem:s26+$0x40];
	[tilespmem:s26+$0xFFFFFFE0] =	vst v2;
	v2 =	vmul.f32 v51, v31  }
0x4d6: {  	v55 =	vld [tilespmem:s26+$0x50];
	[tilespmem:s26+$0xFFFFFFF0] =	vst v1;
	v1 =	vmul.f32 v52, v31  }
0x4d7: {  	v56 =	vld [tilespmem:s26+$0x60];
	[tilespmem:s26+$0x0] =	vst v2;
	v2 =	vmul.f32 v53, v31  }
0x4d8: {  	[tilespmem:s26+$0x10] =	vst v1;
	v1 =	vld [tilespmem:s26+$0x90];
	v3 =	vmul.f32 v3, v31  }
0x4d9: {  	v63 =	vmul.f32 v58, v36;
	[tilespmem:s26+$0x20] =	vst v2;
	v2 =	vld [tilespmem:s26+$0xA0]  }
0x4da: {  	v6 =	vmul.f32 v54, v31;
	[tilespmem:s26+$0x30] =	vst v3;
	v3 =	vld [tilespmem:s26+$0xC0]  }
0x4db: {  	v61 =	vld [tilespmem:s26+$0xE0];
	[tilespmem:s26+$0xB0] =	vst v63;
	v7 =	vmul.f32 v55, v31  }
0x4dc: {  	v59 =	vld [tilespmem:s26+$0xD0];
	v4 =	vmul.f32 v56, v31;
	[tilespmem:s26+$0x40] =	vst v6  }
0x4dd: {  	v62 =	vld [tilespmem:s26+$0xF0];
	[tilespmem:s26+$0x50] =	vst v7;
	v1 =	vmul.f32 v1, v36  }
0x4de: {  	[tilespmem:s26+$0x60] =	vst v4;
	v2 =	vmul.f32 v2, v36  }
0x4df: {  	s16 =	sadd.s32 $0x1, s16;
	[tilespmem:s26+$0x90] =	vst v1;
	v1 =	vmul.f32 v3, v36  }
0x4e0: {  	p0 =	sne.s32 s16, $0x9;
	v3 =	vmul.f32 v61, v36;
	[tilespmem:s26+$0xA0] =	vst v2  }
.Ltmp12:
0x4e1: {  	v2 =	vmul.f32 v59, v36;
	[tilespmem:s26+$0xC0] =	vst v1;
	(pc) =	sbr.rel @p0 .LBB2_20-.Ltmp12, $4  }
0x4e2: {  	s28 =	sshll.u32 s17, $0x7;
	v1 =	vmul.f32 v62, v36;
	[tilespmem:s26+$0xE0] =	vst v3  }
0x4e3: {  	s4 =	sand.u32 $0x3FFFFF80, s28;
	[tilespmem:s26+$0xD0] =	vst v2  }
0x4e4: {  	s4 =	sadd.s32 $0x14A80, s4;
	[tilespmem:s26+$0xF0] =	vst v1  }
0x4e5: {  	[spmem:s22] =	stream.indirect.scatter.add.f32 [tilespmem:s9], [sflag:$0x6], $0x80, s4, s6, $0xb8;
	[tilespmem:$0x1F500] =	vst v63  }
0x4e6: {  	_ =	swait.ge [sflag:s15], $0x3000  }
0x4e7: {  	[sflag:s15] =	ssyncset.done $0x0  }
0x4e8: {  	s16 =	simm.s32 $0x0;
	s4 =	rddreg [dreg:$0xe];
	[sflag:s15] =	ssyncadd.s32 $0xFFFFD000  }
0x4e9: {  	[tilespmem:s3], [sflag:$0x7] =	stream.linear.gather [hbm4b:s4+s16], $0xA20, $0x38;
	[tilespmem:$0x1F500] =	vst v63  }
0x4ea: {  	_ =	swait.ge [sflag:s2], $0xA20  }
0x4eb: {  	[sflag:s2] =	ssyncset.done $0x0  }
0x4ec: {  	s7 =	simm.s32 $0x14A80;
	s25 =	rddreg [dreg:$0xf];
	[sflag:s2] =	ssyncadd.s32 $0xFFFFF5E0  }
0x4ed: {  	[tilespmem:s7], [sflag:$0x7] =	stream.linear.gather [hbm4b:s25+s16], $0xD80, $0x38;
	[tilespmem:$0x1F500] =	vst v63  }
0x4ee: {  	_ =	swait.ge [sflag:s2], $0xD80  }
0x4ef: {  	[sflag:s2] =	ssyncset.done $0x0  }
0x4f0: {  	s26 =	rddreg [dreg:$0x10];
	[sflag:s2] =	ssyncadd.s32 $0xFFFFF280  }
0x4f1: {  	[tilespmem:s5], [sflag:$0x7] =	stream.linear.gather [hbm4b:s26+s16], $0xA20, $0x38;
	[tilespmem:$0x1F500] =	vst v63  }
0x4f2: {  	_ =	swait.ge [sflag:s2], $0xA20  }
0x4f3: {  	[sflag:s2] =	ssyncset.done $0x0  }
0x4f4: {  	[sflag:s2] =	ssyncadd.s32 $0xFFFFF5E0  }
0x4f5: {  	[tilespmem:s1], [sflag:$0x1] =	stream.indirect.gather [hbm4b:s19+s6], $0x80, s3, s6, $0xb8;
	[tilespmem:$0x1F500] =	vst v63  }
0x4f6: {  	s28 =	simm.s32 $0x14060  }
0x4f7: {  	[tilespmem:s8], [sflag:$0x2] =	stream.indirect.gather [hbm4b:s19+s6], $0x80, s28, s6, $0xb8;
	[tilespmem:$0x1F500] =	vst v63  }
.LBB2_28:
0x4f8: {  	s21 =	smul.u32 $0x3, s16  }
0x4f9: {  	p0 =	seq.s32 s16, $0x0  }
0x4fa: {  	s4 =	smul.u32 $0x120, s16;
	s20 =	simm.s32 @!p0 $0x6;
	s17 =	sadd.s32 $0x2, s21  }
0x4fb: {  	_ =	swait.ge @!p0 [sflag:s20], $0x3000;
	s18 =	smul.u32 $0x60, s17  }
0x4fc: {  	s7 =	sadd.s32 $0x0, s4;
	[sflag:s20] =	ssyncset.done @!p0 $0x0  }
0x4fd: {  	s23 =	sadd.s32 $0x2, s7;
	[sflag:s20] =	ssyncadd.s32 @!p0 $0xFFFFD000;
	s26 =	sadd.s32 $0x14000, s18  }
0x4fe: {  	v1 =	vmov s7;
	[tilespmem:s9], [sflag:$0x3] =	stream.indirect.gather [hbm4b:s19+s6], $0x80, s26, s6, $0xb8;
	[tilespmem:$0x1F500] =	vst v63  }
0x4ff: {  	v1 =	vand.u32 $0xFFFFFFFC, v1;
	v2 =	vmov s23;
	_ =	swait.ge [sflag:s10], $0x3000  }
0x500: {  	v1 =	vbroadcast v1, $0x0;
	v2 =	vand.u32 $0xFFFFFFFE, v2;
	[sflag:s10] =	ssyncset.done $0x0  }
0x501: {  	s20 =	simm.s32 $0x16600;
	v2 =	vbroadcast v2, $0x0;
	[sflag:s10] =	ssyncadd.s32 $0xFFFFD000  }
0x502: {  	v4 =	vld [tilespmem:s20+$0x70]  }
0x503: {  	s28 =	sadd.s32 $0x1, s7;
	v5 =	vld [tilespmem:s20+$0xFFFFFF00]  }
0x504: {  	v3 =	vmov s28;
	v6 =	vld [tilespmem:s20+$0xFFFFFF10]  }
0x505: {  	v3 =	vand.u32 $0xFFFFFFFD, v3;
	v7 =	vld [tilespmem:s20+$0xFFFFFF20]  }
0x506: {  	v3 =	vbroadcast v3, $0x0;
	v1 =	vld.idx.msk [tilespmem:v1+s5+$0x0], $0xffff  }
0x507: {  	v2 =	vld.idx.msk [tilespmem:v2+s5+$0x0], $0xffff  }
0x508: {  	v8 =	vld [tilespmem:s20+$0xFFFFFF30]  }
0x509: {  	v9 =	vld [tilespmem:s20+$0xFFFFFF40]  }
0x50a: {  	v10 =	vld [tilespmem:s20+$0xFFFFFF50]  }
0x50b: {  	v11 =	vld [tilespmem:s20+$0xFFFFFF60];
	v5 =	vmul.f32 v5, v1  }
0x50c: {  	v12 =	vld.idx.msk [tilespmem:v3+s5+$0x0], $0xffff;
	v3 =	vmul.f32 v4, v2  }
0x50d: {  	v4 =	vmul.f32 v6, v1;
	v6 =	vld [tilespmem:s20+$0xFFFFFF80];
	[tilespmem:s20+$0xFFFFFF00] =	vst v5  }
0x50e: {  	s7 =	sadd.s32 $0x3, s7;
	v5 =	vld [tilespmem:s20+$0xFFFFFF70];
	[tilespmem:s20+$0x70] =	vst v3;
	v3 =	vmul.f32 v7, v1  }
0x50f: {  	[tilespmem:s20+$0xFFFFFF10] =	vst v4;
	v4 =	vmul.f32 v8, v1;
	v7 =	vld [tilespmem:s20+$0xFFFFFF90];
	v8 =	vmov s7  }
0x510: {  	[tilespmem:s20+$0xFFFFFF20] =	vst v3;
	v3 =	vmul.f32 v9, v1;
	v9 =	vld [tilespmem:s20+$0xFFFFFFA0]  }
0x511: {  	[tilespmem:s20+$0xFFFFFF30] =	vst v4;
	v4 =	vmul.f32 v10, v1;
	v10 =	vld [tilespmem:s20+$0xFFFFFFB0]  }
0x512: {  	[tilespmem:s20+$0xFFFFFF40] =	vst v3;
	v3 =	vmul.f32 v11, v1;
	v11 =	vld [tilespmem:s20+$0xFFFFFFC0]  }
0x513: {  	[tilespmem:s20+$0xFFFFFF50] =	vst v4;
	v4 =	vmul.f32 v6, v12;
	v6 =	vld [tilespmem:s20+$0xFFFFFFD0]  }
0x514: {  	v5 =	vmul.f32 v5, v1;
	v1 =	vld.idx.msk [tilespmem:v8+s5+$0x0], $0xffff;
	[tilespmem:s20+$0xFFFFFF60] =	vst v3  }
0x515: {  	v7 =	vmul.f32 v7, v12;
	v3 =	vld [tilespmem:s20+$0xFFFFFFE0];
	[tilespmem:s20+$0xFFFFFF80] =	vst v4  }
0x516: {  	[tilespmem:s20+$0xFFFFFF70] =	vst v5;
	v5 =	vld [tilespmem:s20+$0xFFFFFFF0];
	v4 =	vmul.f32 v9, v12  }
0x517: {  	v8 =	vld [tilespmem:s20+$0x0];
	[tilespmem:s20+$0xFFFFFF90] =	vst v7;
	v7 =	vmul.f32 v10, v12  }
0x518: {  	v10 =	vld [tilespmem:s20+$0x10];
	[tilespmem:s20+$0xFFFFFFA0] =	vst v4;
	v4 =	vmul.f32 v11, v12  }
0x519: {  	[tilespmem:s20+$0xFFFFFFB0] =	vst v7;
	v6 =	vmul.f32 v6, v12;
	v7 =	vld [tilespmem:s20+$0x20]  }
0x51a: {  	[tilespmem:s20+$0xFFFFFFC0] =	vst v4;
	v9 =	vmul.f32 v3, v12;
	v3 =	vld [tilespmem:s20+$0x30]  }
0x51b: {  	[tilespmem:s20+$0xFFFFFFD0] =	vst v6;
	v6 =	vmul.f32 v5, v12;
	v4 =	vld [tilespmem:s20+$0x40]  }
0x51c: {  	v5 =	vld [tilespmem:s20+$0x50];
	[tilespmem:s20+$0xFFFFFFE0] =	vst v9;
	v9 =	vmul.f32 v8, v2  }
0x51d: {  	s24 =	sadd.s32 $0x4, s4;
	s23 =	simm.s32 $0x8;
	s7 =	simm.s32 $0x16600;
	[tilespmem:s20+$0xFFFFFFF0] =	vst v6;
	v8 =	vmul.f32 v10, v2;
	v6 =	vld [tilespmem:s20+$0x60]  }
.LBB2_29:
0x51e: {  	p0 =	slt.u32 s23, $0x5C;
	v10 =	vmov s24;
	s25 =	sadd.s32 $0x1, s24;
	s26 =	sadd.s32 $0x2, s24;
	[tilespmem:s20+$0x0] =	vst v9;
	v7 =	vmul.f32 v7, v2;
	v9 =	vld [tilespmem:s20+$0x80]  }
0x51f: {  	s24 =	sadd.s32 $0x3, s24;
	v10 =	vand.u32 $0xFFFFFFFC, v10;
	v11 =	vmov s25;
	v12 =	vmov s26;
	[tilespmem:s20+$0x10] =	vst v8;
	v8 =	vld [tilespmem:s20+$0x90]  }
0x520: {  	v10 =	vbroadcast v10, $0x0;
	v11 =	vand.u32 $0xFFFFFFFD, v11;
	v12 =	vand.u32 $0xFFFFFFFE, v12;
	[tilespmem:s20+$0x20] =	vst v7;
	v7 =	vld [tilespmem:s20+$0xA0]  }
0x521: {  	v13 =	vmov s24;
	v11 =	vbroadcast v11, $0x0;
	v12 =	vbroadcast v12, $0x0;
	v14 =	vld [tilespmem:s20+$0xB0]  }
0x522: {  	v3 =	vmul.f32 v3, v2;
	v4 =	vmul.f32 v4, v2;
	v15 =	vld [tilespmem:s20+$0xC0]  }
0x523: {  	v5 =	vmul.f32 v5, v2;
	v6 =	vmul.f32 v6, v2;
	v16 =	vld [tilespmem:s20+$0xD0]  }
0x524: {  	[tilespmem:s20+$0x30] =	vst v3;
	v3 =	vmul.f32 v9, v1;
	v8 =	vmul.f32 v8, v1;
	v9 =	vld [tilespmem:s20+$0xE0]  }
0x525: {  	[tilespmem:s20+$0x40] =	vst v4;
	v4 =	vmul.f32 v7, v1;
	v7 =	vld [tilespmem:s20+$0xF0]  }
0x526: {  	v10 =	vld.idx.msk [tilespmem:v10+s5+$0x0], $0xffff;
	[tilespmem:s20+$0x50] =	vst v5;
	v5 =	vmul.f32 v14, v1  }
0x527: {  	s20 =	sadd.s32 $0x200, s20;
	v2 =	vld.idx.msk [tilespmem:v12+s5+$0x0], $0xffff;
	[tilespmem:s7+$0x60] =	vst v6;
	v6 =	vmul.f32 v15, v1  }
0x528: {  	v12 =	vld [tilespmem:s20+$0x70];
	[tilespmem:s7+$0x80] =	vst v3;
	v3 =	vmul.f32 v16, v1  }
0x529: {  	v11 =	vld.idx.msk [tilespmem:v11+s5+$0x0], $0xffff;
	[tilespmem:s7+$0x90] =	vst v8;
	v8 =	vmul.f32 v9, v1  }
0x52a: {  	[tilespmem:s7+$0xA0] =	vst v4;
	v4 =	vmul.f32 v7, v1;
	v1 =	vld.idx.msk [tilespmem:v13+s5+$0x0], $0xffff  }
0x52b: {  	v7 =	vld [tilespmem:s20+$0xFFFFFF00];
	[tilespmem:s7+$0xB0] =	vst v5  }
0x52c: {  	v5 =	vld [tilespmem:s20+$0xFFFFFF10];
	[tilespmem:s7+$0xC0] =	vst v6  }
0x52d: {  	v6 =	vld [tilespmem:s20+$0xFFFFFF20];
	v9 =	vmul.f32 v12, v2;
	[tilespmem:s7+$0xD0] =	vst v3  }
0x52e: {  	v3 =	vld [tilespmem:s20+$0xFFFFFF30];
	[tilespmem:s7+$0xE0] =	vst v8  }
0x52f: {  	v8 =	vld [tilespmem:s20+$0xFFFFFF40];
	[tilespmem:s20+$0x70] =	vst v9  }
0x530: {  	v7 =	vmul.f32 v7, v10;
	v9 =	vld [tilespmem:s20+$0xFFFFFF50];
	[tilespmem:s7+$0xF0] =	vst v4;
	s7 =	smov.u32 s20  }
0x531: {  	v4 =	vmul.f32 v5, v10;
	v5 =	vld [tilespmem:s20+$0xFFFFFF60]  }
0x532: {  	[tilespmem:s20+$0xFFFFFF00] =	vst v7;
	v6 =	vmul.f32 v6, v10;
	v7 =	vld [tilespmem:s20+$0xFFFFFF70]  }
0x533: {  	[tilespmem:s20+$0xFFFFFF10] =	vst v4;
	v3 =	vmul.f32 v3, v10;
	v4 =	vld [tilespmem:s20+$0xFFFFFF80]  }
0x534: {  	[tilespmem:s20+$0xFFFFFF20] =	vst v6;
	v6 =	vmul.f32 v8, v10;
	v8 =	vld [tilespmem:s20+$0xFFFFFF90]  }
0x535: {  	[tilespmem:s20+$0xFFFFFF30] =	vst v3;
	v3 =	vmul.f32 v9, v10;
	v9 =	vld [tilespmem:s20+$0xFFFFFFA0]  }
0x536: {  	[tilespmem:s20+$0xFFFFFF40] =	vst v6;
	v5 =	vmul.f32 v5, v10;
	v6 =	vld [tilespmem:s20+$0xFFFFFFB0]  }
0x537: {  	[tilespmem:s20+$0xFFFFFF50] =	vst v3;
	v3 =	vmul.f32 v7, v10;
	v7 =	vld [tilespmem:s20+$0xFFFFFFC0]  }
0x538: {  	[tilespmem:s20+$0xFFFFFF60] =	vst v5;
	v4 =	vmul.f32 v4, v11;
	v5 =	vld [tilespmem:s20+$0xFFFFFFD0]  }
0x539: {  	[tilespmem:s20+$0xFFFFFF70] =	vst v3;
	v3 =	vmul.f32 v8, v11;
	v8 =	vld [tilespmem:s20+$0xFFFFFFE0]  }
0x53a: {  	[tilespmem:s20+$0xFFFFFF80] =	vst v4;
	v4 =	vmul.f32 v9, v11;
	v9 =	vld [tilespmem:s20+$0xFFFFFFF0]  }
0x53b: {  	[tilespmem:s20+$0xFFFFFF90] =	vst v3;
	v3 =	vmul.f32 v6, v11;
	v6 =	vld [tilespmem:s20+$0x0]  }
0x53c: {  	[tilespmem:s20+$0xFFFFFFA0] =	vst v4;
	v4 =	vmul.f32 v7, v11;
	v10 =	vld [tilespmem:s20+$0x10]  }
.Ltmp13:
0x53d: {  	[tilespmem:s20+$0xFFFFFFB0] =	vst v3;
	v5 =	vmul.f32 v5, v11;
	v7 =	vld [tilespmem:s20+$0x20];
	(pc) =	sbr.rel @p0 .LBB2_29-.Ltmp13, $4  }
0x53e: {  	[tilespmem:s20+$0xFFFFFFC0] =	vst v4;
	v8 =	vmul.f32 v8, v11;
	v3 =	vld [tilespmem:s20+$0x30]  }
0x53f: {  	[tilespmem:s20+$0xFFFFFFD0] =	vst v5;
	v11 =	vmul.f32 v9, v11;
	v4 =	vld [tilespmem:s20+$0x40]  }
0x540: {  	[tilespmem:s20+$0xFFFFFFE0] =	vst v8;
	v9 =	vmul.f32 v6, v2;
	v5 =	vld [tilespmem:s20+$0x50]  }
0x541: {  	s24 =	sadd.s32 s4, s23;
	s23 =	sadd.s32 $0x4, s23;
	[tilespmem:s20+$0xFFFFFFF0] =	vst v11;
	v8 =	vmul.f32 v10, v2;
	v6 =	vld [tilespmem:s20+$0x60]  }
0x542: {  	v11 =	vld [tilespmem:s20+$0x80]  }
0x543: {  	v13 =	vld [tilespmem:s20+$0x90]  }
0x544: {  	s4 =	sadd.s32 $0x2, s24;
	v14 =	vld [tilespmem:s20+$0xA0]  }
0x545: {  	v10 =	vmov s24;
	s28 =	sadd.s32 $0x1, s24;
	v16 =	vld [tilespmem:s20+$0xB0];
	[tilespmem:s20+$0x0] =	vst v9;
	v7 =	vmul.f32 v7, v2;
	v12 =	vmov s4  }
0x546: {  	v60 =	vld [tilespmem:s20+$0xC0];
	s23 =	sadd.s32 $0x3, s24;
	s24 =	sadd.s32 $0x200, s20;
	v15 =	vmov s28;
	[tilespmem:s20+$0x10] =	vst v8;
	v3 =	vmul.f32 v3, v2;
	v12 =	vand.u32 $0xFFFFFFFE, v12  }
0x547: {  	v62 =	vld [tilespmem:s24+$0xFFFFFF20];
	v9 =	vand.u32 $0xFFFFFFFD, v15;
	[tilespmem:s20+$0x20] =	vst v7;
	v4 =	vmul.f32 v4, v2;
	v12 =	vbroadcast v12, $0x0  }
0x548: {  	v10 =	vand.u32 $0xFFFFFFFC, v10;
	v7 =	vld [tilespmem:s20+$0xE0];
	v8 =	vbroadcast v9, $0x0;
	v5 =	vmul.f32 v5, v2;
	[tilespmem:s20+$0x30] =	vst v3  }
0x549: {  	v10 =	vbroadcast v10, $0x0;
	v9 =	vld [tilespmem:s20+$0xD0];
	v2 =	vmul.f32 v6, v2;
	[tilespmem:s20+$0x40] =	vst v4  }
0x54a: {  	v3 =	vld [tilespmem:s20+$0xF0];
	v6 =	vmul.f32 v11, v1;
	[tilespmem:s20+$0x50] =	vst v5;
	v11 =	vmul.f32 v14, v1  }
0x54b: {  	[tilespmem:s7+$0x60] =	vst v2;
	v2 =	vld [tilespmem:s24+$0x70]  }
0x54c: {  	[tilespmem:s7+$0xA0] =	vst v11;
	v11 =	vld [tilespmem:s24+$0xFFFFFF00]  }
0x54d: {  	v61 =	vmul.f32 v60, v1;
	v5 =	vld.idx.msk [tilespmem:v12+s5+$0x0], $0xffff  }
0x54e: {  	[tilespmem:s7+$0x80] =	vst v6;
	v6 =	vld.idx.msk [tilespmem:v8+s5+$0x0], $0xffff;
	v8 =	vmul.f32 v16, v1  }
0x54f: {  	v17 =	vmov s23;
	v7 =	vmul.f32 v7, v1;
	[tilespmem:s7+$0xC0] =	vst v61;
	v4 =	vld.idx.msk [tilespmem:v10+s5+$0x0], $0xffff  }
0x550: {  	v9 =	vmul.f32 v9, v1;
	[tilespmem:s7+$0xB0] =	vst v8;
	v8 =	vld [tilespmem:s24+$0xFFFFFF10]  }
0x551: {  	v10 =	vmul.f32 v13, v1;
	v1 =	vmul.f32 v3, v1;
	[tilespmem:s7+$0xE0] =	vst v7;
	v3 =	vld [tilespmem:s24+$0xFFFFFF40]  }
0x552: {  	[tilespmem:s7+$0xD0] =	vst v9;
	v9 =	vld [tilespmem:s24+$0xFFFFFF30];
	v2 =	vmul.f32 v2, v5  }
0x553: {  	v7 =	vld [tilespmem:s24+$0xFFFFFF50];
	[tilespmem:s7+$0x90] =	vst v10  }
0x554: {  	v10 =	vld.idx.msk [tilespmem:v17+s5+$0x0], $0xffff;
	[tilespmem:s24+$0x70] =	vst v2;
	v2 =	vmul.f32 v11, v4  }
0x555: {  	[tilespmem:s7+$0xF0] =	vst v1;
	v1 =	vmul.f32 v8, v4;
	v8 =	vld [tilespmem:s24+$0xFFFFFF60]  }
0x556: {  	v11 =	vld [tilespmem:s24+$0xFFFFFF70];
	[tilespmem:s24+$0xFFFFFF00] =	vst v2;
	v2 =	vmul.f32 v62, v4  }
0x557: {  	[tilespmem:s24+$0xFFFFFF10] =	vst v1;
	v1 =	vmul.f32 v9, v4;
	v9 =	vld [tilespmem:s24+$0xFFFFFF80]  }
0x558: {  	[tilespmem:s24+$0xFFFFFF20] =	vst v2;
	v2 =	vmul.f32 v3, v4;
	v3 =	vld [tilespmem:s24+$0xFFFFFF90]  }
0x559: {  	[tilespmem:s24+$0xFFFFFF30] =	vst v1;
	v1 =	vmul.f32 v7, v4;
	v7 =	vld [tilespmem:s24+$0xFFFFFFA0]  }
0x55a: {  	[tilespmem:s24+$0xFFFFFF40] =	vst v2;
	v2 =	vmul.f32 v8, v4;
	v8 =	vld [tilespmem:s24+$0xFFFFFFB0]  }
0x55b: {  	[tilespmem:s24+$0xFFFFFF50] =	vst v1;
	v1 =	vmul.f32 v11, v4;
	v4 =	vld [tilespmem:s24+$0xFFFFFFC0]  }
0x55c: {  	[tilespmem:s24+$0xFFFFFF60] =	vst v2;
	v2 =	vmul.f32 v9, v6;
	v9 =	vld [tilespmem:s24+$0xFFFFFFD0]  }
0x55d: {  	[tilespmem:s24+$0xFFFFFF70] =	vst v1;
	v1 =	vmul.f32 v3, v6;
	v3 =	vld [tilespmem:s24+$0xFFFFFFE0]  }
0x55e: {  	[tilespmem:s24+$0xFFFFFF80] =	vst v2;
	v2 =	vmul.f32 v7, v6;
	v7 =	vld [tilespmem:s24+$0xFFFFFFF0]  }
0x55f: {  	[tilespmem:s24+$0xFFFFFF90] =	vst v1;
	v1 =	vmul.f32 v8, v6;
	v8 =	vld [tilespmem:s24+$0x0]  }
0x560: {  	[tilespmem:s24+$0xFFFFFFA0] =	vst v2;
	v2 =	vmul.f32 v4, v6;
	v4 =	vld [tilespmem:s24+$0x10]  }
0x561: {  	[tilespmem:s24+$0xFFFFFFB0] =	vst v1;
	v1 =	vmul.f32 v9, v6;
	v9 =	vld [tilespmem:s24+$0x20]  }
0x562: {  	[tilespmem:s24+$0xFFFFFFC0] =	vst v2;
	v2 =	vmul.f32 v3, v6;
	v3 =	vld [tilespmem:s24+$0x30]  }
0x563: {  	[tilespmem:s24+$0xFFFFFFD0] =	vst v1;
	v1 =	vmul.f32 v7, v6;
	v6 =	vld [tilespmem:s24+$0x40]  }
0x564: {  	v7 =	vld [tilespmem:s24+$0x50];
	[tilespmem:s24+$0xFFFFFFE0] =	vst v2;
	v2 =	vmul.f32 v8, v5  }
0x565: {  	[tilespmem:s24+$0xFFFFFFF0] =	vst v1;
	v1 =	vmul.f32 v4, v5;
	v4 =	vld [tilespmem:s24+$0x60]  }
0x566: {  	v8 =	vld [tilespmem:s24+$0x80];
	[tilespmem:s24+$0x0] =	vst v2;
	v2 =	vmul.f32 v9, v5  }
0x567: {  	[tilespmem:s24+$0x10] =	vst v1;
	v1 =	vld [tilespmem:s24+$0x90];
	v3 =	vmul.f32 v3, v5  }
0x568: {  	v9 =	vld [tilespmem:s24+$0xB0];
	[tilespmem:s24+$0x20] =	vst v2;
	v6 =	vmul.f32 v6, v5  }
0x569: {  	v2 =	vld [tilespmem:s24+$0xA0];
	v7 =	vmul.f32 v7, v5;
	[tilespmem:s24+$0x30] =	vst v3  }
0x56a: {  	v3 =	vld [tilespmem:s24+$0xC0];
	v4 =	vmul.f32 v4, v5;
	[tilespmem:s24+$0x40] =	vst v6  }
0x56b: {  	v5 =	vld [tilespmem:s24+$0xD0];
	v6 =	vmul.f32 v8, v10;
	[tilespmem:s24+$0x50] =	vst v7  }
0x56c: {  	v7 =	vld [tilespmem:s24+$0xE0];
	v1 =	vmul.f32 v1, v10;
	[tilespmem:s24+$0x60] =	vst v4  }
0x56d: {  	v4 =	vld [tilespmem:s24+$0xF0];
	[tilespmem:s24+$0x80] =	vst v6;
	v6 =	vmul.f32 v9, v10  }
0x56e: {  	v2 =	vmul.f32 v2, v10;
	[tilespmem:s24+$0x90] =	vst v1  }
0x56f: {  	v1 =	vmul.f32 v3, v10;
	[tilespmem:s24+$0xB0] =	vst v6  }
0x570: {  	[tilespmem:s24+$0xA0] =	vst v2;
	v2 =	vmul.f32 v5, v10  }
0x571: {  	s25 =	smul.u32 $0x600, s16;
	p0 =	seq.s32 s16, $0x8;
	v3 =	vmul.f32 v7, v10;
	[tilespmem:s24+$0xC0] =	vst v1  }
0x572: {  	s20 =	smul.u32 @!p0 $0x480, s16;
	v1 =	vmul.f32 v4, v10;
	[tilespmem:s24+$0xD0] =	vst v2  }
0x573: {  	s23 =	sadd.s32 $0x1, s21;
	s7 =	sshra.s32 s25, $0x2;
	[tilespmem:s24+$0xE0] =	vst v3  }
0x574: {  	s4 =	smul.u32 $0x60, s23;
	s21 =	sshra.s32 @!p0 s20, $0x2;
	s7 =	sadd.s32 $0x14A80, s7;
	[tilespmem:s24+$0xF0] =	vst v1  }
0x575: {  	[spmem:s22] =	stream.indirect.scatter.add.f32 [tilespmem:s1], [sflag:$0x4], $0x80, s7, s6, $0xb8;
	[tilespmem:$0x1F500] =	vst v63  }
0x576: {  	s20 =	sadd.s32 @!p0 $0x14120, s21;
	_ =	swait.ge [sflag:s11], $0x3000  }
0x577: {  	s25 =	simm.s32 @!p0 $0x16500;
	s7 =	sadd.s32 $0x0, s4;
	[sflag:s11] =	ssyncset.done $0x0  }
0x578: {  	s24 =	simm.s32 @!p0 $0x60;
	s26 =	sadd.s32 $0x2, s7;
	[sflag:s11] =	ssyncadd.s32 $0xFFFFD000  }
0x579: {  	v1 =	vmov s7;
	[tilespmem:s25], [sflag:$0x1] =	stream.indirect.gather @!p0 [hbm4b:s19+s24], $0x80, s20, s24, $0xb8;
	[tilespmem:$0x1F500] =	vst v63  }
0x57a: {  	v1 =	vand.u32 $0xFFFFFFFC, v1;
	v2 =	vmov s26;
	_ =	swait.ge [sflag:s12], $0x3000  }
0x57b: {  	v1 =	vbroadcast v1, $0x0;
	v2 =	vand.u32 $0xFFFFFFFE, v2;
	[sflag:s12] =	ssyncset.done $0x0  }
0x57c: {  	v2 =	vbroadcast v2, $0x0;
	s20 =	simm.s32 $0x19600;
	[sflag:s12] =	ssyncadd.s32 $0xFFFFD000  }
0x57d: {  	v4 =	vld [tilespmem:s20+$0x70]  }
0x57e: {  	s28 =	sadd.s32 $0x1, s7;
	v5 =	vld [tilespmem:s20+$0xFFFFFF00]  }
0x57f: {  	v3 =	vmov s28;
	v6 =	vld [tilespmem:s20+$0xFFFFFF10]  }
0x580: {  	v3 =	vand.u32 $0xFFFFFFFD, v3;
	v7 =	vld [tilespmem:s20+$0xFFFFFF20]  }
0x581: {  	v3 =	vbroadcast v3, $0x0;
	v1 =	vld.idx.msk [tilespmem:v1+s5+$0x0], $0xffff  }
0x582: {  	v2 =	vld.idx.msk [tilespmem:v2+s5+$0x0], $0xffff  }
0x583: {  	v8 =	vld [tilespmem:s20+$0xFFFFFF30]  }
0x584: {  	v9 =	vld [tilespmem:s20+$0xFFFFFF40]  }
0x585: {  	v10 =	vld [tilespmem:s20+$0xFFFFFF50]  }
0x586: {  	v11 =	vld [tilespmem:s20+$0xFFFFFF60];
	v5 =	vmul.f32 v5, v1  }
0x587: {  	v63 =	vld.idx.msk [tilespmem:v3+s5+$0x0], $0xffff;
	v3 =	vmul.f32 v4, v2  }
0x588: {  	v4 =	vmul.f32 v6, v1;
	v6 =	vld [tilespmem:s20+$0xFFFFFF80];
	[tilespmem:s20+$0xFFFFFF00] =	vst v5  }
0x589: {  	s7 =	sadd.s32 $0x3, s7;
	v5 =	vld [tilespmem:s20+$0xFFFFFF70];
	[tilespmem:s20+$0x70] =	vst v3;
	v3 =	vmul.f32 v7, v1  }
0x58a: {  	[tilespmem:s20+$0xFFFFFF10] =	vst v4;
	v4 =	vmul.f32 v8, v1;
	v7 =	vld [tilespmem:s20+$0xFFFFFF90];
	v8 =	vmov s7  }
0x58b: {  	[tilespmem:s20+$0xFFFFFF20] =	vst v3;
	v3 =	vmul.f32 v9, v1;
	v9 =	vld [tilespmem:s20+$0xFFFFFFA0]  }
0x58c: {  	[tilespmem:s20+$0xFFFFFF30] =	vst v4;
	v4 =	vmul.f32 v10, v1;
	v10 =	vld [tilespmem:s20+$0xFFFFFFB0]  }
0x58d: {  	[tilespmem:s20+$0xFFFFFF40] =	vst v3;
	v3 =	vmul.f32 v11, v1;
	v11 =	vld [tilespmem:s20+$0xFFFFFFC0]  }
0x58e: {  	[tilespmem:s20+$0xFFFFFF50] =	vst v4;
	v4 =	vmul.f32 v6, v63;
	v6 =	vld [tilespmem:s20+$0xFFFFFFD0]  }
0x58f: {  	v5 =	vmul.f32 v5, v1;
	v1 =	vld.idx.msk [tilespmem:v8+s5+$0x0], $0xffff;
	[tilespmem:s20+$0xFFFFFF60] =	vst v3  }
0x590: {  	v7 =	vmul.f32 v7, v63;
	v3 =	vld [tilespmem:s20+$0xFFFFFFE0];
	[tilespmem:s20+$0xFFFFFF80] =	vst v4  }
0x591: {  	[tilespmem:s20+$0xFFFFFF70] =	vst v5;
	v5 =	vld [tilespmem:s20+$0xFFFFFFF0];
	v4 =	vmul.f32 v9, v63  }
0x592: {  	v8 =	vld [tilespmem:s20+$0x0];
	[tilespmem:s20+$0xFFFFFF90] =	vst v7;
	v7 =	vmul.f32 v10, v63  }
0x593: {  	v10 =	vld [tilespmem:s20+$0x10];
	[tilespmem:s20+$0xFFFFFFA0] =	vst v4;
	v4 =	vmul.f32 v11, v63  }
0x594: {  	[tilespmem:s20+$0xFFFFFFB0] =	vst v7;
	v6 =	vmul.f32 v6, v63;
	v7 =	vld [tilespmem:s20+$0x20]  }
0x595: {  	[tilespmem:s20+$0xFFFFFFC0] =	vst v4;
	v9 =	vmul.f32 v3, v63;
	v3 =	vld [tilespmem:s20+$0x30]  }
0x596: {  	[tilespmem:s20+$0xFFFFFFD0] =	vst v6;
	v6 =	vmul.f32 v5, v63;
	v4 =	vld [tilespmem:s20+$0x40]  }
0x597: {  	v5 =	vld [tilespmem:s20+$0x50];
	[tilespmem:s20+$0xFFFFFFE0] =	vst v9;
	v9 =	vmul.f32 v8, v2  }
0x598: {  	s25 =	sadd.s32 $0x4, s4;
	s24 =	simm.s32 $0x8;
	s7 =	simm.s32 $0x19600;
	[tilespmem:s20+$0xFFFFFFF0] =	vst v6;
	v8 =	vmul.f32 v10, v2;
	v6 =	vld [tilespmem:s20+$0x60]  }
.LBB2_31:
0x599: {  	p1 =	slt.u32 s24, $0x5C;
	v10 =	vmov s25;
	s26 =	sadd.s32 $0x1, s25;
	s28 =	sadd.s32 $0x2, s25;
	[tilespmem:s20+$0x0] =	vst v9;
	v7 =	vmul.f32 v7, v2;
	v9 =	vld [tilespmem:s20+$0x80]  }
0x59a: {  	s25 =	sadd.s32 $0x3, s25;
	v10 =	vand.u32 $0xFFFFFFFC, v10;
	v11 =	vmov s26;
	v12 =	vmov s28;
	[tilespmem:s20+$0x10] =	vst v8;
	v8 =	vld [tilespmem:s20+$0x90]  }
0x59b: {  	v10 =	vbroadcast v10, $0x0;
	v11 =	vand.u32 $0xFFFFFFFD, v11;
	v12 =	vand.u32 $0xFFFFFFFE, v12;
	[tilespmem:s20+$0x20] =	vst v7;
	v7 =	vld [tilespmem:s20+$0xA0]  }
0x59c: {  	v13 =	vmov s25;
	v11 =	vbroadcast v11, $0x0;
	v12 =	vbroadcast v12, $0x0;
	v14 =	vld [tilespmem:s20+$0xB0]  }
0x59d: {  	v3 =	vmul.f32 v3, v2;
	v4 =	vmul.f32 v4, v2;
	v15 =	vld [tilespmem:s20+$0xC0]  }
0x59e: {  	v5 =	vmul.f32 v5, v2;
	v6 =	vmul.f32 v6, v2;
	v16 =	vld [tilespmem:s20+$0xD0]  }
0x59f: {  	[tilespmem:s20+$0x30] =	vst v3;
	v3 =	vmul.f32 v9, v1;
	v8 =	vmul.f32 v8, v1;
	v9 =	vld [tilespmem:s20+$0xE0]  }
0x5a0: {  	[tilespmem:s20+$0x40] =	vst v4;
	v4 =	vmul.f32 v7, v1;
	v7 =	vld [tilespmem:s20+$0xF0]  }
0x5a1: {  	v10 =	vld.idx.msk [tilespmem:v10+s5+$0x0], $0xffff;
	[tilespmem:s20+$0x50] =	vst v5;
	v5 =	vmul.f32 v14, v1  }
0x5a2: {  	s20 =	sadd.s32 $0x200, s20;
	v2 =	vld.idx.msk [tilespmem:v12+s5+$0x0], $0xffff;
	[tilespmem:s7+$0x60] =	vst v6;
	v6 =	vmul.f32 v15, v1  }
0x5a3: {  	v12 =	vld [tilespmem:s20+$0x70];
	[tilespmem:s7+$0x80] =	vst v3;
	v3 =	vmul.f32 v16, v1  }
0x5a4: {  	v11 =	vld.idx.msk [tilespmem:v11+s5+$0x0], $0xffff;
	[tilespmem:s7+$0x90] =	vst v8;
	v8 =	vmul.f32 v9, v1  }
0x5a5: {  	[tilespmem:s7+$0xA0] =	vst v4;
	v4 =	vmul.f32 v7, v1;
	v1 =	vld.idx.msk [tilespmem:v13+s5+$0x0], $0xffff  }
0x5a6: {  	v7 =	vld [tilespmem:s20+$0xFFFFFF00];
	[tilespmem:s7+$0xB0] =	vst v5  }
0x5a7: {  	v5 =	vld [tilespmem:s20+$0xFFFFFF10];
	[tilespmem:s7+$0xC0] =	vst v6  }
0x5a8: {  	v6 =	vld [tilespmem:s20+$0xFFFFFF20];
	v9 =	vmul.f32 v12, v2;
	[tilespmem:s7+$0xD0] =	vst v3  }
0x5a9: {  	v3 =	vld [tilespmem:s20+$0xFFFFFF30];
	[tilespmem:s7+$0xE0] =	vst v8  }
0x5aa: {  	v8 =	vld [tilespmem:s20+$0xFFFFFF40];
	[tilespmem:s20+$0x70] =	vst v9  }
0x5ab: {  	v7 =	vmul.f32 v7, v10;
	v9 =	vld [tilespmem:s20+$0xFFFFFF50];
	[tilespmem:s7+$0xF0] =	vst v4;
	s7 =	smov.u32 s20  }
0x5ac: {  	v4 =	vmul.f32 v5, v10;
	v5 =	vld [tilespmem:s20+$0xFFFFFF60]  }
0x5ad: {  	[tilespmem:s20+$0xFFFFFF00] =	vst v7;
	v6 =	vmul.f32 v6, v10;
	v7 =	vld [tilespmem:s20+$0xFFFFFF70]  }
0x5ae: {  	[tilespmem:s20+$0xFFFFFF10] =	vst v4;
	v3 =	vmul.f32 v3, v10;
	v4 =	vld [tilespmem:s20+$0xFFFFFF80]  }
0x5af: {  	[tilespmem:s20+$0xFFFFFF20] =	vst v6;
	v6 =	vmul.f32 v8, v10;
	v8 =	vld [tilespmem:s20+$0xFFFFFF90]  }
0x5b0: {  	[tilespmem:s20+$0xFFFFFF30] =	vst v3;
	v3 =	vmul.f32 v9, v10;
	v9 =	vld [tilespmem:s20+$0xFFFFFFA0]  }
0x5b1: {  	[tilespmem:s20+$0xFFFFFF40] =	vst v6;
	v5 =	vmul.f32 v5, v10;
	v6 =	vld [tilespmem:s20+$0xFFFFFFB0]  }
0x5b2: {  	[tilespmem:s20+$0xFFFFFF50] =	vst v3;
	v3 =	vmul.f32 v7, v10;
	v7 =	vld [tilespmem:s20+$0xFFFFFFC0]  }
0x5b3: {  	[tilespmem:s20+$0xFFFFFF60] =	vst v5;
	v4 =	vmul.f32 v4, v11;
	v5 =	vld [tilespmem:s20+$0xFFFFFFD0]  }
0x5b4: {  	[tilespmem:s20+$0xFFFFFF70] =	vst v3;
	v3 =	vmul.f32 v8, v11;
	v8 =	vld [tilespmem:s20+$0xFFFFFFE0]  }
0x5b5: {  	[tilespmem:s20+$0xFFFFFF80] =	vst v4;
	v4 =	vmul.f32 v9, v11;
	v9 =	vld [tilespmem:s20+$0xFFFFFFF0]  }
0x5b6: {  	[tilespmem:s20+$0xFFFFFF90] =	vst v3;
	v3 =	vmul.f32 v6, v11;
	v6 =	vld [tilespmem:s20+$0x0]  }
0x5b7: {  	[tilespmem:s20+$0xFFFFFFA0] =	vst v4;
	v4 =	vmul.f32 v7, v11;
	v10 =	vld [tilespmem:s20+$0x10]  }
.Ltmp14:
0x5b8: {  	[tilespmem:s20+$0xFFFFFFB0] =	vst v3;
	v5 =	vmul.f32 v5, v11;
	v7 =	vld [tilespmem:s20+$0x20];
	(pc) =	sbr.rel @p1 .LBB2_31-.Ltmp14, $4  }
0x5b9: {  	[tilespmem:s20+$0xFFFFFFC0] =	vst v4;
	v8 =	vmul.f32 v8, v11;
	v3 =	vld [tilespmem:s20+$0x30]  }
0x5ba: {  	[tilespmem:s20+$0xFFFFFFD0] =	vst v5;
	v11 =	vmul.f32 v9, v11;
	v4 =	vld [tilespmem:s20+$0x40]  }
0x5bb: {  	[tilespmem:s20+$0xFFFFFFE0] =	vst v8;
	v9 =	vmul.f32 v6, v2;
	v5 =	vld [tilespmem:s20+$0x50]  }
0x5bc: {  	s25 =	sadd.s32 s4, s24;
	s24 =	sadd.s32 $0x4, s24;
	[tilespmem:s20+$0xFFFFFFF0] =	vst v11;
	v8 =	vmul.f32 v10, v2;
	v6 =	vld [tilespmem:s20+$0x60]  }
0x5bd: {  	v11 =	vld [tilespmem:s20+$0x80]  }
0x5be: {  	v13 =	vld [tilespmem:s20+$0x90]  }
0x5bf: {  	s4 =	sadd.s32 $0x2, s25;
	v14 =	vld [tilespmem:s20+$0xA0];
	[tilespmem:s20+$0x0] =	vst v9;
	v7 =	vmul.f32 v7, v2  }
0x5c0: {  	v10 =	vmov s25;
	s26 =	sadd.s32 $0x1, s25;
	v16 =	vld [tilespmem:s20+$0xB0];
	v12 =	vmov s4;
	[tilespmem:s20+$0x10] =	vst v8;
	v3 =	vmul.f32 v3, v2  }
0x5c1: {  	v60 =	vld [tilespmem:s20+$0xC0];
	v15 =	vmov s26;
	v12 =	vand.u32 $0xFFFFFFFE, v12;
	[tilespmem:s20+$0x20] =	vst v7;
	v4 =	vmul.f32 v4, v2  }
0x5c2: {  	v9 =	vand.u32 $0xFFFFFFFD, v15;
	v7 =	vld [tilespmem:s20+$0xE0];
	v12 =	vbroadcast v12, $0x0;
	v5 =	vmul.f32 v5, v2;
	[tilespmem:s20+$0x30] =	vst v3  }
0x5c3: {  	v10 =	vand.u32 $0xFFFFFFFC, v10;
	v8 =	vbroadcast v9, $0x0;
	v9 =	vld [tilespmem:s20+$0xD0];
	v2 =	vmul.f32 v6, v2;
	[tilespmem:s20+$0x40] =	vst v4  }
0x5c4: {  	v10 =	vbroadcast v10, $0x0;
	v3 =	vld [tilespmem:s20+$0xF0];
	[tilespmem:s20+$0x50] =	vst v5;
	s20 =	sadd.s32 $0x200, s20  }
0x5c5: {  	v6 =	vmul.f32 v11, v1;
	v11 =	vmul.f32 v14, v1;
	[tilespmem:s7+$0x60] =	vst v2;
	v2 =	vld [tilespmem:s20+$0x70]  }
0x5c6: {  	v62 =	vld [tilespmem:s20+$0xFFFFFF20]  }
0x5c7: {  	[tilespmem:s7+$0xA0] =	vst v11;
	v11 =	vld [tilespmem:s20+$0xFFFFFF00]  }
0x5c8: {  	v61 =	vmul.f32 v60, v1;
	v5 =	vld.idx.msk [tilespmem:v12+s5+$0x0], $0xffff  }
0x5c9: {  	s28 =	sadd.s32 $0x3, s25;
	[tilespmem:s7+$0x80] =	vst v6;
	v6 =	vld.idx.msk [tilespmem:v8+s5+$0x0], $0xffff;
	v8 =	vmul.f32 v16, v1  }
0x5ca: {  	v17 =	vmov s28;
	v7 =	vmul.f32 v7, v1;
	[tilespmem:s7+$0xC0] =	vst v61;
	v4 =	vld.idx.msk [tilespmem:v10+s5+$0x0], $0xffff  }
0x5cb: {  	v9 =	vmul.f32 v9, v1;
	[tilespmem:s7+$0xB0] =	vst v8;
	v8 =	vld [tilespmem:s20+$0xFFFFFF10]  }
0x5cc: {  	v10 =	vmul.f32 v13, v1;
	v1 =	vmul.f32 v3, v1;
	[tilespmem:s7+$0xE0] =	vst v7;
	v3 =	vld [tilespmem:s20+$0xFFFFFF40]  }
0x5cd: {  	[tilespmem:s7+$0xD0] =	vst v9;
	v9 =	vld [tilespmem:s20+$0xFFFFFF30];
	v2 =	vmul.f32 v2, v5  }
0x5ce: {  	v7 =	vld [tilespmem:s20+$0xFFFFFF50];
	[tilespmem:s7+$0x90] =	vst v10  }
0x5cf: {  	v10 =	vld.idx.msk [tilespmem:v17+s5+$0x0], $0xffff;
	[tilespmem:s20+$0x70] =	vst v2;
	v2 =	vmul.f32 v11, v4  }
0x5d0: {  	[tilespmem:s7+$0xF0] =	vst v1;
	v1 =	vmul.f32 v8, v4;
	v8 =	vld [tilespmem:s20+$0xFFFFFF60]  }
0x5d1: {  	v11 =	vld [tilespmem:s20+$0xFFFFFF70];
	[tilespmem:s20+$0xFFFFFF00] =	vst v2;
	v2 =	vmul.f32 v62, v4  }
0x5d2: {  	[tilespmem:s20+$0xFFFFFF10] =	vst v1;
	v1 =	vmul.f32 v9, v4;
	v9 =	vld [tilespmem:s20+$0xFFFFFF80]  }
0x5d3: {  	[tilespmem:s20+$0xFFFFFF20] =	vst v2;
	v2 =	vmul.f32 v3, v4;
	v3 =	vld [tilespmem:s20+$0xFFFFFF90]  }
0x5d4: {  	[tilespmem:s20+$0xFFFFFF30] =	vst v1;
	v1 =	vmul.f32 v7, v4;
	v7 =	vld [tilespmem:s20+$0xFFFFFFA0]  }
0x5d5: {  	[tilespmem:s20+$0xFFFFFF40] =	vst v2;
	v2 =	vmul.f32 v8, v4;
	v8 =	vld [tilespmem:s20+$0xFFFFFFB0]  }
0x5d6: {  	[tilespmem:s20+$0xFFFFFF50] =	vst v1;
	v1 =	vmul.f32 v11, v4;
	v4 =	vld [tilespmem:s20+$0xFFFFFFC0]  }
0x5d7: {  	[tilespmem:s20+$0xFFFFFF60] =	vst v2;
	v2 =	vmul.f32 v9, v6;
	v9 =	vld [tilespmem:s20+$0xFFFFFFD0]  }
0x5d8: {  	[tilespmem:s20+$0xFFFFFF70] =	vst v1;
	v1 =	vmul.f32 v3, v6;
	v3 =	vld [tilespmem:s20+$0xFFFFFFE0]  }
0x5d9: {  	[tilespmem:s20+$0xFFFFFF80] =	vst v2;
	v2 =	vmul.f32 v7, v6;
	v7 =	vld [tilespmem:s20+$0xFFFFFFF0]  }
0x5da: {  	[tilespmem:s20+$0xFFFFFF90] =	vst v1;
	v1 =	vmul.f32 v8, v6;
	v8 =	vld [tilespmem:s20+$0x0]  }
0x5db: {  	[tilespmem:s20+$0xFFFFFFA0] =	vst v2;
	v2 =	vmul.f32 v4, v6;
	v4 =	vld [tilespmem:s20+$0x10]  }
0x5dc: {  	[tilespmem:s20+$0xFFFFFFB0] =	vst v1;
	v1 =	vmul.f32 v9, v6;
	v9 =	vld [tilespmem:s20+$0x20]  }
0x5dd: {  	[tilespmem:s20+$0xFFFFFFC0] =	vst v2;
	v2 =	vmul.f32 v3, v6;
	v3 =	vld [tilespmem:s20+$0x30]  }
0x5de: {  	[tilespmem:s20+$0xFFFFFFD0] =	vst v1;
	v1 =	vmul.f32 v7, v6;
	v6 =	vld [tilespmem:s20+$0x40]  }
0x5df: {  	v7 =	vld [tilespmem:s20+$0x50];
	[tilespmem:s20+$0xFFFFFFE0] =	vst v2;
	v2 =	vmul.f32 v8, v5  }
0x5e0: {  	[tilespmem:s20+$0xFFFFFFF0] =	vst v1;
	v1 =	vmul.f32 v4, v5;
	v4 =	vld [tilespmem:s20+$0x60]  }
0x5e1: {  	v8 =	vld [tilespmem:s20+$0x80];
	[tilespmem:s20+$0x0] =	vst v2;
	v2 =	vmul.f32 v9, v5  }
0x5e2: {  	[tilespmem:s20+$0x10] =	vst v1;
	v1 =	vld [tilespmem:s20+$0x90];
	v3 =	vmul.f32 v3, v5  }
0x5e3: {  	v9 =	vld [tilespmem:s20+$0xB0];
	[tilespmem:s20+$0x20] =	vst v2;
	v6 =	vmul.f32 v6, v5  }
0x5e4: {  	v2 =	vld [tilespmem:s20+$0xA0];
	v7 =	vmul.f32 v7, v5;
	[tilespmem:s20+$0x30] =	vst v3  }
0x5e5: {  	v3 =	vld [tilespmem:s20+$0xC0];
	v4 =	vmul.f32 v4, v5;
	[tilespmem:s20+$0x40] =	vst v6  }
0x5e6: {  	v5 =	vld [tilespmem:s20+$0xD0];
	v6 =	vmul.f32 v8, v10;
	[tilespmem:s20+$0x50] =	vst v7  }
0x5e7: {  	v7 =	vld [tilespmem:s20+$0xE0];
	v1 =	vmul.f32 v1, v10;
	[tilespmem:s20+$0x60] =	vst v4  }
0x5e8: {  	v4 =	vld [tilespmem:s20+$0xF0];
	[tilespmem:s20+$0x80] =	vst v6;
	v6 =	vmul.f32 v9, v10  }
0x5e9: {  	v2 =	vmul.f32 v2, v10;
	[tilespmem:s20+$0x90] =	vst v1  }
0x5ea: {  	v1 =	vmul.f32 v3, v10;
	[tilespmem:s20+$0xB0] =	vst v6  }
0x5eb: {  	[tilespmem:s20+$0xA0] =	vst v2;
	v2 =	vmul.f32 v5, v10  }
0x5ec: {  	v3 =	vmul.f32 v7, v10;
	[tilespmem:s20+$0xC0] =	vst v1  }
0x5ed: {  	s23 =	sshll.u32 s23, $0x7;
	v1 =	vmul.f32 v4, v10;
	[tilespmem:s20+$0xD0] =	vst v2  }
0x5ee: {  	s25 =	sadd.s32 $0x0, s18;
	s7 =	sand.u32 $0x3FFFFF80, s23;
	[tilespmem:s20+$0xE0] =	vst v3  }
0x5ef: {  	s26 =	sadd.s32 $0x2, s25;
	s24 =	sadd.s32 $0x14A80, s7;
	[tilespmem:s20+$0xF0] =	vst v1  }
0x5f0: {  	v1 =	vmov s25;
	[spmem:s22] =	stream.indirect.scatter.add.f32 [tilespmem:s8], [sflag:$0x5], $0x80, s24, s6, $0xb8;
	[tilespmem:$0x1F500] =	vst v63  }
0x5f1: {  	v2 =	vmov s26;
	v1 =	vand.u32 $0xFFFFFFFC, v1;
	_ =	swait.ge [sflag:s13], $0x3000  }
0x5f2: {  	s7 =	sadd.s32 @!p0 $0x14180, s21;
	v2 =	vand.u32 $0xFFFFFFFE, v2;
	v1 =	vbroadcast v1, $0x0;
	[sflag:s13] =	ssyncset.done $0x0  }
0x5f3: {  	s21 =	simm.s32 @!p0 $0x19500;
	s20 =	simm.s32 @!p0 $0x60;
	v2 =	vbroadcast v2, $0x0;
	[sflag:s13] =	ssyncadd.s32 $0xFFFFD000  }
0x5f4: {  	[tilespmem:s21], [sflag:$0x2] =	stream.indirect.gather @!p0 [hbm4b:s19+s20], $0x80, s7, s20, $0xb8;
	[tilespmem:$0x1F500] =	vst v63  }
0x5f5: {  	_ =	swait.ge [sflag:s14], $0x3000  }
0x5f6: {  	[sflag:s14] =	ssyncset.done $0x0  }
0x5f7: {  	[sflag:s14] =	ssyncadd.s32 $0xFFFFD000  }
0x5f8: {  	v1 =	vld.idx.msk [tilespmem:v1+s5+$0x0], $0xffff  }
0x5f9: {  	s28 =	sadd.s32 $0x1, s25;
	s20 =	simm.s32 $0x1C600;
	v2 =	vld.idx.msk [tilespmem:v2+s5+$0x0], $0xffff  }
0x5fa: {  	v3 =	vmov s28;
	v4 =	vld [tilespmem:s20+$0x70]  }
0x5fb: {  	v3 =	vand.u32 $0xFFFFFFFD, v3;
	v5 =	vld [tilespmem:s20+$0xFFFFFF00]  }
0x5fc: {  	v3 =	vbroadcast v3, $0x0;
	v6 =	vld [tilespmem:s20+$0xFFFFFF10]  }
0x5fd: {  	v7 =	vld [tilespmem:s20+$0xFFFFFF20]  }
0x5fe: {  	v8 =	vld [tilespmem:s20+$0xFFFFFF30]  }
0x5ff: {  	v9 =	vld [tilespmem:s20+$0xFFFFFF40]  }
0x600: {  	v10 =	vld [tilespmem:s20+$0xFFFFFF50]  }
0x601: {  	v11 =	vld [tilespmem:s20+$0xFFFFFF60];
	v5 =	vmul.f32 v5, v1  }
0x602: {  	v63 =	vld.idx.msk [tilespmem:v3+s5+$0x0], $0xffff;
	v3 =	vmul.f32 v4, v2  }
0x603: {  	v4 =	vmul.f32 v6, v1;
	v6 =	vld [tilespmem:s20+$0xFFFFFF80];
	[tilespmem:s20+$0xFFFFFF00] =	vst v5  }
0x604: {  	s4 =	sadd.s32 $0x3, s25;
	v5 =	vld [tilespmem:s20+$0xFFFFFF70];
	[tilespmem:s20+$0x70] =	vst v3;
	v3 =	vmul.f32 v7, v1  }
0x605: {  	[tilespmem:s20+$0xFFFFFF10] =	vst v4;
	v4 =	vmul.f32 v8, v1;
	v7 =	vld [tilespmem:s20+$0xFFFFFF90];
	v8 =	vmov s4  }
0x606: {  	[tilespmem:s20+$0xFFFFFF20] =	vst v3;
	v3 =	vmul.f32 v9, v1;
	v9 =	vld [tilespmem:s20+$0xFFFFFFA0]  }
0x607: {  	[tilespmem:s20+$0xFFFFFF30] =	vst v4;
	v4 =	vmul.f32 v10, v1;
	v10 =	vld [tilespmem:s20+$0xFFFFFFB0]  }
0x608: {  	[tilespmem:s20+$0xFFFFFF40] =	vst v3;
	v3 =	vmul.f32 v11, v1;
	v11 =	vld [tilespmem:s20+$0xFFFFFFC0]  }
0x609: {  	[tilespmem:s20+$0xFFFFFF50] =	vst v4;
	v4 =	vmul.f32 v6, v63;
	v6 =	vld [tilespmem:s20+$0xFFFFFFD0]  }
0x60a: {  	v5 =	vmul.f32 v5, v1;
	v1 =	vld.idx.msk [tilespmem:v8+s5+$0x0], $0xffff;
	[tilespmem:s20+$0xFFFFFF60] =	vst v3  }
0x60b: {  	v7 =	vmul.f32 v7, v63;
	v3 =	vld [tilespmem:s20+$0xFFFFFFE0];
	[tilespmem:s20+$0xFFFFFF80] =	vst v4  }
0x60c: {  	[tilespmem:s20+$0xFFFFFF70] =	vst v5;
	v4 =	vmul.f32 v9, v63;
	v5 =	vld [tilespmem:s20+$0xFFFFFFF0]  }
0x60d: {  	v8 =	vld [tilespmem:s20+$0x0];
	[tilespmem:s20+$0xFFFFFF90] =	vst v7;
	v7 =	vmul.f32 v10, v63  }
0x60e: {  	v10 =	vld [tilespmem:s20+$0x10];
	[tilespmem:s20+$0xFFFFFFA0] =	vst v4;
	v4 =	vmul.f32 v11, v63  }
0x60f: {  	[tilespmem:s20+$0xFFFFFFB0] =	vst v7;
	v6 =	vmul.f32 v6, v63;
	v7 =	vld [tilespmem:s20+$0x20]  }
0x610: {  	[tilespmem:s20+$0xFFFFFFC0] =	vst v4;
	v9 =	vmul.f32 v3, v63;
	v3 =	vld [tilespmem:s20+$0x30]  }
0x611: {  	[tilespmem:s20+$0xFFFFFFD0] =	vst v6;
	v4 =	vld [tilespmem:s20+$0x40];
	v6 =	vmul.f32 v5, v63  }
0x612: {  	v5 =	vld [tilespmem:s20+$0x50];
	[tilespmem:s20+$0xFFFFFFE0] =	vst v9;
	v9 =	vmul.f32 v8, v2  }
0x613: {  	s21 =	sadd.s32 $0x4, s18;
	s7 =	simm.s32 $0x8;
	s4 =	simm.s32 $0x1C600;
	v8 =	vmul.f32 v10, v2;
	[tilespmem:s20+$0xFFFFFFF0] =	vst v6;
	v6 =	vld [tilespmem:s20+$0x60]  }
.LBB2_33:
0x614: {  	p0 =	slt.u32 s7, $0x5C;
	v10 =	vmov s21;
	s23 =	sadd.s32 $0x1, s21;
	s24 =	sadd.s32 $0x2, s21;
	[tilespmem:s20+$0x0] =	vst v9;
	v7 =	vmul.f32 v7, v2;
	v9 =	vld [tilespmem:s20+$0x80]  }
0x615: {  	s21 =	sadd.s32 $0x3, s21;
	v10 =	vand.u32 $0xFFFFFFFC, v10;
	v11 =	vmov s23;
	v12 =	vmov s24;
	[tilespmem:s20+$0x10] =	vst v8;
	v8 =	vld [tilespmem:s20+$0x90]  }
0x616: {  	v10 =	vbroadcast v10, $0x0;
	v11 =	vand.u32 $0xFFFFFFFD, v11;
	v12 =	vand.u32 $0xFFFFFFFE, v12;
	[tilespmem:s20+$0x20] =	vst v7;
	v7 =	vld [tilespmem:s20+$0xA0]  }
0x617: {  	v13 =	vmov s21;
	v11 =	vbroadcast v11, $0x0;
	v12 =	vbroadcast v12, $0x0;
	v14 =	vld [tilespmem:s20+$0xB0]  }
0x618: {  	v3 =	vmul.f32 v3, v2;
	v4 =	vmul.f32 v4, v2;
	v15 =	vld [tilespmem:s20+$0xC0]  }
0x619: {  	v5 =	vmul.f32 v5, v2;
	v6 =	vmul.f32 v6, v2;
	v16 =	vld [tilespmem:s20+$0xD0]  }
0x61a: {  	[tilespmem:s20+$0x30] =	vst v3;
	v3 =	vmul.f32 v9, v1;
	v8 =	vmul.f32 v8, v1;
	v9 =	vld [tilespmem:s20+$0xE0]  }
0x61b: {  	[tilespmem:s20+$0x40] =	vst v4;
	v4 =	vmul.f32 v7, v1;
	v7 =	vld [tilespmem:s20+$0xF0]  }
0x61c: {  	v10 =	vld.idx.msk [tilespmem:v10+s5+$0x0], $0xffff;
	[tilespmem:s20+$0x50] =	vst v5;
	v5 =	vmul.f32 v14, v1  }
0x61d: {  	s20 =	sadd.s32 $0x200, s20;
	v2 =	vld.idx.msk [tilespmem:v12+s5+$0x0], $0xffff;
	[tilespmem:s4+$0x60] =	vst v6;
	v6 =	vmul.f32 v15, v1  }
0x61e: {  	v12 =	vld [tilespmem:s20+$0x70];
	[tilespmem:s4+$0x80] =	vst v3;
	v3 =	vmul.f32 v16, v1  }
0x61f: {  	v11 =	vld.idx.msk [tilespmem:v11+s5+$0x0], $0xffff;
	[tilespmem:s4+$0x90] =	vst v8;
	v8 =	vmul.f32 v9, v1  }
0x620: {  	[tilespmem:s4+$0xA0] =	vst v4;
	v4 =	vmul.f32 v7, v1;
	v1 =	vld.idx.msk [tilespmem:v13+s5+$0x0], $0xffff  }
0x621: {  	v7 =	vld [tilespmem:s20+$0xFFFFFF00];
	[tilespmem:s4+$0xB0] =	vst v5  }
0x622: {  	v5 =	vld [tilespmem:s20+$0xFFFFFF10];
	[tilespmem:s4+$0xC0] =	vst v6  }
0x623: {  	v6 =	vld [tilespmem:s20+$0xFFFFFF20];
	v9 =	vmul.f32 v12, v2;
	[tilespmem:s4+$0xD0] =	vst v3  }
0x624: {  	v3 =	vld [tilespmem:s20+$0xFFFFFF30];
	[tilespmem:s4+$0xE0] =	vst v8  }
0x625: {  	v8 =	vld [tilespmem:s20+$0xFFFFFF40];
	[tilespmem:s20+$0x70] =	vst v9  }
0x626: {  	v7 =	vmul.f32 v7, v10;
	v9 =	vld [tilespmem:s20+$0xFFFFFF50];
	[tilespmem:s4+$0xF0] =	vst v4;
	s4 =	smov.u32 s20  }
0x627: {  	v4 =	vmul.f32 v5, v10;
	v5 =	vld [tilespmem:s20+$0xFFFFFF60]  }
0x628: {  	[tilespmem:s20+$0xFFFFFF00] =	vst v7;
	v6 =	vmul.f32 v6, v10;
	v7 =	vld [tilespmem:s20+$0xFFFFFF70]  }
0x629: {  	[tilespmem:s20+$0xFFFFFF10] =	vst v4;
	v3 =	vmul.f32 v3, v10;
	v4 =	vld [tilespmem:s20+$0xFFFFFF80]  }
0x62a: {  	[tilespmem:s20+$0xFFFFFF20] =	vst v6;
	v6 =	vmul.f32 v8, v10;
	v8 =	vld [tilespmem:s20+$0xFFFFFF90]  }
0x62b: {  	[tilespmem:s20+$0xFFFFFF30] =	vst v3;
	v3 =	vmul.f32 v9, v10;
	v9 =	vld [tilespmem:s20+$0xFFFFFFA0]  }
0x62c: {  	[tilespmem:s20+$0xFFFFFF40] =	vst v6;
	v5 =	vmul.f32 v5, v10;
	v6 =	vld [tilespmem:s20+$0xFFFFFFB0]  }
0x62d: {  	[tilespmem:s20+$0xFFFFFF50] =	vst v3;
	v3 =	vmul.f32 v7, v10;
	v7 =	vld [tilespmem:s20+$0xFFFFFFC0]  }
0x62e: {  	[tilespmem:s20+$0xFFFFFF60] =	vst v5;
	v4 =	vmul.f32 v4, v11;
	v5 =	vld [tilespmem:s20+$0xFFFFFFD0]  }
0x62f: {  	[tilespmem:s20+$0xFFFFFF70] =	vst v3;
	v3 =	vmul.f32 v8, v11;
	v8 =	vld [tilespmem:s20+$0xFFFFFFE0]  }
0x630: {  	[tilespmem:s20+$0xFFFFFF80] =	vst v4;
	v4 =	vmul.f32 v9, v11;
	v9 =	vld [tilespmem:s20+$0xFFFFFFF0]  }
0x631: {  	[tilespmem:s20+$0xFFFFFF90] =	vst v3;
	v3 =	vmul.f32 v6, v11;
	v6 =	vld [tilespmem:s20+$0x0]  }
0x632: {  	[tilespmem:s20+$0xFFFFFFA0] =	vst v4;
	v4 =	vmul.f32 v7, v11;
	v10 =	vld [tilespmem:s20+$0x10]  }
.Ltmp15:
0x633: {  	[tilespmem:s20+$0xFFFFFFB0] =	vst v3;
	v5 =	vmul.f32 v5, v11;
	v7 =	vld [tilespmem:s20+$0x20];
	(pc) =	sbr.rel @p0 .LBB2_33-.Ltmp15, $4  }
0x634: {  	[tilespmem:s20+$0xFFFFFFC0] =	vst v4;
	v8 =	vmul.f32 v8, v11;
	v3 =	vld [tilespmem:s20+$0x30]  }
0x635: {  	[tilespmem:s20+$0xFFFFFFD0] =	vst v5;
	v11 =	vmul.f32 v9, v11;
	v4 =	vld [tilespmem:s20+$0x40]  }
0x636: {  	[tilespmem:s20+$0xFFFFFFE0] =	vst v8;
	v9 =	vmul.f32 v6, v2;
	v5 =	vld [tilespmem:s20+$0x50]  }
0x637: {  	s21 =	sadd.s32 s18, s7;
	s7 =	sadd.s32 $0x4, s7;
	[tilespmem:s20+$0xFFFFFFF0] =	vst v11;
	v8 =	vmul.f32 v10, v2;
	v6 =	vld [tilespmem:s20+$0x60]  }
0x638: {  	v11 =	vld [tilespmem:s20+$0x80]  }
0x639: {  	v13 =	vld [tilespmem:s20+$0x90]  }
0x63a: {  	v14 =	vld [tilespmem:s20+$0xA0]  }
0x63b: {  	s7 =	sadd.s32 $0x2, s21;
	v16 =	vld [tilespmem:s20+$0xB0]  }
0x63c: {  	[tilespmem:s20+$0x0] =	vst v9;
	v7 =	vmul.f32 v7, v2;
	v25 =	vld [tilespmem:s20+$0xC0];
	v12 =	vmov s7  }
0x63d: {  	v27 =	vld [tilespmem:s20+$0xD0];
	[tilespmem:s20+$0x10] =	vst v8;
	v3 =	vmul.f32 v3, v2;
	v12 =	vand.u32 $0xFFFFFFFE, v12  }
0x63e: {  	v10 =	vmov s21;
	v28 =	vld [tilespmem:s20+$0xE0];
	s26 =	sadd.s32 $0x200, s20;
	[tilespmem:s20+$0x20] =	vst v7;
	v4 =	vmul.f32 v4, v2;
	v12 =	vbroadcast v12, $0x0  }
0x63f: {  	s25 =	sadd.s32 $0x3, s21;
	v10 =	vand.u32 $0xFFFFFFFC, v10;
	v38 =	vld [tilespmem:s26+$0xFFFFFF00];
	v5 =	vmul.f32 v5, v2;
	[tilespmem:s20+$0x30] =	vst v3  }
0x640: {  	v17 =	vmov s25;
	v39 =	vld [tilespmem:s26+$0xFFFFFF10];
	v10 =	vbroadcast v10, $0x0;
	v2 =	vmul.f32 v6, v2;
	[tilespmem:s20+$0x40] =	vst v4  }
0x641: {  	v57 =	vld [tilespmem:s26+$0x80];
	v30 =	vmul.f32 v11, v1;
	[tilespmem:s20+$0x50] =	vst v5  }
0x642: {  	v3 =	vld [tilespmem:s20+$0xF0];
	v32 =	vmul.f32 v13, v1;
	[tilespmem:s4+$0x60] =	vst v2  }
0x643: {  	v33 =	vmul.f32 v14, v1;
	v2 =	vld [tilespmem:s26+$0x70];
	[tilespmem:s4+$0x80] =	vst v30  }
0x644: {  	v35 =	vmul.f32 v16, v1;
	[tilespmem:s4+$0x90] =	vst v32;
	v31 =	vld.idx.msk [tilespmem:v12+s5+$0x0], $0xffff  }
0x645: {  	s24 =	sadd.s32 $0x1, s21;
	v37 =	vmul.f32 v25, v1;
	v36 =	vld.idx.msk [tilespmem:v17+s5+$0x0], $0xffff;
	[tilespmem:s4+$0xA0] =	vst v33  }
0x646: {  	v15 =	vmov s24;
	v9 =	vmul.f32 v27, v1;
	[tilespmem:s4+$0xB0] =	vst v35;
	v29 =	vld.idx.msk [tilespmem:v10+s5+$0x0], $0xffff  }
0x647: {  	v40 =	vld [tilespmem:s26+$0xFFFFFF20];
	v24 =	vand.u32 $0xFFFFFFFD, v15;
	v7 =	vmul.f32 v28, v1;
	[tilespmem:s4+$0xC0] =	vst v37  }
0x648: {  	v41 =	vld [tilespmem:s26+$0xFFFFFF30];
	v26 =	vbroadcast v24, $0x0;
	[tilespmem:s4+$0xD0] =	vst v9;
	v1 =	vmul.f32 v3, v1  }
0x649: {  	v42 =	vld [tilespmem:s26+$0xFFFFFF50];
	[tilespmem:s4+$0xE0] =	vst v7;
	v2 =	vmul.f32 v2, v31  }
0x64a: {  	v3 =	vld [tilespmem:s26+$0xFFFFFF40];
	[tilespmem:s4+$0xF0] =	vst v1;
	v60 =	vmul.f32 v57, v36  }
0x64b: {  	v43 =	vld [tilespmem:s26+$0xFFFFFF60];
	[tilespmem:s26+$0x70] =	vst v2;
	v2 =	vmul.f32 v38, v29  }
0x64c: {  	v44 =	vld [tilespmem:s26+$0xFFFFFF70];
	v1 =	vmul.f32 v39, v29;
	[tilespmem:s26+$0x80] =	vst v60  }
0x64d: {  	v45 =	vld [tilespmem:s26+$0xFFFFFF80];
	[tilespmem:s26+$0xFFFFFF00] =	vst v2;
	v2 =	vmul.f32 v40, v29  }
0x64e: {  	v34 =	vld.idx.msk [tilespmem:v26+s5+$0x0], $0xffff;
	[tilespmem:s26+$0xFFFFFF10] =	vst v1;
	v1 =	vmul.f32 v41, v29  }
0x64f: {  	[tilespmem:s26+$0xFFFFFF20] =	vst v2;
	v2 =	vmul.f32 v3, v29;
	v3 =	vld [tilespmem:s26+$0xFFFFFF90]  }
0x650: {  	v46 =	vld [tilespmem:s26+$0xFFFFFFA0];
	[tilespmem:s26+$0xFFFFFF30] =	vst v1;
	v1 =	vmul.f32 v42, v29  }
0x651: {  	v47 =	vld [tilespmem:s26+$0xFFFFFFB0];
	[tilespmem:s26+$0xFFFFFF40] =	vst v2;
	v2 =	vmul.f32 v43, v29  }
0x652: {  	v48 =	vld [tilespmem:s26+$0xFFFFFFC0];
	[tilespmem:s26+$0xFFFFFF50] =	vst v1;
	v1 =	vmul.f32 v44, v29  }
0x653: {  	v49 =	vld [tilespmem:s26+$0xFFFFFFD0];
	[tilespmem:s26+$0xFFFFFF60] =	vst v2;
	v2 =	vmul.f32 v45, v34  }
0x654: {  	[tilespmem:s26+$0xFFFFFF70] =	vst v1;
	v1 =	vmul.f32 v3, v34;
	v3 =	vld [tilespmem:s26+$0xFFFFFFE0]  }
0x655: {  	v50 =	vld [tilespmem:s26+$0xFFFFFFF0];
	[tilespmem:s26+$0xFFFFFF80] =	vst v2;
	v2 =	vmul.f32 v46, v34  }
0x656: {  	v51 =	vld [tilespmem:s26+$0x0];
	[tilespmem:s26+$0xFFFFFF90] =	vst v1;
	v1 =	vmul.f32 v47, v34  }
0x657: {  	v52 =	vld [tilespmem:s26+$0x10];
	[tilespmem:s26+$0xFFFFFFA0] =	vst v2;
	v2 =	vmul.f32 v48, v34  }
0x658: {  	v53 =	vld [tilespmem:s26+$0x20];
	[tilespmem:s26+$0xFFFFFFB0] =	vst v1;
	v1 =	vmul.f32 v49, v34  }
0x659: {  	[tilespmem:s26+$0xFFFFFFC0] =	vst v2;
	v2 =	vmul.f32 v3, v34;
	v3 =	vld [tilespmem:s26+$0x30]  }
0x65a: {  	v58 =	vld [tilespmem:s26+$0xB0];
	[tilespmem:s26+$0xFFFFFFD0] =	vst v1;
	v1 =	vmul.f32 v50, v34  }
0x65b: {  	v54 =	vld [tilespmem:s26+$0x40];
	[tilespmem:s26+$0xFFFFFFE0] =	vst v2;
	v2 =	vmul.f32 v51, v31  }
0x65c: {  	v55 =	vld [tilespmem:s26+$0x50];
	[tilespmem:s26+$0xFFFFFFF0] =	vst v1;
	v1 =	vmul.f32 v52, v31  }
0x65d: {  	v56 =	vld [tilespmem:s26+$0x60];
	[tilespmem:s26+$0x0] =	vst v2;
	v2 =	vmul.f32 v53, v31  }
0x65e: {  	[tilespmem:s26+$0x10] =	vst v1;
	v1 =	vld [tilespmem:s26+$0x90];
	v3 =	vmul.f32 v3, v31  }
0x65f: {  	v63 =	vmul.f32 v58, v36;
	[tilespmem:s26+$0x20] =	vst v2;
	v2 =	vld [tilespmem:s26+$0xA0]  }
0x660: {  	v6 =	vmul.f32 v54, v31;
	[tilespmem:s26+$0x30] =	vst v3;
	v3 =	vld [tilespmem:s26+$0xC0]  }
0x661: {  	v61 =	vld [tilespmem:s26+$0xE0];
	[tilespmem:s26+$0xB0] =	vst v63;
	v7 =	vmul.f32 v55, v31  }
0x662: {  	v59 =	vld [tilespmem:s26+$0xD0];
	v4 =	vmul.f32 v56, v31;
	[tilespmem:s26+$0x40] =	vst v6  }
0x663: {  	v62 =	vld [tilespmem:s26+$0xF0];
	[tilespmem:s26+$0x50] =	vst v7;
	v1 =	vmul.f32 v1, v36  }
0x664: {  	[tilespmem:s26+$0x60] =	vst v4;
	v2 =	vmul.f32 v2, v36  }
0x665: {  	s16 =	sadd.s32 $0x1, s16;
	[tilespmem:s26+$0x90] =	vst v1;
	v1 =	vmul.f32 v3, v36  }
0x666: {  	p0 =	sne.s32 s16, $0x9;
	v3 =	vmul.f32 v61, v36;
	[tilespmem:s26+$0xA0] =	vst v2  }
.Ltmp16:
0x667: {  	v2 =	vmul.f32 v59, v36;
	[tilespmem:s26+$0xC0] =	vst v1;
	(pc) =	sbr.rel @p0 .LBB2_28-.Ltmp16, $4  }
0x668: {  	s28 =	sshll.u32 s17, $0x7;
	v1 =	vmul.f32 v62, v36;
	[tilespmem:s26+$0xE0] =	vst v3  }
0x669: {  	s4 =	sand.u32 $0x3FFFFF80, s28;
	[tilespmem:s26+$0xD0] =	vst v2  }
0x66a: {  	s4 =	sadd.s32 $0x14A80, s4;
	[tilespmem:s26+$0xF0] =	vst v1  }
0x66b: {  	[spmem:s22] =	stream.indirect.scatter.add.f32 [tilespmem:s9], [sflag:$0x6], $0x80, s4, s6, $0xb8;
	[tilespmem:$0x1F500] =	vst v63  }
0x66c: {  	_ =	swait.ge [sflag:s15], $0x3000  }
0x66d: {  	[sflag:s15] =	ssyncset.done $0x0  }
0x66e: {  	s4 =	stileid.u32;
	[sflag:s15] =	ssyncadd.s32 $0xFFFFD000  }
0x66f: {  	s4 =	sshll.u32 s4, $0x6;
	[bflag:$0x0] =	sbarrier.arrive $0xFFFF  }
0x670: {  	s7 =	sshrl.u32 s29, $0x3;
	s4 =	sor.u32 $0x1C07, s4;
	s16 =	rddreg [dreg:$0x11]  }
0x671: {  	[hbm:s16], [sflag:s4] =	dma.local [spmem:s7], $0x600  }
0x672: {  	_ =	swait.ge [sflag:s2], $0x600  }
0x673: {  	s17 =	smov.u32 s29;
	[sflag:s2] =	ssyncset.done $0x0  }
0x674: {  	s28 =	sshrl.u32 s30, $0x3;
	s29 =	rddreg [dreg:$0x12];
	[sflag:s2] =	ssyncadd.s32 $0xFFFFFA00  }
0x675: {  	[hbm:s29], [sflag:s4] =	dma.local [spmem:s28], $0x600  }
0x676: {  	_ =	swait.ge [sflag:s2], $0x600  }
0x677: {  	s18 =	smov.u32 s30;
	s20 =	smov.u32 s31;
	[sflag:s2] =	ssyncset.done $0x0  }
0x678: {  	s30 =	sshrl.u32 s31, $0x3;
	s31 =	rddreg [dreg:$0x13];
	[sflag:s2] =	ssyncadd.s32 $0xFFFFFA00  }
0x679: {  	[hbm:s31], [sflag:s4] =	dma.local [spmem:s30], $0x600  }
0x67a: {  	_ =	swait.ge [sflag:s2], $0x600  }
0x67b: {  	[sflag:s2] =	ssyncset.done $0x0;
	s21 =	rddreg [dreg:$0x18]  }
0x67c: {  	s23 =	rddreg [dreg:$0x14];
	[sflag:s2] =	ssyncadd.s32 $0xFFFFFA00;
	s16 =	sshrl.u32 s21, $0x3  }
0x67d: {  	[hbm:s23], [sflag:s4] =	dma.local [spmem:s16], $0x600  }
0x67e: {  	_ =	swait.ge [sflag:s2], $0x600  }
0x67f: {  	[sflag:s2] =	ssyncset.done $0x0;
	s23 =	rddreg [dreg:$0x19]  }
0x680: {  	s25 =	rddreg [dreg:$0x15];
	[sflag:s2] =	ssyncadd.s32 $0xFFFFFA00;
	s24 =	sshrl.u32 s23, $0x3  }
0x681: {  	[hbm:s25], [sflag:s4] =	dma.local [spmem:s24], $0x600  }
0x682: {  	_ =	swait.ge [sflag:s2], $0x600  }
0x683: {  	[sflag:s2] =	ssyncset.done $0x0;
	s24 =	rddreg [dreg:$0x1a]  }
0x684: {  	s28 =	rddreg [dreg:$0x16];
	[sflag:s2] =	ssyncadd.s32 $0xFFFFFA00;
	s26 =	sshrl.u32 s24, $0x3  }
0x685: {  	[hbm:s28], [sflag:s4] =	dma.local [spmem:s26], $0x600  }
0x686: {  	_ =	swait.ge [sflag:s2], $0x600  }
0x687: {  	[sflag:s2] =	ssyncset.done $0x0;
	s25 =	rddreg [dreg:$0x1b]  }
0x688: {  	s30 =	rddreg [dreg:$0x17];
	[sflag:s2] =	ssyncadd.s32 $0xFFFFFA00;
	s29 =	sshrl.u32 s25, $0x3  }
0x689: {  	[hbm:s30], [sflag:s4] =	dma.local [spmem:s29], $0x400  }
0x68a: {  	_ =	swait.ge [sflag:s2], $0x400  }
0x68b: {  	s0 =	sadd.s32 $0x1, s0;
	s31 =	rddreg [dreg:$0x1c]  }
0x68c: {  	p0 =	sne.s32 s0, s31  }
.Ltmp17:
0x68d: {  	_ = 	snop;
	(pc) =	sbr.rel @p0 .LBB2_1-.Ltmp17, $3  }
0x68e: {  	_ =	sdelay $0x1  }
0x68f: {  	[sflag:s2] =	ssyncset.done $0x0  }
0x690: {  	[sflag:s2] =	ssyncadd.s32 $0xFFFFFC00  }
0x691: {  	_ =	sfence.sel $0x180000  }
0x692: {  	[bflag:$0x0] =	sbarrier.arrive $0xFFFF  }
0x693: {  	_ =	strace $0x90000047  }
0x694: {  	s0 =	stileid.u32;
	[bflag:$0x2] =	sbarrier.arrive $0xFFFF  }
0x695: {  	p0 =	sne.s32 s0, $0x0;
	s0 =	rddreg [dreg:$0x4]  }
0x696: {  	s0 =	sadd.s32 @!p0 $0x100000, s0  }
0x697: {  	[sflag:s0] =	ssyncadd.tile.s32 @!p0 $0x1;
	_ =	shalt  }
.Lfunc_end2:
_tile_overlayer_lowered:
.L_overlay_start_2:
0x698: {  	(tag) =	ssettag $0x2  }
0x699: {  	s0 =	rddreg [dreg:$0x0];
	s2 =	stileid.u32  }
0x69a: {  	s1 =	rddreg [dreg:$0x1];
	p0 =	sne.s32 s2, $0x0  }
0x69b: {  	s3 =	rddreg [dreg:$0x2];
	[bflag:$0x3] =	sbarrier.arrive $0xFFFF;
	s2 =	simm.s32 @!p0 $0x1C07  }
0x69c: {  	[timem:s3], [sflag:s2] =	dma.local @!p0 [hbm:s0], s1  }
0x69d: {  	s0 =	simm.s32 @!p0 $0x7  }
0x69e: {  	_ =	swait.ge @!p0 [sflag:s0], s1  }
0x69f: {  	s1 =	ssub.s32 @!p0 $0x0, s1;
	[sflag:s0] =	ssyncset.done @!p0 $0x0  }
0x6a0: {  	[sflag:s0] =	ssyncadd.s32 @!p0 s1  }
0x6a1: {  	[bflag:$0x3] =	sbarrier.arrive $0xFFFF  }
0x6a2: {  	_ =	shalt  }

</sc_bundles>
